<compile_context>
chip_gen: v7x
topology: tpu7x:2x2x1
jax: 0.10.2.dev20260603
libtpu: 0.0.44.dev20260713+nightly
codegen_flags: <defaults>
</compile_context>

<pallas_src>
import functools

import jax
import jax.numpy as jnp
import numpy as np
from jax import lax
from jax.experimental import pallas as pl
from jax.experimental.pallas import tpu as pltpu
from jax.experimental.pallas import tpu_sc as plsc

_B = 16384
_D = 128
_NC = 2
_NS = 16
_NW = _NC * _NS
_BPW = _B // _NW

_GC = 256
_PC = _GC // 4



_U32 = np.uint32


def _rotl(x, r):
    r = _U32(r)
    return (x << r) | (x >> _U32(32 - r))


def _threefry2x32(k1, k2, x0, x1):
    with np.errstate(over="ignore"):
        rot = [np.array([13, 15, 26, 6], np.uint32),
               np.array([17, 29, 16, 24], np.uint32)]
        ks = [_U32(k1), _U32(k2), _U32(k1) ^ _U32(k2) ^ _U32(0x1BD11BDA)]
        x = [x0.astype(np.uint32) + ks[0], x1.astype(np.uint32) + ks[1]]

        def rounds(x, rs):
            for r in rs:
                a = x[0] + x[1]
                b = _rotl(x[1], r)
                x = [a, a ^ b]
            return x

        x = rounds(x, rot[0])
        x = [x[0] + ks[1], x[1] + ks[2] + _U32(1)]
        x = rounds(x, rot[1])
        x = [x[0] + ks[2], x[1] + ks[0] + _U32(2)]
        x = rounds(x, rot[0])
        x = [x[0] + ks[0], x[1] + ks[1] + _U32(3)]
        x = rounds(x, rot[1])
        x = [x[0] + ks[1], x[1] + ks[2] + _U32(4)]
        x = rounds(x, rot[0])
        x = [x[0] + ks[2], x[1] + ks[0] + _U32(5)]
    return x


def _split2(k1, k2):
    b1, b2 = _threefry2x32(k1, k2, np.zeros(2, np.uint32),
                           np.arange(2, dtype=np.uint32))
    return (b1[0], b2[0]), (b1[1], b2[1])


def _random_bits32(key, n):
    b1, b2 = _threefry2x32(key[0], key[1], np.zeros(n, np.uint32),
                           np.arange(n, dtype=np.uint32))
    return b1 ^ b2


def _randint_np(key, n, span_int):
    with np.errstate(over="ignore"):
        k1, k2 = _split2(*key)
        hi = _random_bits32(k1, n)
        lo = _random_bits32(k2, n)
        span = _U32(span_int)
        mult = _U32(2 ** 16) % span
        mult = (mult * mult) % span
        off = ((hi % span) * mult + (lo % span)) % span
    return off.astype(np.int32)


def _normal_np(key, n):
    from scipy.special import erfinv
    bits = _random_bits32(key, n)
    fb = (bits >> _U32(9)) | np.float32(1.0).view(np.uint32)
    floats = fb.view(np.float32) - np.float32(1.0)
    lo = np.nextafter(np.float32(-1.0), np.float32(0.0), dtype=np.float32)
    u = np.maximum(lo, (floats * (np.float32(1.0) - lo) + lo).astype(np.float32))
    return (np.float32(np.sqrt(2)) * erfinv(u.astype(np.float64))).astype(np.float32)


def _fixed_draws():
    key = (_U32(0), _U32(42))
    k1, k2 = _split2(*key)
    neg = _randint_np(k1, _B * 4, 100000)
    z = _normal_np(k2, _B * _D).reshape(_B, _D)
    delta = np.clip(z * np.float32(0.1) + np.float32(0.5),
                    np.float32(0.0), np.float32(1.0)).astype(np.float32)
    return neg, delta


_NEG_FLAT_NP, _DELTA_NP = _fixed_draws()
_DELTA_BF16_NP = _DELTA_NP.astype(jnp.bfloat16)


def _pool4(g, p):
    def body_fn(r, carry):
        r4 = 4 * r
        for sl16 in range(_D // 16):
            sl = pl.ds(sl16 * 16, 16)
            p[r, sl] = g[r4, sl] + g[r4 + 1, sl] + g[r4 + 2, sl] + g[r4 + 3, sl]
        return carry
    lax.fori_loop(0, _PC, body_fn, 0)


_NBUF = 3


def _run_pipeline(jobs, base, pot_out, gbufs, gsems, wsems, pbufs, psem):
    def start_gather(k):
        p = k % _NBUF
        job = jobs[k]
        if job[0] == "neg":
            _, i, idx_ref, table = job
            return pltpu.async_copy(
                table.at[idx_ref.at[pl.ds(i * _GC, _GC)]], gbufs[p], gsems[p])
        _, h, idx_ref, table, _ = job
        return pltpu.async_copy(
            table.at[idx_ref.at[pl.ds(h * _GC, _GC)]], gbufs[p], gsems[p])

    n = len(jobs)
    wpend = [None] * _NBUF
    ppend = [None, None]
    hg = [None] * _NBUF
    for k in range(min(_NBUF - 1, n)):
        hg[k % _NBUF] = start_gather(k)
    for k in range(n):
        p = k % _NBUF
        if k + _NBUF - 1 < n:
            q = (k + _NBUF - 1) % _NBUF
            if wpend[q] is not None:
                wpend[q].wait()
                wpend[q] = None
            hg[q] = start_gather(k + _NBUF - 1)
        hg[p].wait()
        job = jobs[k]
        if job[0] == "neg":
            i = job[1]
            pp = i % 2
            if ppend[pp] is not None:
                ppend[pp].wait()
                ppend[pp] = None
            _pool4(gbufs[p], pbufs[pp])
            ppend[pp] = pltpu.async_copy(
                pbufs[pp], pot_out.at[pl.ds(base + i * _PC, _PC)], psem)
        else:
            _, h, _, _, out = job
            wpend[p] = pltpu.async_copy(
                gbufs[p], out.at[pl.ds(base + h * _GC, _GC)], wsems[p])
    for hnd in (*wpend, *ppend):
        if hnd is not None:
            hnd.wait()


def _sc1_body(u_emb, v_emb, idx_all,
              u_id_out, v_id_out, pot_out,
              ixu, ixv, ixn, g0, g1, g2, p0, p1,
              sg0, sg1, sg2, sw0, sw1, sw2, swp):
    c = lax.axis_index("c")
    s = lax.axis_index("s")
    wid = s * _NC + c
    base = wid * _BPW
    pltpu.sync_copy(idx_all.at[pl.ds(base, _BPW)], ixu)
    pltpu.sync_copy(idx_all.at[pl.ds(_B + base, _BPW)], ixv)
    pltpu.sync_copy(idx_all.at[pl.ds(2 * _B + 4 * base, 4 * _BPW)], ixn)
    mains = [("main", h, ib, t, o)
             for (ib, t, o) in ((ixu, u_emb, u_id_out), (ixv, v_emb, v_id_out))
             for h in range(2)]
    negs = [("neg", i, ixn, v_emb) for i in range(8)]
    jobs = []
    for i in range(8):
        jobs.append(negs[i])
        if i < 4:
            jobs.append(mains[i])
    _run_pipeline(jobs, base, pot_out, (g0, g1, g2), (sg0, sg1, sg2),
                  (sw0, sw1, sw2), (p0, p1), swp)


def _sc2_body(u_rev, v_rev, idx_all,
              u_rev_out, v_rev_out,
              ixu, ixv, g0, g1, g2, sg0, sg1, sg2, sw0, sw1, sw2):
    c = lax.axis_index("c")
    s = lax.axis_index("s")
    wid = s * _NC + c
    base = wid * _BPW
    pltpu.sync_copy(idx_all.at[pl.ds(base, _BPW)], ixu)
    pltpu.sync_copy(idx_all.at[pl.ds(_B + base, _BPW)], ixv)
    jobs = [("main", h, ib, t, o)
            for (ib, t, o) in ((ixu, u_rev, u_rev_out), (ixv, v_rev, v_rev_out))
            for h in range(2)]
    _run_pipeline(jobs, base, None, (g0, g1, g2), (sg0, sg1, sg2),
                  (sw0, sw1, sw2), (None, None), None)


@functools.lru_cache(maxsize=None)
def _get_sc_calls():
    mesh = plsc.VectorSubcoreMesh(
        core_axis_name="c", subcore_axis_name="s",
        num_cores=_NC, num_subcores=_NS)
    sc1 = pl.kernel(
        _sc1_body,
        out_type=[jax.ShapeDtypeStruct((_B, _D), jnp.float32)] * 3,
        mesh=mesh,
        scratch_types=[
            pltpu.VMEM((_BPW,), jnp.int32),
            pltpu.VMEM((_BPW,), jnp.int32),
            pltpu.VMEM((4 * _BPW,), jnp.int32),
            pltpu.VMEM((_GC, _D), jnp.float32),
            pltpu.VMEM((_GC, _D), jnp.float32),
            pltpu.VMEM((_GC, _D), jnp.float32),
            pltpu.VMEM((_PC, _D), jnp.float32),
            pltpu.VMEM((_PC, _D), jnp.float32),
        ] + [pltpu.SemaphoreType.DMA] * 7,
    )
    sc2 = pl.kernel(
        _sc2_body,
        out_type=[jax.ShapeDtypeStruct((_B, _D), jnp.float32)] * 2,
        mesh=mesh,
        scratch_types=[
            pltpu.VMEM((_BPW,), jnp.int32),
            pltpu.VMEM((_BPW,), jnp.int32),
            pltpu.VMEM((_GC, _D), jnp.float32),
            pltpu.VMEM((_GC, _D), jnp.float32),
            pltpu.VMEM((_GC, _D), jnp.float32),
        ] + [pltpu.SemaphoreType.DMA] * 6,
    )
    return sc1, sc2



_T1 = 4
_RT1 = _B // _T1
_EPS = 1e-5
_DN = (((1,), (1,)), ((), ()))


def _bn_full(z, g, b):
    mu = jnp.mean(z, axis=0, keepdims=True)
    zc = z - mu
    var = jnp.mean(zc * zc, axis=0, keepdims=True)
    return g * (zc * lax.rsqrt(var + _EPS)) + b


def _tc_body(u_id, v_raw, pot_s, delta, W1, b1, W2, b2, W3, b3, Wc, bc,
             g1, be1, g2, be2, g3, be3,
             vmix_o, pred_o, z1s, s1):
    i = pl.program_id(0)
    f32 = jnp.float32

    @pl.when(i < _T1)
    def _():
        d = delta[...].astype(f32)
        vmix = d * v_raw[...] + (1.0 - d) * (pot_s[...] * 0.25)
        vmix_o[...] = vmix
        w1 = W1[...]
        a1 = (lax.dot_general(u_id[...], w1[:, :_D], _DN,
                              preferred_element_type=f32)
              + lax.dot_general(vmix, w1[:, _D:], _DN,
                                preferred_element_type=f32))
        z1 = jnp.maximum(a1 + b1[...], 0.0)
        z1s[pl.ds(i * _RT1, _RT1), :] = z1
        st = jnp.concatenate([jnp.sum(z1, axis=0, keepdims=True),
                              jnp.sum(z1 * z1, axis=0, keepdims=True)], axis=0)

        @pl.when(i == 0)
        def _():
            s1[...] = st

        @pl.when(i > 0)
        def _():
            s1[...] = s1[...] + st

    @pl.when(i == _T1)
    def _():
        inv_b = 1.0 / _B
        st = s1[...]
        mu = st[0:1, :] * inv_b
        var = st[1:2, :] * inv_b - mu * mu
        h1 = g1[...] * ((z1s[...] - mu) * lax.rsqrt(var + _EPS)) + be1[...]
        z2 = jnp.maximum(
            lax.dot_general(h1, W2[...], _DN, preferred_element_type=f32)
            + b2[...], 0.0)
        h2 = _bn_full(z2, g2[...], be2[...])
        z3 = jnp.maximum(
            lax.dot_general(h2, W3[...], _DN, preferred_element_type=f32)
            + b3[...], 0.0)
        h3 = _bn_full(z3, g3[...], be3[...])
        logit = lax.dot_general(Wc[...], h3, _DN,
                                preferred_element_type=f32) + bc[...]
        pred_o[...] = jnp.reshape(1.0 / (1.0 + jnp.exp(-logit)), (_B,))


def _row_spec(n):
    return pl.BlockSpec((_RT1, n), lambda i: (jnp.minimum(i, _T1 - 1), 0))


def _const_spec(m, n):
    return pl.BlockSpec((m, n), lambda i: (0, 0))


_tc = pl.pallas_call(
    _tc_body,
    grid=(_T1 + 1,),
    in_specs=[_row_spec(_D), _row_spec(_D), _row_spec(_D), _row_spec(_D),
              _const_spec(_D, 2 * _D), _const_spec(1, _D),
              _const_spec(_D // 2, _D), _const_spec(1, _D // 2),
              _const_spec(_D // 4, _D // 2), _const_spec(1, _D // 4),
              _const_spec(1, _D // 4), _const_spec(1, 1),
              _const_spec(1, _D), _const_spec(1, _D),
              _const_spec(1, _D // 2), _const_spec(1, _D // 2),
              _const_spec(1, _D // 4), _const_spec(1, _D // 4)],
    out_specs=(_row_spec(_D), pl.BlockSpec((_B,), lambda i: (0,))),
    out_shape=(jax.ShapeDtypeStruct((_B, _D), jnp.float32),
               jax.ShapeDtypeStruct((_B,), jnp.float32)),
    scratch_shapes=[pltpu.VMEM((_B, _D), jnp.float32),
                    pltpu.VMEM((2, _D), jnp.float32)],
)


def kernel(nodes_u, nodes_v, global_protos, inter_nums, u_emb_w, v_emb_w,
           u_rev_w, v_rev_w, W1, b1, W2, b2, W3, b3, Wc, bc,
           g1, be1, g2, be2, g3, be3):
    nB = nodes_u.shape[0]
    delta = jnp.asarray(_DELTA_BF16_NP)
    idx_all = jnp.concatenate([nodes_u.astype(jnp.int32),
                               nodes_v.astype(jnp.int32),
                               jnp.asarray(_NEG_FLAT_NP)])

    sc1, sc2 = _get_sc_calls()
    u_id, v_id_raw, pot_sum = sc1(u_emb_w, v_emb_w, idx_all)
    u_rev, v_rev = sc2(u_rev_w, v_rev_w, idx_all)

    r = lambda a: a.reshape(1, -1)
    vmix, pred = _tc(u_id, v_id_raw, pot_sum, delta,
                     W1, r(b1), W2, r(b2), W3, r(b3), Wc, bc.reshape(1, 1),
                     r(g1), r(be1), r(g2), r(be2), r(g3), r(be3))
    return (pred, u_id, vmix, u_rev, v_rev)

# --- scband reference (transcript-rebuilt; emitter-appended) ---
"""Pipeline reference for scband-local-model-16612933501416 (READ-ONLY COPY).

The authoritative reference and input builder live on the scoring server;
editing this copy changes nothing except your own understanding.
"""

import jax, jax.numpy as jnp
import numpy as np

USER_NUM = 100000
ITEM_NUM = 100000
D = 128
RD = 128
B = 16384


def _xavier(key, shape):
    fan_out, fan_in = shape[0], shape[1]
    bound = float(np.sqrt(6.0 / (fan_in + fan_out)))
    return jax.random.uniform(key, shape, minval=-bound, maxval=bound, dtype=jnp.float32)


def _bn(x, g, b, eps=1e-5):
    # BatchNorm1d in training mode: batch statistics, biased variance
    mu = jnp.mean(x, axis=0, keepdims=True)
    var = jnp.mean((x - mu) ** 2, axis=0, keepdims=True)
    return g * (x - mu) / jnp.sqrt(var + eps) + b


def setup_inputs(seed: int = 0):
    key = jax.random.key(seed)
    ks = jax.random.split(key, 16)
    inp = {}
    inp["nodes_u"] = jax.random.randint(ks[0], (B,), 0, USER_NUM)
    inp["nodes_v"] = jax.random.randint(ks[1], (B,), 0, ITEM_NUM)
    inp["global_protos"] = jnp.zeros((10, D), jnp.float32)
    inp["inter_nums"] = jnp.ones((B,), jnp.float32)
    inp["u_emb_w"] = _xavier(ks[2], (USER_NUM, D))
    inp["v_emb_w"] = _xavier(ks[3], (ITEM_NUM, D))
    inp["u_rev_w"] = jax.random.normal(ks[4], (USER_NUM, RD), jnp.float32) * 0.02
    inp["v_rev_w"] = jax.random.normal(ks[5], (ITEM_NUM, RD), jnp.float32) * 0.02
    inp["W1"] = _xavier(ks[6], (D, 2 * D)); inp["b1"] = jnp.zeros((D,), jnp.float32)
    inp["W2"] = _xavier(ks[7], (D // 2, D)); inp["b2"] = jnp.zeros((D // 2,), jnp.float32)
    inp["W3"] = _xavier(ks[8], (D // 4, D // 2)); inp["b3"] = jnp.zeros((D // 4,), jnp.float32)
    inp["Wc"] = _xavier(ks[9], (1, D // 4)); inp["bc"] = jnp.zeros((1,), jnp.float32)
    inp["g1"] = jnp.ones((D,), jnp.float32); inp["be1"] = jnp.zeros((D,), jnp.float32)
    inp["g2"] = jnp.ones((D // 2,), jnp.float32); inp["be2"] = jnp.zeros((D // 2,), jnp.float32)
    inp["g3"] = jnp.ones((D // 4,), jnp.float32); inp["be3"] = jnp.zeros((D // 4,), jnp.float32)
    return inp


def reference(nodes_u, nodes_v, global_protos, inter_nums, u_emb_w, v_emb_w, u_rev_w, v_rev_w, W1, b1, W2, b2, W3, b3, Wc, bc, g1, be1, g2, be2, g3, be3):
    # global_protos / inter_nums are accepted but unused by the original forward
    nB = nodes_u.shape[0]
    kk = jax.random.key(42)
    k1, k2 = jax.random.split(kk)
    u_id_feats = jnp.take(u_emb_w, nodes_u, axis=0)
    v_id_feats = jnp.take(v_emb_w, nodes_v, axis=0)
    u_review_feats = jnp.take(u_rev_w, nodes_u, axis=0)
    v_review_feats = jnp.take(v_rev_w, nodes_v, axis=0)
    # potential_pos_dict is empty -> every row takes the non-interacted branch:
    # mean embedding of 4 randomly sampled items
    neg_items = jax.random.randint(k1, (nB, 4), 0, v_emb_w.shape[0])
    potential_item_id_feats = jnp.mean(jnp.take(v_emb_w, neg_items, axis=0), axis=1)
    delta = jnp.clip(jax.random.normal(k2, (nB, u_emb_w.shape[1]), jnp.float32) * 0.1 + 0.5, 0.0, 1.0)
    v_id_feats = delta * v_id_feats + (1.0 - delta) * potential_item_id_feats
    inter_feats = jnp.concatenate([u_id_feats, v_id_feats], axis=1)
    h1 = _bn(jax.nn.relu(inter_feats @ W1.T + b1), g1, be1)
    h2 = _bn(jax.nn.relu(h1 @ W2.T + b2), g2, be2)
    h3 = _bn(jax.nn.relu(h2 @ W3.T + b3), g3, be3)
    pred_prob = jax.nn.sigmoid(h3 @ Wc.T + bc)
    return (pred_prob.squeeze(-1), u_id_feats, v_id_feats, u_review_feats, v_review_feats)

if __name__ == "__main__":
    import jax
    _d = setup_inputs()
    print(jax.jit(kernel)(*tuple(_d.values())))

</pallas_src>

<mosaic_0001>
#map = affine_map<(d0, d1) -> (0, 0)>
#map1 = affine_map<(d0, d1) -> (0)>
module attributes {stable_mosaic.version = 14 : i64} {
  func.func @_sc2_body(%arg0: i32, %arg1: i32, %arg2: memref<100000x128xf32, #tpu.memory_space<hbm>>, %arg3: memref<100000x128xf32, #tpu.memory_space<hbm>>, %arg4: memref<98304xi32, #tpu.memory_space<hbm>>, %arg5: memref<16384x128xf32, #tpu.memory_space<hbm>>, %arg6: memref<16384x128xf32, #tpu.memory_space<hbm>>, %arg7: memref<512xi32, #tpu.memory_space<vmem>>, %arg8: memref<512xi32, #tpu.memory_space<vmem>>, %arg9: memref<256x128xf32, #tpu.memory_space<vmem>>, %arg10: memref<256x128xf32, #tpu.memory_space<vmem>>, %arg11: memref<256x128xf32, #tpu.memory_space<vmem>>, %arg12: memref<!tpu.dma_semaphore, #tpu.memory_space<semaphore_mem>>, %arg13: memref<!tpu.dma_semaphore, #tpu.memory_space<semaphore_mem>>, %arg14: memref<!tpu.dma_semaphore, #tpu.memory_space<semaphore_mem>>, %arg15: memref<!tpu.dma_semaphore, #tpu.memory_space<semaphore_mem>>, %arg16: memref<!tpu.dma_semaphore, #tpu.memory_space<semaphore_mem>>, %arg17: memref<!tpu.dma_semaphore, #tpu.memory_space<semaphore_mem>>) attributes {dimension_semantics = [#tpu.dimension_semantics<core_parallel>, #tpu.dimension_semantics<subcore_parallel>], iteration_bounds = array<i64: 2, 16>, scalar_prefetch = 0 : i64, scratch_operands = 11 : i64, tpu.core_type = #tpu.core_type<sc_vector_subcore>, window_params = [{transform_indices = #map}, {transform_indices = #map}, {transform_indices = #map1}, {transform_indices = #map}, {transform_indices = #map}]} {
    %mul3A = arith.constant 2 : i32
    %mul3A_0 = arith.muli %arg1, %mul3A : i32
    %add3A = arith.addi %mul3A_0, %arg0 : i32
    %mul3A_1 = arith.constant 512 : i32
    %mul3A_2 = arith.muli %add3A, %mul3A_1 : i32
    "tpu.region"() ({
      %run_scoped3A = tpu.sem_alloc : memref<!tpu.dma_semaphore, #tpu.memory_space<semaphore_mem>>
      %dma_start3A_83 = tpu.memref_slice %arg4[%mul3A_2] : memref<98304xi32, #tpu.memory_space<hbm>> -> memref<512xi32, #tpu.memory_space<hbm>>
      %dma_start3A_84 = tpu.memref_slice %arg4[%mul3A_2] : memref<98304xi32, #tpu.memory_space<hbm>> -> memref<512xi32, #tpu.memory_space<hbm>>
      tpu.enqueue_dma source(%dma_start3A_84 : memref<512xi32, #tpu.memory_space<hbm>>) target(%arg7 : memref<512xi32, #tpu.memory_space<vmem>>) target_semaphore(%run_scoped3A : memref<!tpu.dma_semaphore, #tpu.memory_space<semaphore_mem>>)
      %dma_wait3A_85 = tpu.memref_slice %arg4[%mul3A_2] : memref<98304xi32, #tpu.memory_space<hbm>> -> memref<512xi32, #tpu.memory_space<hbm>>
      %dma_wait3A_86 = tpu.memref_slice %arg4[%mul3A_2] : memref<98304xi32, #tpu.memory_space<hbm>> -> memref<512xi32, #tpu.memory_space<hbm>>
      tpu.wait_dma2 semaphore(%run_scoped3A : memref<!tpu.dma_semaphore, #tpu.memory_space<semaphore_mem>>) src(%dma_wait3A_86 : memref<512xi32, #tpu.memory_space<hbm>>) dst(%arg7 : memref<512xi32, #tpu.memory_space<vmem>>)
      tpu.yield
    }) : () -> ()
    %add3A_3 = arith.constant 16384 : i32
    %add3A_4 = arith.addi %add3A_3, %mul3A_2 : i32
    "tpu.region"() ({
      %run_scoped3A = tpu.sem_alloc : memref<!tpu.dma_semaphore, #tpu.memory_space<semaphore_mem>>
      %dma_start3A_83 = tpu.memref_slice %arg4[%add3A_4] : memref<98304xi32, #tpu.memory_space<hbm>> -> memref<512xi32, #tpu.memory_space<hbm>>
      %dma_start3A_84 = tpu.memref_slice %arg4[%add3A_4] : memref<98304xi32, #tpu.memory_space<hbm>> -> memref<512xi32, #tpu.memory_space<hbm>>
      tpu.enqueue_dma source(%dma_start3A_84 : memref<512xi32, #tpu.memory_space<hbm>>) target(%arg8 : memref<512xi32, #tpu.memory_space<vmem>>) target_semaphore(%run_scoped3A : memref<!tpu.dma_semaphore, #tpu.memory_space<semaphore_mem>>)
      %dma_wait3A_85 = tpu.memref_slice %arg4[%add3A_4] : memref<98304xi32, #tpu.memory_space<hbm>> -> memref<512xi32, #tpu.memory_space<hbm>>
      %dma_wait3A_86 = tpu.memref_slice %arg4[%add3A_4] : memref<98304xi32, #tpu.memory_space<hbm>> -> memref<512xi32, #tpu.memory_space<hbm>>
      tpu.wait_dma2 semaphore(%run_scoped3A : memref<!tpu.dma_semaphore, #tpu.memory_space<semaphore_mem>>) src(%dma_wait3A_86 : memref<512xi32, #tpu.memory_space<hbm>>) dst(%arg8 : memref<512xi32, #tpu.memory_space<vmem>>)
      tpu.yield
    }) : () -> ()
    %dma_start3A = arith.constant 0 : i32
    %dma_start3A_5 = tpu.memref_slice %arg7[%dma_start3A] : memref<512xi32, #tpu.memory_space<vmem>> -> memref<256xi32, #tpu.memory_space<vmem>>
    %dma_start3A_6 = arith.constant 0 : i32
    %dma_start3A_7 = arith.constant 0 : i32
    %dma_start3A_8 = tpu.memref_slice %arg2[%dma_start3A_6, %dma_start3A_7] : memref<100000x128xf32, #tpu.memory_space<hbm>> -> memref<100000x128xf32, #tpu.memory_space<hbm>>
    tpu.enqueue_indirect_dma source(%dma_start3A_8 : memref<100000x128xf32, #tpu.memory_space<hbm>>) target(%arg9 : memref<256x128xf32, #tpu.memory_space<vmem>>) offsets(%dma_start3A_5 : memref<256xi32, #tpu.memory_space<vmem>>) semaphore(%arg12 : memref<!tpu.dma_semaphore, #tpu.memory_space<semaphore_mem>>)
    %dma_start3A_9 = arith.constant 256 : i32
    %dma_start3A_10 = tpu.memref_slice %arg7[%dma_start3A_9] : memref<512xi32, #tpu.memory_space<vmem>> -> memref<256xi32, #tpu.memory_space<vmem>>
    %dma_start3A_11 = arith.constant 0 : i32
    %dma_start3A_12 = arith.constant 0 : i32
    %dma_start3A_13 = tpu.memref_slice %arg2[%dma_start3A_11, %dma_start3A_12] : memref<100000x128xf32, #tpu.memory_space<hbm>> -> memref<100000x128xf32, #tpu.memory_space<hbm>>
    tpu.enqueue_indirect_dma source(%dma_start3A_13 : memref<100000x128xf32, #tpu.memory_space<hbm>>) target(%arg10 : memref<256x128xf32, #tpu.memory_space<vmem>>) offsets(%dma_start3A_10 : memref<256xi32, #tpu.memory_space<vmem>>) semaphore(%arg13 : memref<!tpu.dma_semaphore, #tpu.memory_space<semaphore_mem>>)
    %dma_start3A_14 = arith.constant 0 : i32
    %dma_start3A_15 = tpu.memref_slice %arg8[%dma_start3A_14] : memref<512xi32, #tpu.memory_space<vmem>> -> memref<256xi32, #tpu.memory_space<vmem>>
    %dma_start3A_16 = arith.constant 0 : i32
    %dma_start3A_17 = arith.constant 0 : i32
    %dma_start3A_18 = tpu.memref_slice %arg3[%dma_start3A_16, %dma_start3A_17] : memref<100000x128xf32, #tpu.memory_space<hbm>> -> memref<100000x128xf32, #tpu.memory_space<hbm>>
    tpu.enqueue_indirect_dma source(%dma_start3A_18 : memref<100000x128xf32, #tpu.memory_space<hbm>>) target(%arg11 : memref<256x128xf32, #tpu.memory_space<vmem>>) offsets(%dma_start3A_15 : memref<256xi32, #tpu.memory_space<vmem>>) semaphore(%arg14 : memref<!tpu.dma_semaphore, #tpu.memory_space<semaphore_mem>>)
    %dma_wait3A = arith.constant 0 : i32
    %dma_wait3A_19 = tpu.memref_slice %arg7[%dma_wait3A] : memref<512xi32, #tpu.memory_space<vmem>> -> memref<256xi32, #tpu.memory_space<vmem>>
    %dma_wait3A_20 = arith.constant 0 : i32
    %dma_wait3A_21 = arith.constant 0 : i32
    %dma_wait3A_22 = tpu.memref_slice %arg2[%dma_wait3A_20, %dma_wait3A_21] : memref<100000x128xf32, #tpu.memory_space<hbm>> -> memref<100000x128xf32, #tpu.memory_space<hbm>>
    tpu.wait_indirect_dma semaphore(%arg12 : memref<!tpu.dma_semaphore, #tpu.memory_space<semaphore_mem>>) src(%dma_wait3A_22 : memref<100000x128xf32, #tpu.memory_space<hbm>>) dst(%arg9 : memref<256x128xf32, #tpu.memory_space<vmem>>)
    %add3A_23 = arith.constant 0 : i32
    %add3A_24 = arith.addi %mul3A_2, %add3A_23 : i32
    %dma_start3A_25 = arith.constant 0 : i32
    %dma_start3A_26 = tpu.memref_slice %arg5[%add3A_24, %dma_start3A_25] : memref<16384x128xf32, #tpu.memory_space<hbm>> -> memref<256x128xf32, #tpu.memory_space<hbm>>
    %dma_start3A_27 = arith.constant 0 : i32
    %dma_start3A_28 = tpu.memref_slice %arg5[%add3A_24, %dma_start3A_27] : memref<16384x128xf32, #tpu.memory_space<hbm>> -> memref<256x128xf32, #tpu.memory_space<hbm>>
    tpu.enqueue_dma source(%arg9 : memref<256x128xf32, #tpu.memory_space<vmem>>) target(%dma_start3A_28 : memref<256x128xf32, #tpu.memory_space<hbm>>) target_semaphore(%arg15 : memref<!tpu.dma_semaphore, #tpu.memory_space<semaphore_mem>>)
    %dma_wait3A_29 = arith.constant 0 : i32
    %dma_wait3A_30 = tpu.memref_slice %arg5[%add3A_24, %dma_wait3A_29] : memref<16384x128xf32, #tpu.memory_space<hbm>> -> memref<256x128xf32, #tpu.memory_space<hbm>>
    %dma_wait3A_31 = arith.constant 0 : i32
    %dma_wait3A_32 = tpu.memref_slice %arg5[%add3A_24, %dma_wait3A_31] : memref<16384x128xf32, #tpu.memory_space<hbm>> -> memref<256x128xf32, #tpu.memory_space<hbm>>
    tpu.wait_dma2 semaphore(%arg15 : memref<!tpu.dma_semaphore, #tpu.memory_space<semaphore_mem>>) src(%arg9 : memref<256x128xf32, #tpu.memory_space<vmem>>) dst(%dma_wait3A_32 : memref<256x128xf32, #tpu.memory_space<hbm>>)
    %dma_start3A_33 = arith.constant 256 : i32
    %dma_start3A_34 = tpu.memref_slice %arg8[%dma_start3A_33] : memref<512xi32, #tpu.memory_space<vmem>> -> memref<256xi32, #tpu.memory_space<vmem>>
    %dma_start3A_35 = arith.constant 0 : i32
    %dma_start3A_36 = arith.constant 0 : i32
    %dma_start3A_37 = tpu.memref_slice %arg3[%dma_start3A_35, %dma_start3A_36] : memref<100000x128xf32, #tpu.memory_space<hbm>> -> memref<100000x128xf32, #tpu.memory_space<hbm>>
    tpu.enqueue_indirect_dma source(%dma_start3A_37 : memref<100000x128xf32, #tpu.memory_space<hbm>>) target(%arg9 : memref<256x128xf32, #tpu.memory_space<vmem>>) offsets(%dma_start3A_34 : memref<256xi32, #tpu.memory_space<vmem>>) semaphore(%arg12 : memref<!tpu.dma_semaphore, #tpu.memory_space<semaphore_mem>>)
    %dma_wait3A_38 = arith.constant 256 : i32
    %dma_wait3A_39 = tpu.memref_slice %arg7[%dma_wait3A_38] : memref<512xi32, #tpu.memory_space<vmem>> -> memref<256xi32, #tpu.memory_space<vmem>>
    %dma_wait3A_40 = arith.constant 0 : i32
    %dma_wait3A_41 = arith.constant 0 : i32
    %dma_wait3A_42 = tpu.memref_slice %arg2[%dma_wait3A_40, %dma_wait3A_41] : memref<100000x128xf32, #tpu.memory_space<hbm>> -> memref<100000x128xf32, #tpu.memory_space<hbm>>
    tpu.wait_indirect_dma semaphore(%arg13 : memref<!tpu.dma_semaphore, #tpu.memory_space<semaphore_mem>>) src(%dma_wait3A_42 : memref<100000x128xf32, #tpu.memory_space<hbm>>) dst(%arg10 : memref<256x128xf32, #tpu.memory_space<vmem>>)
    %add3A_43 = arith.constant 256 : i32
    %add3A_44 = arith.addi %mul3A_2, %add3A_43 : i32
    %dma_start3A_45 = arith.constant 0 : i32
    %dma_start3A_46 = tpu.memref_slice %arg5[%add3A_44, %dma_start3A_45] : memref<16384x128xf32, #tpu.memory_space<hbm>> -> memref<256x128xf32, #tpu.memory_space<hbm>>
    %dma_start3A_47 = arith.constant 0 : i32
    %dma_start3A_48 = tpu.memref_slice %arg5[%add3A_44, %dma_start3A_47] : memref<16384x128xf32, #tpu.memory_space<hbm>> -> memref<256x128xf32, #tpu.memory_space<hbm>>
    tpu.enqueue_dma source(%arg10 : memref<256x128xf32, #tpu.memory_space<vmem>>) target(%dma_start3A_48 : memref<256x128xf32, #tpu.memory_space<hbm>>) target_semaphore(%arg16 : memref<!tpu.dma_semaphore, #tpu.memory_space<semaphore_mem>>)
    %dma_wait3A_49 = arith.constant 0 : i32
    %dma_wait3A_50 = tpu.memref_slice %arg8[%dma_wait3A_49] : memref<512xi32, #tpu.memory_space<vmem>> -> memref<256xi32, #tpu.memory_space<vmem>>
    %dma_wait3A_51 = arith.constant 0 : i32
    %dma_wait3A_52 = arith.constant 0 : i32
    %dma_wait3A_53 = tpu.memref_slice %arg3[%dma_wait3A_51, %dma_wait3A_52] : memref<100000x128xf32, #tpu.memory_space<hbm>> -> memref<100000x128xf32, #tpu.memory_space<hbm>>
    tpu.wait_indirect_dma semaphore(%arg14 : memref<!tpu.dma_semaphore, #tpu.memory_space<semaphore_mem>>) src(%dma_wait3A_53 : memref<100000x128xf32, #tpu.memory_space<hbm>>) dst(%arg11 : memref<256x128xf32, #tpu.memory_space<vmem>>)
    %add3A_54 = arith.constant 0 : i32
    %add3A_55 = arith.addi %mul3A_2, %add3A_54 : i32
    %dma_start3A_56 = arith.constant 0 : i32
    %dma_start3A_57 = tpu.memref_slice %arg6[%add3A_55, %dma_start3A_56] : memref<16384x128xf32, #tpu.memory_space<hbm>> -> memref<256x128xf32, #tpu.memory_space<hbm>>
    %dma_start3A_58 = arith.constant 0 : i32
    %dma_start3A_59 = tpu.memref_slice %arg6[%add3A_55, %dma_start3A_58] : memref<16384x128xf32, #tpu.memory_space<hbm>> -> memref<256x128xf32, #tpu.memory_space<hbm>>
    tpu.enqueue_dma source(%arg11 : memref<256x128xf32, #tpu.memory_space<vmem>>) target(%dma_start3A_59 : memref<256x128xf32, #tpu.memory_space<hbm>>) target_semaphore(%arg17 : memref<!tpu.dma_semaphore, #tpu.memory_space<semaphore_mem>>)
    %dma_wait3A_60 = arith.constant 256 : i32
    %dma_wait3A_61 = tpu.memref_slice %arg8[%dma_wait3A_60] : memref<512xi32, #tpu.memory_space<vmem>> -> memref<256xi32, #tpu.memory_space<vmem>>
    %dma_wait3A_62 = arith.constant 0 : i32
    %dma_wait3A_63 = arith.constant 0 : i32
    %dma_wait3A_64 = tpu.memref_slice %arg3[%dma_wait3A_62, %dma_wait3A_63] : memref<100000x128xf32, #tpu.memory_space<hbm>> -> memref<100000x128xf32, #tpu.memory_space<hbm>>
    tpu.wait_indirect_dma semaphore(%arg12 : memref<!tpu.dma_semaphore, #tpu.memory_space<semaphore_mem>>) src(%dma_wait3A_64 : memref<100000x128xf32, #tpu.memory_space<hbm>>) dst(%arg9 : memref<256x128xf32, #tpu.memory_space<vmem>>)
    %add3A_65 = arith.constant 256 : i32
    %add3A_66 = arith.addi %mul3A_2, %add3A_65 : i32
    %dma_start3A_67 = arith.constant 0 : i32
    %dma_start3A_68 = tpu.memref_slice %arg6[%add3A_66, %dma_start3A_67] : memref<16384x128xf32, #tpu.memory_space<hbm>> -> memref<256x128xf32, #tpu.memory_space<hbm>>
    %dma_start3A_69 = arith.constant 0 : i32
    %dma_start3A_70 = tpu.memref_slice %arg6[%add3A_66, %dma_start3A_69] : memref<16384x128xf32, #tpu.memory_space<hbm>> -> memref<256x128xf32, #tpu.memory_space<hbm>>
    tpu.enqueue_dma source(%arg9 : memref<256x128xf32, #tpu.memory_space<vmem>>) target(%dma_start3A_70 : memref<256x128xf32, #tpu.memory_space<hbm>>) target_semaphore(%arg15 : memref<!tpu.dma_semaphore, #tpu.memory_space<semaphore_mem>>)
    %dma_wait3A_71 = arith.constant 0 : i32
    %dma_wait3A_72 = tpu.memref_slice %arg6[%add3A_66, %dma_wait3A_71] : memref<16384x128xf32, #tpu.memory_space<hbm>> -> memref<256x128xf32, #tpu.memory_space<hbm>>
    %dma_wait3A_73 = arith.constant 0 : i32
    %dma_wait3A_74 = tpu.memref_slice %arg6[%add3A_66, %dma_wait3A_73] : memref<16384x128xf32, #tpu.memory_space<hbm>> -> memref<256x128xf32, #tpu.memory_space<hbm>>
    tpu.wait_dma2 semaphore(%arg15 : memref<!tpu.dma_semaphore, #tpu.memory_space<semaphore_mem>>) src(%arg9 : memref<256x128xf32, #tpu.memory_space<vmem>>) dst(%dma_wait3A_74 : memref<256x128xf32, #tpu.memory_space<hbm>>)
    %dma_wait3A_75 = arith.constant 0 : i32
    %dma_wait3A_76 = tpu.memref_slice %arg5[%add3A_44, %dma_wait3A_75] : memref<16384x128xf32, #tpu.memory_space<hbm>> -> memref<256x128xf32, #tpu.memory_space<hbm>>
    %dma_wait3A_77 = arith.constant 0 : i32
    %dma_wait3A_78 = tpu.memref_slice %arg5[%add3A_44, %dma_wait3A_77] : memref<16384x128xf32, #tpu.memory_space<hbm>> -> memref<256x128xf32, #tpu.memory_space<hbm>>
    tpu.wait_dma2 semaphore(%arg16 : memref<!tpu.dma_semaphore, #tpu.memory_space<semaphore_mem>>) src(%arg10 : memref<256x128xf32, #tpu.memory_space<vmem>>) dst(%dma_wait3A_78 : memref<256x128xf32, #tpu.memory_space<hbm>>)
    %dma_wait3A_79 = arith.constant 0 : i32
    %dma_wait3A_80 = tpu.memref_slice %arg6[%add3A_55, %dma_wait3A_79] : memref<16384x128xf32, #tpu.memory_space<hbm>> -> memref<256x128xf32, #tpu.memory_space<hbm>>
    %dma_wait3A_81 = arith.constant 0 : i32
    %dma_wait3A_82 = tpu.memref_slice %arg6[%add3A_55, %dma_wait3A_81] : memref<16384x128xf32, #tpu.memory_space<hbm>> -> memref<256x128xf32, #tpu.memory_space<hbm>>
    tpu.wait_dma2 semaphore(%arg17 : memref<!tpu.dma_semaphore, #tpu.memory_space<semaphore_mem>>) src(%arg11 : memref<256x128xf32, #tpu.memory_space<vmem>>) dst(%dma_wait3A_82 : memref<256x128xf32, #tpu.memory_space<hbm>>)
    return
  }
}

#map = affine_map<(d0, d1) -> (0, 0)>
#map1 = affine_map<(d0, d1) -> (0)>
module attributes {stable_mosaic.version = 14 : i64} {
  func.func @_sc1_body(%arg0: i32, %arg1: i32, %arg2: memref<100000x128xf32, #tpu.memory_space<hbm>>, %arg3: memref<100000x128xf32, #tpu.memory_space<hbm>>, %arg4: memref<98304xi32, #tpu.memory_space<hbm>>, %arg5: memref<16384x128xf32, #tpu.memory_space<hbm>>, %arg6: memref<16384x128xf32, #tpu.memory_space<hbm>>, %arg7: memref<16384x128xf32, #tpu.memory_space<hbm>>, %arg8: memref<512xi32, #tpu.memory_space<vmem>>, %arg9: memref<512xi32, #tpu.memory_space<vmem>>, %arg10: memref<2048xi32, #tpu.memory_space<vmem>>, %arg11: memref<256x128xf32, #tpu.memory_space<vmem>>, %arg12: memref<256x128xf32, #tpu.memory_space<vmem>>, %arg13: memref<256x128xf32, #tpu.memory_space<vmem>>, %arg14: memref<64x128xf32, #tpu.memory_space<vmem>>, %arg15: memref<64x128xf32, #tpu.memory_space<vmem>>, %arg16: memref<!tpu.dma_semaphore, #tpu.memory_space<semaphore_mem>>, %arg17: memref<!tpu.dma_semaphore, #tpu.memory_space<semaphore_mem>>, %arg18: memref<!tpu.dma_semaphore, #tpu.memory_space<semaphore_mem>>, %arg19: memref<!tpu.dma_semaphore, #tpu.memory_space<semaphore_mem>>, %arg20: memref<!tpu.dma_semaphore, #tpu.memory_space<semaphore_mem>>, %arg21: memref<!tpu.dma_semaphore, #tpu.memory_space<semaphore_mem>>, %arg22: memref<!tpu.dma_semaphore, #tpu.memory_space<semaphore_mem>>) attributes {dimension_semantics = [#tpu.dimension_semantics<core_parallel>, #tpu.dimension_semantics<subcore_parallel>], iteration_bounds = array<i64: 2, 16>, scalar_prefetch = 0 : i64, scratch_operands = 15 : i64, tpu.core_type = #tpu.core_type<sc_vector_subcore>, window_params = [{transform_indices = #map}, {transform_indices = #map}, {transform_indices = #map1}, {transform_indices = #map}, {transform_indices = #map}, {transform_indices = #map}]} {
    %mul3A = arith.constant 2 : i32
    %mul3A_0 = arith.muli %arg1, %mul3A : i32
    %add3A = arith.addi %mul3A_0, %arg0 : i32
    %mul3A_1 = arith.constant 512 : i32
    %mul3A_2 = arith.muli %add3A, %mul3A_1 : i32
    "tpu.region"() ({
      %run_scoped3A = tpu.sem_alloc : memref<!tpu.dma_semaphore, #tpu.memory_space<semaphore_mem>>
      %dma_start3A_294 = tpu.memref_slice %arg4[%mul3A_2] : memref<98304xi32, #tpu.memory_space<hbm>> -> memref<512xi32, #tpu.memory_space<hbm>>
      %dma_start3A_295 = tpu.memref_slice %arg4[%mul3A_2] : memref<98304xi32, #tpu.memory_space<hbm>> -> memref<512xi32, #tpu.memory_space<hbm>>
      tpu.enqueue_dma source(%dma_start3A_295 : memref<512xi32, #tpu.memory_space<hbm>>) target(%arg8 : memref<512xi32, #tpu.memory_space<vmem>>) target_semaphore(%run_scoped3A : memref<!tpu.dma_semaphore, #tpu.memory_space<semaphore_mem>>)
      %dma_wait3A_296 = tpu.memref_slice %arg4[%mul3A_2] : memref<98304xi32, #tpu.memory_space<hbm>> -> memref<512xi32, #tpu.memory_space<hbm>>
      %dma_wait3A_297 = tpu.memref_slice %arg4[%mul3A_2] : memref<98304xi32, #tpu.memory_space<hbm>> -> memref<512xi32, #tpu.memory_space<hbm>>
      tpu.wait_dma2 semaphore(%run_scoped3A : memref<!tpu.dma_semaphore, #tpu.memory_space<semaphore_mem>>) src(%dma_wait3A_297 : memref<512xi32, #tpu.memory_space<hbm>>) dst(%arg8 : memref<512xi32, #tpu.memory_space<vmem>>)
      tpu.yield
    }) : () -> ()
    %add3A_3 = arith.constant 16384 : i32
    %add3A_4 = arith.addi %add3A_3, %mul3A_2 : i32
    "tpu.region"() ({
      %run_scoped3A = tpu.sem_alloc : memref<!tpu.dma_semaphore, #tpu.memory_space<semaphore_mem>>
      %dma_start3A_294 = tpu.memref_slice %arg4[%add3A_4] : memref<98304xi32, #tpu.memory_space<hbm>> -> memref<512xi32, #tpu.memory_space<hbm>>
      %dma_start3A_295 = tpu.memref_slice %arg4[%add3A_4] : memref<98304xi32, #tpu.memory_space<hbm>> -> memref<512xi32, #tpu.memory_space<hbm>>
      tpu.enqueue_dma source(%dma_start3A_295 : memref<512xi32, #tpu.memory_space<hbm>>) target(%arg9 : memref<512xi32, #tpu.memory_space<vmem>>) target_semaphore(%run_scoped3A : memref<!tpu.dma_semaphore, #tpu.memory_space<semaphore_mem>>)
      %dma_wait3A_296 = tpu.memref_slice %arg4[%add3A_4] : memref<98304xi32, #tpu.memory_space<hbm>> -> memref<512xi32, #tpu.memory_space<hbm>>
      %dma_wait3A_297 = tpu.memref_slice %arg4[%add3A_4] : memref<98304xi32, #tpu.memory_space<hbm>> -> memref<512xi32, #tpu.memory_space<hbm>>
      tpu.wait_dma2 semaphore(%run_scoped3A : memref<!tpu.dma_semaphore, #tpu.memory_space<semaphore_mem>>) src(%dma_wait3A_297 : memref<512xi32, #tpu.memory_space<hbm>>) dst(%arg9 : memref<512xi32, #tpu.memory_space<vmem>>)
      tpu.yield
    }) : () -> ()
    %mul3A_5 = arith.constant 4 : i32
    %mul3A_6 = arith.muli %mul3A_5, %mul3A_2 : i32
    %add3A_7 = arith.constant 32768 : i32
    %add3A_8 = arith.addi %add3A_7, %mul3A_6 : i32
    "tpu.region"() ({
      %run_scoped3A = tpu.sem_alloc : memref<!tpu.dma_semaphore, #tpu.memory_space<semaphore_mem>>
      %dma_start3A_294 = tpu.memref_slice %arg4[%add3A_8] : memref<98304xi32, #tpu.memory_space<hbm>> -> memref<2048xi32, #tpu.memory_space<hbm>>
      %dma_start3A_295 = tpu.memref_slice %arg4[%add3A_8] : memref<98304xi32, #tpu.memory_space<hbm>> -> memref<2048xi32, #tpu.memory_space<hbm>>
      tpu.enqueue_dma source(%dma_start3A_295 : memref<2048xi32, #tpu.memory_space<hbm>>) target(%arg10 : memref<2048xi32, #tpu.memory_space<vmem>>) target_semaphore(%run_scoped3A : memref<!tpu.dma_semaphore, #tpu.memory_space<semaphore_mem>>)
      %dma_wait3A_296 = tpu.memref_slice %arg4[%add3A_8] : memref<98304xi32, #tpu.memory_space<hbm>> -> memref<2048xi32, #tpu.memory_space<hbm>>
      %dma_wait3A_297 = tpu.memref_slice %arg4[%add3A_8] : memref<98304xi32, #tpu.memory_space<hbm>> -> memref<2048xi32, #tpu.memory_space<hbm>>
      tpu.wait_dma2 semaphore(%run_scoped3A : memref<!tpu.dma_semaphore, #tpu.memory_space<semaphore_mem>>) src(%dma_wait3A_297 : memref<2048xi32, #tpu.memory_space<hbm>>) dst(%arg10 : memref<2048xi32, #tpu.memory_space<vmem>>)
      tpu.yield
    }) : () -> ()
    %dma_start3A = arith.constant 0 : i32
    %dma_start3A_9 = tpu.memref_slice %arg10[%dma_start3A] : memref<2048xi32, #tpu.memory_space<vmem>> -> memref<256xi32, #tpu.memory_space<vmem>>
    %dma_start3A_10 = arith.constant 0 : i32
    %dma_start3A_11 = arith.constant 0 : i32
    %dma_start3A_12 = tpu.memref_slice %arg3[%dma_start3A_10, %dma_start3A_11] : memref<100000x128xf32, #tpu.memory_space<hbm>> -> memref<100000x128xf32, #tpu.memory_space<hbm>>
    tpu.enqueue_indirect_dma source(%dma_start3A_12 : memref<100000x128xf32, #tpu.memory_space<hbm>>) target(%arg11 : memref<256x128xf32, #tpu.memory_space<vmem>>) offsets(%dma_start3A_9 : memref<256xi32, #tpu.memory_space<vmem>>) semaphore(%arg16 : memref<!tpu.dma_semaphore, #tpu.memory_space<semaphore_mem>>)
    %dma_start3A_13 = arith.constant 0 : i32
    %dma_start3A_14 = tpu.memref_slice %arg8[%dma_start3A_13] : memref<512xi32, #tpu.memory_space<vmem>> -> memref<256xi32, #tpu.memory_space<vmem>>
    %dma_start3A_15 = arith.constant 0 : i32
    %dma_start3A_16 = arith.constant 0 : i32
    %dma_start3A_17 = tpu.memref_slice %arg2[%dma_start3A_15, %dma_start3A_16] : memref<100000x128xf32, #tpu.memory_space<hbm>> -> memref<100000x128xf32, #tpu.memory_space<hbm>>
    tpu.enqueue_indirect_dma source(%dma_start3A_17 : memref<100000x128xf32, #tpu.memory_space<hbm>>) target(%arg12 : memref<256x128xf32, #tpu.memory_space<vmem>>) offsets(%dma_start3A_14 : memref<256xi32, #tpu.memory_space<vmem>>) semaphore(%arg17 : memref<!tpu.dma_semaphore, #tpu.memory_space<semaphore_mem>>)
    %dma_start3A_18 = arith.constant 256 : i32
    %dma_start3A_19 = tpu.memref_slice %arg10[%dma_start3A_18] : memref<2048xi32, #tpu.memory_space<vmem>> -> memref<256xi32, #tpu.memory_space<vmem>>
    %dma_start3A_20 = arith.constant 0 : i32
    %dma_start3A_21 = arith.constant 0 : i32
    %dma_start3A_22 = tpu.memref_slice %arg3[%dma_start3A_20, %dma_start3A_21] : memref<100000x128xf32, #tpu.memory_space<hbm>> -> memref<100000x128xf32, #tpu.memory_space<hbm>>
    tpu.enqueue_indirect_dma source(%dma_start3A_22 : memref<100000x128xf32, #tpu.memory_space<hbm>>) target(%arg13 : memref<256x128xf32, #tpu.memory_space<vmem>>) offsets(%dma_start3A_19 : memref<256xi32, #tpu.memory_space<vmem>>) semaphore(%arg18 : memref<!tpu.dma_semaphore, #tpu.memory_space<semaphore_mem>>)
    %dma_wait3A = arith.constant 0 : i32
    %dma_wait3A_23 = tpu.memref_slice %arg10[%dma_wait3A] : memref<2048xi32, #tpu.memory_space<vmem>> -> memref<256xi32, #tpu.memory_space<vmem>>
    %dma_wait3A_24 = arith.constant 0 : i32
    %dma_wait3A_25 = arith.constant 0 : i32
    %dma_wait3A_26 = tpu.memref_slice %arg3[%dma_wait3A_24, %dma_wait3A_25] : memref<100000x128xf32, #tpu.memory_space<hbm>> -> memref<100000x128xf32, #tpu.memory_space<hbm>>
    tpu.wait_indirect_dma semaphore(%arg16 : memref<!tpu.dma_semaphore, #tpu.memory_space<semaphore_mem>>) src(%dma_wait3A_26 : memref<100000x128xf32, #tpu.memory_space<hbm>>) dst(%arg11 : memref<256x128xf32, #tpu.memory_space<vmem>>)
    %scan3A = arith.constant 0 : i32
    %scan3A_27 = arith.constant 0 : i32
    %scan3A_28 = arith.constant 64 : i32
    %scan3A_29 = arith.addi %scan3A_27, %scan3A_28 : i32
    %scan3A_30 = arith.constant 1 : i32
    scf.for %scan3A_294 = %scan3A_27 to %scan3A_29 step %scan3A_30  : i32 {
      %mul3A_295 = arith.constant 4 : i32
      %mul3A_296 = arith.muli %mul3A_295, %scan3A_294 : i32
      %get3A = arith.index_cast %mul3A_296 : i32 to index
      %get3A_297 = arith.constant 0 : index
      %get3A_298 = tpu.vector_load %arg11[%get3A, %get3A_297] {strides = array<i32>} : memref<256x128xf32, #tpu.memory_space<vmem>>, vector<1x16xf32>,
      %get3A_299 = vector.shape_cast %get3A_298 : vector<1x16xf32> to vector<16xf32>
      %add3A_300 = arith.constant 1 : i32
      %add3A_301 = arith.addi %mul3A_296, %add3A_300 : i32
      %get3A_302 = arith.index_cast %add3A_301 : i32 to index
      %get3A_303 = arith.constant 0 : index
      %get3A_304 = tpu.vector_load %arg11[%get3A_302, %get3A_303] {strides = array<i32>} : memref<256x128xf32, #tpu.memory_space<vmem>>, vector<1x16xf32>,
      %get3A_305 = vector.shape_cast %get3A_304 : vector<1x16xf32> to vector<16xf32>
      %add3A_306 = arith.addf %get3A_299, %get3A_305 : vector<16xf32>
      %add3A_307 = arith.constant 2 : i32
      %add3A_308 = arith.addi %mul3A_296, %add3A_307 : i32
      %get3A_309 = arith.index_cast %add3A_308 : i32 to index
      %get3A_310 = arith.constant 0 : index
      %get3A_311 = tpu.vector_load %arg11[%get3A_309, %get3A_310] {strides = array<i32>} : memref<256x128xf32, #tpu.memory_space<vmem>>, vector<1x16xf32>,
      %get3A_312 = vector.shape_cast %get3A_311 : vector<1x16xf32> to vector<16xf32>
      %add3A_313 = arith.addf %add3A_306, %get3A_312 : vector<16xf32>
      %add3A_314 = arith.constant 3 : i32
      %add3A_315 = arith.addi %mul3A_296, %add3A_314 : i32
      %get3A_316 = arith.index_cast %add3A_315 : i32 to index
      %get3A_317 = arith.constant 0 : index
      %get3A_318 = tpu.vector_load %arg11[%get3A_316, %get3A_317] {strides = array<i32>} : memref<256x128xf32, #tpu.memory_space<vmem>>, vector<1x16xf32>,
      %get3A_319 = vector.shape_cast %get3A_318 : vector<1x16xf32> to vector<16xf32>
      %add3A_320 = arith.addf %add3A_313, %get3A_319 : vector<16xf32>
      %swap3A = arith.index_cast %scan3A_294 : i32 to index
      %swap3A_321 = arith.constant 0 : index
      %swap3A_322 = tpu.vector_load %arg14[%swap3A, %swap3A_321] {strides = array<i32>} : memref<64x128xf32, #tpu.memory_space<vmem>>, vector<1x16xf32>,
      %swap3A_323 = vector.shape_cast %swap3A_322 : vector<1x16xf32> to vector<16xf32>
      %swap3A_324 = vector.shape_cast %add3A_320 : vector<16xf32> to vector<1x16xf32>
      tpu.vector_store %arg14[%swap3A, %swap3A_321], %swap3A_324 {strides = array<i32>} : memref<64x128xf32, #tpu.memory_space<vmem>>, vector<1x16xf32>,
      %get3A_325 = arith.index_cast %mul3A_296 : i32 to index
      %get3A_326 = arith.constant 16 : index
      %get3A_327 = tpu.vector_load %arg11[%get3A_325, %get3A_326] {strides = array<i32>} : memref<256x128xf32, #tpu.memory_space<vmem>>, vector<1x16xf32>,
      %get3A_328 = vector.shape_cast %get3A_327 : vector<1x16xf32> to vector<16xf32>
      %add3A_329 = arith.constant 1 : i32
      %add3A_330 = arith.addi %mul3A_296, %add3A_329 : i32
      %get3A_331 = arith.index_cast %add3A_330 : i32 to index
      %get3A_332 = arith.constant 16 : index
      %get3A_333 = tpu.vector_load %arg11[%get3A_331, %get3A_332] {strides = array<i32>} : memref<256x128xf32, #tpu.memory_space<vmem>>, vector<1x16xf32>,
      %get3A_334 = vector.shape_cast %get3A_333 : vector<1x16xf32> to vector<16xf32>
      %add3A_335 = arith.addf %get3A_328, %get3A_334 : vector<16xf32>
      %add3A_336 = arith.constant 2 : i32
      %add3A_337 = arith.addi %mul3A_296, %add3A_336 : i32
      %get3A_338 = arith.index_cast %add3A_337 : i32 to index
      %get3A_339 = arith.constant 16 : index
      %get3A_340 = tpu.vector_load %arg11[%get3A_338, %get3A_339] {strides = array<i32>} : memref<256x128xf32, #tpu.memory_space<vmem>>, vector<1x16xf32>,
      %get3A_341 = vector.shape_cast %get3A_340 : vector<1x16xf32> to vector<16xf32>
      %add3A_342 = arith.addf %add3A_335, %get3A_341 : vector<16xf32>
      %add3A_343 = arith.constant 3 : i32
      %add3A_344 = arith.addi %mul3A_296, %add3A_343 : i32
      %get3A_345 = arith.index_cast %add3A_344 : i32 to index
      %get3A_346 = arith.constant 16 : index
      %get3A_347 = tpu.vector_load %arg11[%get3A_345, %get3A_346] {strides = array<i32>} : memref<256x128xf32, #tpu.memory_space<vmem>>, vector<1x16xf32>,
      %get3A_348 = vector.shape_cast %get3A_347 : vector<1x16xf32> to vector<16xf32>
      %add3A_349 = arith.addf %add3A_342, %get3A_348 : vector<16xf32>
      %swap3A_350 = arith.index_cast %scan3A_294 : i32 to index
      %swap3A_351 = arith.constant 16 : index
      %swap3A_352 = tpu.vector_load %arg14[%swap3A_350, %swap3A_351] {strides = array<i32>} : memref<64x128xf32, #tpu.memory_space<vmem>>, vector<1x16xf32>,
      %swap3A_353 = vector.shape_cast %swap3A_352 : vector<1x16xf32> to vector<16xf32>
      %swap3A_354 = vector.shape_cast %add3A_349 : vector<16xf32> to vector<1x16xf32>
      tpu.vector_store %arg14[%swap3A_350, %swap3A_351], %swap3A_354 {strides = array<i32>} : memref<64x128xf32, #tpu.memory_space<vmem>>, vector<1x16xf32>,
      %get3A_355 = arith.index_cast %mul3A_296 : i32 to index
      %get3A_356 = arith.constant 32 : index
      %get3A_357 = tpu.vector_load %arg11[%get3A_355, %get3A_356] {strides = array<i32>} : memref<256x128xf32, #tpu.memory_space<vmem>>, vector<1x16xf32>,
      %get3A_358 = vector.shape_cast %get3A_357 : vector<1x16xf32> to vector<16xf32>
      %add3A_359 = arith.constant 1 : i32
      %add3A_360 = arith.addi %mul3A_296, %add3A_359 : i32
      %get3A_361 = arith.index_cast %add3A_360 : i32 to index
      %get3A_362 = arith.constant 32 : index
      %get3A_363 = tpu.vector_load %arg11[%get3A_361, %get3A_362] {strides = array<i32>} : memref<256x128xf32, #tpu.memory_space<vmem>>, vector<1x16xf32>,
      %get3A_364 = vector.shape_cast %get3A_363 : vector<1x16xf32> to vector<16xf32>
      %add3A_365 = arith.addf %get3A_358, %get3A_364 : vector<16xf32>
      %add3A_366 = arith.constant 2 : i32
      %add3A_367 = arith.addi %mul3A_296, %add3A_366 : i32
      %get3A_368 = arith.index_cast %add3A_367 : i32 to index
      %get3A_369 = arith.constant 32 : index
      %get3A_370 = tpu.vector_load %arg11[%get3A_368, %get3A_369] {strides = array<i32>} : memref<256x128xf32, #tpu.memory_space<vmem>>, vector<1x16xf32>,
      %get3A_371 = vector.shape_cast %get3A_370 : vector<1x16xf32> to vector<16xf32>
      %add3A_372 = arith.addf %add3A_365, %get3A_371 : vector<16xf32>
      %add3A_373 = arith.constant 3 : i32
      %add3A_374 = arith.addi %mul3A_296, %add3A_373 : i32
      %get3A_375 = arith.index_cast %add3A_374 : i32 to index
      %get3A_376 = arith.constant 32 : index
      %get3A_377 = tpu.vector_load %arg11[%get3A_375, %get3A_376] {strides = array<i32>} : memref<256x128xf32, #tpu.memory_space<vmem>>, vector<1x16xf32>,
      %get3A_378 = vector.shape_cast %get3A_377 : vector<1x16xf32> to vector<16xf32>
      %add3A_379 = arith.addf %add3A_372, %get3A_378 : vector<16xf32>
      %swap3A_380 = arith.index_cast %scan3A_294 : i32 to index
      %swap3A_381 = arith.constant 32 : index
      %swap3A_382 = tpu.vector_load %arg14[%swap3A_380, %swap3A_381] {strides = array<i32>} : memref<64x128xf32, #tpu.memory_space<vmem>>, vector<1x16xf32>,
      %swap3A_383 = vector.shape_cast %swap3A_382 : vector<1x16xf32> to vector<16xf32>
      %swap3A_384 = vector.shape_cast %add3A_379 : vector<16xf32> to vector<1x16xf32>
      tpu.vector_store %arg14[%swap3A_380, %swap3A_381], %swap3A_384 {strides = array<i32>} : memref<64x128xf32, #tpu.memory_space<vmem>>, vector<1x16xf32>,
      %get3A_385 = arith.index_cast %mul3A_296 : i32 to index
      %get3A_386 = arith.constant 48 : index
      %get3A_387 = tpu.vector_load %arg11[%get3A_385, %get3A_386] {strides = array<i32>} : memref<256x128xf32, #tpu.memory_space<vmem>>, vector<1x16xf32>,
      %get3A_388 = vector.shape_cast %get3A_387 : vector<1x16xf32> to vector<16xf32>
      %add3A_389 = arith.constant 1 : i32
      %add3A_390 = arith.addi %mul3A_296, %add3A_389 : i32
      %get3A_391 = arith.index_cast %add3A_390 : i32 to index
      %get3A_392 = arith.constant 48 : index
      %get3A_393 = tpu.vector_load %arg11[%get3A_391, %get3A_392] {strides = array<i32>} : memref<256x128xf32, #tpu.memory_space<vmem>>, vector<1x16xf32>,
      %get3A_394 = vector.shape_cast %get3A_393 : vector<1x16xf32> to vector<16xf32>
      %add3A_395 = arith.addf %get3A_388, %get3A_394 : vector<16xf32>
      %add3A_396 = arith.constant 2 : i32
      %add3A_397 = arith.addi %mul3A_296, %add3A_396 : i32
      %get3A_398 = arith.index_cast %add3A_397 : i32 to index
      %get3A_399 = arith.constant 48 : index
      %get3A_400 = tpu.vector_load %arg11[%get3A_398, %get3A_399] {strides = array<i32>} : memref<256x128xf32, #tpu.memory_space<vmem>>, vector<1x16xf32>,
      %get3A_401 = vector.shape_cast %get3A_400 : vector<1x16xf32> to vector<16xf32>
      %add3A_402 = arith.addf %add3A_395, %get3A_401 : vector<16xf32>
      %add3A_403 = arith.constant 3 : i32
      %add3A_404 = arith.addi %mul3A_296, %add3A_403 : i32
      %get3A_405 = arith.index_cast %add3A_404 : i32 to index
      %get3A_406 = arith.constant 48 : index
      %get3A_407 = tpu.vector_load %arg11[%get3A_405, %get3A_406] {strides = array<i32>} : memref<256x128xf32, #tpu.memory_space<vmem>>, vector<1x16xf32>,
      %get3A_408 = vector.shape_cast %get3A_407 : vector<1x16xf32> to vector<16xf32>
      %add3A_409 = arith.addf %add3A_402, %get3A_408 : vector<16xf32>
      %swap3A_410 = arith.index_cast %scan3A_294 : i32 to index
      %swap3A_411 = arith.constant 48 : index
      %swap3A_412 = tpu.vector_load %arg14[%swap3A_410, %swap3A_411] {strides = array<i32>} : memref<64x128xf32, #tpu.memory_space<vmem>>, vector<1x16xf32>,
      %swap3A_413 = vector.shape_cast %swap3A_412 : vector<1x16xf32> to vector<16xf32>
      %swap3A_414 = vector.shape_cast %add3A_409 : vector<16xf32> to vector<1x16xf32>
      tpu.vector_store %arg14[%swap3A_410, %swap3A_411], %swap3A_414 {strides = array<i32>} : memref<64x128xf32, #tpu.memory_space<vmem>>, vector<1x16xf32>,
      %get3A_415 = arith.index_cast %mul3A_296 : i32 to index
      %get3A_416 = arith.constant 64 : index
      %get3A_417 = tpu.vector_load %arg11[%get3A_415, %get3A_416] {strides = array<i32>} : memref<256x128xf32, #tpu.memory_space<vmem>>, vector<1x16xf32>,
      %get3A_418 = vector.shape_cast %get3A_417 : vector<1x16xf32> to vector<16xf32>
      %add3A_419 = arith.constant 1 : i32
      %add3A_420 = arith.addi %mul3A_296, %add3A_419 : i32
      %get3A_421 = arith.index_cast %add3A_420 : i32 to index
      %get3A_422 = arith.constant 64 : index
      %get3A_423 = tpu.vector_load %arg11[%get3A_421, %get3A_422] {strides = array<i32>} : memref<256x128xf32, #tpu.memory_space<vmem>>, vector<1x16xf32>,
      %get3A_424 = vector.shape_cast %get3A_423 : vector<1x16xf32> to vector<16xf32>
      %add3A_425 = arith.addf %get3A_418, %get3A_424 : vector<16xf32>
      %add3A_426 = arith.constant 2 : i32
      %add3A_427 = arith.addi %mul3A_296, %add3A_426 : i32
      %get3A_428 = arith.index_cast %add3A_427 : i32 to index
      %get3A_429 = arith.constant 64 : index
      %get3A_430 = tpu.vector_load %arg11[%get3A_428, %get3A_429] {strides = array<i32>} : memref<256x128xf32, #tpu.memory_space<vmem>>, vector<1x16xf32>,
      %get3A_431 = vector.shape_cast %get3A_430 : vector<1x16xf32> to vector<16xf32>
      %add3A_432 = arith.addf %add3A_425, %get3A_431 : vector<16xf32>
      %add3A_433 = arith.constant 3 : i32
      %add3A_434 = arith.addi %mul3A_296, %add3A_433 : i32
      %get3A_435 = arith.index_cast %add3A_434 : i32 to index
      %get3A_436 = arith.constant 64 : index
      %get3A_437 = tpu.vector_load %arg11[%get3A_435, %get3A_436] {strides = array<i32>} : memref<256x128xf32, #tpu.memory_space<vmem>>, vector<1x16xf32>,
      %get3A_438 = vector.shape_cast %get3A_437 : vector<1x16xf32> to vector<16xf32>
      %add3A_439 = arith.addf %add3A_432, %get3A_438 : vector<16xf32>
      %swap3A_440 = arith.index_cast %scan3A_294 : i32 to index
      %swap3A_441 = arith.constant 64 : index
      %swap3A_442 = tpu.vector_load %arg14[%swap3A_440, %swap3A_441] {strides = array<i32>} : memref<64x128xf32, #tpu.memory_space<vmem>>, vector<1x16xf32>,
      %swap3A_443 = vector.shape_cast %swap3A_442 : vector<1x16xf32> to vector<16xf32>
      %swap3A_444 = vector.shape_cast %add3A_439 : vector<16xf32> to vector<1x16xf32>
      tpu.vector_store %arg14[%swap3A_440, %swap3A_441], %swap3A_444 {strides = array<i32>} : memref<64x128xf32, #tpu.memory_space<vmem>>, vector<1x16xf32>,
      %get3A_445 = arith.index_cast %mul3A_296 : i32 to index
      %get3A_446 = arith.constant 80 : index
      %get3A_447 = tpu.vector_load %arg11[%get3A_445, %get3A_446] {strides = array<i32>} : memref<256x128xf32, #tpu.memory_space<vmem>>, vector<1x16xf32>,
      %get3A_448 = vector.shape_cast %get3A_447 : vector<1x16xf32> to vector<16xf32>
      %add3A_449 = arith.constant 1 : i32
      %add3A_450 = arith.addi %mul3A_296, %add3A_449 : i32
      %get3A_451 = arith.index_cast %add3A_450 : i32 to index
      %get3A_452 = arith.constant 80 : index
      %get3A_453 = tpu.vector_load %arg11[%get3A_451, %get3A_452] {strides = array<i32>} : memref<256x128xf32, #tpu.memory_space<vmem>>, vector<1x16xf32>,
      %get3A_454 = vector.shape_cast %get3A_453 : vector<1x16xf32> to vector<16xf32>
      %add3A_455 = arith.addf %get3A_448, %get3A_454 : vector<16xf32>
      %add3A_456 = arith.constant 2 : i32
      %add3A_457 = arith.addi %mul3A_296, %add3A_456 : i32
      %get3A_458 = arith.index_cast %add3A_457 : i32 to index
      %get3A_459 = arith.constant 80 : index
      %get3A_460 = tpu.vector_load %arg11[%get3A_458, %get3A_459] {strides = array<i32>} : memref<256x128xf32, #tpu.memory_space<vmem>>, vector<1x16xf32>,
      %get3A_461 = vector.shape_cast %get3A_460 : vector<1x16xf32> to vector<16xf32>
      %add3A_462 = arith.addf %add3A_455, %get3A_461 : vector<16xf32>
      %add3A_463 = arith.constant 3 : i32
      %add3A_464 = arith.addi %mul3A_296, %add3A_463 : i32
      %get3A_465 = arith.index_cast %add3A_464 : i32 to index
      %get3A_466 = arith.constant 80 : index
      %get3A_467 = tpu.vector_load %arg11[%get3A_465, %get3A_466] {strides = array<i32>} : memref<256x128xf32, #tpu.memory_space<vmem>>, vector<1x16xf32>,
      %get3A_468 = vector.shape_cast %get3A_467 : vector<1x16xf32> to vector<16xf32>
      %add3A_469 = arith.addf %add3A_462, %get3A_468 : vector<16xf32>
      %swap3A_470 = arith.index_cast %scan3A_294 : i32 to index
      %swap3A_471 = arith.constant 80 : index
      %swap3A_472 = tpu.vector_load %arg14[%swap3A_470, %swap3A_471] {strides = array<i32>} : memref<64x128xf32, #tpu.memory_space<vmem>>, vector<1x16xf32>,
      %swap3A_473 = vector.shape_cast %swap3A_472 : vector<1x16xf32> to vector<16xf32>
      %swap3A_474 = vector.shape_cast %add3A_469 : vector<16xf32> to vector<1x16xf32>
      tpu.vector_store %arg14[%swap3A_470, %swap3A_471], %swap3A_474 {strides = array<i32>} : memref<64x128xf32, #tpu.memory_space<vmem>>, vector<1x16xf32>,
      %get3A_475 = arith.index_cast %mul3A_296 : i32 to index
      %get3A_476 = arith.constant 96 : index
      %get3A_477 = tpu.vector_load %arg11[%get3A_475, %get3A_476] {strides = array<i32>} : memref<256x128xf32, #tpu.memory_space<vmem>>, vector<1x16xf32>,
      %get3A_478 = vector.shape_cast %get3A_477 : vector<1x16xf32> to vector<16xf32>
      %add3A_479 = arith.constant 1 : i32
      %add3A_480 = arith.addi %mul3A_296, %add3A_479 : i32
      %get3A_481 = arith.index_cast %add3A_480 : i32 to index
      %get3A_482 = arith.constant 96 : index
      %get3A_483 = tpu.vector_load %arg11[%get3A_481, %get3A_482] {strides = array<i32>} : memref<256x128xf32, #tpu.memory_space<vmem>>, vector<1x16xf32>,
      %get3A_484 = vector.shape_cast %get3A_483 : vector<1x16xf32> to vector<16xf32>
      %add3A_485 = arith.addf %get3A_478, %get3A_484 : vector<16xf32>
      %add3A_486 = arith.constant 2 : i32
      %add3A_487 = arith.addi %mul3A_296, %add3A_486 : i32
      %get3A_488 = arith.index_cast %add3A_487 : i32 to index
      %get3A_489 = arith.constant 96 : index
      %get3A_490 = tpu.vector_load %arg11[%get3A_488, %get3A_489] {strides = array<i32>} : memref<256x128xf32, #tpu.memory_space<vmem>>, vector<1x16xf32>,
      %get3A_491 = vector.shape_cast %get3A_490 : vector<1x16xf32> to vector<16xf32>
      %add3A_492 = arith.addf %add3A_485, %get3A_491 : vector<16xf32>
      %add3A_493 = arith.constant 3 : i32
      %add3A_494 = arith.addi %mul3A_296, %add3A_493 : i32
      %get3A_495 = arith.index_cast %add3A_494 : i32 to index
      %get3A_496 = arith.constant 96 : index
      %get3A_497 = tpu.vector_load %arg11[%get3A_495, %get3A_496] {strides = array<i32>} : memref<256x128xf32, #tpu.memory_space<vmem>>, vector<1x16xf32>,
      %get3A_498 = vector.shape_cast %get3A_497 : vector<1x16xf32> to vector<16xf32>
      %add3A_499 = arith.addf %add3A_492, %get3A_498 : vector<16xf32>
      %swap3A_500 = arith.index_cast %scan3A_294 : i32 to index
      %swap3A_501 = arith.constant 96 : index
      %swap3A_502 = tpu.vector_load %arg14[%swap3A_500, %swap3A_501] {strides = array<i32>} : memref<64x128xf32, #tpu.memory_space<vmem>>, vector<1x16xf32>,
      %swap3A_503 = vector.shape_cast %swap3A_502 : vector<1x16xf32> to vector<16xf32>
      %swap3A_504 = vector.shape_cast %add3A_499 : vector<16xf32> to vector<1x16xf32>
      tpu.vector_store %arg14[%swap3A_500, %swap3A_501], %swap3A_504 {strides = array<i32>} : memref<64x128xf32, #tpu.memory_space<vmem>>, vector<1x16xf32>,
      %get3A_505 = arith.index_cast %mul3A_296 : i32 to index
      %get3A_506 = arith.constant 112 : index
      %get3A_507 = tpu.vector_load %arg11[%get3A_505, %get3A_506] {strides = array<i32>} : memref<256x128xf32, #tpu.memory_space<vmem>>, vector<1x16xf32>,
      %get3A_508 = vector.shape_cast %get3A_507 : vector<1x16xf32> to vector<16xf32>
      %add3A_509 = arith.constant 1 : i32
      %add3A_510 = arith.addi %mul3A_296, %add3A_509 : i32
      %get3A_511 = arith.index_cast %add3A_510 : i32 to index
      %get3A_512 = arith.constant 112 : index
      %get3A_513 = tpu.vector_load %arg11[%get3A_511, %get3A_512] {strides = array<i32>} : memref<256x128xf32, #tpu.memory_space<vmem>>, vector<1x16xf32>,
      %get3A_514 = vector.shape_cast %get3A_513 : vector<1x16xf32> to vector<16xf32>
      %add3A_515 = arith.addf %get3A_508, %get3A_514 : vector<16xf32>
      %add3A_516 = arith.constant 2 : i32
      %add3A_517 = arith.addi %mul3A_296, %add3A_516 : i32
      %get3A_518 = arith.index_cast %add3A_517 : i32 to index
      %get3A_519 = arith.constant 112 : index
      %get3A_520 = tpu.vector_load %arg11[%get3A_518, %get3A_519] {strides = array<i32>} : memref<256x128xf32, #tpu.memory_space<vmem>>, vector<1x16xf32>,
      %get3A_521 = vector.shape_cast %get3A_520 : vector<1x16xf32> to vector<16xf32>
      %add3A_522 = arith.addf %add3A_515, %get3A_521 : vector<16xf32>
      %add3A_523 = arith.constant 3 : i32
      %add3A_524 = arith.addi %mul3A_296, %add3A_523 : i32
      %get3A_525 = arith.index_cast %add3A_524 : i32 to index
      %get3A_526 = arith.constant 112 : index
      %get3A_527 = tpu.vector_load %arg11[%get3A_525, %get3A_526] {strides = array<i32>} : memref<256x128xf32, #tpu.memory_space<vmem>>, vector<1x16xf32>,
      %get3A_528 = vector.shape_cast %get3A_527 : vector<1x16xf32> to vector<16xf32>
      %add3A_529 = arith.addf %add3A_522, %get3A_528 : vector<16xf32>
      %swap3A_530 = arith.index_cast %scan3A_294 : i32 to index
      %swap3A_531 = arith.constant 112 : index
      %swap3A_532 = tpu.vector_load %arg14[%swap3A_530, %swap3A_531] {strides = array<i32>} : memref<64x128xf32, #tpu.memory_space<vmem>>, vector<1x16xf32>,
      %swap3A_533 = vector.shape_cast %swap3A_532 : vector<1x16xf32> to vector<16xf32>
      %swap3A_534 = vector.shape_cast %add3A_529 : vector<16xf32> to vector<1x16xf32>
      tpu.vector_store %arg14[%swap3A_530, %swap3A_531], %swap3A_534 {strides = array<i32>} : memref<64x128xf32, #tpu.memory_space<vmem>>, vector<1x16xf32>,
    }
    %scan3A_31 = arith.constant 64 : i32
    %add3A_32 = arith.constant 0 : i32
    %add3A_33 = arith.addi %mul3A_2, %add3A_32 : i32
    %dma_start3A_34 = arith.constant 0 : i32
    %dma_start3A_35 = tpu.memref_slice %arg7[%add3A_33, %dma_start3A_34] : memref<16384x128xf32, #tpu.memory_space<hbm>> -> memref<64x128xf32, #tpu.memory_space<hbm>>
    %dma_start3A_36 = arith.constant 0 : i32
    %dma_start3A_37 = tpu.memref_slice %arg7[%add3A_33, %dma_start3A_36] : memref<16384x128xf32, #tpu.memory_space<hbm>> -> memref<64x128xf32, #tpu.memory_space<hbm>>
    tpu.enqueue_dma source(%arg14 : memref<64x128xf32, #tpu.memory_space<vmem>>) target(%dma_start3A_37 : memref<64x128xf32, #tpu.memory_space<hbm>>) target_semaphore(%arg22 : memref<!tpu.dma_semaphore, #tpu.memory_space<semaphore_mem>>)
    %dma_start3A_38 = arith.constant 256 : i32
    %dma_start3A_39 = tpu.memref_slice %arg8[%dma_start3A_38] : memref<512xi32, #tpu.memory_space<vmem>> -> memref<256xi32, #tpu.memory_space<vmem>>
    %dma_start3A_40 = arith.constant 0 : i32
    %dma_start3A_41 = arith.constant 0 : i32
    %dma_start3A_42 = tpu.memref_slice %arg2[%dma_start3A_40, %dma_start3A_41] : memref<100000x128xf32, #tpu.memory_space<hbm>> -> memref<100000x128xf32, #tpu.memory_space<hbm>>
    tpu.enqueue_indirect_dma source(%dma_start3A_42 : memref<100000x128xf32, #tpu.memory_space<hbm>>) target(%arg11 : memref<256x128xf32, #tpu.memory_space<vmem>>) offsets(%dma_start3A_39 : memref<256xi32, #tpu.memory_space<vmem>>) semaphore(%arg16 : memref<!tpu.dma_semaphore, #tpu.memory_space<semaphore_mem>>)
    %dma_wait3A_43 = arith.constant 0 : i32
    %dma_wait3A_44 = tpu.memref_slice %arg8[%dma_wait3A_43] : memref<512xi32, #tpu.memory_space<vmem>> -> memref<256xi32, #tpu.memory_space<vmem>>
    %dma_wait3A_45 = arith.constant 0 : i32
    %dma_wait3A_46 = arith.constant 0 : i32
    %dma_wait3A_47 = tpu.memref_slice %arg2[%dma_wait3A_45, %dma_wait3A_46] : memref<100000x128xf32, #tpu.memory_space<hbm>> -> memref<100000x128xf32, #tpu.memory_space<hbm>>
    tpu.wait_indirect_dma semaphore(%arg17 : memref<!tpu.dma_semaphore, #tpu.memory_space<semaphore_mem>>) src(%dma_wait3A_47 : memref<100000x128xf32, #tpu.memory_space<hbm>>) dst(%arg12 : memref<256x128xf32, #tpu.memory_space<vmem>>)
    %add3A_48 = arith.constant 0 : i32
    %add3A_49 = arith.addi %mul3A_2, %add3A_48 : i32
    %dma_start3A_50 = arith.constant 0 : i32
    %dma_start3A_51 = tpu.memref_slice %arg5[%add3A_49, %dma_start3A_50] : memref<16384x128xf32, #tpu.memory_space<hbm>> -> memref<256x128xf32, #tpu.memory_space<hbm>>
    %dma_start3A_52 = arith.constant 0 : i32
    %dma_start3A_53 = tpu.memref_slice %arg5[%add3A_49, %dma_start3A_52] : memref<16384x128xf32, #tpu.memory_space<hbm>> -> memref<256x128xf32, #tpu.memory_space<hbm>>
    tpu.enqueue_dma source(%arg12 : memref<256x128xf32, #tpu.memory_space<vmem>>) target(%dma_start3A_53 : memref<256x128xf32, #tpu.memory_space<hbm>>) target_semaphore(%arg20 : memref<!tpu.dma_semaphore, #tpu.memory_space<semaphore_mem>>)
    %dma_wait3A_54 = arith.constant 0 : i32
    %dma_wait3A_55 = tpu.memref_slice %arg5[%add3A_49, %dma_wait3A_54] : memref<16384x128xf32, #tpu.memory_space<hbm>> -> memref<256x128xf32, #tpu.memory_space<hbm>>
    %dma_wait3A_56 = arith.constant 0 : i32
    %dma_wait3A_57 = tpu.memref_slice %arg5[%add3A_49, %dma_wait3A_56] : memref<16384x128xf32, #tpu.memory_space<hbm>> -> memref<256x128xf32, #tpu.memory_space<hbm>>
    tpu.wait_dma2 semaphore(%arg20 : memref<!tpu.dma_semaphore, #tpu.memory_space<semaphore_mem>>) src(%arg12 : memref<256x128xf32, #tpu.memory_space<vmem>>) dst(%dma_wait3A_57 : memref<256x128xf32, #tpu.memory_space<hbm>>)
    %dma_start3A_58 = arith.constant 512 : i32
    %dma_start3A_59 = tpu.memref_slice %arg10[%dma_start3A_58] : memref<2048xi32, #tpu.memory_space<vmem>> -> memref<256xi32, #tpu.memory_space<vmem>>
    %dma_start3A_60 = arith.constant 0 : i32
    %dma_start3A_61 = arith.constant 0 : i32
    %dma_start3A_62 = tpu.memref_slice %arg3[%dma_start3A_60, %dma_start3A_61] : memref<100000x128xf32, #tpu.memory_space<hbm>> -> memref<100000x128xf32, #tpu.memory_space<hbm>>
    tpu.enqueue_indirect_dma source(%dma_start3A_62 : memref<100000x128xf32, #tpu.memory_space<hbm>>) target(%arg12 : memref<256x128xf32, #tpu.memory_space<vmem>>) offsets(%dma_start3A_59 : memref<256xi32, #tpu.memory_space<vmem>>) semaphore(%arg17 : memref<!tpu.dma_semaphore, #tpu.memory_space<semaphore_mem>>)
    %dma_wait3A_63 = arith.constant 256 : i32
    %dma_wait3A_64 = tpu.memref_slice %arg10[%dma_wait3A_63] : memref<2048xi32, #tpu.memory_space<vmem>> -> memref<256xi32, #tpu.memory_space<vmem>>
    %dma_wait3A_65 = arith.constant 0 : i32
    %dma_wait3A_66 = arith.constant 0 : i32
    %dma_wait3A_67 = tpu.memref_slice %arg3[%dma_wait3A_65, %dma_wait3A_66] : memref<100000x128xf32, #tpu.memory_space<hbm>> -> memref<100000x128xf32, #tpu.memory_space<hbm>>
    tpu.wait_indirect_dma semaphore(%arg18 : memref<!tpu.dma_semaphore, #tpu.memory_space<semaphore_mem>>) src(%dma_wait3A_67 : memref<100000x128xf32, #tpu.memory_space<hbm>>) dst(%arg13 : memref<256x128xf32, #tpu.memory_space<vmem>>)
    %scan3A_68 = arith.constant 0 : i32
    %scan3A_69 = arith.constant 0 : i32
    %scan3A_70 = arith.constant 64 : i32
    %scan3A_71 = arith.addi %scan3A_69, %scan3A_70 : i32
    %scan3A_72 = arith.constant 1 : i32
    scf.for %scan3A_294 = %scan3A_69 to %scan3A_71 step %scan3A_72  : i32 {
      %mul3A_295 = arith.constant 4 : i32
      %mul3A_296 = arith.muli %mul3A_295, %scan3A_294 : i32
      %get3A = arith.index_cast %mul3A_296 : i32 to index
      %get3A_297 = arith.constant 0 : index
      %get3A_298 = tpu.vector_load %arg13[%get3A, %get3A_297] {strides = array<i32>} : memref<256x128xf32, #tpu.memory_space<vmem>>, vector<1x16xf32>,
      %get3A_299 = vector.shape_cast %get3A_298 : vector<1x16xf32> to vector<16xf32>
      %add3A_300 = arith.constant 1 : i32
      %add3A_301 = arith.addi %mul3A_296, %add3A_300 : i32
      %get3A_302 = arith.index_cast %add3A_301 : i32 to index
      %get3A_303 = arith.constant 0 : index
      %get3A_304 = tpu.vector_load %arg13[%get3A_302, %get3A_303] {strides = array<i32>} : memref<256x128xf32, #tpu.memory_space<vmem>>, vector<1x16xf32>,
      %get3A_305 = vector.shape_cast %get3A_304 : vector<1x16xf32> to vector<16xf32>
      %add3A_306 = arith.addf %get3A_299, %get3A_305 : vector<16xf32>
      %add3A_307 = arith.constant 2 : i32
      %add3A_308 = arith.addi %mul3A_296, %add3A_307 : i32
      %get3A_309 = arith.index_cast %add3A_308 : i32 to index
      %get3A_310 = arith.constant 0 : index
      %get3A_311 = tpu.vector_load %arg13[%get3A_309, %get3A_310] {strides = array<i32>} : memref<256x128xf32, #tpu.memory_space<vmem>>, vector<1x16xf32>,
      %get3A_312 = vector.shape_cast %get3A_311 : vector<1x16xf32> to vector<16xf32>
      %add3A_313 = arith.addf %add3A_306, %get3A_312 : vector<16xf32>
      %add3A_314 = arith.constant 3 : i32
      %add3A_315 = arith.addi %mul3A_296, %add3A_314 : i32
      %get3A_316 = arith.index_cast %add3A_315 : i32 to index
      %get3A_317 = arith.constant 0 : index
      %get3A_318 = tpu.vector_load %arg13[%get3A_316, %get3A_317] {strides = array<i32>} : memref<256x128xf32, #tpu.memory_space<vmem>>, vector<1x16xf32>,
      %get3A_319 = vector.shape_cast %get3A_318 : vector<1x16xf32> to vector<16xf32>
      %add3A_320 = arith.addf %add3A_313, %get3A_319 : vector<16xf32>
      %swap3A = arith.index_cast %scan3A_294 : i32 to index
      %swap3A_321 = arith.constant 0 : index
      %swap3A_322 = tpu.vector_load %arg15[%swap3A, %swap3A_321] {strides = array<i32>} : memref<64x128xf32, #tpu.memory_space<vmem>>, vector<1x16xf32>,
      %swap3A_323 = vector.shape_cast %swap3A_322 : vector<1x16xf32> to vector<16xf32>
      %swap3A_324 = vector.shape_cast %add3A_320 : vector<16xf32> to vector<1x16xf32>
      tpu.vector_store %arg15[%swap3A, %swap3A_321], %swap3A_324 {strides = array<i32>} : memref<64x128xf32, #tpu.memory_space<vmem>>, vector<1x16xf32>,
      %get3A_325 = arith.index_cast %mul3A_296 : i32 to index
      %get3A_326 = arith.constant 16 : index
      %get3A_327 = tpu.vector_load %arg13[%get3A_325, %get3A_326] {strides = array<i32>} : memref<256x128xf32, #tpu.memory_space<vmem>>, vector<1x16xf32>,
      %get3A_328 = vector.shape_cast %get3A_327 : vector<1x16xf32> to vector<16xf32>
      %add3A_329 = arith.constant 1 : i32
      %add3A_330 = arith.addi %mul3A_296, %add3A_329 : i32
      %get3A_331 = arith.index_cast %add3A_330 : i32 to index
      %get3A_332 = arith.constant 16 : index
      %get3A_333 = tpu.vector_load %arg13[%get3A_331, %get3A_332] {strides = array<i32>} : memref<256x128xf32, #tpu.memory_space<vmem>>, vector<1x16xf32>,
      %get3A_334 = vector.shape_cast %get3A_333 : vector<1x16xf32> to vector<16xf32>
      %add3A_335 = arith.addf %get3A_328, %get3A_334 : vector<16xf32>
      %add3A_336 = arith.constant 2 : i32
      %add3A_337 = arith.addi %mul3A_296, %add3A_336 : i32
      %get3A_338 = arith.index_cast %add3A_337 : i32 to index
      %get3A_339 = arith.constant 16 : index
      %get3A_340 = tpu.vector_load %arg13[%get3A_338, %get3A_339] {strides = array<i32>} : memref<256x128xf32, #tpu.memory_space<vmem>>, vector<1x16xf32>,
      %get3A_341 = vector.shape_cast %get3A_340 : vector<1x16xf32> to vector<16xf32>
      %add3A_342 = arith.addf %add3A_335, %get3A_341 : vector<16xf32>
      %add3A_343 = arith.constant 3 : i32
      %add3A_344 = arith.addi %mul3A_296, %add3A_343 : i32
      %get3A_345 = arith.index_cast %add3A_344 : i32 to index
      %get3A_346 = arith.constant 16 : index
      %get3A_347 = tpu.vector_load %arg13[%get3A_345, %get3A_346] {strides = array<i32>} : memref<256x128xf32, #tpu.memory_space<vmem>>, vector<1x16xf32>,
      %get3A_348 = vector.shape_cast %get3A_347 : vector<1x16xf32> to vector<16xf32>
      %add3A_349 = arith.addf %add3A_342, %get3A_348 : vector<16xf32>
      %swap3A_350 = arith.index_cast %scan3A_294 : i32 to index
      %swap3A_351 = arith.constant 16 : index
      %swap3A_352 = tpu.vector_load %arg15[%swap3A_350, %swap3A_351] {strides = array<i32>} : memref<64x128xf32, #tpu.memory_space<vmem>>, vector<1x16xf32>,
      %swap3A_353 = vector.shape_cast %swap3A_352 : vector<1x16xf32> to vector<16xf32>
      %swap3A_354 = vector.shape_cast %add3A_349 : vector<16xf32> to vector<1x16xf32>
      tpu.vector_store %arg15[%swap3A_350, %swap3A_351], %swap3A_354 {strides = array<i32>} : memref<64x128xf32, #tpu.memory_space<vmem>>, vector<1x16xf32>,
      %get3A_355 = arith.index_cast %mul3A_296 : i32 to index
      %get3A_356 = arith.constant 32 : index
      %get3A_357 = tpu.vector_load %arg13[%get3A_355, %get3A_356] {strides = array<i32>} : memref<256x128xf32, #tpu.memory_space<vmem>>, vector<1x16xf32>,
      %get3A_358 = vector.shape_cast %get3A_357 : vector<1x16xf32> to vector<16xf32>
      %add3A_359 = arith.constant 1 : i32
      %add3A_360 = arith.addi %mul3A_296, %add3A_359 : i32
      %get3A_361 = arith.index_cast %add3A_360 : i32 to index
      %get3A_362 = arith.constant 32 : index
      %get3A_363 = tpu.vector_load %arg13[%get3A_361, %get3A_362] {strides = array<i32>} : memref<256x128xf32, #tpu.memory_space<vmem>>, vector<1x16xf32>,
      %get3A_364 = vector.shape_cast %get3A_363 : vector<1x16xf32> to vector<16xf32>
      %add3A_365 = arith.addf %get3A_358, %get3A_364 : vector<16xf32>
      %add3A_366 = arith.constant 2 : i32
      %add3A_367 = arith.addi %mul3A_296, %add3A_366 : i32
      %get3A_368 = arith.index_cast %add3A_367 : i32 to index
      %get3A_369 = arith.constant 32 : index
      %get3A_370 = tpu.vector_load %arg13[%get3A_368, %get3A_369] {strides = array<i32>} : memref<256x128xf32, #tpu.memory_space<vmem>>, vector<1x16xf32>,
      %get3A_371 = vector.shape_cast %get3A_370 : vector<1x16xf32> to vector<16xf32>
      %add3A_372 = arith.addf %add3A_365, %get3A_371 : vector<16xf32>
      %add3A_373 = arith.constant 3 : i32
      %add3A_374 = arith.addi %mul3A_296, %add3A_373 : i32
      %get3A_375 = arith.index_cast %add3A_374 : i32 to index
      %get3A_376 = arith.constant 32 : index
      %get3A_377 = tpu.vector_load %arg13[%get3A_375, %get3A_376] {strides = array<i32>} : memref<256x128xf32, #tpu.memory_space<vmem>>, vector<1x16xf32>,
      %get3A_378 = vector.shape_cast %get3A_377 : vector<1x16xf32> to vector<16xf32>
      %add3A_379 = arith.addf %add3A_372, %get3A_378 : vector<16xf32>
      %swap3A_380 = arith.index_cast %scan3A_294 : i32 to index
      %swap3A_381 = arith.constant 32 : index
      %swap3A_382 = tpu.vector_load %arg15[%swap3A_380, %swap3A_381] {strides = array<i32>} : memref<64x128xf32, #tpu.memory_space<vmem>>, vector<1x16xf32>,
      %swap3A_383 = vector.shape_cast %swap3A_382 : vector<1x16xf32> to vector<16xf32>
      %swap3A_384 = vector.shape_cast %add3A_379 : vector<16xf32> to vector<1x16xf32>
      tpu.vector_store %arg15[%swap3A_380, %swap3A_381], %swap3A_384 {strides = array<i32>} : memref<64x128xf32, #tpu.memory_space<vmem>>, vector<1x16xf32>,
      %get3A_385 = arith.index_cast %mul3A_296 : i32 to index
      %get3A_386 = arith.constant 48 : index
      %get3A_387 = tpu.vector_load %arg13[%get3A_385, %get3A_386] {strides = array<i32>} : memref<256x128xf32, #tpu.memory_space<vmem>>, vector<1x16xf32>,
      %get3A_388 = vector.shape_cast %get3A_387 : vector<1x16xf32> to vector<16xf32>
      %add3A_389 = arith.constant 1 : i32
      %add3A_390 = arith.addi %mul3A_296, %add3A_389 : i32
      %get3A_391 = arith.index_cast %add3A_390 : i32 to index
      %get3A_392 = arith.constant 48 : index
      %get3A_393 = tpu.vector_load %arg13[%get3A_391, %get3A_392] {strides = array<i32>} : memref<256x128xf32, #tpu.memory_space<vmem>>, vector<1x16xf32>,
      %get3A_394 = vector.shape_cast %get3A_393 : vector<1x16xf32> to vector<16xf32>
      %add3A_395 = arith.addf %get3A_388, %get3A_394 : vector<16xf32>
      %add3A_396 = arith.constant 2 : i32
      %add3A_397 = arith.addi %mul3A_296, %add3A_396 : i32
      %get3A_398 = arith.index_cast %add3A_397 : i32 to index
      %get3A_399 = arith.constant 48 : index
      %get3A_400 = tpu.vector_load %arg13[%get3A_398, %get3A_399] {strides = array<i32>} : memref<256x128xf32, #tpu.memory_space<vmem>>, vector<1x16xf32>,
      %get3A_401 = vector.shape_cast %get3A_400 : vector<1x16xf32> to vector<16xf32>
      %add3A_402 = arith.addf %add3A_395, %get3A_401 : vector<16xf32>
      %add3A_403 = arith.constant 3 : i32
      %add3A_404 = arith.addi %mul3A_296, %add3A_403 : i32
      %get3A_405 = arith.index_cast %add3A_404 : i32 to index
      %get3A_406 = arith.constant 48 : index
      %get3A_407 = tpu.vector_load %arg13[%get3A_405, %get3A_406] {strides = array<i32>} : memref<256x128xf32, #tpu.memory_space<vmem>>, vector<1x16xf32>,
      %get3A_408 = vector.shape_cast %get3A_407 : vector<1x16xf32> to vector<16xf32>
      %add3A_409 = arith.addf %add3A_402, %get3A_408 : vector<16xf32>
      %swap3A_410 = arith.index_cast %scan3A_294 : i32 to index
      %swap3A_411 = arith.constant 48 : index
      %swap3A_412 = tpu.vector_load %arg15[%swap3A_410, %swap3A_411] {strides = array<i32>} : memref<64x128xf32, #tpu.memory_space<vmem>>, vector<1x16xf32>,
      %swap3A_413 = vector.shape_cast %swap3A_412 : vector<1x16xf32> to vector<16xf32>
      %swap3A_414 = vector.shape_cast %add3A_409 : vector<16xf32> to vector<1x16xf32>
      tpu.vector_store %arg15[%swap3A_410, %swap3A_411], %swap3A_414 {strides = array<i32>} : memref<64x128xf32, #tpu.memory_space<vmem>>, vector<1x16xf32>,
      %get3A_415 = arith.index_cast %mul3A_296 : i32 to index
      %get3A_416 = arith.constant 64 : index
      %get3A_417 = tpu.vector_load %arg13[%get3A_415, %get3A_416] {strides = array<i32>} : memref<256x128xf32, #tpu.memory_space<vmem>>, vector<1x16xf32>,
      %get3A_418 = vector.shape_cast %get3A_417 : vector<1x16xf32> to vector<16xf32>
      %add3A_419 = arith.constant 1 : i32
      %add3A_420 = arith.addi %mul3A_296, %add3A_419 : i32
      %get3A_421 = arith.index_cast %add3A_420 : i32 to index
      %get3A_422 = arith.constant 64 : index
      %get3A_423 = tpu.vector_load %arg13[%get3A_421, %get3A_422] {strides = array<i32>} : memref<256x128xf32, #tpu.memory_space<vmem>>, vector<1x16xf32>,
      %get3A_424 = vector.shape_cast %get3A_423 : vector<1x16xf32> to vector<16xf32>
      %add3A_425 = arith.addf %get3A_418, %get3A_424 : vector<16xf32>
      %add3A_426 = arith.constant 2 : i32
      %add3A_427 = arith.addi %mul3A_296, %add3A_426 : i32
      %get3A_428 = arith.index_cast %add3A_427 : i32 to index
      %get3A_429 = arith.constant 64 : index
      %get3A_430 = tpu.vector_load %arg13[%get3A_428, %get3A_429] {strides = array<i32>} : memref<256x128xf32, #tpu.memory_space<vmem>>, vector<1x16xf32>,
      %get3A_431 = vector.shape_cast %get3A_430 : vector<1x16xf32> to vector<16xf32>
      %add3A_432 = arith.addf %add3A_425, %get3A_431 : vector<16xf32>
      %add3A_433 = arith.constant 3 : i32
      %add3A_434 = arith.addi %mul3A_296, %add3A_433 : i32
      %get3A_435 = arith.index_cast %add3A_434 : i32 to index
      %get3A_436 = arith.constant 64 : index
      %get3A_437 = tpu.vector_load %arg13[%get3A_435, %get3A_436] {strides = array<i32>} : memref<256x128xf32, #tpu.memory_space<vmem>>, vector<1x16xf32>,
      %get3A_438 = vector.shape_cast %get3A_437 : vector<1x16xf32> to vector<16xf32>
      %add3A_439 = arith.addf %add3A_432, %get3A_438 : vector<16xf32>
      %swap3A_440 = arith.index_cast %scan3A_294 : i32 to index
      %swap3A_441 = arith.constant 64 : index
      %swap3A_442 = tpu.vector_load %arg15[%swap3A_440, %swap3A_441] {strides = array<i32>} : memref<64x128xf32, #tpu.memory_space<vmem>>, vector<1x16xf32>,
      %swap3A_443 = vector.shape_cast %swap3A_442 : vector<1x16xf32> to vector<16xf32>
      %swap3A_444 = vector.shape_cast %add3A_439 : vector<16xf32> to vector<1x16xf32>
      tpu.vector_store %arg15[%swap3A_440, %swap3A_441], %swap3A_444 {strides = array<i32>} : memref<64x128xf32, #tpu.memory_space<vmem>>, vector<1x16xf32>,
      %get3A_445 = arith.index_cast %mul3A_296 : i32 to index
      %get3A_446 = arith.constant 80 : index
      %get3A_447 = tpu.vector_load %arg13[%get3A_445, %get3A_446] {strides = array<i32>} : memref<256x128xf32, #tpu.memory_space<vmem>>, vector<1x16xf32>,
      %get3A_448 = vector.shape_cast %get3A_447 : vector<1x16xf32> to vector<16xf32>
      %add3A_449 = arith.constant 1 : i32
      %add3A_450 = arith.addi %mul3A_296, %add3A_449 : i32
      %get3A_451 = arith.index_cast %add3A_450 : i32 to index
      %get3A_452 = arith.constant 80 : index
      %get3A_453 = tpu.vector_load %arg13[%get3A_451, %get3A_452] {strides = array<i32>} : memref<256x128xf32, #tpu.memory_space<vmem>>, vector<1x16xf32>,
      %get3A_454 = vector.shape_cast %get3A_453 : vector<1x16xf32> to vector<16xf32>
      %add3A_455 = arith.addf %get3A_448, %get3A_454 : vector<16xf32>
      %add3A_456 = arith.constant 2 : i32
      %add3A_457 = arith.addi %mul3A_296, %add3A_456 : i32
      %get3A_458 = arith.index_cast %add3A_457 : i32 to index
      %get3A_459 = arith.constant 80 : index
      %get3A_460 = tpu.vector_load %arg13[%get3A_458, %get3A_459] {strides = array<i32>} : memref<256x128xf32, #tpu.memory_space<vmem>>, vector<1x16xf32>,
      %get3A_461 = vector.shape_cast %get3A_460 : vector<1x16xf32> to vector<16xf32>
      %add3A_462 = arith.addf %add3A_455, %get3A_461 : vector<16xf32>
      %add3A_463 = arith.constant 3 : i32
      %add3A_464 = arith.addi %mul3A_296, %add3A_463 : i32
      %get3A_465 = arith.index_cast %add3A_464 : i32 to index
      %get3A_466 = arith.constant 80 : index
      %get3A_467 = tpu.vector_load %arg13[%get3A_465, %get3A_466] {strides = array<i32>} : memref<256x128xf32, #tpu.memory_space<vmem>>, vector<1x16xf32>,
      %get3A_468 = vector.shape_cast %get3A_467 : vector<1x16xf32> to vector<16xf32>
      %add3A_469 = arith.addf %add3A_462, %get3A_468 : vector<16xf32>
      %swap3A_470 = arith.index_cast %scan3A_294 : i32 to index
      %swap3A_471 = arith.constant 80 : index
      %swap3A_472 = tpu.vector_load %arg15[%swap3A_470, %swap3A_471] {strides = array<i32>} : memref<64x128xf32, #tpu.memory_space<vmem>>, vector<1x16xf32>,
      %swap3A_473 = vector.shape_cast %swap3A_472 : vector<1x16xf32> to vector<16xf32>
      %swap3A_474 = vector.shape_cast %add3A_469 : vector<16xf32> to vector<1x16xf32>
      tpu.vector_store %arg15[%swap3A_470, %swap3A_471], %swap3A_474 {strides = array<i32>} : memref<64x128xf32, #tpu.memory_space<vmem>>, vector<1x16xf32>,
      %get3A_475 = arith.index_cast %mul3A_296 : i32 to index
      %get3A_476 = arith.constant 96 : index
      %get3A_477 = tpu.vector_load %arg13[%get3A_475, %get3A_476] {strides = array<i32>} : memref<256x128xf32, #tpu.memory_space<vmem>>, vector<1x16xf32>,
      %get3A_478 = vector.shape_cast %get3A_477 : vector<1x16xf32> to vector<16xf32>
      %add3A_479 = arith.constant 1 : i32
      %add3A_480 = arith.addi %mul3A_296, %add3A_479 : i32
      %get3A_481 = arith.index_cast %add3A_480 : i32 to index
      %get3A_482 = arith.constant 96 : index
      %get3A_483 = tpu.vector_load %arg13[%get3A_481, %get3A_482] {strides = array<i32>} : memref<256x128xf32, #tpu.memory_space<vmem>>, vector<1x16xf32>,
      %get3A_484 = vector.shape_cast %get3A_483 : vector<1x16xf32> to vector<16xf32>
      %add3A_485 = arith.addf %get3A_478, %get3A_484 : vector<16xf32>
      %add3A_486 = arith.constant 2 : i32
      %add3A_487 = arith.addi %mul3A_296, %add3A_486 : i32
      %get3A_488 = arith.index_cast %add3A_487 : i32 to index
      %get3A_489 = arith.constant 96 : index
      %get3A_490 = tpu.vector_load %arg13[%get3A_488, %get3A_489] {strides = array<i32>} : memref<256x128xf32, #tpu.memory_space<vmem>>, vector<1x16xf32>,
      %get3A_491 = vector.shape_cast %get3A_490 : vector<1x16xf32> to vector<16xf32>
      %add3A_492 = arith.addf %add3A_485, %get3A_491 : vector<16xf32>
      %add3A_493 = arith.constant 3 : i32
      %add3A_494 = arith.addi %mul3A_296, %add3A_493 : i32
      %get3A_495 = arith.index_cast %add3A_494 : i32 to index
      %get3A_496 = arith.constant 96 : index
      %get3A_497 = tpu.vector_load %arg13[%get3A_495, %get3A_496] {strides = array<i32>} : memref<256x128xf32, #tpu.memory_space<vmem>>, vector<1x16xf32>,
      %get3A_498 = vector.shape_cast %get3A_497 : vector<1x16xf32> to vector<16xf32>
      %add3A_499 = arith.addf %add3A_492, %get3A_498 : vector<16xf32>
      %swap3A_500 = arith.index_cast %scan3A_294 : i32 to index
      %swap3A_501 = arith.constant 96 : index
      %swap3A_502 = tpu.vector_load %arg15[%swap3A_500, %swap3A_501] {strides = array<i32>} : memref<64x128xf32, #tpu.memory_space<vmem>>, vector<1x16xf32>,
      %swap3A_503 = vector.shape_cast %swap3A_502 : vector<1x16xf32> to vector<16xf32>
      %swap3A_504 = vector.shape_cast %add3A_499 : vector<16xf32> to vector<1x16xf32>
      tpu.vector_store %arg15[%swap3A_500, %swap3A_501], %swap3A_504 {strides = array<i32>} : memref<64x128xf32, #tpu.memory_space<vmem>>, vector<1x16xf32>,
      %get3A_505 = arith.index_cast %mul3A_296 : i32 to index
      %get3A_506 = arith.constant 112 : index
      %get3A_507 = tpu.vector_load %arg13[%get3A_505, %get3A_506] {strides = array<i32>} : memref<256x128xf32, #tpu.memory_space<vmem>>, vector<1x16xf32>,
      %get3A_508 = vector.shape_cast %get3A_507 : vector<1x16xf32> to vector<16xf32>
      %add3A_509 = arith.constant 1 : i32
      %add3A_510 = arith.addi %mul3A_296, %add3A_509 : i32
      %get3A_511 = arith.index_cast %add3A_510 : i32 to index
      %get3A_512 = arith.constant 112 : index
      %get3A_513 = tpu.vector_load %arg13[%get3A_511, %get3A_512] {strides = array<i32>} : memref<256x128xf32, #tpu.memory_space<vmem>>, vector<1x16xf32>,
      %get3A_514 = vector.shape_cast %get3A_513 : vector<1x16xf32> to vector<16xf32>
      %add3A_515 = arith.addf %get3A_508, %get3A_514 : vector<16xf32>
      %add3A_516 = arith.constant 2 : i32
      %add3A_517 = arith.addi %mul3A_296, %add3A_516 : i32
      %get3A_518 = arith.index_cast %add3A_517 : i32 to index
      %get3A_519 = arith.constant 112 : index
      %get3A_520 = tpu.vector_load %arg13[%get3A_518, %get3A_519] {strides = array<i32>} : memref<256x128xf32, #tpu.memory_space<vmem>>, vector<1x16xf32>,
      %get3A_521 = vector.shape_cast %get3A_520 : vector<1x16xf32> to vector<16xf32>
      %add3A_522 = arith.addf %add3A_515, %get3A_521 : vector<16xf32>
      %add3A_523 = arith.constant 3 : i32
      %add3A_524 = arith.addi %mul3A_296, %add3A_523 : i32
      %get3A_525 = arith.index_cast %add3A_524 : i32 to index
      %get3A_526 = arith.constant 112 : index
      %get3A_527 = tpu.vector_load %arg13[%get3A_525, %get3A_526] {strides = array<i32>} : memref<256x128xf32, #tpu.memory_space<vmem>>, vector<1x16xf32>,
      %get3A_528 = vector.shape_cast %get3A_527 : vector<1x16xf32> to vector<16xf32>
      %add3A_529 = arith.addf %add3A_522, %get3A_528 : vector<16xf32>
      %swap3A_530 = arith.index_cast %scan3A_294 : i32 to index
      %swap3A_531 = arith.constant 112 : index
      %swap3A_532 = tpu.vector_load %arg15[%swap3A_530, %swap3A_531] {strides = array<i32>} : memref<64x128xf32, #tpu.memory_space<vmem>>, vector<1x16xf32>,
      %swap3A_533 = vector.shape_cast %swap3A_532 : vector<1x16xf32> to vector<16xf32>
      %swap3A_534 = vector.shape_cast %add3A_529 : vector<16xf32> to vector<1x16xf32>
      tpu.vector_store %arg15[%swap3A_530, %swap3A_531], %swap3A_534 {strides = array<i32>} : memref<64x128xf32, #tpu.memory_space<vmem>>, vector<1x16xf32>,
    }
    %scan3A_73 = arith.constant 64 : i32
    %add3A_74 = arith.constant 64 : i32
    %add3A_75 = arith.addi %mul3A_2, %add3A_74 : i32
    %dma_start3A_76 = arith.constant 0 : i32
    %dma_start3A_77 = tpu.memref_slice %arg7[%add3A_75, %dma_start3A_76] : memref<16384x128xf32, #tpu.memory_space<hbm>> -> memref<64x128xf32, #tpu.memory_space<hbm>>
    %dma_start3A_78 = arith.constant 0 : i32
    %dma_start3A_79 = tpu.memref_slice %arg7[%add3A_75, %dma_start3A_78] : memref<16384x128xf32, #tpu.memory_space<hbm>> -> memref<64x128xf32, #tpu.memory_space<hbm>>
    tpu.enqueue_dma source(%arg15 : memref<64x128xf32, #tpu.memory_space<vmem>>) target(%dma_start3A_79 : memref<64x128xf32, #tpu.memory_space<hbm>>) target_semaphore(%arg22 : memref<!tpu.dma_semaphore, #tpu.memory_space<semaphore_mem>>)
    %dma_start3A_80 = arith.constant 0 : i32
    %dma_start3A_81 = tpu.memref_slice %arg9[%dma_start3A_80] : memref<512xi32, #tpu.memory_space<vmem>> -> memref<256xi32, #tpu.memory_space<vmem>>
    %dma_start3A_82 = arith.constant 0 : i32
    %dma_start3A_83 = arith.constant 0 : i32
    %dma_start3A_84 = tpu.memref_slice %arg3[%dma_start3A_82, %dma_start3A_83] : memref<100000x128xf32, #tpu.memory_space<hbm>> -> memref<100000x128xf32, #tpu.memory_space<hbm>>
    tpu.enqueue_indirect_dma source(%dma_start3A_84 : memref<100000x128xf32, #tpu.memory_space<hbm>>) target(%arg13 : memref<256x128xf32, #tpu.memory_space<vmem>>) offsets(%dma_start3A_81 : memref<256xi32, #tpu.memory_space<vmem>>) semaphore(%arg18 : memref<!tpu.dma_semaphore, #tpu.memory_space<semaphore_mem>>)
    %dma_wait3A_85 = arith.constant 256 : i32
    %dma_wait3A_86 = tpu.memref_slice %arg8[%dma_wait3A_85] : memref<512xi32, #tpu.memory_space<vmem>> -> memref<256xi32, #tpu.memory_space<vmem>>
    %dma_wait3A_87 = arith.constant 0 : i32
    %dma_wait3A_88 = arith.constant 0 : i32
    %dma_wait3A_89 = tpu.memref_slice %arg2[%dma_wait3A_87, %dma_wait3A_88] : memref<100000x128xf32, #tpu.memory_space<hbm>> -> memref<100000x128xf32, #tpu.memory_space<hbm>>
    tpu.wait_indirect_dma semaphore(%arg16 : memref<!tpu.dma_semaphore, #tpu.memory_space<semaphore_mem>>) src(%dma_wait3A_89 : memref<100000x128xf32, #tpu.memory_space<hbm>>) dst(%arg11 : memref<256x128xf32, #tpu.memory_space<vmem>>)
    %add3A_90 = arith.constant 256 : i32
    %add3A_91 = arith.addi %mul3A_2, %add3A_90 : i32
    %dma_start3A_92 = arith.constant 0 : i32
    %dma_start3A_93 = tpu.memref_slice %arg5[%add3A_91, %dma_start3A_92] : memref<16384x128xf32, #tpu.memory_space<hbm>> -> memref<256x128xf32, #tpu.memory_space<hbm>>
    %dma_start3A_94 = arith.constant 0 : i32
    %dma_start3A_95 = tpu.memref_slice %arg5[%add3A_91, %dma_start3A_94] : memref<16384x128xf32, #tpu.memory_space<hbm>> -> memref<256x128xf32, #tpu.memory_space<hbm>>
    tpu.enqueue_dma source(%arg11 : memref<256x128xf32, #tpu.memory_space<vmem>>) target(%dma_start3A_95 : memref<256x128xf32, #tpu.memory_space<hbm>>) target_semaphore(%arg19 : memref<!tpu.dma_semaphore, #tpu.memory_space<semaphore_mem>>)
    %dma_wait3A_96 = arith.constant 0 : i32
    %dma_wait3A_97 = tpu.memref_slice %arg5[%add3A_91, %dma_wait3A_96] : memref<16384x128xf32, #tpu.memory_space<hbm>> -> memref<256x128xf32, #tpu.memory_space<hbm>>
    %dma_wait3A_98 = arith.constant 0 : i32
    %dma_wait3A_99 = tpu.memref_slice %arg5[%add3A_91, %dma_wait3A_98] : memref<16384x128xf32, #tpu.memory_space<hbm>> -> memref<256x128xf32, #tpu.memory_space<hbm>>
    tpu.wait_dma2 semaphore(%arg19 : memref<!tpu.dma_semaphore, #tpu.memory_space<semaphore_mem>>) src(%arg11 : memref<256x128xf32, #tpu.memory_space<vmem>>) dst(%dma_wait3A_99 : memref<256x128xf32, #tpu.memory_space<hbm>>)
    %dma_start3A_100 = arith.constant 768 : i32
    %dma_start3A_101 = tpu.memref_slice %arg10[%dma_start3A_100] : memref<2048xi32, #tpu.memory_space<vmem>> -> memref<256xi32, #tpu.memory_space<vmem>>
    %dma_start3A_102 = arith.constant 0 : i32
    %dma_start3A_103 = arith.constant 0 : i32
    %dma_start3A_104 = tpu.memref_slice %arg3[%dma_start3A_102, %dma_start3A_103] : memref<100000x128xf32, #tpu.memory_space<hbm>> -> memref<100000x128xf32, #tpu.memory_space<hbm>>
    tpu.enqueue_indirect_dma source(%dma_start3A_104 : memref<100000x128xf32, #tpu.memory_space<hbm>>) target(%arg11 : memref<256x128xf32, #tpu.memory_space<vmem>>) offsets(%dma_start3A_101 : memref<256xi32, #tpu.memory_space<vmem>>) semaphore(%arg16 : memref<!tpu.dma_semaphore, #tpu.memory_space<semaphore_mem>>)
    %dma_wait3A_105 = arith.constant 512 : i32
    %dma_wait3A_106 = tpu.memref_slice %arg10[%dma_wait3A_105] : memref<2048xi32, #tpu.memory_space<vmem>> -> memref<256xi32, #tpu.memory_space<vmem>>
    %dma_wait3A_107 = arith.constant 0 : i32
    %dma_wait3A_108 = arith.constant 0 : i32
    %dma_wait3A_109 = tpu.memref_slice %arg3[%dma_wait3A_107, %dma_wait3A_108] : memref<100000x128xf32, #tpu.memory_space<hbm>> -> memref<100000x128xf32, #tpu.memory_space<hbm>>
    tpu.wait_indirect_dma semaphore(%arg17 : memref<!tpu.dma_semaphore, #tpu.memory_space<semaphore_mem>>) src(%dma_wait3A_109 : memref<100000x128xf32, #tpu.memory_space<hbm>>) dst(%arg12 : memref<256x128xf32, #tpu.memory_space<vmem>>)
    %dma_wait3A_110 = arith.constant 0 : i32
    %dma_wait3A_111 = tpu.memref_slice %arg7[%add3A_33, %dma_wait3A_110] : memref<16384x128xf32, #tpu.memory_space<hbm>> -> memref<64x128xf32, #tpu.memory_space<hbm>>
    %dma_wait3A_112 = arith.constant 0 : i32
    %dma_wait3A_113 = tpu.memref_slice %arg7[%add3A_33, %dma_wait3A_112] : memref<16384x128xf32, #tpu.memory_space<hbm>> -> memref<64x128xf32, #tpu.memory_space<hbm>>
    tpu.wait_dma2 semaphore(%arg22 : memref<!tpu.dma_semaphore, #tpu.memory_space<semaphore_mem>>) src(%arg14 : memref<64x128xf32, #tpu.memory_space<vmem>>) dst(%dma_wait3A_113 : memref<64x128xf32, #tpu.memory_space<hbm>>)
    %scan3A_114 = arith.constant 0 : i32
    %scan3A_115 = arith.constant 0 : i32
    %scan3A_116 = arith.constant 64 : i32
    %scan3A_117 = arith.addi %scan3A_115, %scan3A_116 : i32
    %scan3A_118 = arith.constant 1 : i32
    scf.for %scan3A_294 = %scan3A_115 to %scan3A_117 step %scan3A_118  : i32 {
      %mul3A_295 = arith.constant 4 : i32
      %mul3A_296 = arith.muli %mul3A_295, %scan3A_294 : i32
      %get3A = arith.index_cast %mul3A_296 : i32 to index
      %get3A_297 = arith.constant 0 : index
      %get3A_298 = tpu.vector_load %arg12[%get3A, %get3A_297] {strides = array<i32>} : memref<256x128xf32, #tpu.memory_space<vmem>>, vector<1x16xf32>,
      %get3A_299 = vector.shape_cast %get3A_298 : vector<1x16xf32> to vector<16xf32>
      %add3A_300 = arith.constant 1 : i32
      %add3A_301 = arith.addi %mul3A_296, %add3A_300 : i32
      %get3A_302 = arith.index_cast %add3A_301 : i32 to index
      %get3A_303 = arith.constant 0 : index
      %get3A_304 = tpu.vector_load %arg12[%get3A_302, %get3A_303] {strides = array<i32>} : memref<256x128xf32, #tpu.memory_space<vmem>>, vector<1x16xf32>,
      %get3A_305 = vector.shape_cast %get3A_304 : vector<1x16xf32> to vector<16xf32>
      %add3A_306 = arith.addf %get3A_299, %get3A_305 : vector<16xf32>
      %add3A_307 = arith.constant 2 : i32
      %add3A_308 = arith.addi %mul3A_296, %add3A_307 : i32
      %get3A_309 = arith.index_cast %add3A_308 : i32 to index
      %get3A_310 = arith.constant 0 : index
      %get3A_311 = tpu.vector_load %arg12[%get3A_309, %get3A_310] {strides = array<i32>} : memref<256x128xf32, #tpu.memory_space<vmem>>, vector<1x16xf32>,
      %get3A_312 = vector.shape_cast %get3A_311 : vector<1x16xf32> to vector<16xf32>
      %add3A_313 = arith.addf %add3A_306, %get3A_312 : vector<16xf32>
      %add3A_314 = arith.constant 3 : i32
      %add3A_315 = arith.addi %mul3A_296, %add3A_314 : i32
      %get3A_316 = arith.index_cast %add3A_315 : i32 to index
      %get3A_317 = arith.constant 0 : index
      %get3A_318 = tpu.vector_load %arg12[%get3A_316, %get3A_317] {strides = array<i32>} : memref<256x128xf32, #tpu.memory_space<vmem>>, vector<1x16xf32>,
      %get3A_319 = vector.shape_cast %get3A_318 : vector<1x16xf32> to vector<16xf32>
      %add3A_320 = arith.addf %add3A_313, %get3A_319 : vector<16xf32>
      %swap3A = arith.index_cast %scan3A_294 : i32 to index
      %swap3A_321 = arith.constant 0 : index
      %swap3A_322 = tpu.vector_load %arg14[%swap3A, %swap3A_321] {strides = array<i32>} : memref<64x128xf32, #tpu.memory_space<vmem>>, vector<1x16xf32>,
      %swap3A_323 = vector.shape_cast %swap3A_322 : vector<1x16xf32> to vector<16xf32>
      %swap3A_324 = vector.shape_cast %add3A_320 : vector<16xf32> to vector<1x16xf32>
      tpu.vector_store %arg14[%swap3A, %swap3A_321], %swap3A_324 {strides = array<i32>} : memref<64x128xf32, #tpu.memory_space<vmem>>, vector<1x16xf32>,
      %get3A_325 = arith.index_cast %mul3A_296 : i32 to index
      %get3A_326 = arith.constant 16 : index
      %get3A_327 = tpu.vector_load %arg12[%get3A_325, %get3A_326] {strides = array<i32>} : memref<256x128xf32, #tpu.memory_space<vmem>>, vector<1x16xf32>,
      %get3A_328 = vector.shape_cast %get3A_327 : vector<1x16xf32> to vector<16xf32>
      %add3A_329 = arith.constant 1 : i32
      %add3A_330 = arith.addi %mul3A_296, %add3A_329 : i32
      %get3A_331 = arith.index_cast %add3A_330 : i32 to index
      %get3A_332 = arith.constant 16 : index
      %get3A_333 = tpu.vector_load %arg12[%get3A_331, %get3A_332] {strides = array<i32>} : memref<256x128xf32, #tpu.memory_space<vmem>>, vector<1x16xf32>,
      %get3A_334 = vector.shape_cast %get3A_333 : vector<1x16xf32> to vector<16xf32>
      %add3A_335 = arith.addf %get3A_328, %get3A_334 : vector<16xf32>
      %add3A_336 = arith.constant 2 : i32
      %add3A_337 = arith.addi %mul3A_296, %add3A_336 : i32
      %get3A_338 = arith.index_cast %add3A_337 : i32 to index
      %get3A_339 = arith.constant 16 : index
      %get3A_340 = tpu.vector_load %arg12[%get3A_338, %get3A_339] {strides = array<i32>} : memref<256x128xf32, #tpu.memory_space<vmem>>, vector<1x16xf32>,
      %get3A_341 = vector.shape_cast %get3A_340 : vector<1x16xf32> to vector<16xf32>
      %add3A_342 = arith.addf %add3A_335, %get3A_341 : vector<16xf32>
      %add3A_343 = arith.constant 3 : i32
      %add3A_344 = arith.addi %mul3A_296, %add3A_343 : i32
      %get3A_345 = arith.index_cast %add3A_344 : i32 to index
      %get3A_346 = arith.constant 16 : index
      %get3A_347 = tpu.vector_load %arg12[%get3A_345, %get3A_346] {strides = array<i32>} : memref<256x128xf32, #tpu.memory_space<vmem>>, vector<1x16xf32>,
      %get3A_348 = vector.shape_cast %get3A_347 : vector<1x16xf32> to vector<16xf32>
      %add3A_349 = arith.addf %add3A_342, %get3A_348 : vector<16xf32>
      %swap3A_350 = arith.index_cast %scan3A_294 : i32 to index
      %swap3A_351 = arith.constant 16 : index
      %swap3A_352 = tpu.vector_load %arg14[%swap3A_350, %swap3A_351] {strides = array<i32>} : memref<64x128xf32, #tpu.memory_space<vmem>>, vector<1x16xf32>,
      %swap3A_353 = vector.shape_cast %swap3A_352 : vector<1x16xf32> to vector<16xf32>
      %swap3A_354 = vector.shape_cast %add3A_349 : vector<16xf32> to vector<1x16xf32>
      tpu.vector_store %arg14[%swap3A_350, %swap3A_351], %swap3A_354 {strides = array<i32>} : memref<64x128xf32, #tpu.memory_space<vmem>>, vector<1x16xf32>,
      %get3A_355 = arith.index_cast %mul3A_296 : i32 to index
      %get3A_356 = arith.constant 32 : index
      %get3A_357 = tpu.vector_load %arg12[%get3A_355, %get3A_356] {strides = array<i32>} : memref<256x128xf32, #tpu.memory_space<vmem>>, vector<1x16xf32>,
      %get3A_358 = vector.shape_cast %get3A_357 : vector<1x16xf32> to vector<16xf32>
      %add3A_359 = arith.constant 1 : i32
      %add3A_360 = arith.addi %mul3A_296, %add3A_359 : i32
      %get3A_361 = arith.index_cast %add3A_360 : i32 to index
      %get3A_362 = arith.constant 32 : index
      %get3A_363 = tpu.vector_load %arg12[%get3A_361, %get3A_362] {strides = array<i32>} : memref<256x128xf32, #tpu.memory_space<vmem>>, vector<1x16xf32>,
      %get3A_364 = vector.shape_cast %get3A_363 : vector<1x16xf32> to vector<16xf32>
      %add3A_365 = arith.addf %get3A_358, %get3A_364 : vector<16xf32>
      %add3A_366 = arith.constant 2 : i32
      %add3A_367 = arith.addi %mul3A_296, %add3A_366 : i32
      %get3A_368 = arith.index_cast %add3A_367 : i32 to index
      %get3A_369 = arith.constant 32 : index
      %get3A_370 = tpu.vector_load %arg12[%get3A_368, %get3A_369] {strides = array<i32>} : memref<256x128xf32, #tpu.memory_space<vmem>>, vector<1x16xf32>,
      %get3A_371 = vector.shape_cast %get3A_370 : vector<1x16xf32> to vector<16xf32>
      %add3A_372 = arith.addf %add3A_365, %get3A_371 : vector<16xf32>
      %add3A_373 = arith.constant 3 : i32
      %add3A_374 = arith.addi %mul3A_296, %add3A_373 : i32
      %get3A_375 = arith.index_cast %add3A_374 : i32 to index
      %get3A_376 = arith.constant 32 : index
      %get3A_377 = tpu.vector_load %arg12[%get3A_375, %get3A_376] {strides = array<i32>} : memref<256x128xf32, #tpu.memory_space<vmem>>, vector<1x16xf32>,
      %get3A_378 = vector.shape_cast %get3A_377 : vector<1x16xf32> to vector<16xf32>
      %add3A_379 = arith.addf %add3A_372, %get3A_378 : vector<16xf32>
      %swap3A_380 = arith.index_cast %scan3A_294 : i32 to index
      %swap3A_381 = arith.constant 32 : index
      %swap3A_382 = tpu.vector_load %arg14[%swap3A_380, %swap3A_381] {strides = array<i32>} : memref<64x128xf32, #tpu.memory_space<vmem>>, vector<1x16xf32>,
      %swap3A_383 = vector.shape_cast %swap3A_382 : vector<1x16xf32> to vector<16xf32>
      %swap3A_384 = vector.shape_cast %add3A_379 : vector<16xf32> to vector<1x16xf32>
      tpu.vector_store %arg14[%swap3A_380, %swap3A_381], %swap3A_384 {strides = array<i32>} : memref<64x128xf32, #tpu.memory_space<vmem>>, vector<1x16xf32>,
      %get3A_385 = arith.index_cast %mul3A_296 : i32 to index
      %get3A_386 = arith.constant 48 : index
      %get3A_387 = tpu.vector_load %arg12[%get3A_385, %get3A_386] {strides = array<i32>} : memref<256x128xf32, #tpu.memory_space<vmem>>, vector<1x16xf32>,
      %get3A_388 = vector.shape_cast %get3A_387 : vector<1x16xf32> to vector<16xf32>
      %add3A_389 = arith.constant 1 : i32
      %add3A_390 = arith.addi %mul3A_296, %add3A_389 : i32
      %get3A_391 = arith.index_cast %add3A_390 : i32 to index
      %get3A_392 = arith.constant 48 : index
      %get3A_393 = tpu.vector_load %arg12[%get3A_391, %get3A_392] {strides = array<i32>} : memref<256x128xf32, #tpu.memory_space<vmem>>, vector<1x16xf32>,
      %get3A_394 = vector.shape_cast %get3A_393 : vector<1x16xf32> to vector<16xf32>
      %add3A_395 = arith.addf %get3A_388, %get3A_394 : vector<16xf32>
      %add3A_396 = arith.constant 2 : i32
      %add3A_397 = arith.addi %mul3A_296, %add3A_396 : i32
      %get3A_398 = arith.index_cast %add3A_397 : i32 to index
      %get3A_399 = arith.constant 48 : index
      %get3A_400 = tpu.vector_load %arg12[%get3A_398, %get3A_399] {strides = array<i32>} : memref<256x128xf32, #tpu.memory_space<vmem>>, vector<1x16xf32>,
      %get3A_401 = vector.shape_cast %get3A_400 : vector<1x16xf32> to vector<16xf32>
      %add3A_402 = arith.addf %add3A_395, %get3A_401 : vector<16xf32>
      %add3A_403 = arith.constant 3 : i32
      %add3A_404 = arith.addi %mul3A_296, %add3A_403 : i32
      %get3A_405 = arith.index_cast %add3A_404 : i32 to index
      %get3A_406 = arith.constant 48 : index
      %get3A_407 = tpu.vector_load %arg12[%get3A_405, %get3A_406] {strides = array<i32>} : memref<256x128xf32, #tpu.memory_space<vmem>>, vector<1x16xf32>,
      %get3A_408 = vector.shape_cast %get3A_407 : vector<1x16xf32> to vector<16xf32>
      %add3A_409 = arith.addf %add3A_402, %get3A_408 : vector<16xf32>
      %swap3A_410 = arith.index_cast %scan3A_294 : i32 to index
      %swap3A_411 = arith.constant 48 : index
      %swap3A_412 = tpu.vector_load %arg14[%swap3A_410, %swap3A_411] {strides = array<i32>} : memref<64x128xf32, #tpu.memory_space<vmem>>, vector<1x16xf32>,
      %swap3A_413 = vector.shape_cast %swap3A_412 : vector<1x16xf32> to vector<16xf32>
      %swap3A_414 = vector.shape_cast %add3A_409 : vector<16xf32> to vector<1x16xf32>
      tpu.vector_store %arg14[%swap3A_410, %swap3A_411], %swap3A_414 {strides = array<i32>} : memref<64x128xf32, #tpu.memory_space<vmem>>, vector<1x16xf32>,
      %get3A_415 = arith.index_cast %mul3A_296 : i32 to index
      %get3A_416 = arith.constant 64 : index
      %get3A_417 = tpu.vector_load %arg12[%get3A_415, %get3A_416] {strides = array<i32>} : memref<256x128xf32, #tpu.memory_space<vmem>>, vector<1x16xf32>,
      %get3A_418 = vector.shape_cast %get3A_417 : vector<1x16xf32> to vector<16xf32>
      %add3A_419 = arith.constant 1 : i32
      %add3A_420 = arith.addi %mul3A_296, %add3A_419 : i32
      %get3A_421 = arith.index_cast %add3A_420 : i32 to index
      %get3A_422 = arith.constant 64 : index
      %get3A_423 = tpu.vector_load %arg12[%get3A_421, %get3A_422] {strides = array<i32>} : memref<256x128xf32, #tpu.memory_space<vmem>>, vector<1x16xf32>,
      %get3A_424 = vector.shape_cast %get3A_423 : vector<1x16xf32> to vector<16xf32>
      %add3A_425 = arith.addf %get3A_418, %get3A_424 : vector<16xf32>
      %add3A_426 = arith.constant 2 : i32
      %add3A_427 = arith.addi %mul3A_296, %add3A_426 : i32
      %get3A_428 = arith.index_cast %add3A_427 : i32 to index
      %get3A_429 = arith.constant 64 : index
      %get3A_430 = tpu.vector_load %arg12[%get3A_428, %get3A_429] {strides = array<i32>} : memref<256x128xf32, #tpu.memory_space<vmem>>, vector<1x16xf32>,
      %get3A_431 = vector.shape_cast %get3A_430 : vector<1x16xf32> to vector<16xf32>
      %add3A_432 = arith.addf %add3A_425, %get3A_431 : vector<16xf32>
      %add3A_433 = arith.constant 3 : i32
      %add3A_434 = arith.addi %mul3A_296, %add3A_433 : i32
      %get3A_435 = arith.index_cast %add3A_434 : i32 to index
      %get3A_436 = arith.constant 64 : index
      %get3A_437 = tpu.vector_load %arg12[%get3A_435, %get3A_436] {strides = array<i32>} : memref<256x128xf32, #tpu.memory_space<vmem>>, vector<1x16xf32>,
      %get3A_438 = vector.shape_cast %get3A_437 : vector<1x16xf32> to vector<16xf32>
      %add3A_439 = arith.addf %add3A_432, %get3A_438 : vector<16xf32>
      %swap3A_440 = arith.index_cast %scan3A_294 : i32 to index
      %swap3A_441 = arith.constant 64 : index
      %swap3A_442 = tpu.vector_load %arg14[%swap3A_440, %swap3A_441] {strides = array<i32>} : memref<64x128xf32, #tpu.memory_space<vmem>>, vector<1x16xf32>,
      %swap3A_443 = vector.shape_cast %swap3A_442 : vector<1x16xf32> to vector<16xf32>
      %swap3A_444 = vector.shape_cast %add3A_439 : vector<16xf32> to vector<1x16xf32>
      tpu.vector_store %arg14[%swap3A_440, %swap3A_441], %swap3A_444 {strides = array<i32>} : memref<64x128xf32, #tpu.memory_space<vmem>>, vector<1x16xf32>,
      %get3A_445 = arith.index_cast %mul3A_296 : i32 to index
      %get3A_446 = arith.constant 80 : index
      %get3A_447 = tpu.vector_load %arg12[%get3A_445, %get3A_446] {strides = array<i32>} : memref<256x128xf32, #tpu.memory_space<vmem>>, vector<1x16xf32>,
      %get3A_448 = vector.shape_cast %get3A_447 : vector<1x16xf32> to vector<16xf32>
      %add3A_449 = arith.constant 1 : i32
      %add3A_450 = arith.addi %mul3A_296, %add3A_449 : i32
      %get3A_451 = arith.index_cast %add3A_450 : i32 to index
      %get3A_452 = arith.constant 80 : index
      %get3A_453 = tpu.vector_load %arg12[%get3A_451, %get3A_452] {strides = array<i32>} : memref<256x128xf32, #tpu.memory_space<vmem>>, vector<1x16xf32>,
      %get3A_454 = vector.shape_cast %get3A_453 : vector<1x16xf32> to vector<16xf32>
      %add3A_455 = arith.addf %get3A_448, %get3A_454 : vector<16xf32>
      %add3A_456 = arith.constant 2 : i32
      %add3A_457 = arith.addi %mul3A_296, %add3A_456 : i32
      %get3A_458 = arith.index_cast %add3A_457 : i32 to index
      %get3A_459 = arith.constant 80 : index
      %get3A_460 = tpu.vector_load %arg12[%get3A_458, %get3A_459] {strides = array<i32>} : memref<256x128xf32, #tpu.memory_space<vmem>>, vector<1x16xf32>,
      %get3A_461 = vector.shape_cast %get3A_460 : vector<1x16xf32> to vector<16xf32>
      %add3A_462 = arith.addf %add3A_455, %get3A_461 : vector<16xf32>
      %add3A_463 = arith.constant 3 : i32
      %add3A_464 = arith.addi %mul3A_296, %add3A_463 : i32
      %get3A_465 = arith.index_cast %add3A_464 : i32 to index
      %get3A_466 = arith.constant 80 : index
      %get3A_467 = tpu.vector_load %arg12[%get3A_465, %get3A_466] {strides = array<i32>} : memref<256x128xf32, #tpu.memory_space<vmem>>, vector<1x16xf32>,
      %get3A_468 = vector.shape_cast %get3A_467 : vector<1x16xf32> to vector<16xf32>
      %add3A_469 = arith.addf %add3A_462, %get3A_468 : vector<16xf32>
      %swap3A_470 = arith.index_cast %scan3A_294 : i32 to index
      %swap3A_471 = arith.constant 80 : index
      %swap3A_472 = tpu.vector_load %arg14[%swap3A_470, %swap3A_471] {strides = array<i32>} : memref<64x128xf32, #tpu.memory_space<vmem>>, vector<1x16xf32>,
      %swap3A_473 = vector.shape_cast %swap3A_472 : vector<1x16xf32> to vector<16xf32>
      %swap3A_474 = vector.shape_cast %add3A_469 : vector<16xf32> to vector<1x16xf32>
      tpu.vector_store %arg14[%swap3A_470, %swap3A_471], %swap3A_474 {strides = array<i32>} : memref<64x128xf32, #tpu.memory_space<vmem>>, vector<1x16xf32>,
      %get3A_475 = arith.index_cast %mul3A_296 : i32 to index
      %get3A_476 = arith.constant 96 : index
      %get3A_477 = tpu.vector_load %arg12[%get3A_475, %get3A_476] {strides = array<i32>} : memref<256x128xf32, #tpu.memory_space<vmem>>, vector<1x16xf32>,
      %get3A_478 = vector.shape_cast %get3A_477 : vector<1x16xf32> to vector<16xf32>
      %add3A_479 = arith.constant 1 : i32
      %add3A_480 = arith.addi %mul3A_296, %add3A_479 : i32
      %get3A_481 = arith.index_cast %add3A_480 : i32 to index
      %get3A_482 = arith.constant 96 : index
      %get3A_483 = tpu.vector_load %arg12[%get3A_481, %get3A_482] {strides = array<i32>} : memref<256x128xf32, #tpu.memory_space<vmem>>, vector<1x16xf32>,
      %get3A_484 = vector.shape_cast %get3A_483 : vector<1x16xf32> to vector<16xf32>
      %add3A_485 = arith.addf %get3A_478, %get3A_484 : vector<16xf32>
      %add3A_486 = arith.constant 2 : i32
      %add3A_487 = arith.addi %mul3A_296, %add3A_486 : i32
      %get3A_488 = arith.index_cast %add3A_487 : i32 to index
      %get3A_489 = arith.constant 96 : index
      %get3A_490 = tpu.vector_load %arg12[%get3A_488, %get3A_489] {strides = array<i32>} : memref<256x128xf32, #tpu.memory_space<vmem>>, vector<1x16xf32>,
      %get3A_491 = vector.shape_cast %get3A_490 : vector<1x16xf32> to vector<16xf32>
      %add3A_492 = arith.addf %add3A_485, %get3A_491 : vector<16xf32>
      %add3A_493 = arith.constant 3 : i32
      %add3A_494 = arith.addi %mul3A_296, %add3A_493 : i32
      %get3A_495 = arith.index_cast %add3A_494 : i32 to index
      %get3A_496 = arith.constant 96 : index
      %get3A_497 = tpu.vector_load %arg12[%get3A_495, %get3A_496] {strides = array<i32>} : memref<256x128xf32, #tpu.memory_space<vmem>>, vector<1x16xf32>,
      %get3A_498 = vector.shape_cast %get3A_497 : vector<1x16xf32> to vector<16xf32>
      %add3A_499 = arith.addf %add3A_492, %get3A_498 : vector<16xf32>
      %swap3A_500 = arith.index_cast %scan3A_294 : i32 to index
      %swap3A_501 = arith.constant 96 : index
      %swap3A_502 = tpu.vector_load %arg14[%swap3A_500, %swap3A_501] {strides = array<i32>} : memref<64x128xf32, #tpu.memory_space<vmem>>, vector<1x16xf32>,
      %swap3A_503 = vector.shape_cast %swap3A_502 : vector<1x16xf32> to vector<16xf32>
      %swap3A_504 = vector.shape_cast %add3A_499 : vector<16xf32> to vector<1x16xf32>
      tpu.vector_store %arg14[%swap3A_500, %swap3A_501], %swap3A_504 {strides = array<i32>} : memref<64x128xf32, #tpu.memory_space<vmem>>, vector<1x16xf32>,
      %get3A_505 = arith.index_cast %mul3A_296 : i32 to index
      %get3A_506 = arith.constant 112 : index
      %get3A_507 = tpu.vector_load %arg12[%get3A_505, %get3A_506] {strides = array<i32>} : memref<256x128xf32, #tpu.memory_space<vmem>>, vector<1x16xf32>,
      %get3A_508 = vector.shape_cast %get3A_507 : vector<1x16xf32> to vector<16xf32>
      %add3A_509 = arith.constant 1 : i32
      %add3A_510 = arith.addi %mul3A_296, %add3A_509 : i32
      %get3A_511 = arith.index_cast %add3A_510 : i32 to index
      %get3A_512 = arith.constant 112 : index
      %get3A_513 = tpu.vector_load %arg12[%get3A_511, %get3A_512] {strides = array<i32>} : memref<256x128xf32, #tpu.memory_space<vmem>>, vector<1x16xf32>,
      %get3A_514 = vector.shape_cast %get3A_513 : vector<1x16xf32> to vector<16xf32>
      %add3A_515 = arith.addf %get3A_508, %get3A_514 : vector<16xf32>
      %add3A_516 = arith.constant 2 : i32
      %add3A_517 = arith.addi %mul3A_296, %add3A_516 : i32
      %get3A_518 = arith.index_cast %add3A_517 : i32 to index
      %get3A_519 = arith.constant 112 : index
      %get3A_520 = tpu.vector_load %arg12[%get3A_518, %get3A_519] {strides = array<i32>} : memref<256x128xf32, #tpu.memory_space<vmem>>, vector<1x16xf32>,
      %get3A_521 = vector.shape_cast %get3A_520 : vector<1x16xf32> to vector<16xf32>
      %add3A_522 = arith.addf %add3A_515, %get3A_521 : vector<16xf32>
      %add3A_523 = arith.constant 3 : i32
      %add3A_524 = arith.addi %mul3A_296, %add3A_523 : i32
      %get3A_525 = arith.index_cast %add3A_524 : i32 to index
      %get3A_526 = arith.constant 112 : index
      %get3A_527 = tpu.vector_load %arg12[%get3A_525, %get3A_526] {strides = array<i32>} : memref<256x128xf32, #tpu.memory_space<vmem>>, vector<1x16xf32>,
      %get3A_528 = vector.shape_cast %get3A_527 : vector<1x16xf32> to vector<16xf32>
      %add3A_529 = arith.addf %add3A_522, %get3A_528 : vector<16xf32>
      %swap3A_530 = arith.index_cast %scan3A_294 : i32 to index
      %swap3A_531 = arith.constant 112 : index
      %swap3A_532 = tpu.vector_load %arg14[%swap3A_530, %swap3A_531] {strides = array<i32>} : memref<64x128xf32, #tpu.memory_space<vmem>>, vector<1x16xf32>,
      %swap3A_533 = vector.shape_cast %swap3A_532 : vector<1x16xf32> to vector<16xf32>
      %swap3A_534 = vector.shape_cast %add3A_529 : vector<16xf32> to vector<1x16xf32>
      tpu.vector_store %arg14[%swap3A_530, %swap3A_531], %swap3A_534 {strides = array<i32>} : memref<64x128xf32, #tpu.memory_space<vmem>>, vector<1x16xf32>,
    }
    %scan3A_119 = arith.constant 64 : i32
    %add3A_120 = arith.constant 128 : i32
    %add3A_121 = arith.addi %mul3A_2, %add3A_120 : i32
    %dma_start3A_122 = arith.constant 0 : i32
    %dma_start3A_123 = tpu.memref_slice %arg7[%add3A_121, %dma_start3A_122] : memref<16384x128xf32, #tpu.memory_space<hbm>> -> memref<64x128xf32, #tpu.memory_space<hbm>>
    %dma_start3A_124 = arith.constant 0 : i32
    %dma_start3A_125 = tpu.memref_slice %arg7[%add3A_121, %dma_start3A_124] : memref<16384x128xf32, #tpu.memory_space<hbm>> -> memref<64x128xf32, #tpu.memory_space<hbm>>
    tpu.enqueue_dma source(%arg14 : memref<64x128xf32, #tpu.memory_space<vmem>>) target(%dma_start3A_125 : memref<64x128xf32, #tpu.memory_space<hbm>>) target_semaphore(%arg22 : memref<!tpu.dma_semaphore, #tpu.memory_space<semaphore_mem>>)
    %dma_start3A_126 = arith.constant 256 : i32
    %dma_start3A_127 = tpu.memref_slice %arg9[%dma_start3A_126] : memref<512xi32, #tpu.memory_space<vmem>> -> memref<256xi32, #tpu.memory_space<vmem>>
    %dma_start3A_128 = arith.constant 0 : i32
    %dma_start3A_129 = arith.constant 0 : i32
    %dma_start3A_130 = tpu.memref_slice %arg3[%dma_start3A_128, %dma_start3A_129] : memref<100000x128xf32, #tpu.memory_space<hbm>> -> memref<100000x128xf32, #tpu.memory_space<hbm>>
    tpu.enqueue_indirect_dma source(%dma_start3A_130 : memref<100000x128xf32, #tpu.memory_space<hbm>>) target(%arg12 : memref<256x128xf32, #tpu.memory_space<vmem>>) offsets(%dma_start3A_127 : memref<256xi32, #tpu.memory_space<vmem>>) semaphore(%arg17 : memref<!tpu.dma_semaphore, #tpu.memory_space<semaphore_mem>>)
    %dma_wait3A_131 = arith.constant 0 : i32
    %dma_wait3A_132 = tpu.memref_slice %arg9[%dma_wait3A_131] : memref<512xi32, #tpu.memory_space<vmem>> -> memref<256xi32, #tpu.memory_space<vmem>>
    %dma_wait3A_133 = arith.constant 0 : i32
    %dma_wait3A_134 = arith.constant 0 : i32
    %dma_wait3A_135 = tpu.memref_slice %arg3[%dma_wait3A_133, %dma_wait3A_134] : memref<100000x128xf32, #tpu.memory_space<hbm>> -> memref<100000x128xf32, #tpu.memory_space<hbm>>
    tpu.wait_indirect_dma semaphore(%arg18 : memref<!tpu.dma_semaphore, #tpu.memory_space<semaphore_mem>>) src(%dma_wait3A_135 : memref<100000x128xf32, #tpu.memory_space<hbm>>) dst(%arg13 : memref<256x128xf32, #tpu.memory_space<vmem>>)
    %add3A_136 = arith.constant 0 : i32
    %add3A_137 = arith.addi %mul3A_2, %add3A_136 : i32
    %dma_start3A_138 = arith.constant 0 : i32
    %dma_start3A_139 = tpu.memref_slice %arg6[%add3A_137, %dma_start3A_138] : memref<16384x128xf32, #tpu.memory_space<hbm>> -> memref<256x128xf32, #tpu.memory_space<hbm>>
    %dma_start3A_140 = arith.constant 0 : i32
    %dma_start3A_141 = tpu.memref_slice %arg6[%add3A_137, %dma_start3A_140] : memref<16384x128xf32, #tpu.memory_space<hbm>> -> memref<256x128xf32, #tpu.memory_space<hbm>>
    tpu.enqueue_dma source(%arg13 : memref<256x128xf32, #tpu.memory_space<vmem>>) target(%dma_start3A_141 : memref<256x128xf32, #tpu.memory_space<hbm>>) target_semaphore(%arg21 : memref<!tpu.dma_semaphore, #tpu.memory_space<semaphore_mem>>)
    %dma_wait3A_142 = arith.constant 0 : i32
    %dma_wait3A_143 = tpu.memref_slice %arg6[%add3A_137, %dma_wait3A_142] : memref<16384x128xf32, #tpu.memory_space<hbm>> -> memref<256x128xf32, #tpu.memory_space<hbm>>
    %dma_wait3A_144 = arith.constant 0 : i32
    %dma_wait3A_145 = tpu.memref_slice %arg6[%add3A_137, %dma_wait3A_144] : memref<16384x128xf32, #tpu.memory_space<hbm>> -> memref<256x128xf32, #tpu.memory_space<hbm>>
    tpu.wait_dma2 semaphore(%arg21 : memref<!tpu.dma_semaphore, #tpu.memory_space<semaphore_mem>>) src(%arg13 : memref<256x128xf32, #tpu.memory_space<vmem>>) dst(%dma_wait3A_145 : memref<256x128xf32, #tpu.memory_space<hbm>>)
    %dma_start3A_146 = arith.constant 1024 : i32
    %dma_start3A_147 = tpu.memref_slice %arg10[%dma_start3A_146] : memref<2048xi32, #tpu.memory_space<vmem>> -> memref<256xi32, #tpu.memory_space<vmem>>
    %dma_start3A_148 = arith.constant 0 : i32
    %dma_start3A_149 = arith.constant 0 : i32
    %dma_start3A_150 = tpu.memref_slice %arg3[%dma_start3A_148, %dma_start3A_149] : memref<100000x128xf32, #tpu.memory_space<hbm>> -> memref<100000x128xf32, #tpu.memory_space<hbm>>
    tpu.enqueue_indirect_dma source(%dma_start3A_150 : memref<100000x128xf32, #tpu.memory_space<hbm>>) target(%arg13 : memref<256x128xf32, #tpu.memory_space<vmem>>) offsets(%dma_start3A_147 : memref<256xi32, #tpu.memory_space<vmem>>) semaphore(%arg18 : memref<!tpu.dma_semaphore, #tpu.memory_space<semaphore_mem>>)
    %dma_wait3A_151 = arith.constant 768 : i32
    %dma_wait3A_152 = tpu.memref_slice %arg10[%dma_wait3A_151] : memref<2048xi32, #tpu.memory_space<vmem>> -> memref<256xi32, #tpu.memory_space<vmem>>
    %dma_wait3A_153 = arith.constant 0 : i32
    %dma_wait3A_154 = arith.constant 0 : i32
    %dma_wait3A_155 = tpu.memref_slice %arg3[%dma_wait3A_153, %dma_wait3A_154] : memref<100000x128xf32, #tpu.memory_space<hbm>> -> memref<100000x128xf32, #tpu.memory_space<hbm>>
    tpu.wait_indirect_dma semaphore(%arg16 : memref<!tpu.dma_semaphore, #tpu.memory_space<semaphore_mem>>) src(%dma_wait3A_155 : memref<100000x128xf32, #tpu.memory_space<hbm>>) dst(%arg11 : memref<256x128xf32, #tpu.memory_space<vmem>>)
    %dma_wait3A_156 = arith.constant 0 : i32
    %dma_wait3A_157 = tpu.memref_slice %arg7[%add3A_75, %dma_wait3A_156] : memref<16384x128xf32, #tpu.memory_space<hbm>> -> memref<64x128xf32, #tpu.memory_space<hbm>>
    %dma_wait3A_158 = arith.constant 0 : i32
    %dma_wait3A_159 = tpu.memref_slice %arg7[%add3A_75, %dma_wait3A_158] : memref<16384x128xf32, #tpu.memory_space<hbm>> -> memref<64x128xf32, #tpu.memory_space<hbm>>
    tpu.wait_dma2 semaphore(%arg22 : memref<!tpu.dma_semaphore, #tpu.memory_space<semaphore_mem>>) src(%arg15 : memref<64x128xf32, #tpu.memory_space<vmem>>) dst(%dma_wait3A_159 : memref<64x128xf32, #tpu.memory_space<hbm>>)
    %scan3A_160 = arith.constant 0 : i32
    %scan3A_161 = arith.constant 0 : i32
    %scan3A_162 = arith.constant 64 : i32
    %scan3A_163 = arith.addi %scan3A_161, %scan3A_162 : i32
    %scan3A_164 = arith.constant 1 : i32
    scf.for %scan3A_294 = %scan3A_161 to %scan3A_163 step %scan3A_164  : i32 {
      %mul3A_295 = arith.constant 4 : i32
      %mul3A_296 = arith.muli %mul3A_295, %scan3A_294 : i32
      %get3A = arith.index_cast %mul3A_296 : i32 to index
      %get3A_297 = arith.constant 0 : index
      %get3A_298 = tpu.vector_load %arg11[%get3A, %get3A_297] {strides = array<i32>} : memref<256x128xf32, #tpu.memory_space<vmem>>, vector<1x16xf32>,
      %get3A_299 = vector.shape_cast %get3A_298 : vector<1x16xf32> to vector<16xf32>
      %add3A_300 = arith.constant 1 : i32
      %add3A_301 = arith.addi %mul3A_296, %add3A_300 : i32
      %get3A_302 = arith.index_cast %add3A_301 : i32 to index
      %get3A_303 = arith.constant 0 : index
      %get3A_304 = tpu.vector_load %arg11[%get3A_302, %get3A_303] {strides = array<i32>} : memref<256x128xf32, #tpu.memory_space<vmem>>, vector<1x16xf32>,
      %get3A_305 = vector.shape_cast %get3A_304 : vector<1x16xf32> to vector<16xf32>
      %add3A_306 = arith.addf %get3A_299, %get3A_305 : vector<16xf32>
      %add3A_307 = arith.constant 2 : i32
      %add3A_308 = arith.addi %mul3A_296, %add3A_307 : i32
      %get3A_309 = arith.index_cast %add3A_308 : i32 to index
      %get3A_310 = arith.constant 0 : index
      %get3A_311 = tpu.vector_load %arg11[%get3A_309, %get3A_310] {strides = array<i32>} : memref<256x128xf32, #tpu.memory_space<vmem>>, vector<1x16xf32>,
      %get3A_312 = vector.shape_cast %get3A_311 : vector<1x16xf32> to vector<16xf32>
      %add3A_313 = arith.addf %add3A_306, %get3A_312 : vector<16xf32>
      %add3A_314 = arith.constant 3 : i32
      %add3A_315 = arith.addi %mul3A_296, %add3A_314 : i32
      %get3A_316 = arith.index_cast %add3A_315 : i32 to index
      %get3A_317 = arith.constant 0 : index
      %get3A_318 = tpu.vector_load %arg11[%get3A_316, %get3A_317] {strides = array<i32>} : memref<256x128xf32, #tpu.memory_space<vmem>>, vector<1x16xf32>,
      %get3A_319 = vector.shape_cast %get3A_318 : vector<1x16xf32> to vector<16xf32>
      %add3A_320 = arith.addf %add3A_313, %get3A_319 : vector<16xf32>
      %swap3A = arith.index_cast %scan3A_294 : i32 to index
      %swap3A_321 = arith.constant 0 : index
      %swap3A_322 = tpu.vector_load %arg15[%swap3A, %swap3A_321] {strides = array<i32>} : memref<64x128xf32, #tpu.memory_space<vmem>>, vector<1x16xf32>,
      %swap3A_323 = vector.shape_cast %swap3A_322 : vector<1x16xf32> to vector<16xf32>
      %swap3A_324 = vector.shape_cast %add3A_320 : vector<16xf32> to vector<1x16xf32>
      tpu.vector_store %arg15[%swap3A, %swap3A_321], %swap3A_324 {strides = array<i32>} : memref<64x128xf32, #tpu.memory_space<vmem>>, vector<1x16xf32>,
      %get3A_325 = arith.index_cast %mul3A_296 : i32 to index
      %get3A_326 = arith.constant 16 : index
      %get3A_327 = tpu.vector_load %arg11[%get3A_325, %get3A_326] {strides = array<i32>} : memref<256x128xf32, #tpu.memory_space<vmem>>, vector<1x16xf32>,
      %get3A_328 = vector.shape_cast %get3A_327 : vector<1x16xf32> to vector<16xf32>
      %add3A_329 = arith.constant 1 : i32
      %add3A_330 = arith.addi %mul3A_296, %add3A_329 : i32
      %get3A_331 = arith.index_cast %add3A_330 : i32 to index
      %get3A_332 = arith.constant 16 : index
      %get3A_333 = tpu.vector_load %arg11[%get3A_331, %get3A_332] {strides = array<i32>} : memref<256x128xf32, #tpu.memory_space<vmem>>, vector<1x16xf32>,
      %get3A_334 = vector.shape_cast %get3A_333 : vector<1x16xf32> to vector<16xf32>
      %add3A_335 = arith.addf %get3A_328, %get3A_334 : vector<16xf32>
      %add3A_336 = arith.constant 2 : i32
      %add3A_337 = arith.addi %mul3A_296, %add3A_336 : i32
      %get3A_338 = arith.index_cast %add3A_337 : i32 to index
      %get3A_339 = arith.constant 16 : index
      %get3A_340 = tpu.vector_load %arg11[%get3A_338, %get3A_339] {strides = array<i32>} : memref<256x128xf32, #tpu.memory_space<vmem>>, vector<1x16xf32>,
      %get3A_341 = vector.shape_cast %get3A_340 : vector<1x16xf32> to vector<16xf32>
      %add3A_342 = arith.addf %add3A_335, %get3A_341 : vector<16xf32>
      %add3A_343 = arith.constant 3 : i32
      %add3A_344 = arith.addi %mul3A_296, %add3A_343 : i32
      %get3A_345 = arith.index_cast %add3A_344 : i32 to index
      %get3A_346 = arith.constant 16 : index
      %get3A_347 = tpu.vector_load %arg11[%get3A_345, %get3A_346] {strides = array<i32>} : memref<256x128xf32, #tpu.memory_space<vmem>>, vector<1x16xf32>,
      %get3A_348 = vector.shape_cast %get3A_347 : vector<1x16xf32> to vector<16xf32>
      %add3A_349 = arith.addf %add3A_342, %get3A_348 : vector<16xf32>
      %swap3A_350 = arith.index_cast %scan3A_294 : i32 to index
      %swap3A_351 = arith.constant 16 : index
      %swap3A_352 = tpu.vector_load %arg15[%swap3A_350, %swap3A_351] {strides = array<i32>} : memref<64x128xf32, #tpu.memory_space<vmem>>, vector<1x16xf32>,
      %swap3A_353 = vector.shape_cast %swap3A_352 : vector<1x16xf32> to vector<16xf32>
      %swap3A_354 = vector.shape_cast %add3A_349 : vector<16xf32> to vector<1x16xf32>
      tpu.vector_store %arg15[%swap3A_350, %swap3A_351], %swap3A_354 {strides = array<i32>} : memref<64x128xf32, #tpu.memory_space<vmem>>, vector<1x16xf32>,
      %get3A_355 = arith.index_cast %mul3A_296 : i32 to index
      %get3A_356 = arith.constant 32 : index
      %get3A_357 = tpu.vector_load %arg11[%get3A_355, %get3A_356] {strides = array<i32>} : memref<256x128xf32, #tpu.memory_space<vmem>>, vector<1x16xf32>,
      %get3A_358 = vector.shape_cast %get3A_357 : vector<1x16xf32> to vector<16xf32>
      %add3A_359 = arith.constant 1 : i32
      %add3A_360 = arith.addi %mul3A_296, %add3A_359 : i32
      %get3A_361 = arith.index_cast %add3A_360 : i32 to index
      %get3A_362 = arith.constant 32 : index
      %get3A_363 = tpu.vector_load %arg11[%get3A_361, %get3A_362] {strides = array<i32>} : memref<256x128xf32, #tpu.memory_space<vmem>>, vector<1x16xf32>,
      %get3A_364 = vector.shape_cast %get3A_363 : vector<1x16xf32> to vector<16xf32>
      %add3A_365 = arith.addf %get3A_358, %get3A_364 : vector<16xf32>
      %add3A_366 = arith.constant 2 : i32
      %add3A_367 = arith.addi %mul3A_296, %add3A_366 : i32
      %get3A_368 = arith.index_cast %add3A_367 : i32 to index
      %get3A_369 = arith.constant 32 : index
      %get3A_370 = tpu.vector_load %arg11[%get3A_368, %get3A_369] {strides = array<i32>} : memref<256x128xf32, #tpu.memory_space<vmem>>, vector<1x16xf32>,
      %get3A_371 = vector.shape_cast %get3A_370 : vector<1x16xf32> to vector<16xf32>
      %add3A_372 = arith.addf %add3A_365, %get3A_371 : vector<16xf32>
      %add3A_373 = arith.constant 3 : i32
      %add3A_374 = arith.addi %mul3A_296, %add3A_373 : i32
      %get3A_375 = arith.index_cast %add3A_374 : i32 to index
      %get3A_376 = arith.constant 32 : index
      %get3A_377 = tpu.vector_load %arg11[%get3A_375, %get3A_376] {strides = array<i32>} : memref<256x128xf32, #tpu.memory_space<vmem>>, vector<1x16xf32>,
      %get3A_378 = vector.shape_cast %get3A_377 : vector<1x16xf32> to vector<16xf32>
      %add3A_379 = arith.addf %add3A_372, %get3A_378 : vector<16xf32>
      %swap3A_380 = arith.index_cast %scan3A_294 : i32 to index
      %swap3A_381 = arith.constant 32 : index
      %swap3A_382 = tpu.vector_load %arg15[%swap3A_380, %swap3A_381] {strides = array<i32>} : memref<64x128xf32, #tpu.memory_space<vmem>>, vector<1x16xf32>,
      %swap3A_383 = vector.shape_cast %swap3A_382 : vector<1x16xf32> to vector<16xf32>
      %swap3A_384 = vector.shape_cast %add3A_379 : vector<16xf32> to vector<1x16xf32>
      tpu.vector_store %arg15[%swap3A_380, %swap3A_381], %swap3A_384 {strides = array<i32>} : memref<64x128xf32, #tpu.memory_space<vmem>>, vector<1x16xf32>,
      %get3A_385 = arith.index_cast %mul3A_296 : i32 to index
      %get3A_386 = arith.constant 48 : index
      %get3A_387 = tpu.vector_load %arg11[%get3A_385, %get3A_386] {strides = array<i32>} : memref<256x128xf32, #tpu.memory_space<vmem>>, vector<1x16xf32>,
      %get3A_388 = vector.shape_cast %get3A_387 : vector<1x16xf32> to vector<16xf32>
      %add3A_389 = arith.constant 1 : i32
      %add3A_390 = arith.addi %mul3A_296, %add3A_389 : i32
      %get3A_391 = arith.index_cast %add3A_390 : i32 to index
      %get3A_392 = arith.constant 48 : index
      %get3A_393 = tpu.vector_load %arg11[%get3A_391, %get3A_392] {strides = array<i32>} : memref<256x128xf32, #tpu.memory_space<vmem>>, vector<1x16xf32>,
      %get3A_394 = vector.shape_cast %get3A_393 : vector<1x16xf32> to vector<16xf32>
      %add3A_395 = arith.addf %get3A_388, %get3A_394 : vector<16xf32>
      %add3A_396 = arith.constant 2 : i32
      %add3A_397 = arith.addi %mul3A_296, %add3A_396 : i32
      %get3A_398 = arith.index_cast %add3A_397 : i32 to index
      %get3A_399 = arith.constant 48 : index
      %get3A_400 = tpu.vector_load %arg11[%get3A_398, %get3A_399] {strides = array<i32>} : memref<256x128xf32, #tpu.memory_space<vmem>>, vector<1x16xf32>,
      %get3A_401 = vector.shape_cast %get3A_400 : vector<1x16xf32> to vector<16xf32>
      %add3A_402 = arith.addf %add3A_395, %get3A_401 : vector<16xf32>
      %add3A_403 = arith.constant 3 : i32
      %add3A_404 = arith.addi %mul3A_296, %add3A_403 : i32
      %get3A_405 = arith.index_cast %add3A_404 : i32 to index
      %get3A_406 = arith.constant 48 : index
      %get3A_407 = tpu.vector_load %arg11[%get3A_405, %get3A_406] {strides = array<i32>} : memref<256x128xf32, #tpu.memory_space<vmem>>, vector<1x16xf32>,
      %get3A_408 = vector.shape_cast %get3A_407 : vector<1x16xf32> to vector<16xf32>
      %add3A_409 = arith.addf %add3A_402, %get3A_408 : vector<16xf32>
      %swap3A_410 = arith.index_cast %scan3A_294 : i32 to index
      %swap3A_411 = arith.constant 48 : index
      %swap3A_412 = tpu.vector_load %arg15[%swap3A_410, %swap3A_411] {strides = array<i32>} : memref<64x128xf32, #tpu.memory_space<vmem>>, vector<1x16xf32>,
      %swap3A_413 = vector.shape_cast %swap3A_412 : vector<1x16xf32> to vector<16xf32>
      %swap3A_414 = vector.shape_cast %add3A_409 : vector<16xf32> to vector<1x16xf32>
      tpu.vector_store %arg15[%swap3A_410, %swap3A_411], %swap3A_414 {strides = array<i32>} : memref<64x128xf32, #tpu.memory_space<vmem>>, vector<1x16xf32>,
      %get3A_415 = arith.index_cast %mul3A_296 : i32 to index
      %get3A_416 = arith.constant 64 : index
      %get3A_417 = tpu.vector_load %arg11[%get3A_415, %get3A_416] {strides = array<i32>} : memref<256x128xf32, #tpu.memory_space<vmem>>, vector<1x16xf32>,
      %get3A_418 = vector.shape_cast %get3A_417 : vector<1x16xf32> to vector<16xf32>
      %add3A_419 = arith.constant 1 : i32
      %add3A_420 = arith.addi %mul3A_296, %add3A_419 : i32
      %get3A_421 = arith.index_cast %add3A_420 : i32 to index
      %get3A_422 = arith.constant 64 : index
      %get3A_423 = tpu.vector_load %arg11[%get3A_421, %get3A_422] {strides = array<i32>} : memref<256x128xf32, #tpu.memory_space<vmem>>, vector<1x16xf32>,
      %get3A_424 = vector.shape_cast %get3A_423 : vector<1x16xf32> to vector<16xf32>
      %add3A_425 = arith.addf %get3A_418, %get3A_424 : vector<16xf32>
      %add3A_426 = arith.constant 2 : i32
      %add3A_427 = arith.addi %mul3A_296, %add3A_426 : i32
      %get3A_428 = arith.index_cast %add3A_427 : i32 to index
      %get3A_429 = arith.constant 64 : index
      %get3A_430 = tpu.vector_load %arg11[%get3A_428, %get3A_429] {strides = array<i32>} : memref<256x128xf32, #tpu.memory_space<vmem>>, vector<1x16xf32>,
      %get3A_431 = vector.shape_cast %get3A_430 : vector<1x16xf32> to vector<16xf32>
      %add3A_432 = arith.addf %add3A_425, %get3A_431 : vector<16xf32>
      %add3A_433 = arith.constant 3 : i32
      %add3A_434 = arith.addi %mul3A_296, %add3A_433 : i32
      %get3A_435 = arith.index_cast %add3A_434 : i32 to index
      %get3A_436 = arith.constant 64 : index
      %get3A_437 = tpu.vector_load %arg11[%get3A_435, %get3A_436] {strides = array<i32>} : memref<256x128xf32, #tpu.memory_space<vmem>>, vector<1x16xf32>,
      %get3A_438 = vector.shape_cast %get3A_437 : vector<1x16xf32> to vector<16xf32>
      %add3A_439 = arith.addf %add3A_432, %get3A_438 : vector<16xf32>
      %swap3A_440 = arith.index_cast %scan3A_294 : i32 to index
      %swap3A_441 = arith.constant 64 : index
      %swap3A_442 = tpu.vector_load %arg15[%swap3A_440, %swap3A_441] {strides = array<i32>} : memref<64x128xf32, #tpu.memory_space<vmem>>, vector<1x16xf32>,
      %swap3A_443 = vector.shape_cast %swap3A_442 : vector<1x16xf32> to vector<16xf32>
      %swap3A_444 = vector.shape_cast %add3A_439 : vector<16xf32> to vector<1x16xf32>
      tpu.vector_store %arg15[%swap3A_440, %swap3A_441], %swap3A_444 {strides = array<i32>} : memref<64x128xf32, #tpu.memory_space<vmem>>, vector<1x16xf32>,
      %get3A_445 = arith.index_cast %mul3A_296 : i32 to index
      %get3A_446 = arith.constant 80 : index
      %get3A_447 = tpu.vector_load %arg11[%get3A_445, %get3A_446] {strides = array<i32>} : memref<256x128xf32, #tpu.memory_space<vmem>>, vector<1x16xf32>,
      %get3A_448 = vector.shape_cast %get3A_447 : vector<1x16xf32> to vector<16xf32>
      %add3A_449 = arith.constant 1 : i32
      %add3A_450 = arith.addi %mul3A_296, %add3A_449 : i32
      %get3A_451 = arith.index_cast %add3A_450 : i32 to index
      %get3A_452 = arith.constant 80 : index
      %get3A_453 = tpu.vector_load %arg11[%get3A_451, %get3A_452] {strides = array<i32>} : memref<256x128xf32, #tpu.memory_space<vmem>>, vector<1x16xf32>,
      %get3A_454 = vector.shape_cast %get3A_453 : vector<1x16xf32> to vector<16xf32>
      %add3A_455 = arith.addf %get3A_448, %get3A_454 : vector<16xf32>
      %add3A_456 = arith.constant 2 : i32
      %add3A_457 = arith.addi %mul3A_296, %add3A_456 : i32
      %get3A_458 = arith.index_cast %add3A_457 : i32 to index
      %get3A_459 = arith.constant 80 : index
      %get3A_460 = tpu.vector_load %arg11[%get3A_458, %get3A_459] {strides = array<i32>} : memref<256x128xf32, #tpu.memory_space<vmem>>, vector<1x16xf32>,
      %get3A_461 = vector.shape_cast %get3A_460 : vector<1x16xf32> to vector<16xf32>
      %add3A_462 = arith.addf %add3A_455, %get3A_461 : vector<16xf32>
      %add3A_463 = arith.constant 3 : i32
      %add3A_464 = arith.addi %mul3A_296, %add3A_463 : i32
      %get3A_465 = arith.index_cast %add3A_464 : i32 to index
      %get3A_466 = arith.constant 80 : index
      %get3A_467 = tpu.vector_load %arg11[%get3A_465, %get3A_466] {strides = array<i32>} : memref<256x128xf32, #tpu.memory_space<vmem>>, vector<1x16xf32>,
      %get3A_468 = vector.shape_cast %get3A_467 : vector<1x16xf32> to vector<16xf32>
      %add3A_469 = arith.addf %add3A_462, %get3A_468 : vector<16xf32>
      %swap3A_470 = arith.index_cast %scan3A_294 : i32 to index
      %swap3A_471 = arith.constant 80 : index
      %swap3A_472 = tpu.vector_load %arg15[%swap3A_470, %swap3A_471] {strides = array<i32>} : memref<64x128xf32, #tpu.memory_space<vmem>>, vector<1x16xf32>,
      %swap3A_473 = vector.shape_cast %swap3A_472 : vector<1x16xf32> to vector<16xf32>
      %swap3A_474 = vector.shape_cast %add3A_469 : vector<16xf32> to vector<1x16xf32>
      tpu.vector_store %arg15[%swap3A_470, %swap3A_471], %swap3A_474 {strides = array<i32>} : memref<64x128xf32, #tpu.memory_space<vmem>>, vector<1x16xf32>,
      %get3A_475 = arith.index_cast %mul3A_296 : i32 to index
      %get3A_476 = arith.constant 96 : index
      %get3A_477 = tpu.vector_load %arg11[%get3A_475, %get3A_476] {strides = array<i32>} : memref<256x128xf32, #tpu.memory_space<vmem>>, vector<1x16xf32>,
      %get3A_478 = vector.shape_cast %get3A_477 : vector<1x16xf32> to vector<16xf32>
      %add3A_479 = arith.constant 1 : i32
      %add3A_480 = arith.addi %mul3A_296, %add3A_479 : i32
      %get3A_481 = arith.index_cast %add3A_480 : i32 to index
      %get3A_482 = arith.constant 96 : index
      %get3A_483 = tpu.vector_load %arg11[%get3A_481, %get3A_482] {strides = array<i32>} : memref<256x128xf32, #tpu.memory_space<vmem>>, vector<1x16xf32>,
      %get3A_484 = vector.shape_cast %get3A_483 : vector<1x16xf32> to vector<16xf32>
      %add3A_485 = arith.addf %get3A_478, %get3A_484 : vector<16xf32>
      %add3A_486 = arith.constant 2 : i32
      %add3A_487 = arith.addi %mul3A_296, %add3A_486 : i32
      %get3A_488 = arith.index_cast %add3A_487 : i32 to index
      %get3A_489 = arith.constant 96 : index
      %get3A_490 = tpu.vector_load %arg11[%get3A_488, %get3A_489] {strides = array<i32>} : memref<256x128xf32, #tpu.memory_space<vmem>>, vector<1x16xf32>,
      %get3A_491 = vector.shape_cast %get3A_490 : vector<1x16xf32> to vector<16xf32>
      %add3A_492 = arith.addf %add3A_485, %get3A_491 : vector<16xf32>
      %add3A_493 = arith.constant 3 : i32
      %add3A_494 = arith.addi %mul3A_296, %add3A_493 : i32
      %get3A_495 = arith.index_cast %add3A_494 : i32 to index
      %get3A_496 = arith.constant 96 : index
      %get3A_497 = tpu.vector_load %arg11[%get3A_495, %get3A_496] {strides = array<i32>} : memref<256x128xf32, #tpu.memory_space<vmem>>, vector<1x16xf32>,
      %get3A_498 = vector.shape_cast %get3A_497 : vector<1x16xf32> to vector<16xf32>
      %add3A_499 = arith.addf %add3A_492, %get3A_498 : vector<16xf32>
      %swap3A_500 = arith.index_cast %scan3A_294 : i32 to index
      %swap3A_501 = arith.constant 96 : index
      %swap3A_502 = tpu.vector_load %arg15[%swap3A_500, %swap3A_501] {strides = array<i32>} : memref<64x128xf32, #tpu.memory_space<vmem>>, vector<1x16xf32>,
      %swap3A_503 = vector.shape_cast %swap3A_502 : vector<1x16xf32> to vector<16xf32>
      %swap3A_504 = vector.shape_cast %add3A_499 : vector<16xf32> to vector<1x16xf32>
      tpu.vector_store %arg15[%swap3A_500, %swap3A_501], %swap3A_504 {strides = array<i32>} : memref<64x128xf32, #tpu.memory_space<vmem>>, vector<1x16xf32>,
      %get3A_505 = arith.index_cast %mul3A_296 : i32 to index
      %get3A_506 = arith.constant 112 : index
      %get3A_507 = tpu.vector_load %arg11[%get3A_505, %get3A_506] {strides = array<i32>} : memref<256x128xf32, #tpu.memory_space<vmem>>, vector<1x16xf32>,
      %get3A_508 = vector.shape_cast %get3A_507 : vector<1x16xf32> to vector<16xf32>
      %add3A_509 = arith.constant 1 : i32
      %add3A_510 = arith.addi %mul3A_296, %add3A_509 : i32
      %get3A_511 = arith.index_cast %add3A_510 : i32 to index
      %get3A_512 = arith.constant 112 : index
      %get3A_513 = tpu.vector_load %arg11[%get3A_511, %get3A_512] {strides = array<i32>} : memref<256x128xf32, #tpu.memory_space<vmem>>, vector<1x16xf32>,
      %get3A_514 = vector.shape_cast %get3A_513 : vector<1x16xf32> to vector<16xf32>
      %add3A_515 = arith.addf %get3A_508, %get3A_514 : vector<16xf32>
      %add3A_516 = arith.constant 2 : i32
      %add3A_517 = arith.addi %mul3A_296, %add3A_516 : i32
      %get3A_518 = arith.index_cast %add3A_517 : i32 to index
      %get3A_519 = arith.constant 112 : index
      %get3A_520 = tpu.vector_load %arg11[%get3A_518, %get3A_519] {strides = array<i32>} : memref<256x128xf32, #tpu.memory_space<vmem>>, vector<1x16xf32>,
      %get3A_521 = vector.shape_cast %get3A_520 : vector<1x16xf32> to vector<16xf32>
      %add3A_522 = arith.addf %add3A_515, %get3A_521 : vector<16xf32>
      %add3A_523 = arith.constant 3 : i32
      %add3A_524 = arith.addi %mul3A_296, %add3A_523 : i32
      %get3A_525 = arith.index_cast %add3A_524 : i32 to index
      %get3A_526 = arith.constant 112 : index
      %get3A_527 = tpu.vector_load %arg11[%get3A_525, %get3A_526] {strides = array<i32>} : memref<256x128xf32, #tpu.memory_space<vmem>>, vector<1x16xf32>,
      %get3A_528 = vector.shape_cast %get3A_527 : vector<1x16xf32> to vector<16xf32>
      %add3A_529 = arith.addf %add3A_522, %get3A_528 : vector<16xf32>
      %swap3A_530 = arith.index_cast %scan3A_294 : i32 to index
      %swap3A_531 = arith.constant 112 : index
      %swap3A_532 = tpu.vector_load %arg15[%swap3A_530, %swap3A_531] {strides = array<i32>} : memref<64x128xf32, #tpu.memory_space<vmem>>, vector<1x16xf32>,
      %swap3A_533 = vector.shape_cast %swap3A_532 : vector<1x16xf32> to vector<16xf32>
      %swap3A_534 = vector.shape_cast %add3A_529 : vector<16xf32> to vector<1x16xf32>
      tpu.vector_store %arg15[%swap3A_530, %swap3A_531], %swap3A_534 {strides = array<i32>} : memref<64x128xf32, #tpu.memory_space<vmem>>, vector<1x16xf32>,
    }
    %scan3A_165 = arith.constant 64 : i32
    %add3A_166 = arith.constant 192 : i32
    %add3A_167 = arith.addi %mul3A_2, %add3A_166 : i32
    %dma_start3A_168 = arith.constant 0 : i32
    %dma_start3A_169 = tpu.memref_slice %arg7[%add3A_167, %dma_start3A_168] : memref<16384x128xf32, #tpu.memory_space<hbm>> -> memref<64x128xf32, #tpu.memory_space<hbm>>
    %dma_start3A_170 = arith.constant 0 : i32
    %dma_start3A_171 = tpu.memref_slice %arg7[%add3A_167, %dma_start3A_170] : memref<16384x128xf32, #tpu.memory_space<hbm>> -> memref<64x128xf32, #tpu.memory_space<hbm>>
    tpu.enqueue_dma source(%arg15 : memref<64x128xf32, #tpu.memory_space<vmem>>) target(%dma_start3A_171 : memref<64x128xf32, #tpu.memory_space<hbm>>) target_semaphore(%arg22 : memref<!tpu.dma_semaphore, #tpu.memory_space<semaphore_mem>>)
    %dma_start3A_172 = arith.constant 1280 : i32
    %dma_start3A_173 = tpu.memref_slice %arg10[%dma_start3A_172] : memref<2048xi32, #tpu.memory_space<vmem>> -> memref<256xi32, #tpu.memory_space<vmem>>
    %dma_start3A_174 = arith.constant 0 : i32
    %dma_start3A_175 = arith.constant 0 : i32
    %dma_start3A_176 = tpu.memref_slice %arg3[%dma_start3A_174, %dma_start3A_175] : memref<100000x128xf32, #tpu.memory_space<hbm>> -> memref<100000x128xf32, #tpu.memory_space<hbm>>
    tpu.enqueue_indirect_dma source(%dma_start3A_176 : memref<100000x128xf32, #tpu.memory_space<hbm>>) target(%arg11 : memref<256x128xf32, #tpu.memory_space<vmem>>) offsets(%dma_start3A_173 : memref<256xi32, #tpu.memory_space<vmem>>) semaphore(%arg16 : memref<!tpu.dma_semaphore, #tpu.memory_space<semaphore_mem>>)
    %dma_wait3A_177 = arith.constant 256 : i32
    %dma_wait3A_178 = tpu.memref_slice %arg9[%dma_wait3A_177] : memref<512xi32, #tpu.memory_space<vmem>> -> memref<256xi32, #tpu.memory_space<vmem>>
    %dma_wait3A_179 = arith.constant 0 : i32
    %dma_wait3A_180 = arith.constant 0 : i32
    %dma_wait3A_181 = tpu.memref_slice %arg3[%dma_wait3A_179, %dma_wait3A_180] : memref<100000x128xf32, #tpu.memory_space<hbm>> -> memref<100000x128xf32, #tpu.memory_space<hbm>>
    tpu.wait_indirect_dma semaphore(%arg17 : memref<!tpu.dma_semaphore, #tpu.memory_space<semaphore_mem>>) src(%dma_wait3A_181 : memref<100000x128xf32, #tpu.memory_space<hbm>>) dst(%arg12 : memref<256x128xf32, #tpu.memory_space<vmem>>)
    %add3A_182 = arith.constant 256 : i32
    %add3A_183 = arith.addi %mul3A_2, %add3A_182 : i32
    %dma_start3A_184 = arith.constant 0 : i32
    %dma_start3A_185 = tpu.memref_slice %arg6[%add3A_183, %dma_start3A_184] : memref<16384x128xf32, #tpu.memory_space<hbm>> -> memref<256x128xf32, #tpu.memory_space<hbm>>
    %dma_start3A_186 = arith.constant 0 : i32
    %dma_start3A_187 = tpu.memref_slice %arg6[%add3A_183, %dma_start3A_186] : memref<16384x128xf32, #tpu.memory_space<hbm>> -> memref<256x128xf32, #tpu.memory_space<hbm>>
    tpu.enqueue_dma source(%arg12 : memref<256x128xf32, #tpu.memory_space<vmem>>) target(%dma_start3A_187 : memref<256x128xf32, #tpu.memory_space<hbm>>) target_semaphore(%arg20 : memref<!tpu.dma_semaphore, #tpu.memory_space<semaphore_mem>>)
    %dma_wait3A_188 = arith.constant 0 : i32
    %dma_wait3A_189 = tpu.memref_slice %arg6[%add3A_183, %dma_wait3A_188] : memref<16384x128xf32, #tpu.memory_space<hbm>> -> memref<256x128xf32, #tpu.memory_space<hbm>>
    %dma_wait3A_190 = arith.constant 0 : i32
    %dma_wait3A_191 = tpu.memref_slice %arg6[%add3A_183, %dma_wait3A_190] : memref<16384x128xf32, #tpu.memory_space<hbm>> -> memref<256x128xf32, #tpu.memory_space<hbm>>
    tpu.wait_dma2 semaphore(%arg20 : memref<!tpu.dma_semaphore, #tpu.memory_space<semaphore_mem>>) src(%arg12 : memref<256x128xf32, #tpu.memory_space<vmem>>) dst(%dma_wait3A_191 : memref<256x128xf32, #tpu.memory_space<hbm>>)
    %dma_start3A_192 = arith.constant 1536 : i32
    %dma_start3A_193 = tpu.memref_slice %arg10[%dma_start3A_192] : memref<2048xi32, #tpu.memory_space<vmem>> -> memref<256xi32, #tpu.memory_space<vmem>>
    %dma_start3A_194 = arith.constant 0 : i32
    %dma_start3A_195 = arith.constant 0 : i32
    %dma_start3A_196 = tpu.memref_slice %arg3[%dma_start3A_194, %dma_start3A_195] : memref<100000x128xf32, #tpu.memory_space<hbm>> -> memref<100000x128xf32, #tpu.memory_space<hbm>>
    tpu.enqueue_indirect_dma source(%dma_start3A_196 : memref<100000x128xf32, #tpu.memory_space<hbm>>) target(%arg12 : memref<256x128xf32, #tpu.memory_space<vmem>>) offsets(%dma_start3A_193 : memref<256xi32, #tpu.memory_space<vmem>>) semaphore(%arg17 : memref<!tpu.dma_semaphore, #tpu.memory_space<semaphore_mem>>)
    %dma_wait3A_197 = arith.constant 1024 : i32
    %dma_wait3A_198 = tpu.memref_slice %arg10[%dma_wait3A_197] : memref<2048xi32, #tpu.memory_space<vmem>> -> memref<256xi32, #tpu.memory_space<vmem>>
    %dma_wait3A_199 = arith.constant 0 : i32
    %dma_wait3A_200 = arith.constant 0 : i32
    %dma_wait3A_201 = tpu.memref_slice %arg3[%dma_wait3A_199, %dma_wait3A_200] : memref<100000x128xf32, #tpu.memory_space<hbm>> -> memref<100000x128xf32, #tpu.memory_space<hbm>>
    tpu.wait_indirect_dma semaphore(%arg18 : memref<!tpu.dma_semaphore, #tpu.memory_space<semaphore_mem>>) src(%dma_wait3A_201 : memref<100000x128xf32, #tpu.memory_space<hbm>>) dst(%arg13 : memref<256x128xf32, #tpu.memory_space<vmem>>)
    %dma_wait3A_202 = arith.constant 0 : i32
    %dma_wait3A_203 = tpu.memref_slice %arg7[%add3A_121, %dma_wait3A_202] : memref<16384x128xf32, #tpu.memory_space<hbm>> -> memref<64x128xf32, #tpu.memory_space<hbm>>
    %dma_wait3A_204 = arith.constant 0 : i32
    %dma_wait3A_205 = tpu.memref_slice %arg7[%add3A_121, %dma_wait3A_204] : memref<16384x128xf32, #tpu.memory_space<hbm>> -> memref<64x128xf32, #tpu.memory_space<hbm>>
    tpu.wait_dma2 semaphore(%arg22 : memref<!tpu.dma_semaphore, #tpu.memory_space<semaphore_mem>>) src(%arg14 : memref<64x128xf32, #tpu.memory_space<vmem>>) dst(%dma_wait3A_205 : memref<64x128xf32, #tpu.memory_space<hbm>>)
    %scan3A_206 = arith.constant 0 : i32
    %scan3A_207 = arith.constant 0 : i32
    %scan3A_208 = arith.constant 64 : i32
    %scan3A_209 = arith.addi %scan3A_207, %scan3A_208 : i32
    %scan3A_210 = arith.constant 1 : i32
    scf.for %scan3A_294 = %scan3A_207 to %scan3A_209 step %scan3A_210  : i32 {
      %mul3A_295 = arith.constant 4 : i32
      %mul3A_296 = arith.muli %mul3A_295, %scan3A_294 : i32
      %get3A = arith.index_cast %mul3A_296 : i32 to index
      %get3A_297 = arith.constant 0 : index
      %get3A_298 = tpu.vector_load %arg13[%get3A, %get3A_297] {strides = array<i32>} : memref<256x128xf32, #tpu.memory_space<vmem>>, vector<1x16xf32>,
      %get3A_299 = vector.shape_cast %get3A_298 : vector<1x16xf32> to vector<16xf32>
      %add3A_300 = arith.constant 1 : i32
      %add3A_301 = arith.addi %mul3A_296, %add3A_300 : i32
      %get3A_302 = arith.index_cast %add3A_301 : i32 to index
      %get3A_303 = arith.constant 0 : index
      %get3A_304 = tpu.vector_load %arg13[%get3A_302, %get3A_303] {strides = array<i32>} : memref<256x128xf32, #tpu.memory_space<vmem>>, vector<1x16xf32>,
      %get3A_305 = vector.shape_cast %get3A_304 : vector<1x16xf32> to vector<16xf32>
      %add3A_306 = arith.addf %get3A_299, %get3A_305 : vector<16xf32>
      %add3A_307 = arith.constant 2 : i32
      %add3A_308 = arith.addi %mul3A_296, %add3A_307 : i32
      %get3A_309 = arith.index_cast %add3A_308 : i32 to index
      %get3A_310 = arith.constant 0 : index
      %get3A_311 = tpu.vector_load %arg13[%get3A_309, %get3A_310] {strides = array<i32>} : memref<256x128xf32, #tpu.memory_space<vmem>>, vector<1x16xf32>,
      %get3A_312 = vector.shape_cast %get3A_311 : vector<1x16xf32> to vector<16xf32>
      %add3A_313 = arith.addf %add3A_306, %get3A_312 : vector<16xf32>
      %add3A_314 = arith.constant 3 : i32
      %add3A_315 = arith.addi %mul3A_296, %add3A_314 : i32
      %get3A_316 = arith.index_cast %add3A_315 : i32 to index
      %get3A_317 = arith.constant 0 : index
      %get3A_318 = tpu.vector_load %arg13[%get3A_316, %get3A_317] {strides = array<i32>} : memref<256x128xf32, #tpu.memory_space<vmem>>, vector<1x16xf32>,
      %get3A_319 = vector.shape_cast %get3A_318 : vector<1x16xf32> to vector<16xf32>
      %add3A_320 = arith.addf %add3A_313, %get3A_319 : vector<16xf32>
      %swap3A = arith.index_cast %scan3A_294 : i32 to index
      %swap3A_321 = arith.constant 0 : index
      %swap3A_322 = tpu.vector_load %arg14[%swap3A, %swap3A_321] {strides = array<i32>} : memref<64x128xf32, #tpu.memory_space<vmem>>, vector<1x16xf32>,
      %swap3A_323 = vector.shape_cast %swap3A_322 : vector<1x16xf32> to vector<16xf32>
      %swap3A_324 = vector.shape_cast %add3A_320 : vector<16xf32> to vector<1x16xf32>
      tpu.vector_store %arg14[%swap3A, %swap3A_321], %swap3A_324 {strides = array<i32>} : memref<64x128xf32, #tpu.memory_space<vmem>>, vector<1x16xf32>,
      %get3A_325 = arith.index_cast %mul3A_296 : i32 to index
      %get3A_326 = arith.constant 16 : index
      %get3A_327 = tpu.vector_load %arg13[%get3A_325, %get3A_326] {strides = array<i32>} : memref<256x128xf32, #tpu.memory_space<vmem>>, vector<1x16xf32>,
      %get3A_328 = vector.shape_cast %get3A_327 : vector<1x16xf32> to vector<16xf32>
      %add3A_329 = arith.constant 1 : i32
      %add3A_330 = arith.addi %mul3A_296, %add3A_329 : i32
      %get3A_331 = arith.index_cast %add3A_330 : i32 to index
      %get3A_332 = arith.constant 16 : index
      %get3A_333 = tpu.vector_load %arg13[%get3A_331, %get3A_332] {strides = array<i32>} : memref<256x128xf32, #tpu.memory_space<vmem>>, vector<1x16xf32>,
      %get3A_334 = vector.shape_cast %get3A_333 : vector<1x16xf32> to vector<16xf32>
      %add3A_335 = arith.addf %get3A_328, %get3A_334 : vector<16xf32>
      %add3A_336 = arith.constant 2 : i32
      %add3A_337 = arith.addi %mul3A_296, %add3A_336 : i32
      %get3A_338 = arith.index_cast %add3A_337 : i32 to index
      %get3A_339 = arith.constant 16 : index
      %get3A_340 = tpu.vector_load %arg13[%get3A_338, %get3A_339] {strides = array<i32>} : memref<256x128xf32, #tpu.memory_space<vmem>>, vector<1x16xf32>,
      %get3A_341 = vector.shape_cast %get3A_340 : vector<1x16xf32> to vector<16xf32>
      %add3A_342 = arith.addf %add3A_335, %get3A_341 : vector<16xf32>
      %add3A_343 = arith.constant 3 : i32
      %add3A_344 = arith.addi %mul3A_296, %add3A_343 : i32
      %get3A_345 = arith.index_cast %add3A_344 : i32 to index
      %get3A_346 = arith.constant 16 : index
      %get3A_347 = tpu.vector_load %arg13[%get3A_345, %get3A_346] {strides = array<i32>} : memref<256x128xf32, #tpu.memory_space<vmem>>, vector<1x16xf32>,
      %get3A_348 = vector.shape_cast %get3A_347 : vector<1x16xf32> to vector<16xf32>
      %add3A_349 = arith.addf %add3A_342, %get3A_348 : vector<16xf32>
      %swap3A_350 = arith.index_cast %scan3A_294 : i32 to index
      %swap3A_351 = arith.constant 16 : index
      %swap3A_352 = tpu.vector_load %arg14[%swap3A_350, %swap3A_351] {strides = array<i32>} : memref<64x128xf32, #tpu.memory_space<vmem>>, vector<1x16xf32>,
      %swap3A_353 = vector.shape_cast %swap3A_352 : vector<1x16xf32> to vector<16xf32>
      %swap3A_354 = vector.shape_cast %add3A_349 : vector<16xf32> to vector<1x16xf32>
      tpu.vector_store %arg14[%swap3A_350, %swap3A_351], %swap3A_354 {strides = array<i32>} : memref<64x128xf32, #tpu.memory_space<vmem>>, vector<1x16xf32>,
      %get3A_355 = arith.index_cast %mul3A_296 : i32 to index
      %get3A_356 = arith.constant 32 : index
      %get3A_357 = tpu.vector_load %arg13[%get3A_355, %get3A_356] {strides = array<i32>} : memref<256x128xf32, #tpu.memory_space<vmem>>, vector<1x16xf32>,
      %get3A_358 = vector.shape_cast %get3A_357 : vector<1x16xf32> to vector<16xf32>
      %add3A_359 = arith.constant 1 : i32
      %add3A_360 = arith.addi %mul3A_296, %add3A_359 : i32
      %get3A_361 = arith.index_cast %add3A_360 : i32 to index
      %get3A_362 = arith.constant 32 : index
      %get3A_363 = tpu.vector_load %arg13[%get3A_361, %get3A_362] {strides = array<i32>} : memref<256x128xf32, #tpu.memory_space<vmem>>, vector<1x16xf32>,
      %get3A_364 = vector.shape_cast %get3A_363 : vector<1x16xf32> to vector<16xf32>
      %add3A_365 = arith.addf %get3A_358, %get3A_364 : vector<16xf32>
      %add3A_366 = arith.constant 2 : i32
      %add3A_367 = arith.addi %mul3A_296, %add3A_366 : i32
      %get3A_368 = arith.index_cast %add3A_367 : i32 to index
      %get3A_369 = arith.constant 32 : index
      %get3A_370 = tpu.vector_load %arg13[%get3A_368, %get3A_369] {strides = array<i32>} : memref<256x128xf32, #tpu.memory_space<vmem>>, vector<1x16xf32>,
      %get3A_371 = vector.shape_cast %get3A_370 : vector<1x16xf32> to vector<16xf32>
      %add3A_372 = arith.addf %add3A_365, %get3A_371 : vector<16xf32>
      %add3A_373 = arith.constant 3 : i32
      %add3A_374 = arith.addi %mul3A_296, %add3A_373 : i32
      %get3A_375 = arith.index_cast %add3A_374 : i32 to index
      %get3A_376 = arith.constant 32 : index
      %get3A_377 = tpu.vector_load %arg13[%get3A_375, %get3A_376] {strides = array<i32>} : memref<256x128xf32, #tpu.memory_space<vmem>>, vector<1x16xf32>,
      %get3A_378 = vector.shape_cast %get3A_377 : vector<1x16xf32> to vector<16xf32>
      %add3A_379 = arith.addf %add3A_372, %get3A_378 : vector<16xf32>
      %swap3A_380 = arith.index_cast %scan3A_294 : i32 to index
      %swap3A_381 = arith.constant 32 : index
      %swap3A_382 = tpu.vector_load %arg14[%swap3A_380, %swap3A_381] {strides = array<i32>} : memref<64x128xf32, #tpu.memory_space<vmem>>, vector<1x16xf32>,
      %swap3A_383 = vector.shape_cast %swap3A_382 : vector<1x16xf32> to vector<16xf32>
      %swap3A_384 = vector.shape_cast %add3A_379 : vector<16xf32> to vector<1x16xf32>
      tpu.vector_store %arg14[%swap3A_380, %swap3A_381], %swap3A_384 {strides = array<i32>} : memref<64x128xf32, #tpu.memory_space<vmem>>, vector<1x16xf32>,
      %get3A_385 = arith.index_cast %mul3A_296 : i32 to index
      %get3A_386 = arith.constant 48 : index
      %get3A_387 = tpu.vector_load %arg13[%get3A_385, %get3A_386] {strides = array<i32>} : memref<256x128xf32, #tpu.memory_space<vmem>>, vector<1x16xf32>,
      %get3A_388 = vector.shape_cast %get3A_387 : vector<1x16xf32> to vector<16xf32>
      %add3A_389 = arith.constant 1 : i32
      %add3A_390 = arith.addi %mul3A_296, %add3A_389 : i32
      %get3A_391 = arith.index_cast %add3A_390 : i32 to index
      %get3A_392 = arith.constant 48 : index
      %get3A_393 = tpu.vector_load %arg13[%get3A_391, %get3A_392] {strides = array<i32>} : memref<256x128xf32, #tpu.memory_space<vmem>>, vector<1x16xf32>,
      %get3A_394 = vector.shape_cast %get3A_393 : vector<1x16xf32> to vector<16xf32>
      %add3A_395 = arith.addf %get3A_388, %get3A_394 : vector<16xf32>
      %add3A_396 = arith.constant 2 : i32
      %add3A_397 = arith.addi %mul3A_296, %add3A_396 : i32
      %get3A_398 = arith.index_cast %add3A_397 : i32 to index
      %get3A_399 = arith.constant 48 : index
      %get3A_400 = tpu.vector_load %arg13[%get3A_398, %get3A_399] {strides = array<i32>} : memref<256x128xf32, #tpu.memory_space<vmem>>, vector<1x16xf32>,
      %get3A_401 = vector.shape_cast %get3A_400 : vector<1x16xf32> to vector<16xf32>
      %add3A_402 = arith.addf %add3A_395, %get3A_401 : vector<16xf32>
      %add3A_403 = arith.constant 3 : i32
      %add3A_404 = arith.addi %mul3A_296, %add3A_403 : i32
      %get3A_405 = arith.index_cast %add3A_404 : i32 to index
      %get3A_406 = arith.constant 48 : index
      %get3A_407 = tpu.vector_load %arg13[%get3A_405, %get3A_406] {strides = array<i32>} : memref<256x128xf32, #tpu.memory_space<vmem>>, vector<1x16xf32>,
      %get3A_408 = vector.shape_cast %get3A_407 : vector<1x16xf32> to vector<16xf32>
      %add3A_409 = arith.addf %add3A_402, %get3A_408 : vector<16xf32>
      %swap3A_410 = arith.index_cast %scan3A_294 : i32 to index
      %swap3A_411 = arith.constant 48 : index
      %swap3A_412 = tpu.vector_load %arg14[%swap3A_410, %swap3A_411] {strides = array<i32>} : memref<64x128xf32, #tpu.memory_space<vmem>>, vector<1x16xf32>,
      %swap3A_413 = vector.shape_cast %swap3A_412 : vector<1x16xf32> to vector<16xf32>
      %swap3A_414 = vector.shape_cast %add3A_409 : vector<16xf32> to vector<1x16xf32>
      tpu.vector_store %arg14[%swap3A_410, %swap3A_411], %swap3A_414 {strides = array<i32>} : memref<64x128xf32, #tpu.memory_space<vmem>>, vector<1x16xf32>,
      %get3A_415 = arith.index_cast %mul3A_296 : i32 to index
      %get3A_416 = arith.constant 64 : index
      %get3A_417 = tpu.vector_load %arg13[%get3A_415, %get3A_416] {strides = array<i32>} : memref<256x128xf32, #tpu.memory_space<vmem>>, vector<1x16xf32>,
      %get3A_418 = vector.shape_cast %get3A_417 : vector<1x16xf32> to vector<16xf32>
      %add3A_419 = arith.constant 1 : i32
      %add3A_420 = arith.addi %mul3A_296, %add3A_419 : i32
      %get3A_421 = arith.index_cast %add3A_420 : i32 to index
      %get3A_422 = arith.constant 64 : index
      %get3A_423 = tpu.vector_load %arg13[%get3A_421, %get3A_422] {strides = array<i32>} : memref<256x128xf32, #tpu.memory_space<vmem>>, vector<1x16xf32>,
      %get3A_424 = vector.shape_cast %get3A_423 : vector<1x16xf32> to vector<16xf32>
      %add3A_425 = arith.addf %get3A_418, %get3A_424 : vector<16xf32>
      %add3A_426 = arith.constant 2 : i32
      %add3A_427 = arith.addi %mul3A_296, %add3A_426 : i32
      %get3A_428 = arith.index_cast %add3A_427 : i32 to index
      %get3A_429 = arith.constant 64 : index
      %get3A_430 = tpu.vector_load %arg13[%get3A_428, %get3A_429] {strides = array<i32>} : memref<256x128xf32, #tpu.memory_space<vmem>>, vector<1x16xf32>,
      %get3A_431 = vector.shape_cast %get3A_430 : vector<1x16xf32> to vector<16xf32>
      %add3A_432 = arith.addf %add3A_425, %get3A_431 : vector<16xf32>
      %add3A_433 = arith.constant 3 : i32
      %add3A_434 = arith.addi %mul3A_296, %add3A_433 : i32
      %get3A_435 = arith.index_cast %add3A_434 : i32 to index
      %get3A_436 = arith.constant 64 : index
      %get3A_437 = tpu.vector_load %arg13[%get3A_435, %get3A_436] {strides = array<i32>} : memref<256x128xf32, #tpu.memory_space<vmem>>, vector<1x16xf32>,
      %get3A_438 = vector.shape_cast %get3A_437 : vector<1x16xf32> to vector<16xf32>
      %add3A_439 = arith.addf %add3A_432, %get3A_438 : vector<16xf32>
      %swap3A_440 = arith.index_cast %scan3A_294 : i32 to index
      %swap3A_441 = arith.constant 64 : index
      %swap3A_442 = tpu.vector_load %arg14[%swap3A_440, %swap3A_441] {strides = array<i32>} : memref<64x128xf32, #tpu.memory_space<vmem>>, vector<1x16xf32>,
      %swap3A_443 = vector.shape_cast %swap3A_442 : vector<1x16xf32> to vector<16xf32>
      %swap3A_444 = vector.shape_cast %add3A_439 : vector<16xf32> to vector<1x16xf32>
      tpu.vector_store %arg14[%swap3A_440, %swap3A_441], %swap3A_444 {strides = array<i32>} : memref<64x128xf32, #tpu.memory_space<vmem>>, vector<1x16xf32>,
      %get3A_445 = arith.index_cast %mul3A_296 : i32 to index
      %get3A_446 = arith.constant 80 : index
      %get3A_447 = tpu.vector_load %arg13[%get3A_445, %get3A_446] {strides = array<i32>} : memref<256x128xf32, #tpu.memory_space<vmem>>, vector<1x16xf32>,
      %get3A_448 = vector.shape_cast %get3A_447 : vector<1x16xf32> to vector<16xf32>
      %add3A_449 = arith.constant 1 : i32
      %add3A_450 = arith.addi %mul3A_296, %add3A_449 : i32
      %get3A_451 = arith.index_cast %add3A_450 : i32 to index
      %get3A_452 = arith.constant 80 : index
      %get3A_453 = tpu.vector_load %arg13[%get3A_451, %get3A_452] {strides = array<i32>} : memref<256x128xf32, #tpu.memory_space<vmem>>, vector<1x16xf32>,
      %get3A_454 = vector.shape_cast %get3A_453 : vector<1x16xf32> to vector<16xf32>
      %add3A_455 = arith.addf %get3A_448, %get3A_454 : vector<16xf32>
      %add3A_456 = arith.constant 2 : i32
      %add3A_457 = arith.addi %mul3A_296, %add3A_456 : i32
      %get3A_458 = arith.index_cast %add3A_457 : i32 to index
      %get3A_459 = arith.constant 80 : index
      %get3A_460 = tpu.vector_load %arg13[%get3A_458, %get3A_459] {strides = array<i32>} : memref<256x128xf32, #tpu.memory_space<vmem>>, vector<1x16xf32>,
      %get3A_461 = vector.shape_cast %get3A_460 : vector<1x16xf32> to vector<16xf32>
      %add3A_462 = arith.addf %add3A_455, %get3A_461 : vector<16xf32>
      %add3A_463 = arith.constant 3 : i32
      %add3A_464 = arith.addi %mul3A_296, %add3A_463 : i32
      %get3A_465 = arith.index_cast %add3A_464 : i32 to index
      %get3A_466 = arith.constant 80 : index
      %get3A_467 = tpu.vector_load %arg13[%get3A_465, %get3A_466] {strides = array<i32>} : memref<256x128xf32, #tpu.memory_space<vmem>>, vector<1x16xf32>,
      %get3A_468 = vector.shape_cast %get3A_467 : vector<1x16xf32> to vector<16xf32>
      %add3A_469 = arith.addf %add3A_462, %get3A_468 : vector<16xf32>
      %swap3A_470 = arith.index_cast %scan3A_294 : i32 to index
      %swap3A_471 = arith.constant 80 : index
      %swap3A_472 = tpu.vector_load %arg14[%swap3A_470, %swap3A_471] {strides = array<i32>} : memref<64x128xf32, #tpu.memory_space<vmem>>, vector<1x16xf32>,
      %swap3A_473 = vector.shape_cast %swap3A_472 : vector<1x16xf32> to vector<16xf32>
      %swap3A_474 = vector.shape_cast %add3A_469 : vector<16xf32> to vector<1x16xf32>
      tpu.vector_store %arg14[%swap3A_470, %swap3A_471], %swap3A_474 {strides = array<i32>} : memref<64x128xf32, #tpu.memory_space<vmem>>, vector<1x16xf32>,
      %get3A_475 = arith.index_cast %mul3A_296 : i32 to index
      %get3A_476 = arith.constant 96 : index
      %get3A_477 = tpu.vector_load %arg13[%get3A_475, %get3A_476] {strides = array<i32>} : memref<256x128xf32, #tpu.memory_space<vmem>>, vector<1x16xf32>,
      %get3A_478 = vector.shape_cast %get3A_477 : vector<1x16xf32> to vector<16xf32>
      %add3A_479 = arith.constant 1 : i32
      %add3A_480 = arith.addi %mul3A_296, %add3A_479 : i32
      %get3A_481 = arith.index_cast %add3A_480 : i32 to index
      %get3A_482 = arith.constant 96 : index
      %get3A_483 = tpu.vector_load %arg13[%get3A_481, %get3A_482] {strides = array<i32>} : memref<256x128xf32, #tpu.memory_space<vmem>>, vector<1x16xf32>,
      %get3A_484 = vector.shape_cast %get3A_483 : vector<1x16xf32> to vector<16xf32>
      %add3A_485 = arith.addf %get3A_478, %get3A_484 : vector<16xf32>
      %add3A_486 = arith.constant 2 : i32
      %add3A_487 = arith.addi %mul3A_296, %add3A_486 : i32
      %get3A_488 = arith.index_cast %add3A_487 : i32 to index
      %get3A_489 = arith.constant 96 : index
      %get3A_490 = tpu.vector_load %arg13[%get3A_488, %get3A_489] {strides = array<i32>} : memref<256x128xf32, #tpu.memory_space<vmem>>, vector<1x16xf32>,
      %get3A_491 = vector.shape_cast %get3A_490 : vector<1x16xf32> to vector<16xf32>
      %add3A_492 = arith.addf %add3A_485, %get3A_491 : vector<16xf32>
      %add3A_493 = arith.constant 3 : i32
      %add3A_494 = arith.addi %mul3A_296, %add3A_493 : i32
      %get3A_495 = arith.index_cast %add3A_494 : i32 to index
      %get3A_496 = arith.constant 96 : index
      %get3A_497 = tpu.vector_load %arg13[%get3A_495, %get3A_496] {strides = array<i32>} : memref<256x128xf32, #tpu.memory_space<vmem>>, vector<1x16xf32>,
      %get3A_498 = vector.shape_cast %get3A_497 : vector<1x16xf32> to vector<16xf32>
      %add3A_499 = arith.addf %add3A_492, %get3A_498 : vector<16xf32>
      %swap3A_500 = arith.index_cast %scan3A_294 : i32 to index
      %swap3A_501 = arith.constant 96 : index
      %swap3A_502 = tpu.vector_load %arg14[%swap3A_500, %swap3A_501] {strides = array<i32>} : memref<64x128xf32, #tpu.memory_space<vmem>>, vector<1x16xf32>,
      %swap3A_503 = vector.shape_cast %swap3A_502 : vector<1x16xf32> to vector<16xf32>
      %swap3A_504 = vector.shape_cast %add3A_499 : vector<16xf32> to vector<1x16xf32>
      tpu.vector_store %arg14[%swap3A_500, %swap3A_501], %swap3A_504 {strides = array<i32>} : memref<64x128xf32, #tpu.memory_space<vmem>>, vector<1x16xf32>,
      %get3A_505 = arith.index_cast %mul3A_296 : i32 to index
      %get3A_506 = arith.constant 112 : index
      %get3A_507 = tpu.vector_load %arg13[%get3A_505, %get3A_506] {strides = array<i32>} : memref<256x128xf32, #tpu.memory_space<vmem>>, vector<1x16xf32>,
      %get3A_508 = vector.shape_cast %get3A_507 : vector<1x16xf32> to vector<16xf32>
      %add3A_509 = arith.constant 1 : i32
      %add3A_510 = arith.addi %mul3A_296, %add3A_509 : i32
      %get3A_511 = arith.index_cast %add3A_510 : i32 to index
      %get3A_512 = arith.constant 112 : index
      %get3A_513 = tpu.vector_load %arg13[%get3A_511, %get3A_512] {strides = array<i32>} : memref<256x128xf32, #tpu.memory_space<vmem>>, vector<1x16xf32>,
      %get3A_514 = vector.shape_cast %get3A_513 : vector<1x16xf32> to vector<16xf32>
      %add3A_515 = arith.addf %get3A_508, %get3A_514 : vector<16xf32>
      %add3A_516 = arith.constant 2 : i32
      %add3A_517 = arith.addi %mul3A_296, %add3A_516 : i32
      %get3A_518 = arith.index_cast %add3A_517 : i32 to index
      %get3A_519 = arith.constant 112 : index
      %get3A_520 = tpu.vector_load %arg13[%get3A_518, %get3A_519] {strides = array<i32>} : memref<256x128xf32, #tpu.memory_space<vmem>>, vector<1x16xf32>,
      %get3A_521 = vector.shape_cast %get3A_520 : vector<1x16xf32> to vector<16xf32>
      %add3A_522 = arith.addf %add3A_515, %get3A_521 : vector<16xf32>
      %add3A_523 = arith.constant 3 : i32
      %add3A_524 = arith.addi %mul3A_296, %add3A_523 : i32
      %get3A_525 = arith.index_cast %add3A_524 : i32 to index
      %get3A_526 = arith.constant 112 : index
      %get3A_527 = tpu.vector_load %arg13[%get3A_525, %get3A_526] {strides = array<i32>} : memref<256x128xf32, #tpu.memory_space<vmem>>, vector<1x16xf32>,
      %get3A_528 = vector.shape_cast %get3A_527 : vector<1x16xf32> to vector<16xf32>
      %add3A_529 = arith.addf %add3A_522, %get3A_528 : vector<16xf32>
      %swap3A_530 = arith.index_cast %scan3A_294 : i32 to index
      %swap3A_531 = arith.constant 112 : index
      %swap3A_532 = tpu.vector_load %arg14[%swap3A_530, %swap3A_531] {strides = array<i32>} : memref<64x128xf32, #tpu.memory_space<vmem>>, vector<1x16xf32>,
      %swap3A_533 = vector.shape_cast %swap3A_532 : vector<1x16xf32> to vector<16xf32>
      %swap3A_534 = vector.shape_cast %add3A_529 : vector<16xf32> to vector<1x16xf32>
      tpu.vector_store %arg14[%swap3A_530, %swap3A_531], %swap3A_534 {strides = array<i32>} : memref<64x128xf32, #tpu.memory_space<vmem>>, vector<1x16xf32>,
    }
    %scan3A_211 = arith.constant 64 : i32
    %add3A_212 = arith.constant 256 : i32
    %add3A_213 = arith.addi %mul3A_2, %add3A_212 : i32
    %dma_start3A_214 = arith.constant 0 : i32
    %dma_start3A_215 = tpu.memref_slice %arg7[%add3A_213, %dma_start3A_214] : memref<16384x128xf32, #tpu.memory_space<hbm>> -> memref<64x128xf32, #tpu.memory_space<hbm>>
    %dma_start3A_216 = arith.constant 0 : i32
    %dma_start3A_217 = tpu.memref_slice %arg7[%add3A_213, %dma_start3A_216] : memref<16384x128xf32, #tpu.memory_space<hbm>> -> memref<64x128xf32, #tpu.memory_space<hbm>>
    tpu.enqueue_dma source(%arg14 : memref<64x128xf32, #tpu.memory_space<vmem>>) target(%dma_start3A_217 : memref<64x128xf32, #tpu.memory_space<hbm>>) target_semaphore(%arg22 : memref<!tpu.dma_semaphore, #tpu.memory_space<semaphore_mem>>)
    %dma_start3A_218 = arith.constant 1792 : i32
    %dma_start3A_219 = tpu.memref_slice %arg10[%dma_start3A_218] : memref<2048xi32, #tpu.memory_space<vmem>> -> memref<256xi32, #tpu.memory_space<vmem>>
    %dma_start3A_220 = arith.constant 0 : i32
    %dma_start3A_221 = arith.constant 0 : i32
    %dma_start3A_222 = tpu.memref_slice %arg3[%dma_start3A_220, %dma_start3A_221] : memref<100000x128xf32, #tpu.memory_space<hbm>> -> memref<100000x128xf32, #tpu.memory_space<hbm>>
    tpu.enqueue_indirect_dma source(%dma_start3A_222 : memref<100000x128xf32, #tpu.memory_space<hbm>>) target(%arg13 : memref<256x128xf32, #tpu.memory_space<vmem>>) offsets(%dma_start3A_219 : memref<256xi32, #tpu.memory_space<vmem>>) semaphore(%arg18 : memref<!tpu.dma_semaphore, #tpu.memory_space<semaphore_mem>>)
    %dma_wait3A_223 = arith.constant 1280 : i32
    %dma_wait3A_224 = tpu.memref_slice %arg10[%dma_wait3A_223] : memref<2048xi32, #tpu.memory_space<vmem>> -> memref<256xi32, #tpu.memory_space<vmem>>
    %dma_wait3A_225 = arith.constant 0 : i32
    %dma_wait3A_226 = arith.constant 0 : i32
    %dma_wait3A_227 = tpu.memref_slice %arg3[%dma_wait3A_225, %dma_wait3A_226] : memref<100000x128xf32, #tpu.memory_space<hbm>> -> memref<100000x128xf32, #tpu.memory_space<hbm>>
    tpu.wait_indirect_dma semaphore(%arg16 : memref<!tpu.dma_semaphore, #tpu.memory_space<semaphore_mem>>) src(%dma_wait3A_227 : memref<100000x128xf32, #tpu.memory_space<hbm>>) dst(%arg11 : memref<256x128xf32, #tpu.memory_space<vmem>>)
    %dma_wait3A_228 = arith.constant 0 : i32
    %dma_wait3A_229 = tpu.memref_slice %arg7[%add3A_167, %dma_wait3A_228] : memref<16384x128xf32, #tpu.memory_space<hbm>> -> memref<64x128xf32, #tpu.memory_space<hbm>>
    %dma_wait3A_230 = arith.constant 0 : i32
    %dma_wait3A_231 = tpu.memref_slice %arg7[%add3A_167, %dma_wait3A_230] : memref<16384x128xf32, #tpu.memory_space<hbm>> -> memref<64x128xf32, #tpu.memory_space<hbm>>
    tpu.wait_dma2 semaphore(%arg22 : memref<!tpu.dma_semaphore, #tpu.memory_space<semaphore_mem>>) src(%arg15 : memref<64x128xf32, #tpu.memory_space<vmem>>) dst(%dma_wait3A_231 : memref<64x128xf32, #tpu.memory_space<hbm>>)
    %scan3A_232 = arith.constant 0 : i32
    %scan3A_233 = arith.constant 0 : i32
    %scan3A_234 = arith.constant 64 : i32
    %scan3A_235 = arith.addi %scan3A_233, %scan3A_234 : i32
    %scan3A_236 = arith.constant 1 : i32
    scf.for %scan3A_294 = %scan3A_233 to %scan3A_235 step %scan3A_236  : i32 {
      %mul3A_295 = arith.constant 4 : i32
      %mul3A_296 = arith.muli %mul3A_295, %scan3A_294 : i32
      %get3A = arith.index_cast %mul3A_296 : i32 to index
      %get3A_297 = arith.constant 0 : index
      %get3A_298 = tpu.vector_load %arg11[%get3A, %get3A_297] {strides = array<i32>} : memref<256x128xf32, #tpu.memory_space<vmem>>, vector<1x16xf32>,
      %get3A_299 = vector.shape_cast %get3A_298 : vector<1x16xf32> to vector<16xf32>
      %add3A_300 = arith.constant 1 : i32
      %add3A_301 = arith.addi %mul3A_296, %add3A_300 : i32
      %get3A_302 = arith.index_cast %add3A_301 : i32 to index
      %get3A_303 = arith.constant 0 : index
      %get3A_304 = tpu.vector_load %arg11[%get3A_302, %get3A_303] {strides = array<i32>} : memref<256x128xf32, #tpu.memory_space<vmem>>, vector<1x16xf32>,
      %get3A_305 = vector.shape_cast %get3A_304 : vector<1x16xf32> to vector<16xf32>
      %add3A_306 = arith.addf %get3A_299, %get3A_305 : vector<16xf32>
      %add3A_307 = arith.constant 2 : i32
      %add3A_308 = arith.addi %mul3A_296, %add3A_307 : i32
      %get3A_309 = arith.index_cast %add3A_308 : i32 to index
      %get3A_310 = arith.constant 0 : index
      %get3A_311 = tpu.vector_load %arg11[%get3A_309, %get3A_310] {strides = array<i32>} : memref<256x128xf32, #tpu.memory_space<vmem>>, vector<1x16xf32>,
      %get3A_312 = vector.shape_cast %get3A_311 : vector<1x16xf32> to vector<16xf32>
      %add3A_313 = arith.addf %add3A_306, %get3A_312 : vector<16xf32>
      %add3A_314 = arith.constant 3 : i32
      %add3A_315 = arith.addi %mul3A_296, %add3A_314 : i32
      %get3A_316 = arith.index_cast %add3A_315 : i32 to index
      %get3A_317 = arith.constant 0 : index
      %get3A_318 = tpu.vector_load %arg11[%get3A_316, %get3A_317] {strides = array<i32>} : memref<256x128xf32, #tpu.memory_space<vmem>>, vector<1x16xf32>,
      %get3A_319 = vector.shape_cast %get3A_318 : vector<1x16xf32> to vector<16xf32>
      %add3A_320 = arith.addf %add3A_313, %get3A_319 : vector<16xf32>
      %swap3A = arith.index_cast %scan3A_294 : i32 to index
      %swap3A_321 = arith.constant 0 : index
      %swap3A_322 = tpu.vector_load %arg15[%swap3A, %swap3A_321] {strides = array<i32>} : memref<64x128xf32, #tpu.memory_space<vmem>>, vector<1x16xf32>,
      %swap3A_323 = vector.shape_cast %swap3A_322 : vector<1x16xf32> to vector<16xf32>
      %swap3A_324 = vector.shape_cast %add3A_320 : vector<16xf32> to vector<1x16xf32>
      tpu.vector_store %arg15[%swap3A, %swap3A_321], %swap3A_324 {strides = array<i32>} : memref<64x128xf32, #tpu.memory_space<vmem>>, vector<1x16xf32>,
      %get3A_325 = arith.index_cast %mul3A_296 : i32 to index
      %get3A_326 = arith.constant 16 : index
      %get3A_327 = tpu.vector_load %arg11[%get3A_325, %get3A_326] {strides = array<i32>} : memref<256x128xf32, #tpu.memory_space<vmem>>, vector<1x16xf32>,
      %get3A_328 = vector.shape_cast %get3A_327 : vector<1x16xf32> to vector<16xf32>
      %add3A_329 = arith.constant 1 : i32
      %add3A_330 = arith.addi %mul3A_296, %add3A_329 : i32
      %get3A_331 = arith.index_cast %add3A_330 : i32 to index
      %get3A_332 = arith.constant 16 : index
      %get3A_333 = tpu.vector_load %arg11[%get3A_331, %get3A_332] {strides = array<i32>} : memref<256x128xf32, #tpu.memory_space<vmem>>, vector<1x16xf32>,
      %get3A_334 = vector.shape_cast %get3A_333 : vector<1x16xf32> to vector<16xf32>
      %add3A_335 = arith.addf %get3A_328, %get3A_334 : vector<16xf32>
      %add3A_336 = arith.constant 2 : i32
      %add3A_337 = arith.addi %mul3A_296, %add3A_336 : i32
      %get3A_338 = arith.index_cast %add3A_337 : i32 to index
      %get3A_339 = arith.constant 16 : index
      %get3A_340 = tpu.vector_load %arg11[%get3A_338, %get3A_339] {strides = array<i32>} : memref<256x128xf32, #tpu.memory_space<vmem>>, vector<1x16xf32>,
      %get3A_341 = vector.shape_cast %get3A_340 : vector<1x16xf32> to vector<16xf32>
      %add3A_342 = arith.addf %add3A_335, %get3A_341 : vector<16xf32>
      %add3A_343 = arith.constant 3 : i32
      %add3A_344 = arith.addi %mul3A_296, %add3A_343 : i32
      %get3A_345 = arith.index_cast %add3A_344 : i32 to index
      %get3A_346 = arith.constant 16 : index
      %get3A_347 = tpu.vector_load %arg11[%get3A_345, %get3A_346] {strides = array<i32>} : memref<256x128xf32, #tpu.memory_space<vmem>>, vector<1x16xf32>,
      %get3A_348 = vector.shape_cast %get3A_347 : vector<1x16xf32> to vector<16xf32>
      %add3A_349 = arith.addf %add3A_342, %get3A_348 : vector<16xf32>
      %swap3A_350 = arith.index_cast %scan3A_294 : i32 to index
      %swap3A_351 = arith.constant 16 : index
      %swap3A_352 = tpu.vector_load %arg15[%swap3A_350, %swap3A_351] {strides = array<i32>} : memref<64x128xf32, #tpu.memory_space<vmem>>, vector<1x16xf32>,
      %swap3A_353 = vector.shape_cast %swap3A_352 : vector<1x16xf32> to vector<16xf32>
      %swap3A_354 = vector.shape_cast %add3A_349 : vector<16xf32> to vector<1x16xf32>
      tpu.vector_store %arg15[%swap3A_350, %swap3A_351], %swap3A_354 {strides = array<i32>} : memref<64x128xf32, #tpu.memory_space<vmem>>, vector<1x16xf32>,
      %get3A_355 = arith.index_cast %mul3A_296 : i32 to index
      %get3A_356 = arith.constant 32 : index
      %get3A_357 = tpu.vector_load %arg11[%get3A_355, %get3A_356] {strides = array<i32>} : memref<256x128xf32, #tpu.memory_space<vmem>>, vector<1x16xf32>,
      %get3A_358 = vector.shape_cast %get3A_357 : vector<1x16xf32> to vector<16xf32>
      %add3A_359 = arith.constant 1 : i32
      %add3A_360 = arith.addi %mul3A_296, %add3A_359 : i32
      %get3A_361 = arith.index_cast %add3A_360 : i32 to index
      %get3A_362 = arith.constant 32 : index
      %get3A_363 = tpu.vector_load %arg11[%get3A_361, %get3A_362] {strides = array<i32>} : memref<256x128xf32, #tpu.memory_space<vmem>>, vector<1x16xf32>,
      %get3A_364 = vector.shape_cast %get3A_363 : vector<1x16xf32> to vector<16xf32>
      %add3A_365 = arith.addf %get3A_358, %get3A_364 : vector<16xf32>
      %add3A_366 = arith.constant 2 : i32
      %add3A_367 = arith.addi %mul3A_296, %add3A_366 : i32
      %get3A_368 = arith.index_cast %add3A_367 : i32 to index
      %get3A_369 = arith.constant 32 : index
      %get3A_370 = tpu.vector_load %arg11[%get3A_368, %get3A_369] {strides = array<i32>} : memref<256x128xf32, #tpu.memory_space<vmem>>, vector<1x16xf32>,
      %get3A_371 = vector.shape_cast %get3A_370 : vector<1x16xf32> to vector<16xf32>
      %add3A_372 = arith.addf %add3A_365, %get3A_371 : vector<16xf32>
      %add3A_373 = arith.constant 3 : i32
      %add3A_374 = arith.addi %mul3A_296, %add3A_373 : i32
      %get3A_375 = arith.index_cast %add3A_374 : i32 to index
      %get3A_376 = arith.constant 32 : index
      %get3A_377 = tpu.vector_load %arg11[%get3A_375, %get3A_376] {strides = array<i32>} : memref<256x128xf32, #tpu.memory_space<vmem>>, vector<1x16xf32>,
      %get3A_378 = vector.shape_cast %get3A_377 : vector<1x16xf32> to vector<16xf32>
      %add3A_379 = arith.addf %add3A_372, %get3A_378 : vector<16xf32>
      %swap3A_380 = arith.index_cast %scan3A_294 : i32 to index
      %swap3A_381 = arith.constant 32 : index
      %swap3A_382 = tpu.vector_load %arg15[%swap3A_380, %swap3A_381] {strides = array<i32>} : memref<64x128xf32, #tpu.memory_space<vmem>>, vector<1x16xf32>,
      %swap3A_383 = vector.shape_cast %swap3A_382 : vector<1x16xf32> to vector<16xf32>
      %swap3A_384 = vector.shape_cast %add3A_379 : vector<16xf32> to vector<1x16xf32>
      tpu.vector_store %arg15[%swap3A_380, %swap3A_381], %swap3A_384 {strides = array<i32>} : memref<64x128xf32, #tpu.memory_space<vmem>>, vector<1x16xf32>,
      %get3A_385 = arith.index_cast %mul3A_296 : i32 to index
      %get3A_386 = arith.constant 48 : index
      %get3A_387 = tpu.vector_load %arg11[%get3A_385, %get3A_386] {strides = array<i32>} : memref<256x128xf32, #tpu.memory_space<vmem>>, vector<1x16xf32>,
      %get3A_388 = vector.shape_cast %get3A_387 : vector<1x16xf32> to vector<16xf32>
      %add3A_389 = arith.constant 1 : i32
      %add3A_390 = arith.addi %mul3A_296, %add3A_389 : i32
      %get3A_391 = arith.index_cast %add3A_390 : i32 to index
      %get3A_392 = arith.constant 48 : index
      %get3A_393 = tpu.vector_load %arg11[%get3A_391, %get3A_392] {strides = array<i32>} : memref<256x128xf32, #tpu.memory_space<vmem>>, vector<1x16xf32>,
      %get3A_394 = vector.shape_cast %get3A_393 : vector<1x16xf32> to vector<16xf32>
      %add3A_395 = arith.addf %get3A_388, %get3A_394 : vector<16xf32>
      %add3A_396 = arith.constant 2 : i32
      %add3A_397 = arith.addi %mul3A_296, %add3A_396 : i32
      %get3A_398 = arith.index_cast %add3A_397 : i32 to index
      %get3A_399 = arith.constant 48 : index
      %get3A_400 = tpu.vector_load %arg11[%get3A_398, %get3A_399] {strides = array<i32>} : memref<256x128xf32, #tpu.memory_space<vmem>>, vector<1x16xf32>,
      %get3A_401 = vector.shape_cast %get3A_400 : vector<1x16xf32> to vector<16xf32>
      %add3A_402 = arith.addf %add3A_395, %get3A_401 : vector<16xf32>
      %add3A_403 = arith.constant 3 : i32
      %add3A_404 = arith.addi %mul3A_296, %add3A_403 : i32
      %get3A_405 = arith.index_cast %add3A_404 : i32 to index
      %get3A_406 = arith.constant 48 : index
      %get3A_407 = tpu.vector_load %arg11[%get3A_405, %get3A_406] {strides = array<i32>} : memref<256x128xf32, #tpu.memory_space<vmem>>, vector<1x16xf32>,
      %get3A_408 = vector.shape_cast %get3A_407 : vector<1x16xf32> to vector<16xf32>
      %add3A_409 = arith.addf %add3A_402, %get3A_408 : vector<16xf32>
      %swap3A_410 = arith.index_cast %scan3A_294 : i32 to index
      %swap3A_411 = arith.constant 48 : index
      %swap3A_412 = tpu.vector_load %arg15[%swap3A_410, %swap3A_411] {strides = array<i32>} : memref<64x128xf32, #tpu.memory_space<vmem>>, vector<1x16xf32>,
      %swap3A_413 = vector.shape_cast %swap3A_412 : vector<1x16xf32> to vector<16xf32>
      %swap3A_414 = vector.shape_cast %add3A_409 : vector<16xf32> to vector<1x16xf32>
      tpu.vector_store %arg15[%swap3A_410, %swap3A_411], %swap3A_414 {strides = array<i32>} : memref<64x128xf32, #tpu.memory_space<vmem>>, vector<1x16xf32>,
      %get3A_415 = arith.index_cast %mul3A_296 : i32 to index
      %get3A_416 = arith.constant 64 : index
      %get3A_417 = tpu.vector_load %arg11[%get3A_415, %get3A_416] {strides = array<i32>} : memref<256x128xf32, #tpu.memory_space<vmem>>, vector<1x16xf32>,
      %get3A_418 = vector.shape_cast %get3A_417 : vector<1x16xf32> to vector<16xf32>
      %add3A_419 = arith.constant 1 : i32
      %add3A_420 = arith.addi %mul3A_296, %add3A_419 : i32
      %get3A_421 = arith.index_cast %add3A_420 : i32 to index
      %get3A_422 = arith.constant 64 : index
      %get3A_423 = tpu.vector_load %arg11[%get3A_421, %get3A_422] {strides = array<i32>} : memref<256x128xf32, #tpu.memory_space<vmem>>, vector<1x16xf32>,
      %get3A_424 = vector.shape_cast %get3A_423 : vector<1x16xf32> to vector<16xf32>
      %add3A_425 = arith.addf %get3A_418, %get3A_424 : vector<16xf32>
      %add3A_426 = arith.constant 2 : i32
      %add3A_427 = arith.addi %mul3A_296, %add3A_426 : i32
      %get3A_428 = arith.index_cast %add3A_427 : i32 to index
      %get3A_429 = arith.constant 64 : index
      %get3A_430 = tpu.vector_load %arg11[%get3A_428, %get3A_429] {strides = array<i32>} : memref<256x128xf32, #tpu.memory_space<vmem>>, vector<1x16xf32>,
      %get3A_431 = vector.shape_cast %get3A_430 : vector<1x16xf32> to vector<16xf32>
      %add3A_432 = arith.addf %add3A_425, %get3A_431 : vector<16xf32>
      %add3A_433 = arith.constant 3 : i32
      %add3A_434 = arith.addi %mul3A_296, %add3A_433 : i32
      %get3A_435 = arith.index_cast %add3A_434 : i32 to index
      %get3A_436 = arith.constant 64 : index
      %get3A_437 = tpu.vector_load %arg11[%get3A_435, %get3A_436] {strides = array<i32>} : memref<256x128xf32, #tpu.memory_space<vmem>>, vector<1x16xf32>,
      %get3A_438 = vector.shape_cast %get3A_437 : vector<1x16xf32> to vector<16xf32>
      %add3A_439 = arith.addf %add3A_432, %get3A_438 : vector<16xf32>
      %swap3A_440 = arith.index_cast %scan3A_294 : i32 to index
      %swap3A_441 = arith.constant 64 : index
      %swap3A_442 = tpu.vector_load %arg15[%swap3A_440, %swap3A_441] {strides = array<i32>} : memref<64x128xf32, #tpu.memory_space<vmem>>, vector<1x16xf32>,
      %swap3A_443 = vector.shape_cast %swap3A_442 : vector<1x16xf32> to vector<16xf32>
      %swap3A_444 = vector.shape_cast %add3A_439 : vector<16xf32> to vector<1x16xf32>
      tpu.vector_store %arg15[%swap3A_440, %swap3A_441], %swap3A_444 {strides = array<i32>} : memref<64x128xf32, #tpu.memory_space<vmem>>, vector<1x16xf32>,
      %get3A_445 = arith.index_cast %mul3A_296 : i32 to index
      %get3A_446 = arith.constant 80 : index
      %get3A_447 = tpu.vector_load %arg11[%get3A_445, %get3A_446] {strides = array<i32>} : memref<256x128xf32, #tpu.memory_space<vmem>>, vector<1x16xf32>,
      %get3A_448 = vector.shape_cast %get3A_447 : vector<1x16xf32> to vector<16xf32>
      %add3A_449 = arith.constant 1 : i32
      %add3A_450 = arith.addi %mul3A_296, %add3A_449 : i32
      %get3A_451 = arith.index_cast %add3A_450 : i32 to index
      %get3A_452 = arith.constant 80 : index
      %get3A_453 = tpu.vector_load %arg11[%get3A_451, %get3A_452] {strides = array<i32>} : memref<256x128xf32, #tpu.memory_space<vmem>>, vector<1x16xf32>,
      %get3A_454 = vector.shape_cast %get3A_453 : vector<1x16xf32> to vector<16xf32>
      %add3A_455 = arith.addf %get3A_448, %get3A_454 : vector<16xf32>
      %add3A_456 = arith.constant 2 : i32
      %add3A_457 = arith.addi %mul3A_296, %add3A_456 : i32
      %get3A_458 = arith.index_cast %add3A_457 : i32 to index
      %get3A_459 = arith.constant 80 : index
      %get3A_460 = tpu.vector_load %arg11[%get3A_458, %get3A_459] {strides = array<i32>} : memref<256x128xf32, #tpu.memory_space<vmem>>, vector<1x16xf32>,
      %get3A_461 = vector.shape_cast %get3A_460 : vector<1x16xf32> to vector<16xf32>
      %add3A_462 = arith.addf %add3A_455, %get3A_461 : vector<16xf32>
      %add3A_463 = arith.constant 3 : i32
      %add3A_464 = arith.addi %mul3A_296, %add3A_463 : i32
      %get3A_465 = arith.index_cast %add3A_464 : i32 to index
      %get3A_466 = arith.constant 80 : index
      %get3A_467 = tpu.vector_load %arg11[%get3A_465, %get3A_466] {strides = array<i32>} : memref<256x128xf32, #tpu.memory_space<vmem>>, vector<1x16xf32>,
      %get3A_468 = vector.shape_cast %get3A_467 : vector<1x16xf32> to vector<16xf32>
      %add3A_469 = arith.addf %add3A_462, %get3A_468 : vector<16xf32>
      %swap3A_470 = arith.index_cast %scan3A_294 : i32 to index
      %swap3A_471 = arith.constant 80 : index
      %swap3A_472 = tpu.vector_load %arg15[%swap3A_470, %swap3A_471] {strides = array<i32>} : memref<64x128xf32, #tpu.memory_space<vmem>>, vector<1x16xf32>,
      %swap3A_473 = vector.shape_cast %swap3A_472 : vector<1x16xf32> to vector<16xf32>
      %swap3A_474 = vector.shape_cast %add3A_469 : vector<16xf32> to vector<1x16xf32>
      tpu.vector_store %arg15[%swap3A_470, %swap3A_471], %swap3A_474 {strides = array<i32>} : memref<64x128xf32, #tpu.memory_space<vmem>>, vector<1x16xf32>,
      %get3A_475 = arith.index_cast %mul3A_296 : i32 to index
      %get3A_476 = arith.constant 96 : index
      %get3A_477 = tpu.vector_load %arg11[%get3A_475, %get3A_476] {strides = array<i32>} : memref<256x128xf32, #tpu.memory_space<vmem>>, vector<1x16xf32>,
      %get3A_478 = vector.shape_cast %get3A_477 : vector<1x16xf32> to vector<16xf32>
      %add3A_479 = arith.constant 1 : i32
      %add3A_480 = arith.addi %mul3A_296, %add3A_479 : i32
      %get3A_481 = arith.index_cast %add3A_480 : i32 to index
      %get3A_482 = arith.constant 96 : index
      %get3A_483 = tpu.vector_load %arg11[%get3A_481, %get3A_482] {strides = array<i32>} : memref<256x128xf32, #tpu.memory_space<vmem>>, vector<1x16xf32>,
      %get3A_484 = vector.shape_cast %get3A_483 : vector<1x16xf32> to vector<16xf32>
      %add3A_485 = arith.addf %get3A_478, %get3A_484 : vector<16xf32>
      %add3A_486 = arith.constant 2 : i32
      %add3A_487 = arith.addi %mul3A_296, %add3A_486 : i32
      %get3A_488 = arith.index_cast %add3A_487 : i32 to index
      %get3A_489 = arith.constant 96 : index
      %get3A_490 = tpu.vector_load %arg11[%get3A_488, %get3A_489] {strides = array<i32>} : memref<256x128xf32, #tpu.memory_space<vmem>>, vector<1x16xf32>,
      %get3A_491 = vector.shape_cast %get3A_490 : vector<1x16xf32> to vector<16xf32>
      %add3A_492 = arith.addf %add3A_485, %get3A_491 : vector<16xf32>
      %add3A_493 = arith.constant 3 : i32
      %add3A_494 = arith.addi %mul3A_296, %add3A_493 : i32
      %get3A_495 = arith.index_cast %add3A_494 : i32 to index
      %get3A_496 = arith.constant 96 : index
      %get3A_497 = tpu.vector_load %arg11[%get3A_495, %get3A_496] {strides = array<i32>} : memref<256x128xf32, #tpu.memory_space<vmem>>, vector<1x16xf32>,
      %get3A_498 = vector.shape_cast %get3A_497 : vector<1x16xf32> to vector<16xf32>
      %add3A_499 = arith.addf %add3A_492, %get3A_498 : vector<16xf32>
      %swap3A_500 = arith.index_cast %scan3A_294 : i32 to index
      %swap3A_501 = arith.constant 96 : index
      %swap3A_502 = tpu.vector_load %arg15[%swap3A_500, %swap3A_501] {strides = array<i32>} : memref<64x128xf32, #tpu.memory_space<vmem>>, vector<1x16xf32>,
      %swap3A_503 = vector.shape_cast %swap3A_502 : vector<1x16xf32> to vector<16xf32>
      %swap3A_504 = vector.shape_cast %add3A_499 : vector<16xf32> to vector<1x16xf32>
      tpu.vector_store %arg15[%swap3A_500, %swap3A_501], %swap3A_504 {strides = array<i32>} : memref<64x128xf32, #tpu.memory_space<vmem>>, vector<1x16xf32>,
      %get3A_505 = arith.index_cast %mul3A_296 : i32 to index
      %get3A_506 = arith.constant 112 : index
      %get3A_507 = tpu.vector_load %arg11[%get3A_505, %get3A_506] {strides = array<i32>} : memref<256x128xf32, #tpu.memory_space<vmem>>, vector<1x16xf32>,
      %get3A_508 = vector.shape_cast %get3A_507 : vector<1x16xf32> to vector<16xf32>
      %add3A_509 = arith.constant 1 : i32
      %add3A_510 = arith.addi %mul3A_296, %add3A_509 : i32
      %get3A_511 = arith.index_cast %add3A_510 : i32 to index
      %get3A_512 = arith.constant 112 : index
      %get3A_513 = tpu.vector_load %arg11[%get3A_511, %get3A_512] {strides = array<i32>} : memref<256x128xf32, #tpu.memory_space<vmem>>, vector<1x16xf32>,
      %get3A_514 = vector.shape_cast %get3A_513 : vector<1x16xf32> to vector<16xf32>
      %add3A_515 = arith.addf %get3A_508, %get3A_514 : vector<16xf32>
      %add3A_516 = arith.constant 2 : i32
      %add3A_517 = arith.addi %mul3A_296, %add3A_516 : i32
      %get3A_518 = arith.index_cast %add3A_517 : i32 to index
      %get3A_519 = arith.constant 112 : index
      %get3A_520 = tpu.vector_load %arg11[%get3A_518, %get3A_519] {strides = array<i32>} : memref<256x128xf32, #tpu.memory_space<vmem>>, vector<1x16xf32>,
      %get3A_521 = vector.shape_cast %get3A_520 : vector<1x16xf32> to vector<16xf32>
      %add3A_522 = arith.addf %add3A_515, %get3A_521 : vector<16xf32>
      %add3A_523 = arith.constant 3 : i32
      %add3A_524 = arith.addi %mul3A_296, %add3A_523 : i32
      %get3A_525 = arith.index_cast %add3A_524 : i32 to index
      %get3A_526 = arith.constant 112 : index
      %get3A_527 = tpu.vector_load %arg11[%get3A_525, %get3A_526] {strides = array<i32>} : memref<256x128xf32, #tpu.memory_space<vmem>>, vector<1x16xf32>,
      %get3A_528 = vector.shape_cast %get3A_527 : vector<1x16xf32> to vector<16xf32>
      %add3A_529 = arith.addf %add3A_522, %get3A_528 : vector<16xf32>
      %swap3A_530 = arith.index_cast %scan3A_294 : i32 to index
      %swap3A_531 = arith.constant 112 : index
      %swap3A_532 = tpu.vector_load %arg15[%swap3A_530, %swap3A_531] {strides = array<i32>} : memref<64x128xf32, #tpu.memory_space<vmem>>, vector<1x16xf32>,
      %swap3A_533 = vector.shape_cast %swap3A_532 : vector<1x16xf32> to vector<16xf32>
      %swap3A_534 = vector.shape_cast %add3A_529 : vector<16xf32> to vector<1x16xf32>
      tpu.vector_store %arg15[%swap3A_530, %swap3A_531], %swap3A_534 {strides = array<i32>} : memref<64x128xf32, #tpu.memory_space<vmem>>, vector<1x16xf32>,
    }
    %scan3A_237 = arith.constant 64 : i32
    %add3A_238 = arith.constant 320 : i32
    %add3A_239 = arith.addi %mul3A_2, %add3A_238 : i32
    %dma_start3A_240 = arith.constant 0 : i32
    %dma_start3A_241 = tpu.memref_slice %arg7[%add3A_239, %dma_start3A_240] : memref<16384x128xf32, #tpu.memory_space<hbm>> -> memref<64x128xf32, #tpu.memory_space<hbm>>
    %dma_start3A_242 = arith.constant 0 : i32
    %dma_start3A_243 = tpu.memref_slice %arg7[%add3A_239, %dma_start3A_242] : memref<16384x128xf32, #tpu.memory_space<hbm>> -> memref<64x128xf32, #tpu.memory_space<hbm>>
    tpu.enqueue_dma source(%arg15 : memref<64x128xf32, #tpu.memory_space<vmem>>) target(%dma_start3A_243 : memref<64x128xf32, #tpu.memory_space<hbm>>) target_semaphore(%arg22 : memref<!tpu.dma_semaphore, #tpu.memory_space<semaphore_mem>>)
    %dma_wait3A_244 = arith.constant 1536 : i32
    %dma_wait3A_245 = tpu.memref_slice %arg10[%dma_wait3A_244] : memref<2048xi32, #tpu.memory_space<vmem>> -> memref<256xi32, #tpu.memory_space<vmem>>
    %dma_wait3A_246 = arith.constant 0 : i32
    %dma_wait3A_247 = arith.constant 0 : i32
    %dma_wait3A_248 = tpu.memref_slice %arg3[%dma_wait3A_246, %dma_wait3A_247] : memref<100000x128xf32, #tpu.memory_space<hbm>> -> memref<100000x128xf32, #tpu.memory_space<hbm>>
    tpu.wait_indirect_dma semaphore(%arg17 : memref<!tpu.dma_semaphore, #tpu.memory_space<semaphore_mem>>) src(%dma_wait3A_248 : memref<100000x128xf32, #tpu.memory_space<hbm>>) dst(%arg12 : memref<256x128xf32, #tpu.memory_space<vmem>>)
    %dma_wait3A_249 = arith.constant 0 : i32
    %dma_wait3A_250 = tpu.memref_slice %arg7[%add3A_213, %dma_wait3A_249] : memref<16384x128xf32, #tpu.memory_space<hbm>> -> memref<64x128xf32, #tpu.memory_space<hbm>>
    %dma_wait3A_251 = arith.constant 0 : i32
    %dma_wait3A_252 = tpu.memref_slice %arg7[%add3A_213, %dma_wait3A_251] : memref<16384x128xf32, #tpu.memory_space<hbm>> -> memref<64x128xf32, #tpu.memory_space<hbm>>
    tpu.wait_dma2 semaphore(%arg22 : memref<!tpu.dma_semaphore, #tpu.memory_space<semaphore_mem>>) src(%arg14 : memref<64x128xf32, #tpu.memory_space<vmem>>) dst(%dma_wait3A_252 : memref<64x128xf32, #tpu.memory_space<hbm>>)
    %scan3A_253 = arith.constant 0 : i32
    %scan3A_254 = arith.constant 0 : i32
    %scan3A_255 = arith.constant 64 : i32
    %scan3A_256 = arith.addi %scan3A_254, %scan3A_255 : i32
    %scan3A_257 = arith.constant 1 : i32
    scf.for %scan3A_294 = %scan3A_254 to %scan3A_256 step %scan3A_257  : i32 {
      %mul3A_295 = arith.constant 4 : i32
      %mul3A_296 = arith.muli %mul3A_295, %scan3A_294 : i32
      %get3A = arith.index_cast %mul3A_296 : i32 to index
      %get3A_297 = arith.constant 0 : index
      %get3A_298 = tpu.vector_load %arg12[%get3A, %get3A_297] {strides = array<i32>} : memref<256x128xf32, #tpu.memory_space<vmem>>, vector<1x16xf32>,
      %get3A_299 = vector.shape_cast %get3A_298 : vector<1x16xf32> to vector<16xf32>
      %add3A_300 = arith.constant 1 : i32
      %add3A_301 = arith.addi %mul3A_296, %add3A_300 : i32
      %get3A_302 = arith.index_cast %add3A_301 : i32 to index
      %get3A_303 = arith.constant 0 : index
      %get3A_304 = tpu.vector_load %arg12[%get3A_302, %get3A_303] {strides = array<i32>} : memref<256x128xf32, #tpu.memory_space<vmem>>, vector<1x16xf32>,
      %get3A_305 = vector.shape_cast %get3A_304 : vector<1x16xf32> to vector<16xf32>
      %add3A_306 = arith.addf %get3A_299, %get3A_305 : vector<16xf32>
      %add3A_307 = arith.constant 2 : i32
      %add3A_308 = arith.addi %mul3A_296, %add3A_307 : i32
      %get3A_309 = arith.index_cast %add3A_308 : i32 to index
      %get3A_310 = arith.constant 0 : index
      %get3A_311 = tpu.vector_load %arg12[%get3A_309, %get3A_310] {strides = array<i32>} : memref<256x128xf32, #tpu.memory_space<vmem>>, vector<1x16xf32>,
      %get3A_312 = vector.shape_cast %get3A_311 : vector<1x16xf32> to vector<16xf32>
      %add3A_313 = arith.addf %add3A_306, %get3A_312 : vector<16xf32>
      %add3A_314 = arith.constant 3 : i32
      %add3A_315 = arith.addi %mul3A_296, %add3A_314 : i32
      %get3A_316 = arith.index_cast %add3A_315 : i32 to index
      %get3A_317 = arith.constant 0 : index
      %get3A_318 = tpu.vector_load %arg12[%get3A_316, %get3A_317] {strides = array<i32>} : memref<256x128xf32, #tpu.memory_space<vmem>>, vector<1x16xf32>,
      %get3A_319 = vector.shape_cast %get3A_318 : vector<1x16xf32> to vector<16xf32>
      %add3A_320 = arith.addf %add3A_313, %get3A_319 : vector<16xf32>
      %swap3A = arith.index_cast %scan3A_294 : i32 to index
      %swap3A_321 = arith.constant 0 : index
      %swap3A_322 = tpu.vector_load %arg14[%swap3A, %swap3A_321] {strides = array<i32>} : memref<64x128xf32, #tpu.memory_space<vmem>>, vector<1x16xf32>,
      %swap3A_323 = vector.shape_cast %swap3A_322 : vector<1x16xf32> to vector<16xf32>
      %swap3A_324 = vector.shape_cast %add3A_320 : vector<16xf32> to vector<1x16xf32>
      tpu.vector_store %arg14[%swap3A, %swap3A_321], %swap3A_324 {strides = array<i32>} : memref<64x128xf32, #tpu.memory_space<vmem>>, vector<1x16xf32>,
      %get3A_325 = arith.index_cast %mul3A_296 : i32 to index
      %get3A_326 = arith.constant 16 : index
      %get3A_327 = tpu.vector_load %arg12[%get3A_325, %get3A_326] {strides = array<i32>} : memref<256x128xf32, #tpu.memory_space<vmem>>, vector<1x16xf32>,
      %get3A_328 = vector.shape_cast %get3A_327 : vector<1x16xf32> to vector<16xf32>
      %add3A_329 = arith.constant 1 : i32
      %add3A_330 = arith.addi %mul3A_296, %add3A_329 : i32
      %get3A_331 = arith.index_cast %add3A_330 : i32 to index
      %get3A_332 = arith.constant 16 : index
      %get3A_333 = tpu.vector_load %arg12[%get3A_331, %get3A_332] {strides = array<i32>} : memref<256x128xf32, #tpu.memory_space<vmem>>, vector<1x16xf32>,
      %get3A_334 = vector.shape_cast %get3A_333 : vector<1x16xf32> to vector<16xf32>
      %add3A_335 = arith.addf %get3A_328, %get3A_334 : vector<16xf32>
      %add3A_336 = arith.constant 2 : i32
      %add3A_337 = arith.addi %mul3A_296, %add3A_336 : i32
      %get3A_338 = arith.index_cast %add3A_337 : i32 to index
      %get3A_339 = arith.constant 16 : index
      %get3A_340 = tpu.vector_load %arg12[%get3A_338, %get3A_339] {strides = array<i32>} : memref<256x128xf32, #tpu.memory_space<vmem>>, vector<1x16xf32>,
      %get3A_341 = vector.shape_cast %get3A_340 : vector<1x16xf32> to vector<16xf32>
      %add3A_342 = arith.addf %add3A_335, %get3A_341 : vector<16xf32>
      %add3A_343 = arith.constant 3 : i32
      %add3A_344 = arith.addi %mul3A_296, %add3A_343 : i32
      %get3A_345 = arith.index_cast %add3A_344 : i32 to index
      %get3A_346 = arith.constant 16 : index
      %get3A_347 = tpu.vector_load %arg12[%get3A_345, %get3A_346] {strides = array<i32>} : memref<256x128xf32, #tpu.memory_space<vmem>>, vector<1x16xf32>,
      %get3A_348 = vector.shape_cast %get3A_347 : vector<1x16xf32> to vector<16xf32>
      %add3A_349 = arith.addf %add3A_342, %get3A_348 : vector<16xf32>
      %swap3A_350 = arith.index_cast %scan3A_294 : i32 to index
      %swap3A_351 = arith.constant 16 : index
      %swap3A_352 = tpu.vector_load %arg14[%swap3A_350, %swap3A_351] {strides = array<i32>} : memref<64x128xf32, #tpu.memory_space<vmem>>, vector<1x16xf32>,
      %swap3A_353 = vector.shape_cast %swap3A_352 : vector<1x16xf32> to vector<16xf32>
      %swap3A_354 = vector.shape_cast %add3A_349 : vector<16xf32> to vector<1x16xf32>
      tpu.vector_store %arg14[%swap3A_350, %swap3A_351], %swap3A_354 {strides = array<i32>} : memref<64x128xf32, #tpu.memory_space<vmem>>, vector<1x16xf32>,
      %get3A_355 = arith.index_cast %mul3A_296 : i32 to index
      %get3A_356 = arith.constant 32 : index
      %get3A_357 = tpu.vector_load %arg12[%get3A_355, %get3A_356] {strides = array<i32>} : memref<256x128xf32, #tpu.memory_space<vmem>>, vector<1x16xf32>,
      %get3A_358 = vector.shape_cast %get3A_357 : vector<1x16xf32> to vector<16xf32>
      %add3A_359 = arith.constant 1 : i32
      %add3A_360 = arith.addi %mul3A_296, %add3A_359 : i32
      %get3A_361 = arith.index_cast %add3A_360 : i32 to index
      %get3A_362 = arith.constant 32 : index
      %get3A_363 = tpu.vector_load %arg12[%get3A_361, %get3A_362] {strides = array<i32>} : memref<256x128xf32, #tpu.memory_space<vmem>>, vector<1x16xf32>,
      %get3A_364 = vector.shape_cast %get3A_363 : vector<1x16xf32> to vector<16xf32>
      %add3A_365 = arith.addf %get3A_358, %get3A_364 : vector<16xf32>
      %add3A_366 = arith.constant 2 : i32
      %add3A_367 = arith.addi %mul3A_296, %add3A_366 : i32
      %get3A_368 = arith.index_cast %add3A_367 : i32 to index
      %get3A_369 = arith.constant 32 : index
      %get3A_370 = tpu.vector_load %arg12[%get3A_368, %get3A_369] {strides = array<i32>} : memref<256x128xf32, #tpu.memory_space<vmem>>, vector<1x16xf32>,
      %get3A_371 = vector.shape_cast %get3A_370 : vector<1x16xf32> to vector<16xf32>
      %add3A_372 = arith.addf %add3A_365, %get3A_371 : vector<16xf32>
      %add3A_373 = arith.constant 3 : i32
      %add3A_374 = arith.addi %mul3A_296, %add3A_373 : i32
      %get3A_375 = arith.index_cast %add3A_374 : i32 to index
      %get3A_376 = arith.constant 32 : index
      %get3A_377 = tpu.vector_load %arg12[%get3A_375, %get3A_376] {strides = array<i32>} : memref<256x128xf32, #tpu.memory_space<vmem>>, vector<1x16xf32>,
      %get3A_378 = vector.shape_cast %get3A_377 : vector<1x16xf32> to vector<16xf32>
      %add3A_379 = arith.addf %add3A_372, %get3A_378 : vector<16xf32>
      %swap3A_380 = arith.index_cast %scan3A_294 : i32 to index
      %swap3A_381 = arith.constant 32 : index
      %swap3A_382 = tpu.vector_load %arg14[%swap3A_380, %swap3A_381] {strides = array<i32>} : memref<64x128xf32, #tpu.memory_space<vmem>>, vector<1x16xf32>,
      %swap3A_383 = vector.shape_cast %swap3A_382 : vector<1x16xf32> to vector<16xf32>
      %swap3A_384 = vector.shape_cast %add3A_379 : vector<16xf32> to vector<1x16xf32>
      tpu.vector_store %arg14[%swap3A_380, %swap3A_381], %swap3A_384 {strides = array<i32>} : memref<64x128xf32, #tpu.memory_space<vmem>>, vector<1x16xf32>,
      %get3A_385 = arith.index_cast %mul3A_296 : i32 to index
      %get3A_386 = arith.constant 48 : index
      %get3A_387 = tpu.vector_load %arg12[%get3A_385, %get3A_386] {strides = array<i32>} : memref<256x128xf32, #tpu.memory_space<vmem>>, vector<1x16xf32>,
      %get3A_388 = vector.shape_cast %get3A_387 : vector<1x16xf32> to vector<16xf32>
      %add3A_389 = arith.constant 1 : i32
      %add3A_390 = arith.addi %mul3A_296, %add3A_389 : i32
      %get3A_391 = arith.index_cast %add3A_390 : i32 to index
      %get3A_392 = arith.constant 48 : index
      %get3A_393 = tpu.vector_load %arg12[%get3A_391, %get3A_392] {strides = array<i32>} : memref<256x128xf32, #tpu.memory_space<vmem>>, vector<1x16xf32>,
      %get3A_394 = vector.shape_cast %get3A_393 : vector<1x16xf32> to vector<16xf32>
      %add3A_395 = arith.addf %get3A_388, %get3A_394 : vector<16xf32>
      %add3A_396 = arith.constant 2 : i32
      %add3A_397 = arith.addi %mul3A_296, %add3A_396 : i32
      %get3A_398 = arith.index_cast %add3A_397 : i32 to index
      %get3A_399 = arith.constant 48 : index
      %get3A_400 = tpu.vector_load %arg12[%get3A_398, %get3A_399] {strides = array<i32>} : memref<256x128xf32, #tpu.memory_space<vmem>>, vector<1x16xf32>,
      %get3A_401 = vector.shape_cast %get3A_400 : vector<1x16xf32> to vector<16xf32>
      %add3A_402 = arith.addf %add3A_395, %get3A_401 : vector<16xf32>
      %add3A_403 = arith.constant 3 : i32
      %add3A_404 = arith.addi %mul3A_296, %add3A_403 : i32
      %get3A_405 = arith.index_cast %add3A_404 : i32 to index
      %get3A_406 = arith.constant 48 : index
      %get3A_407 = tpu.vector_load %arg12[%get3A_405, %get3A_406] {strides = array<i32>} : memref<256x128xf32, #tpu.memory_space<vmem>>, vector<1x16xf32>,
      %get3A_408 = vector.shape_cast %get3A_407 : vector<1x16xf32> to vector<16xf32>
      %add3A_409 = arith.addf %add3A_402, %get3A_408 : vector<16xf32>
      %swap3A_410 = arith.index_cast %scan3A_294 : i32 to index
      %swap3A_411 = arith.constant 48 : index
      %swap3A_412 = tpu.vector_load %arg14[%swap3A_410, %swap3A_411] {strides = array<i32>} : memref<64x128xf32, #tpu.memory_space<vmem>>, vector<1x16xf32>,
      %swap3A_413 = vector.shape_cast %swap3A_412 : vector<1x16xf32> to vector<16xf32>
      %swap3A_414 = vector.shape_cast %add3A_409 : vector<16xf32> to vector<1x16xf32>
      tpu.vector_store %arg14[%swap3A_410, %swap3A_411], %swap3A_414 {strides = array<i32>} : memref<64x128xf32, #tpu.memory_space<vmem>>, vector<1x16xf32>,
      %get3A_415 = arith.index_cast %mul3A_296 : i32 to index
      %get3A_416 = arith.constant 64 : index
      %get3A_417 = tpu.vector_load %arg12[%get3A_415, %get3A_416] {strides = array<i32>} : memref<256x128xf32, #tpu.memory_space<vmem>>, vector<1x16xf32>,
      %get3A_418 = vector.shape_cast %get3A_417 : vector<1x16xf32> to vector<16xf32>
      %add3A_419 = arith.constant 1 : i32
      %add3A_420 = arith.addi %mul3A_296, %add3A_419 : i32
      %get3A_421 = arith.index_cast %add3A_420 : i32 to index
      %get3A_422 = arith.constant 64 : index
      %get3A_423 = tpu.vector_load %arg12[%get3A_421, %get3A_422] {strides = array<i32>} : memref<256x128xf32, #tpu.memory_space<vmem>>, vector<1x16xf32>,
      %get3A_424 = vector.shape_cast %get3A_423 : vector<1x16xf32> to vector<16xf32>
      %add3A_425 = arith.addf %get3A_418, %get3A_424 : vector<16xf32>
      %add3A_426 = arith.constant 2 : i32
      %add3A_427 = arith.addi %mul3A_296, %add3A_426 : i32
      %get3A_428 = arith.index_cast %add3A_427 : i32 to index
      %get3A_429 = arith.constant 64 : index
      %get3A_430 = tpu.vector_load %arg12[%get3A_428, %get3A_429] {strides = array<i32>} : memref<256x128xf32, #tpu.memory_space<vmem>>, vector<1x16xf32>,
      %get3A_431 = vector.shape_cast %get3A_430 : vector<1x16xf32> to vector<16xf32>
      %add3A_432 = arith.addf %add3A_425, %get3A_431 : vector<16xf32>
      %add3A_433 = arith.constant 3 : i32
      %add3A_434 = arith.addi %mul3A_296, %add3A_433 : i32
      %get3A_435 = arith.index_cast %add3A_434 : i32 to index
      %get3A_436 = arith.constant 64 : index
      %get3A_437 = tpu.vector_load %arg12[%get3A_435, %get3A_436] {strides = array<i32>} : memref<256x128xf32, #tpu.memory_space<vmem>>, vector<1x16xf32>,
      %get3A_438 = vector.shape_cast %get3A_437 : vector<1x16xf32> to vector<16xf32>
      %add3A_439 = arith.addf %add3A_432, %get3A_438 : vector<16xf32>
      %swap3A_440 = arith.index_cast %scan3A_294 : i32 to index
      %swap3A_441 = arith.constant 64 : index
      %swap3A_442 = tpu.vector_load %arg14[%swap3A_440, %swap3A_441] {strides = array<i32>} : memref<64x128xf32, #tpu.memory_space<vmem>>, vector<1x16xf32>,
      %swap3A_443 = vector.shape_cast %swap3A_442 : vector<1x16xf32> to vector<16xf32>
      %swap3A_444 = vector.shape_cast %add3A_439 : vector<16xf32> to vector<1x16xf32>
      tpu.vector_store %arg14[%swap3A_440, %swap3A_441], %swap3A_444 {strides = array<i32>} : memref<64x128xf32, #tpu.memory_space<vmem>>, vector<1x16xf32>,
      %get3A_445 = arith.index_cast %mul3A_296 : i32 to index
      %get3A_446 = arith.constant 80 : index
      %get3A_447 = tpu.vector_load %arg12[%get3A_445, %get3A_446] {strides = array<i32>} : memref<256x128xf32, #tpu.memory_space<vmem>>, vector<1x16xf32>,
      %get3A_448 = vector.shape_cast %get3A_447 : vector<1x16xf32> to vector<16xf32>
      %add3A_449 = arith.constant 1 : i32
      %add3A_450 = arith.addi %mul3A_296, %add3A_449 : i32
      %get3A_451 = arith.index_cast %add3A_450 : i32 to index
      %get3A_452 = arith.constant 80 : index
      %get3A_453 = tpu.vector_load %arg12[%get3A_451, %get3A_452] {strides = array<i32>} : memref<256x128xf32, #tpu.memory_space<vmem>>, vector<1x16xf32>,
      %get3A_454 = vector.shape_cast %get3A_453 : vector<1x16xf32> to vector<16xf32>
      %add3A_455 = arith.addf %get3A_448, %get3A_454 : vector<16xf32>
      %add3A_456 = arith.constant 2 : i32
      %add3A_457 = arith.addi %mul3A_296, %add3A_456 : i32
      %get3A_458 = arith.index_cast %add3A_457 : i32 to index
      %get3A_459 = arith.constant 80 : index
      %get3A_460 = tpu.vector_load %arg12[%get3A_458, %get3A_459] {strides = array<i32>} : memref<256x128xf32, #tpu.memory_space<vmem>>, vector<1x16xf32>,
      %get3A_461 = vector.shape_cast %get3A_460 : vector<1x16xf32> to vector<16xf32>
      %add3A_462 = arith.addf %add3A_455, %get3A_461 : vector<16xf32>
      %add3A_463 = arith.constant 3 : i32
      %add3A_464 = arith.addi %mul3A_296, %add3A_463 : i32
      %get3A_465 = arith.index_cast %add3A_464 : i32 to index
      %get3A_466 = arith.constant 80 : index
      %get3A_467 = tpu.vector_load %arg12[%get3A_465, %get3A_466] {strides = array<i32>} : memref<256x128xf32, #tpu.memory_space<vmem>>, vector<1x16xf32>,
      %get3A_468 = vector.shape_cast %get3A_467 : vector<1x16xf32> to vector<16xf32>
      %add3A_469 = arith.addf %add3A_462, %get3A_468 : vector<16xf32>
      %swap3A_470 = arith.index_cast %scan3A_294 : i32 to index
      %swap3A_471 = arith.constant 80 : index
      %swap3A_472 = tpu.vector_load %arg14[%swap3A_470, %swap3A_471] {strides = array<i32>} : memref<64x128xf32, #tpu.memory_space<vmem>>, vector<1x16xf32>,
      %swap3A_473 = vector.shape_cast %swap3A_472 : vector<1x16xf32> to vector<16xf32>
      %swap3A_474 = vector.shape_cast %add3A_469 : vector<16xf32> to vector<1x16xf32>
      tpu.vector_store %arg14[%swap3A_470, %swap3A_471], %swap3A_474 {strides = array<i32>} : memref<64x128xf32, #tpu.memory_space<vmem>>, vector<1x16xf32>,
      %get3A_475 = arith.index_cast %mul3A_296 : i32 to index
      %get3A_476 = arith.constant 96 : index
      %get3A_477 = tpu.vector_load %arg12[%get3A_475, %get3A_476] {strides = array<i32>} : memref<256x128xf32, #tpu.memory_space<vmem>>, vector<1x16xf32>,
      %get3A_478 = vector.shape_cast %get3A_477 : vector<1x16xf32> to vector<16xf32>
      %add3A_479 = arith.constant 1 : i32
      %add3A_480 = arith.addi %mul3A_296, %add3A_479 : i32
      %get3A_481 = arith.index_cast %add3A_480 : i32 to index
      %get3A_482 = arith.constant 96 : index
      %get3A_483 = tpu.vector_load %arg12[%get3A_481, %get3A_482] {strides = array<i32>} : memref<256x128xf32, #tpu.memory_space<vmem>>, vector<1x16xf32>,
      %get3A_484 = vector.shape_cast %get3A_483 : vector<1x16xf32> to vector<16xf32>
      %add3A_485 = arith.addf %get3A_478, %get3A_484 : vector<16xf32>
      %add3A_486 = arith.constant 2 : i32
      %add3A_487 = arith.addi %mul3A_296, %add3A_486 : i32
      %get3A_488 = arith.index_cast %add3A_487 : i32 to index
      %get3A_489 = arith.constant 96 : index
      %get3A_490 = tpu.vector_load %arg12[%get3A_488, %get3A_489] {strides = array<i32>} : memref<256x128xf32, #tpu.memory_space<vmem>>, vector<1x16xf32>,
      %get3A_491 = vector.shape_cast %get3A_490 : vector<1x16xf32> to vector<16xf32>
      %add3A_492 = arith.addf %add3A_485, %get3A_491 : vector<16xf32>
      %add3A_493 = arith.constant 3 : i32
      %add3A_494 = arith.addi %mul3A_296, %add3A_493 : i32
      %get3A_495 = arith.index_cast %add3A_494 : i32 to index
      %get3A_496 = arith.constant 96 : index
      %get3A_497 = tpu.vector_load %arg12[%get3A_495, %get3A_496] {strides = array<i32>} : memref<256x128xf32, #tpu.memory_space<vmem>>, vector<1x16xf32>,
      %get3A_498 = vector.shape_cast %get3A_497 : vector<1x16xf32> to vector<16xf32>
      %add3A_499 = arith.addf %add3A_492, %get3A_498 : vector<16xf32>
      %swap3A_500 = arith.index_cast %scan3A_294 : i32 to index
      %swap3A_501 = arith.constant 96 : index
      %swap3A_502 = tpu.vector_load %arg14[%swap3A_500, %swap3A_501] {strides = array<i32>} : memref<64x128xf32, #tpu.memory_space<vmem>>, vector<1x16xf32>,
      %swap3A_503 = vector.shape_cast %swap3A_502 : vector<1x16xf32> to vector<16xf32>
      %swap3A_504 = vector.shape_cast %add3A_499 : vector<16xf32> to vector<1x16xf32>
      tpu.vector_store %arg14[%swap3A_500, %swap3A_501], %swap3A_504 {strides = array<i32>} : memref<64x128xf32, #tpu.memory_space<vmem>>, vector<1x16xf32>,
      %get3A_505 = arith.index_cast %mul3A_296 : i32 to index
      %get3A_506 = arith.constant 112 : index
      %get3A_507 = tpu.vector_load %arg12[%get3A_505, %get3A_506] {strides = array<i32>} : memref<256x128xf32, #tpu.memory_space<vmem>>, vector<1x16xf32>,
      %get3A_508 = vector.shape_cast %get3A_507 : vector<1x16xf32> to vector<16xf32>
      %add3A_509 = arith.constant 1 : i32
      %add3A_510 = arith.addi %mul3A_296, %add3A_509 : i32
      %get3A_511 = arith.index_cast %add3A_510 : i32 to index
      %get3A_512 = arith.constant 112 : index
      %get3A_513 = tpu.vector_load %arg12[%get3A_511, %get3A_512] {strides = array<i32>} : memref<256x128xf32, #tpu.memory_space<vmem>>, vector<1x16xf32>,
      %get3A_514 = vector.shape_cast %get3A_513 : vector<1x16xf32> to vector<16xf32>
      %add3A_515 = arith.addf %get3A_508, %get3A_514 : vector<16xf32>
      %add3A_516 = arith.constant 2 : i32
      %add3A_517 = arith.addi %mul3A_296, %add3A_516 : i32
      %get3A_518 = arith.index_cast %add3A_517 : i32 to index
      %get3A_519 = arith.constant 112 : index
      %get3A_520 = tpu.vector_load %arg12[%get3A_518, %get3A_519] {strides = array<i32>} : memref<256x128xf32, #tpu.memory_space<vmem>>, vector<1x16xf32>,
      %get3A_521 = vector.shape_cast %get3A_520 : vector<1x16xf32> to vector<16xf32>
      %add3A_522 = arith.addf %add3A_515, %get3A_521 : vector<16xf32>
      %add3A_523 = arith.constant 3 : i32
      %add3A_524 = arith.addi %mul3A_296, %add3A_523 : i32
      %get3A_525 = arith.index_cast %add3A_524 : i32 to index
      %get3A_526 = arith.constant 112 : index
      %get3A_527 = tpu.vector_load %arg12[%get3A_525, %get3A_526] {strides = array<i32>} : memref<256x128xf32, #tpu.memory_space<vmem>>, vector<1x16xf32>,
      %get3A_528 = vector.shape_cast %get3A_527 : vector<1x16xf32> to vector<16xf32>
      %add3A_529 = arith.addf %add3A_522, %get3A_528 : vector<16xf32>
      %swap3A_530 = arith.index_cast %scan3A_294 : i32 to index
      %swap3A_531 = arith.constant 112 : index
      %swap3A_532 = tpu.vector_load %arg14[%swap3A_530, %swap3A_531] {strides = array<i32>} : memref<64x128xf32, #tpu.memory_space<vmem>>, vector<1x16xf32>,
      %swap3A_533 = vector.shape_cast %swap3A_532 : vector<1x16xf32> to vector<16xf32>
      %swap3A_534 = vector.shape_cast %add3A_529 : vector<16xf32> to vector<1x16xf32>
      tpu.vector_store %arg14[%swap3A_530, %swap3A_531], %swap3A_534 {strides = array<i32>} : memref<64x128xf32, #tpu.memory_space<vmem>>, vector<1x16xf32>,
    }
    %scan3A_258 = arith.constant 64 : i32
    %add3A_259 = arith.constant 384 : i32
    %add3A_260 = arith.addi %mul3A_2, %add3A_259 : i32
    %dma_start3A_261 = arith.constant 0 : i32
    %dma_start3A_262 = tpu.memref_slice %arg7[%add3A_260, %dma_start3A_261] : memref<16384x128xf32, #tpu.memory_space<hbm>> -> memref<64x128xf32, #tpu.memory_space<hbm>>
    %dma_start3A_263 = arith.constant 0 : i32
    %dma_start3A_264 = tpu.memref_slice %arg7[%add3A_260, %dma_start3A_263] : memref<16384x128xf32, #tpu.memory_space<hbm>> -> memref<64x128xf32, #tpu.memory_space<hbm>>
    tpu.enqueue_dma source(%arg14 : memref<64x128xf32, #tpu.memory_space<vmem>>) target(%dma_start3A_264 : memref<64x128xf32, #tpu.memory_space<hbm>>) target_semaphore(%arg22 : memref<!tpu.dma_semaphore, #tpu.memory_space<semaphore_mem>>)
    %dma_wait3A_265 = arith.constant 1792 : i32
    %dma_wait3A_266 = tpu.memref_slice %arg10[%dma_wait3A_265] : memref<2048xi32, #tpu.memory_space<vmem>> -> memref<256xi32, #tpu.memory_space<vmem>>
    %dma_wait3A_267 = arith.constant 0 : i32
    %dma_wait3A_268 = arith.constant 0 : i32
    %dma_wait3A_269 = tpu.memref_slice %arg3[%dma_wait3A_267, %dma_wait3A_268] : memref<100000x128xf32, #tpu.memory_space<hbm>> -> memref<100000x128xf32, #tpu.memory_space<hbm>>
    tpu.wait_indirect_dma semaphore(%arg18 : memref<!tpu.dma_semaphore, #tpu.memory_space<semaphore_mem>>) src(%dma_wait3A_269 : memref<100000x128xf32, #tpu.memory_space<hbm>>) dst(%arg13 : memref<256x128xf32, #tpu.memory_space<vmem>>)
    %dma_wait3A_270 = arith.constant 0 : i32
    %dma_wait3A_271 = tpu.memref_slice %arg7[%add3A_239, %dma_wait3A_270] : memref<16384x128xf32, #tpu.memory_space<hbm>> -> memref<64x128xf32, #tpu.memory_space<hbm>>
    %dma_wait3A_272 = arith.constant 0 : i32
    %dma_wait3A_273 = tpu.memref_slice %arg7[%add3A_239, %dma_wait3A_272] : memref<16384x128xf32, #tpu.memory_space<hbm>> -> memref<64x128xf32, #tpu.memory_space<hbm>>
    tpu.wait_dma2 semaphore(%arg22 : memref<!tpu.dma_semaphore, #tpu.memory_space<semaphore_mem>>) src(%arg15 : memref<64x128xf32, #tpu.memory_space<vmem>>) dst(%dma_wait3A_273 : memref<64x128xf32, #tpu.memory_space<hbm>>)
    %scan3A_274 = arith.constant 0 : i32
    %scan3A_275 = arith.constant 0 : i32
    %scan3A_276 = arith.constant 64 : i32
    %scan3A_277 = arith.addi %scan3A_275, %scan3A_276 : i32
    %scan3A_278 = arith.constant 1 : i32
    scf.for %scan3A_294 = %scan3A_275 to %scan3A_277 step %scan3A_278  : i32 {
      %mul3A_295 = arith.constant 4 : i32
      %mul3A_296 = arith.muli %mul3A_295, %scan3A_294 : i32
      %get3A = arith.index_cast %mul3A_296 : i32 to index
      %get3A_297 = arith.constant 0 : index
      %get3A_298 = tpu.vector_load %arg13[%get3A, %get3A_297] {strides = array<i32>} : memref<256x128xf32, #tpu.memory_space<vmem>>, vector<1x16xf32>,
      %get3A_299 = vector.shape_cast %get3A_298 : vector<1x16xf32> to vector<16xf32>
      %add3A_300 = arith.constant 1 : i32
      %add3A_301 = arith.addi %mul3A_296, %add3A_300 : i32
      %get3A_302 = arith.index_cast %add3A_301 : i32 to index
      %get3A_303 = arith.constant 0 : index
      %get3A_304 = tpu.vector_load %arg13[%get3A_302, %get3A_303] {strides = array<i32>} : memref<256x128xf32, #tpu.memory_space<vmem>>, vector<1x16xf32>,
      %get3A_305 = vector.shape_cast %get3A_304 : vector<1x16xf32> to vector<16xf32>
      %add3A_306 = arith.addf %get3A_299, %get3A_305 : vector<16xf32>
      %add3A_307 = arith.constant 2 : i32
      %add3A_308 = arith.addi %mul3A_296, %add3A_307 : i32
      %get3A_309 = arith.index_cast %add3A_308 : i32 to index
      %get3A_310 = arith.constant 0 : index
      %get3A_311 = tpu.vector_load %arg13[%get3A_309, %get3A_310] {strides = array<i32>} : memref<256x128xf32, #tpu.memory_space<vmem>>, vector<1x16xf32>,
      %get3A_312 = vector.shape_cast %get3A_311 : vector<1x16xf32> to vector<16xf32>
      %add3A_313 = arith.addf %add3A_306, %get3A_312 : vector<16xf32>
      %add3A_314 = arith.constant 3 : i32
      %add3A_315 = arith.addi %mul3A_296, %add3A_314 : i32
      %get3A_316 = arith.index_cast %add3A_315 : i32 to index
      %get3A_317 = arith.constant 0 : index
      %get3A_318 = tpu.vector_load %arg13[%get3A_316, %get3A_317] {strides = array<i32>} : memref<256x128xf32, #tpu.memory_space<vmem>>, vector<1x16xf32>,
      %get3A_319 = vector.shape_cast %get3A_318 : vector<1x16xf32> to vector<16xf32>
      %add3A_320 = arith.addf %add3A_313, %get3A_319 : vector<16xf32>
      %swap3A = arith.index_cast %scan3A_294 : i32 to index
      %swap3A_321 = arith.constant 0 : index
      %swap3A_322 = tpu.vector_load %arg15[%swap3A, %swap3A_321] {strides = array<i32>} : memref<64x128xf32, #tpu.memory_space<vmem>>, vector<1x16xf32>,
      %swap3A_323 = vector.shape_cast %swap3A_322 : vector<1x16xf32> to vector<16xf32>
      %swap3A_324 = vector.shape_cast %add3A_320 : vector<16xf32> to vector<1x16xf32>
      tpu.vector_store %arg15[%swap3A, %swap3A_321], %swap3A_324 {strides = array<i32>} : memref<64x128xf32, #tpu.memory_space<vmem>>, vector<1x16xf32>,
      %get3A_325 = arith.index_cast %mul3A_296 : i32 to index
      %get3A_326 = arith.constant 16 : index
      %get3A_327 = tpu.vector_load %arg13[%get3A_325, %get3A_326] {strides = array<i32>} : memref<256x128xf32, #tpu.memory_space<vmem>>, vector<1x16xf32>,
      %get3A_328 = vector.shape_cast %get3A_327 : vector<1x16xf32> to vector<16xf32>
      %add3A_329 = arith.constant 1 : i32
      %add3A_330 = arith.addi %mul3A_296, %add3A_329 : i32
      %get3A_331 = arith.index_cast %add3A_330 : i32 to index
      %get3A_332 = arith.constant 16 : index
      %get3A_333 = tpu.vector_load %arg13[%get3A_331, %get3A_332] {strides = array<i32>} : memref<256x128xf32, #tpu.memory_space<vmem>>, vector<1x16xf32>,
      %get3A_334 = vector.shape_cast %get3A_333 : vector<1x16xf32> to vector<16xf32>
      %add3A_335 = arith.addf %get3A_328, %get3A_334 : vector<16xf32>
      %add3A_336 = arith.constant 2 : i32
      %add3A_337 = arith.addi %mul3A_296, %add3A_336 : i32
      %get3A_338 = arith.index_cast %add3A_337 : i32 to index
      %get3A_339 = arith.constant 16 : index
      %get3A_340 = tpu.vector_load %arg13[%get3A_338, %get3A_339] {strides = array<i32>} : memref<256x128xf32, #tpu.memory_space<vmem>>, vector<1x16xf32>,
      %get3A_341 = vector.shape_cast %get3A_340 : vector<1x16xf32> to vector<16xf32>
      %add3A_342 = arith.addf %add3A_335, %get3A_341 : vector<16xf32>
      %add3A_343 = arith.constant 3 : i32
      %add3A_344 = arith.addi %mul3A_296, %add3A_343 : i32
      %get3A_345 = arith.index_cast %add3A_344 : i32 to index
      %get3A_346 = arith.constant 16 : index
      %get3A_347 = tpu.vector_load %arg13[%get3A_345, %get3A_346] {strides = array<i32>} : memref<256x128xf32, #tpu.memory_space<vmem>>, vector<1x16xf32>,
      %get3A_348 = vector.shape_cast %get3A_347 : vector<1x16xf32> to vector<16xf32>
      %add3A_349 = arith.addf %add3A_342, %get3A_348 : vector<16xf32>
      %swap3A_350 = arith.index_cast %scan3A_294 : i32 to index
      %swap3A_351 = arith.constant 16 : index
      %swap3A_352 = tpu.vector_load %arg15[%swap3A_350, %swap3A_351] {strides = array<i32>} : memref<64x128xf32, #tpu.memory_space<vmem>>, vector<1x16xf32>,
      %swap3A_353 = vector.shape_cast %swap3A_352 : vector<1x16xf32> to vector<16xf32>
      %swap3A_354 = vector.shape_cast %add3A_349 : vector<16xf32> to vector<1x16xf32>
      tpu.vector_store %arg15[%swap3A_350, %swap3A_351], %swap3A_354 {strides = array<i32>} : memref<64x128xf32, #tpu.memory_space<vmem>>, vector<1x16xf32>,
      %get3A_355 = arith.index_cast %mul3A_296 : i32 to index
      %get3A_356 = arith.constant 32 : index
      %get3A_357 = tpu.vector_load %arg13[%get3A_355, %get3A_356] {strides = array<i32>} : memref<256x128xf32, #tpu.memory_space<vmem>>, vector<1x16xf32>,
      %get3A_358 = vector.shape_cast %get3A_357 : vector<1x16xf32> to vector<16xf32>
      %add3A_359 = arith.constant 1 : i32
      %add3A_360 = arith.addi %mul3A_296, %add3A_359 : i32
      %get3A_361 = arith.index_cast %add3A_360 : i32 to index
      %get3A_362 = arith.constant 32 : index
      %get3A_363 = tpu.vector_load %arg13[%get3A_361, %get3A_362] {strides = array<i32>} : memref<256x128xf32, #tpu.memory_space<vmem>>, vector<1x16xf32>,
      %get3A_364 = vector.shape_cast %get3A_363 : vector<1x16xf32> to vector<16xf32>
      %add3A_365 = arith.addf %get3A_358, %get3A_364 : vector<16xf32>
      %add3A_366 = arith.constant 2 : i32
      %add3A_367 = arith.addi %mul3A_296, %add3A_366 : i32
      %get3A_368 = arith.index_cast %add3A_367 : i32 to index
      %get3A_369 = arith.constant 32 : index
      %get3A_370 = tpu.vector_load %arg13[%get3A_368, %get3A_369] {strides = array<i32>} : memref<256x128xf32, #tpu.memory_space<vmem>>, vector<1x16xf32>,
      %get3A_371 = vector.shape_cast %get3A_370 : vector<1x16xf32> to vector<16xf32>
      %add3A_372 = arith.addf %add3A_365, %get3A_371 : vector<16xf32>
      %add3A_373 = arith.constant 3 : i32
      %add3A_374 = arith.addi %mul3A_296, %add3A_373 : i32
      %get3A_375 = arith.index_cast %add3A_374 : i32 to index
      %get3A_376 = arith.constant 32 : index
      %get3A_377 = tpu.vector_load %arg13[%get3A_375, %get3A_376] {strides = array<i32>} : memref<256x128xf32, #tpu.memory_space<vmem>>, vector<1x16xf32>,
      %get3A_378 = vector.shape_cast %get3A_377 : vector<1x16xf32> to vector<16xf32>
      %add3A_379 = arith.addf %add3A_372, %get3A_378 : vector<16xf32>
      %swap3A_380 = arith.index_cast %scan3A_294 : i32 to index
      %swap3A_381 = arith.constant 32 : index
      %swap3A_382 = tpu.vector_load %arg15[%swap3A_380, %swap3A_381] {strides = array<i32>} : memref<64x128xf32, #tpu.memory_space<vmem>>, vector<1x16xf32>,
      %swap3A_383 = vector.shape_cast %swap3A_382 : vector<1x16xf32> to vector<16xf32>
      %swap3A_384 = vector.shape_cast %add3A_379 : vector<16xf32> to vector<1x16xf32>
      tpu.vector_store %arg15[%swap3A_380, %swap3A_381], %swap3A_384 {strides = array<i32>} : memref<64x128xf32, #tpu.memory_space<vmem>>, vector<1x16xf32>,
      %get3A_385 = arith.index_cast %mul3A_296 : i32 to index
      %get3A_386 = arith.constant 48 : index
      %get3A_387 = tpu.vector_load %arg13[%get3A_385, %get3A_386] {strides = array<i32>} : memref<256x128xf32, #tpu.memory_space<vmem>>, vector<1x16xf32>,
      %get3A_388 = vector.shape_cast %get3A_387 : vector<1x16xf32> to vector<16xf32>
      %add3A_389 = arith.constant 1 : i32
      %add3A_390 = arith.addi %mul3A_296, %add3A_389 : i32
      %get3A_391 = arith.index_cast %add3A_390 : i32 to index
      %get3A_392 = arith.constant 48 : index
      %get3A_393 = tpu.vector_load %arg13[%get3A_391, %get3A_392] {strides = array<i32>} : memref<256x128xf32, #tpu.memory_space<vmem>>, vector<1x16xf32>,
      %get3A_394 = vector.shape_cast %get3A_393 : vector<1x16xf32> to vector<16xf32>
      %add3A_395 = arith.addf %get3A_388, %get3A_394 : vector<16xf32>
      %add3A_396 = arith.constant 2 : i32
      %add3A_397 = arith.addi %mul3A_296, %add3A_396 : i32
      %get3A_398 = arith.index_cast %add3A_397 : i32 to index
      %get3A_399 = arith.constant 48 : index
      %get3A_400 = tpu.vector_load %arg13[%get3A_398, %get3A_399] {strides = array<i32>} : memref<256x128xf32, #tpu.memory_space<vmem>>, vector<1x16xf32>,
      %get3A_401 = vector.shape_cast %get3A_400 : vector<1x16xf32> to vector<16xf32>
      %add3A_402 = arith.addf %add3A_395, %get3A_401 : vector<16xf32>
      %add3A_403 = arith.constant 3 : i32
      %add3A_404 = arith.addi %mul3A_296, %add3A_403 : i32
      %get3A_405 = arith.index_cast %add3A_404 : i32 to index
      %get3A_406 = arith.constant 48 : index
      %get3A_407 = tpu.vector_load %arg13[%get3A_405, %get3A_406] {strides = array<i32>} : memref<256x128xf32, #tpu.memory_space<vmem>>, vector<1x16xf32>,
      %get3A_408 = vector.shape_cast %get3A_407 : vector<1x16xf32> to vector<16xf32>
      %add3A_409 = arith.addf %add3A_402, %get3A_408 : vector<16xf32>
      %swap3A_410 = arith.index_cast %scan3A_294 : i32 to index
      %swap3A_411 = arith.constant 48 : index
      %swap3A_412 = tpu.vector_load %arg15[%swap3A_410, %swap3A_411] {strides = array<i32>} : memref<64x128xf32, #tpu.memory_space<vmem>>, vector<1x16xf32>,
      %swap3A_413 = vector.shape_cast %swap3A_412 : vector<1x16xf32> to vector<16xf32>
      %swap3A_414 = vector.shape_cast %add3A_409 : vector<16xf32> to vector<1x16xf32>
      tpu.vector_store %arg15[%swap3A_410, %swap3A_411], %swap3A_414 {strides = array<i32>} : memref<64x128xf32, #tpu.memory_space<vmem>>, vector<1x16xf32>,
      %get3A_415 = arith.index_cast %mul3A_296 : i32 to index
      %get3A_416 = arith.constant 64 : index
      %get3A_417 = tpu.vector_load %arg13[%get3A_415, %get3A_416] {strides = array<i32>} : memref<256x128xf32, #tpu.memory_space<vmem>>, vector<1x16xf32>,
      %get3A_418 = vector.shape_cast %get3A_417 : vector<1x16xf32> to vector<16xf32>
      %add3A_419 = arith.constant 1 : i32
      %add3A_420 = arith.addi %mul3A_296, %add3A_419 : i32
      %get3A_421 = arith.index_cast %add3A_420 : i32 to index
      %get3A_422 = arith.constant 64 : index
      %get3A_423 = tpu.vector_load %arg13[%get3A_421, %get3A_422] {strides = array<i32>} : memref<256x128xf32, #tpu.memory_space<vmem>>, vector<1x16xf32>,
      %get3A_424 = vector.shape_cast %get3A_423 : vector<1x16xf32> to vector<16xf32>
      %add3A_425 = arith.addf %get3A_418, %get3A_424 : vector<16xf32>
      %add3A_426 = arith.constant 2 : i32
      %add3A_427 = arith.addi %mul3A_296, %add3A_426 : i32
      %get3A_428 = arith.index_cast %add3A_427 : i32 to index
      %get3A_429 = arith.constant 64 : index
      %get3A_430 = tpu.vector_load %arg13[%get3A_428, %get3A_429] {strides = array<i32>} : memref<256x128xf32, #tpu.memory_space<vmem>>, vector<1x16xf32>,
      %get3A_431 = vector.shape_cast %get3A_430 : vector<1x16xf32> to vector<16xf32>
      %add3A_432 = arith.addf %add3A_425, %get3A_431 : vector<16xf32>
      %add3A_433 = arith.constant 3 : i32
      %add3A_434 = arith.addi %mul3A_296, %add3A_433 : i32
      %get3A_435 = arith.index_cast %add3A_434 : i32 to index
      %get3A_436 = arith.constant 64 : index
      %get3A_437 = tpu.vector_load %arg13[%get3A_435, %get3A_436] {strides = array<i32>} : memref<256x128xf32, #tpu.memory_space<vmem>>, vector<1x16xf32>,
      %get3A_438 = vector.shape_cast %get3A_437 : vector<1x16xf32> to vector<16xf32>
      %add3A_439 = arith.addf %add3A_432, %get3A_438 : vector<16xf32>
      %swap3A_440 = arith.index_cast %scan3A_294 : i32 to index
      %swap3A_441 = arith.constant 64 : index
      %swap3A_442 = tpu.vector_load %arg15[%swap3A_440, %swap3A_441] {strides = array<i32>} : memref<64x128xf32, #tpu.memory_space<vmem>>, vector<1x16xf32>,
      %swap3A_443 = vector.shape_cast %swap3A_442 : vector<1x16xf32> to vector<16xf32>
      %swap3A_444 = vector.shape_cast %add3A_439 : vector<16xf32> to vector<1x16xf32>
      tpu.vector_store %arg15[%swap3A_440, %swap3A_441], %swap3A_444 {strides = array<i32>} : memref<64x128xf32, #tpu.memory_space<vmem>>, vector<1x16xf32>,
      %get3A_445 = arith.index_cast %mul3A_296 : i32 to index
      %get3A_446 = arith.constant 80 : index
      %get3A_447 = tpu.vector_load %arg13[%get3A_445, %get3A_446] {strides = array<i32>} : memref<256x128xf32, #tpu.memory_space<vmem>>, vector<1x16xf32>,
      %get3A_448 = vector.shape_cast %get3A_447 : vector<1x16xf32> to vector<16xf32>
      %add3A_449 = arith.constant 1 : i32
      %add3A_450 = arith.addi %mul3A_296, %add3A_449 : i32
      %get3A_451 = arith.index_cast %add3A_450 : i32 to index
      %get3A_452 = arith.constant 80 : index
      %get3A_453 = tpu.vector_load %arg13[%get3A_451, %get3A_452] {strides = array<i32>} : memref<256x128xf32, #tpu.memory_space<vmem>>, vector<1x16xf32>,
      %get3A_454 = vector.shape_cast %get3A_453 : vector<1x16xf32> to vector<16xf32>
      %add3A_455 = arith.addf %get3A_448, %get3A_454 : vector<16xf32>
      %add3A_456 = arith.constant 2 : i32
      %add3A_457 = arith.addi %mul3A_296, %add3A_456 : i32
      %get3A_458 = arith.index_cast %add3A_457 : i32 to index
      %get3A_459 = arith.constant 80 : index
      %get3A_460 = tpu.vector_load %arg13[%get3A_458, %get3A_459] {strides = array<i32>} : memref<256x128xf32, #tpu.memory_space<vmem>>, vector<1x16xf32>,
      %get3A_461 = vector.shape_cast %get3A_460 : vector<1x16xf32> to vector<16xf32>
      %add3A_462 = arith.addf %add3A_455, %get3A_461 : vector<16xf32>
      %add3A_463 = arith.constant 3 : i32
      %add3A_464 = arith.addi %mul3A_296, %add3A_463 : i32
      %get3A_465 = arith.index_cast %add3A_464 : i32 to index
      %get3A_466 = arith.constant 80 : index
      %get3A_467 = tpu.vector_load %arg13[%get3A_465, %get3A_466] {strides = array<i32>} : memref<256x128xf32, #tpu.memory_space<vmem>>, vector<1x16xf32>,
      %get3A_468 = vector.shape_cast %get3A_467 : vector<1x16xf32> to vector<16xf32>
      %add3A_469 = arith.addf %add3A_462, %get3A_468 : vector<16xf32>
      %swap3A_470 = arith.index_cast %scan3A_294 : i32 to index
      %swap3A_471 = arith.constant 80 : index
      %swap3A_472 = tpu.vector_load %arg15[%swap3A_470, %swap3A_471] {strides = array<i32>} : memref<64x128xf32, #tpu.memory_space<vmem>>, vector<1x16xf32>,
      %swap3A_473 = vector.shape_cast %swap3A_472 : vector<1x16xf32> to vector<16xf32>
      %swap3A_474 = vector.shape_cast %add3A_469 : vector<16xf32> to vector<1x16xf32>
      tpu.vector_store %arg15[%swap3A_470, %swap3A_471], %swap3A_474 {strides = array<i32>} : memref<64x128xf32, #tpu.memory_space<vmem>>, vector<1x16xf32>,
      %get3A_475 = arith.index_cast %mul3A_296 : i32 to index
      %get3A_476 = arith.constant 96 : index
      %get3A_477 = tpu.vector_load %arg13[%get3A_475, %get3A_476] {strides = array<i32>} : memref<256x128xf32, #tpu.memory_space<vmem>>, vector<1x16xf32>,
      %get3A_478 = vector.shape_cast %get3A_477 : vector<1x16xf32> to vector<16xf32>
      %add3A_479 = arith.constant 1 : i32
      %add3A_480 = arith.addi %mul3A_296, %add3A_479 : i32
      %get3A_481 = arith.index_cast %add3A_480 : i32 to index
      %get3A_482 = arith.constant 96 : index
      %get3A_483 = tpu.vector_load %arg13[%get3A_481, %get3A_482] {strides = array<i32>} : memref<256x128xf32, #tpu.memory_space<vmem>>, vector<1x16xf32>,
      %get3A_484 = vector.shape_cast %get3A_483 : vector<1x16xf32> to vector<16xf32>
      %add3A_485 = arith.addf %get3A_478, %get3A_484 : vector<16xf32>
      %add3A_486 = arith.constant 2 : i32
      %add3A_487 = arith.addi %mul3A_296, %add3A_486 : i32
      %get3A_488 = arith.index_cast %add3A_487 : i32 to index
      %get3A_489 = arith.constant 96 : index
      %get3A_490 = tpu.vector_load %arg13[%get3A_488, %get3A_489] {strides = array<i32>} : memref<256x128xf32, #tpu.memory_space<vmem>>, vector<1x16xf32>,
      %get3A_491 = vector.shape_cast %get3A_490 : vector<1x16xf32> to vector<16xf32>
      %add3A_492 = arith.addf %add3A_485, %get3A_491 : vector<16xf32>
      %add3A_493 = arith.constant 3 : i32
      %add3A_494 = arith.addi %mul3A_296, %add3A_493 : i32
      %get3A_495 = arith.index_cast %add3A_494 : i32 to index
      %get3A_496 = arith.constant 96 : index
      %get3A_497 = tpu.vector_load %arg13[%get3A_495, %get3A_496] {strides = array<i32>} : memref<256x128xf32, #tpu.memory_space<vmem>>, vector<1x16xf32>,
      %get3A_498 = vector.shape_cast %get3A_497 : vector<1x16xf32> to vector<16xf32>
      %add3A_499 = arith.addf %add3A_492, %get3A_498 : vector<16xf32>
      %swap3A_500 = arith.index_cast %scan3A_294 : i32 to index
      %swap3A_501 = arith.constant 96 : index
      %swap3A_502 = tpu.vector_load %arg15[%swap3A_500, %swap3A_501] {strides = array<i32>} : memref<64x128xf32, #tpu.memory_space<vmem>>, vector<1x16xf32>,
      %swap3A_503 = vector.shape_cast %swap3A_502 : vector<1x16xf32> to vector<16xf32>
      %swap3A_504 = vector.shape_cast %add3A_499 : vector<16xf32> to vector<1x16xf32>
      tpu.vector_store %arg15[%swap3A_500, %swap3A_501], %swap3A_504 {strides = array<i32>} : memref<64x128xf32, #tpu.memory_space<vmem>>, vector<1x16xf32>,
      %get3A_505 = arith.index_cast %mul3A_296 : i32 to index
      %get3A_506 = arith.constant 112 : index
      %get3A_507 = tpu.vector_load %arg13[%get3A_505, %get3A_506] {strides = array<i32>} : memref<256x128xf32, #tpu.memory_space<vmem>>, vector<1x16xf32>,
      %get3A_508 = vector.shape_cast %get3A_507 : vector<1x16xf32> to vector<16xf32>
      %add3A_509 = arith.constant 1 : i32
      %add3A_510 = arith.addi %mul3A_296, %add3A_509 : i32
      %get3A_511 = arith.index_cast %add3A_510 : i32 to index
      %get3A_512 = arith.constant 112 : index
      %get3A_513 = tpu.vector_load %arg13[%get3A_511, %get3A_512] {strides = array<i32>} : memref<256x128xf32, #tpu.memory_space<vmem>>, vector<1x16xf32>,
      %get3A_514 = vector.shape_cast %get3A_513 : vector<1x16xf32> to vector<16xf32>
      %add3A_515 = arith.addf %get3A_508, %get3A_514 : vector<16xf32>
      %add3A_516 = arith.constant 2 : i32
      %add3A_517 = arith.addi %mul3A_296, %add3A_516 : i32
      %get3A_518 = arith.index_cast %add3A_517 : i32 to index
      %get3A_519 = arith.constant 112 : index
      %get3A_520 = tpu.vector_load %arg13[%get3A_518, %get3A_519] {strides = array<i32>} : memref<256x128xf32, #tpu.memory_space<vmem>>, vector<1x16xf32>,
      %get3A_521 = vector.shape_cast %get3A_520 : vector<1x16xf32> to vector<16xf32>
      %add3A_522 = arith.addf %add3A_515, %get3A_521 : vector<16xf32>
      %add3A_523 = arith.constant 3 : i32
      %add3A_524 = arith.addi %mul3A_296, %add3A_523 : i32
      %get3A_525 = arith.index_cast %add3A_524 : i32 to index
      %get3A_526 = arith.constant 112 : index
      %get3A_527 = tpu.vector_load %arg13[%get3A_525, %get3A_526] {strides = array<i32>} : memref<256x128xf32, #tpu.memory_space<vmem>>, vector<1x16xf32>,
      %get3A_528 = vector.shape_cast %get3A_527 : vector<1x16xf32> to vector<16xf32>
      %add3A_529 = arith.addf %add3A_522, %get3A_528 : vector<16xf32>
      %swap3A_530 = arith.index_cast %scan3A_294 : i32 to index
      %swap3A_531 = arith.constant 112 : index
      %swap3A_532 = tpu.vector_load %arg15[%swap3A_530, %swap3A_531] {strides = array<i32>} : memref<64x128xf32, #tpu.memory_space<vmem>>, vector<1x16xf32>,
      %swap3A_533 = vector.shape_cast %swap3A_532 : vector<1x16xf32> to vector<16xf32>
      %swap3A_534 = vector.shape_cast %add3A_529 : vector<16xf32> to vector<1x16xf32>
      tpu.vector_store %arg15[%swap3A_530, %swap3A_531], %swap3A_534 {strides = array<i32>} : memref<64x128xf32, #tpu.memory_space<vmem>>, vector<1x16xf32>,
    }
    %scan3A_279 = arith.constant 64 : i32
    %add3A_280 = arith.constant 448 : i32
    %add3A_281 = arith.addi %mul3A_2, %add3A_280 : i32
    %dma_start3A_282 = arith.constant 0 : i32
    %dma_start3A_283 = tpu.memref_slice %arg7[%add3A_281, %dma_start3A_282] : memref<16384x128xf32, #tpu.memory_space<hbm>> -> memref<64x128xf32, #tpu.memory_space<hbm>>
    %dma_start3A_284 = arith.constant 0 : i32
    %dma_start3A_285 = tpu.memref_slice %arg7[%add3A_281, %dma_start3A_284] : memref<16384x128xf32, #tpu.memory_space<hbm>> -> memref<64x128xf32, #tpu.memory_space<hbm>>
    tpu.enqueue_dma source(%arg15 : memref<64x128xf32, #tpu.memory_space<vmem>>) target(%dma_start3A_285 : memref<64x128xf32, #tpu.memory_space<hbm>>) target_semaphore(%arg22 : memref<!tpu.dma_semaphore, #tpu.memory_space<semaphore_mem>>)
    %dma_wait3A_286 = arith.constant 0 : i32
    %dma_wait3A_287 = tpu.memref_slice %arg7[%add3A_260, %dma_wait3A_286] : memref<16384x128xf32, #tpu.memory_space<hbm>> -> memref<64x128xf32, #tpu.memory_space<hbm>>
    %dma_wait3A_288 = arith.constant 0 : i32
    %dma_wait3A_289 = tpu.memref_slice %arg7[%add3A_260, %dma_wait3A_288] : memref<16384x128xf32, #tpu.memory_space<hbm>> -> memref<64x128xf32, #tpu.memory_space<hbm>>
    tpu.wait_dma2 semaphore(%arg22 : memref<!tpu.dma_semaphore, #tpu.memory_space<semaphore_mem>>) src(%arg14 : memref<64x128xf32, #tpu.memory_space<vmem>>) dst(%dma_wait3A_289 : memref<64x128xf32, #tpu.memory_space<hbm>>)
    %dma_wait3A_290 = arith.constant 0 : i32
    %dma_wait3A_291 = tpu.memref_slice %arg7[%add3A_281, %dma_wait3A_290] : memref<16384x128xf32, #tpu.memory_space<hbm>> -> memref<64x128xf32, #tpu.memory_space<hbm>>
    %dma_wait3A_292 = arith.constant 0 : i32
    %dma_wait3A_293 = tpu.memref_slice %arg7[%add3A_281, %dma_wait3A_292] : memref<16384x128xf32, #tpu.memory_space<hbm>> -> memref<64x128xf32, #tpu.memory_space<hbm>>
    tpu.wait_dma2 semaphore(%arg22 : memref<!tpu.dma_semaphore, #tpu.memory_space<semaphore_mem>>) src(%arg15 : memref<64x128xf32, #tpu.memory_space<vmem>>) dst(%dma_wait3A_293 : memref<64x128xf32, #tpu.memory_space<hbm>>)
    return
  }
}

module attributes {stable_mosaic.version = 14 : i64} {
  func.func @_tc_body(%arg0: i32, %arg1: memref<4096x128xf32, #tpu.memory_space<vmem>>, %arg2: memref<4096x128xf32, #tpu.memory_space<vmem>>, %arg3: memref<4096x128xf32, #tpu.memory_space<vmem>>, %arg4: memref<4096x128xbf16, #tpu.memory_space<vmem>>, %arg5: memref<128x256xf32, #tpu.memory_space<vmem>>, %arg6: memref<1x128xf32, #tpu.memory_space<vmem>>, %arg7: memref<64x128xf32, #tpu.memory_space<vmem>>, %arg8: memref<1x64xf32, #tpu.memory_space<vmem>>, %arg9: memref<32x64xf32, #tpu.memory_space<vmem>>, %arg10: memref<1x32xf32, #tpu.memory_space<vmem>>, %arg11: memref<1x32xf32, #tpu.memory_space<vmem>>, %arg12: memref<1x1xf32, #tpu.memory_space<vmem>>, %arg13: memref<1x128xf32, #tpu.memory_space<vmem>>, %arg14: memref<1x128xf32, #tpu.memory_space<vmem>>, %arg15: memref<1x64xf32, #tpu.memory_space<vmem>>, %arg16: memref<1x64xf32, #tpu.memory_space<vmem>>, %arg17: memref<1x32xf32, #tpu.memory_space<vmem>>, %arg18: memref<1x32xf32, #tpu.memory_space<vmem>>, %arg19: memref<4096x128xf32, #tpu.memory_space<vmem>>, %arg20: memref<16384xf32, #tpu.memory_space<vmem>>, %arg21: memref<16384x128xf32, #tpu.memory_space<vmem>>, %arg22: memref<2x128xf32, #tpu.memory_space<vmem>>) attributes {dimension_semantics = [#tpu.dimension_semantics<arbitrary>], iteration_bounds = array<i64: 5>, scalar_prefetch = 0 : i64, scratch_operands = 2 : i64, tpu.core_type = #tpu.core_type<tc>, window_params = [{transform_indices = @transform_0, window_bounds = array<i64: 4096, 128>}, {transform_indices = @transform_1, window_bounds = array<i64: 4096, 128>}, {transform_indices = @transform_2, window_bounds = array<i64: 4096, 128>}, {transform_indices = @transform_3, window_bounds = array<i64: 4096, 128>}, {pipeline_mode = #tpu.pipeline_mode<synchronous>, transform_indices = @transform_4, window_bounds = array<i64: 128, 256>}, {pipeline_mode = #tpu.pipeline_mode<synchronous>, transform_indices = @transform_5, window_bounds = array<i64: 1, 128>}, {pipeline_mode = #tpu.pipeline_mode<synchronous>, transform_indices = @transform_6, window_bounds = array<i64: 64, 128>}, {pipeline_mode = #tpu.pipeline_mode<synchronous>, transform_indices = @transform_7, window_bounds = array<i64: 1, 64>}, {pipeline_mode = #tpu.pipeline_mode<synchronous>, transform_indices = @transform_8, window_bounds = array<i64: 32, 64>}, {pipeline_mode = #tpu.pipeline_mode<synchronous>, transform_indices = @transform_9, window_bounds = array<i64: 1, 32>}, {pipeline_mode = #tpu.pipeline_mode<synchronous>, transform_indices = @transform_10, window_bounds = array<i64: 1, 32>}, {pipeline_mode = #tpu.pipeline_mode<synchronous>, transform_indices = @transform_11, window_bounds = array<i64: 1, 1>}, {pipeline_mode = #tpu.pipeline_mode<synchronous>, transform_indices = @transform_12, window_bounds = array<i64: 1, 128>}, {pipeline_mode = #tpu.pipeline_mode<synchronous>, transform_indices = @transform_13, window_bounds = array<i64: 1, 128>}, {pipeline_mode = #tpu.pipeline_mode<synchronous>, transform_indices = @transform_14, window_bounds = array<i64: 1, 64>}, {pipeline_mode = #tpu.pipeline_mode<synchronous>, transform_indices = @transform_15, window_bounds = array<i64: 1, 64>}, {pipeline_mode = #tpu.pipeline_mode<synchronous>, transform_indices = @transform_16, window_bounds = array<i64: 1, 32>}, {pipeline_mode = #tpu.pipeline_mode<synchronous>, transform_indices = @transform_17, window_bounds = array<i64: 1, 32>}, {transform_indices = @transform_18, window_bounds = array<i64: 4096, 128>}, {pipeline_mode = #tpu.pipeline_mode<synchronous>, transform_indices = @transform_19, window_bounds = array<i64: 16384>}]} {
    %lt3A = arith.constant 4 : i32
    %lt3A_0 = arith.cmpi slt, %arg0, %lt3A : i32
    %convert_element_type3A = arith.extui %lt3A_0 : i1 to i32
    %cond3A = arith.constant 0 : i32
    %cond3A_1 = arith.cmpi ne, %convert_element_type3A, %cond3A : i32
    scf.if %cond3A_1 {
      %get3A = arith.constant 0 : index
      %get3A_6 = arith.constant 0 : index
      %get3A_7 = vector.load %arg4[%get3A, %get3A_6] : memref<4096x128xbf16, #tpu.memory_space<vmem>>, vector<4096x128xbf16>
      %convert_element_type3A_8 = arith.extf %get3A_7 : vector<4096x128xbf16> to vector<4096x128xf32>
      %get3A_9 = arith.constant 0 : index
      %get3A_10 = arith.constant 0 : index
      %get3A_11 = vector.load %arg2[%get3A_9, %get3A_10] : memref<4096x128xf32, #tpu.memory_space<vmem>>, vector<4096x128xf32>
      %mul3A = arith.mulf %convert_element_type3A_8, %get3A_11 : vector<4096x128xf32>
      %sub3A = arith.constant 1.000000e+00 : f32
      %sub3A_12 = vector.broadcast %sub3A : f32 to vector<4096x128xf32>
      %sub3A_13 = arith.subf %sub3A_12, %convert_element_type3A_8 : vector<4096x128xf32>
      %get3A_14 = arith.constant 0 : index
      %get3A_15 = arith.constant 0 : index
      %get3A_16 = vector.load %arg3[%get3A_14, %get3A_15] : memref<4096x128xf32, #tpu.memory_space<vmem>>, vector<4096x128xf32>
      %mul3A_17 = arith.constant 2.500000e-01 : f32
      %mul3A_18 = vector.broadcast %mul3A_17 : f32 to vector<4096x128xf32>
      %mul3A_19 = arith.mulf %get3A_16, %mul3A_18 : vector<4096x128xf32>
      %mul3A_20 = arith.mulf %sub3A_13, %mul3A_19 : vector<4096x128xf32>
      %add3A = arith.addf %mul3A, %mul3A_20 : vector<4096x128xf32>
      %swap3A = arith.constant 0 : index
      %swap3A_21 = arith.constant 0 : index
      %swap3A_22 = vector.load %arg19[%swap3A, %swap3A_21] : memref<4096x128xf32, #tpu.memory_space<vmem>>, vector<4096x128xf32>
      tpu.vector_store %arg19[%swap3A, %swap3A_21], %add3A {strides = array<i32>} : memref<4096x128xf32, #tpu.memory_space<vmem>>, vector<4096x128xf32>,
      %get3A_23 = arith.constant 0 : index
      %get3A_24 = arith.constant 0 : index
      %get3A_25 = vector.load %arg5[%get3A_23, %get3A_24] : memref<128x256xf32, #tpu.memory_space<vmem>>, vector<128x256xf32>
      %get3A_26 = arith.constant 0 : index
      %get3A_27 = arith.constant 0 : index
      %get3A_28 = vector.load %arg1[%get3A_26, %get3A_27] : memref<4096x128xf32, #tpu.memory_space<vmem>>, vector<4096x128xf32>
      %slice3A = vector.extract_strided_slice %get3A_25 {offsets = [0, 0], sizes = [128, 128], strides = [1, 1]} : vector<128x256xf32> to vector<128x128xf32>
      %dot_general3A = arith.constant dense<0.000000e+00> : vector<4096x128xf32>
      %dot_general3A_29 = tpu.matmul %get3A_28, %slice3A, %dot_general3A {dimension_numbers = #tpu.dot_dimension_numbers<[1], [1], [0], [0], [0, 0, 1, 0], [], []>, transpose_lhs_hint = false} : vector<4096x128xf32>, vector<128x128xf32>, vector<4096x128xf32> -> vector<4096x128xf32>
      %slice3A_30 = vector.extract_strided_slice %get3A_25 {offsets = [0, 128], sizes = [128, 128], strides = [1, 1]} : vector<128x256xf32> to vector<128x128xf32>
      %dot_general3A_31 = arith.constant dense<0.000000e+00> : vector<4096x128xf32>
      %dot_general3A_32 = tpu.matmul %add3A, %slice3A_30, %dot_general3A_31 {dimension_numbers = #tpu.dot_dimension_numbers<[1], [1], [0], [0], [0, 0, 1, 0], [], []>, transpose_lhs_hint = false} : vector<4096x128xf32>, vector<128x128xf32>, vector<4096x128xf32> -> vector<4096x128xf32>
      %add3A_33 = arith.addf %dot_general3A_29, %dot_general3A_32 : vector<4096x128xf32>
      %get3A_34 = arith.constant 0 : index
      %get3A_35 = arith.constant 0 : index
      %get3A_36 = vector.load %arg6[%get3A_34, %get3A_35] : memref<1x128xf32, #tpu.memory_space<vmem>>, vector<1x128xf32>
      %add3A_37 = vector.broadcast %get3A_36 : vector<1x128xf32> to vector<4096x128xf32>
      %add3A_38 = arith.addf %add3A_33, %add3A_37 : vector<4096x128xf32>
      %max3A = arith.constant 0.000000e+00 : f32
      %max3A_39 = vector.broadcast %max3A : f32 to vector<4096x128xf32>
      %max3A_40 = arith.maximumf %add3A_38, %max3A_39 : vector<4096x128xf32>
      %mul3A_41 = arith.constant 4096 : i32
      %mul3A_42 = arith.muli %arg0, %mul3A_41 : i32
      %swap3A_43 = arith.index_cast %mul3A_42 : i32 to index
      %swap3A_44 = arith.constant 0 : index
      %swap3A_45 = vector.load %arg21[%swap3A_43, %swap3A_44] : memref<16384x128xf32, #tpu.memory_space<vmem>>, vector<4096x128xf32>
      tpu.vector_store %arg21[%swap3A_43, %swap3A_44], %max3A_40 {strides = array<i32>} : memref<16384x128xf32, #tpu.memory_space<vmem>>, vector<4096x128xf32>,
      %reduce_sum3A = arith.constant dense<0.000000e+00> : vector<128xf32>
      %reduce_sum3A_46 = vector.multi_reduction <add>, %max3A_40, %reduce_sum3A [0] : vector<4096x128xf32> to vector<128xf32>
      %broadcast_in_dim3A = vector.shape_cast %reduce_sum3A_46 : vector<128xf32> to vector<1x128xf32>
      %mul3A_47 = arith.mulf %max3A_40, %max3A_40 : vector<4096x128xf32>
      %reduce_sum3A_48 = arith.constant dense<0.000000e+00> : vector<128xf32>
      %reduce_sum3A_49 = vector.multi_reduction <add>, %mul3A_47, %reduce_sum3A_48 [0] : vector<4096x128xf32> to vector<128xf32>
      %broadcast_in_dim3A_50 = vector.shape_cast %reduce_sum3A_49 : vector<128xf32> to vector<1x128xf32>
      %concatenate3A = tpu.concatenate %broadcast_in_dim3A, %broadcast_in_dim3A_50 in 0 : vector<1x128xf32>, vector<1x128xf32> -> vector<2x128xf32>
      %eq3A_51 = arith.constant 0 : i32
      %eq3A_52 = arith.cmpi eq, %arg0, %eq3A_51 : i32
      %convert_element_type3A_53 = arith.extui %eq3A_52 : i1 to i32
      %cond3A_54 = arith.constant 0 : i32
      %cond3A_55 = arith.cmpi ne, %convert_element_type3A_53, %cond3A_54 : i32
      scf.if %cond3A_55 {
        %swap3A_60 = arith.constant 0 : index
        %swap3A_61 = arith.constant 0 : index
        %swap3A_62 = vector.load %arg22[%swap3A_60, %swap3A_61] : memref<2x128xf32, #tpu.memory_space<vmem>>, vector<2x128xf32>
        tpu.vector_store %arg22[%swap3A_60, %swap3A_61], %concatenate3A {strides = array<i32>} : memref<2x128xf32, #tpu.memory_space<vmem>>, vector<2x128xf32>,
      } else {
      }
      %gt3A = arith.constant 0 : i32
      %gt3A_56 = arith.cmpi sgt, %arg0, %gt3A : i32
      %convert_element_type3A_57 = arith.extui %gt3A_56 : i1 to i32
      %cond3A_58 = arith.constant 0 : i32
      %cond3A_59 = arith.cmpi ne, %convert_element_type3A_57, %cond3A_58 : i32
      scf.if %cond3A_59 {
        %get3A_60 = arith.constant 0 : index
        %get3A_61 = arith.constant 0 : index
        %get3A_62 = vector.load %arg22[%get3A_60, %get3A_61] : memref<2x128xf32, #tpu.memory_space<vmem>>, vector<2x128xf32>
        %add3A_63 = arith.addf %get3A_62, %concatenate3A : vector<2x128xf32>
        %swap3A_64 = arith.constant 0 : index
        %swap3A_65 = arith.constant 0 : index
        %swap3A_66 = vector.load %arg22[%swap3A_64, %swap3A_65] : memref<2x128xf32, #tpu.memory_space<vmem>>, vector<2x128xf32>
        tpu.vector_store %arg22[%swap3A_64, %swap3A_65], %add3A_63 {strides = array<i32>} : memref<2x128xf32, #tpu.memory_space<vmem>>, vector<2x128xf32>,
      } else {
      }
    } else {
    }
    %eq3A = arith.constant 4 : i32
    %eq3A_2 = arith.cmpi eq, %arg0, %eq3A : i32
    %convert_element_type3A_3 = arith.extui %eq3A_2 : i1 to i32
    %cond3A_4 = arith.constant 0 : i32
    %cond3A_5 = arith.cmpi ne, %convert_element_type3A_3, %cond3A_4 : i32
    scf.if %cond3A_5 {
      %get3A = arith.constant 0 : index
      %get3A_6 = arith.constant 0 : index
      %get3A_7 = vector.load %arg22[%get3A, %get3A_6] : memref<2x128xf32, #tpu.memory_space<vmem>>, vector<2x128xf32>
      %slice3A = vector.extract_strided_slice %get3A_7 {offsets = [0, 0], sizes = [1, 128], strides = [1, 1]} : vector<2x128xf32> to vector<1x128xf32>
      %mul3A = arith.constant 6.10351563E-5 : f32
      %mul3A_8 = vector.broadcast %mul3A : f32 to vector<1x128xf32>
      %mul3A_9 = arith.mulf %slice3A, %mul3A_8 : vector<1x128xf32>
      %slice3A_10 = vector.extract_strided_slice %get3A_7 {offsets = [1, 0], sizes = [1, 128], strides = [1, 1]} : vector<2x128xf32> to vector<1x128xf32>
      %mul3A_11 = arith.constant 6.10351563E-5 : f32
      %mul3A_12 = vector.broadcast %mul3A_11 : f32 to vector<1x128xf32>
      %mul3A_13 = arith.mulf %slice3A_10, %mul3A_12 : vector<1x128xf32>
      %mul3A_14 = arith.mulf %mul3A_9, %mul3A_9 : vector<1x128xf32>
      %sub3A = arith.subf %mul3A_13, %mul3A_14 : vector<1x128xf32>
      %get3A_15 = arith.constant 0 : index
      %get3A_16 = arith.constant 0 : index
      %get3A_17 = vector.load %arg13[%get3A_15, %get3A_16] : memref<1x128xf32, #tpu.memory_space<vmem>>, vector<1x128xf32>
      %get3A_18 = arith.constant 0 : index
      %get3A_19 = arith.constant 0 : index
      %get3A_20 = vector.load %arg21[%get3A_18, %get3A_19] : memref<16384x128xf32, #tpu.memory_space<vmem>>, vector<16384x128xf32>
      %sub3A_21 = vector.broadcast %mul3A_9 : vector<1x128xf32> to vector<16384x128xf32>
      %sub3A_22 = arith.subf %get3A_20, %sub3A_21 : vector<16384x128xf32>
      %add3A = arith.constant 9.99999974E-6 : f32
      %add3A_23 = vector.broadcast %add3A : f32 to vector<1x128xf32>
      %add3A_24 = arith.addf %sub3A, %add3A_23 : vector<1x128xf32>
      %rsqrt3A = math.rsqrt %add3A_24 : vector<1x128xf32>
      %mul3A_25 = vector.broadcast %rsqrt3A : vector<1x128xf32> to vector<16384x128xf32>
      %mul3A_26 = arith.mulf %sub3A_22, %mul3A_25 : vector<16384x128xf32>
      %mul3A_27 = vector.broadcast %get3A_17 : vector<1x128xf32> to vector<16384x128xf32>
      %mul3A_28 = arith.mulf %mul3A_27, %mul3A_26 : vector<16384x128xf32>
      %get3A_29 = arith.constant 0 : index
      %get3A_30 = arith.constant 0 : index
      %get3A_31 = vector.load %arg14[%get3A_29, %get3A_30] : memref<1x128xf32, #tpu.memory_space<vmem>>, vector<1x128xf32>
      %add3A_32 = vector.broadcast %get3A_31 : vector<1x128xf32> to vector<16384x128xf32>
      %add3A_33 = arith.addf %mul3A_28, %add3A_32 : vector<16384x128xf32>
      %get3A_34 = arith.constant 0 : index
      %get3A_35 = arith.constant 0 : index
      %get3A_36 = vector.load %arg7[%get3A_34, %get3A_35] : memref<64x128xf32, #tpu.memory_space<vmem>>, vector<64x128xf32>
      %dot_general3A = arith.constant dense<0.000000e+00> : vector<16384x64xf32>
      %dot_general3A_37 = tpu.matmul %add3A_33, %get3A_36, %dot_general3A {dimension_numbers = #tpu.dot_dimension_numbers<[1], [1], [0], [0], [0, 0, 1, 0], [], []>, transpose_lhs_hint = false} : vector<16384x128xf32>, vector<64x128xf32>, vector<16384x64xf32> -> vector<16384x64xf32>
      %get3A_38 = arith.constant 0 : index
      %get3A_39 = arith.constant 0 : index
      %get3A_40 = vector.load %arg8[%get3A_38, %get3A_39] : memref<1x64xf32, #tpu.memory_space<vmem>>, vector<1x64xf32>
      %add3A_41 = vector.broadcast %get3A_40 : vector<1x64xf32> to vector<16384x64xf32>
      %add3A_42 = arith.addf %dot_general3A_37, %add3A_41 : vector<16384x64xf32>
      %max3A = arith.constant 0.000000e+00 : f32
      %max3A_43 = vector.broadcast %max3A : f32 to vector<16384x64xf32>
      %max3A_44 = arith.maximumf %add3A_42, %max3A_43 : vector<16384x64xf32>
      %get3A_45 = arith.constant 0 : index
      %get3A_46 = arith.constant 0 : index
      %get3A_47 = vector.load %arg15[%get3A_45, %get3A_46] : memref<1x64xf32, #tpu.memory_space<vmem>>, vector<1x64xf32>
      %get3A_48 = arith.constant 0 : index
      %get3A_49 = arith.constant 0 : index
      %get3A_50 = vector.load %arg16[%get3A_48, %get3A_49] : memref<1x64xf32, #tpu.memory_space<vmem>>, vector<1x64xf32>
      %reduce_sum3A = arith.constant dense<0.000000e+00> : vector<64xf32>
      %reduce_sum3A_51 = vector.multi_reduction <add>, %max3A_44, %reduce_sum3A [0] : vector<16384x64xf32> to vector<64xf32>
      %broadcast_in_dim3A = vector.shape_cast %reduce_sum3A_51 : vector<64xf32> to vector<1x64xf32>
      %div3A = arith.constant 1.638400e+04 : f32
      %div3A_52 = vector.broadcast %div3A : f32 to vector<1x64xf32>
      %div3A_53 = arith.divf %broadcast_in_dim3A, %div3A_52 : vector<1x64xf32>
      %sub3A_54 = vector.broadcast %div3A_53 : vector<1x64xf32> to vector<16384x64xf32>
      %sub3A_55 = arith.subf %max3A_44, %sub3A_54 : vector<16384x64xf32>
      %mul3A_56 = arith.mulf %sub3A_55, %sub3A_55 : vector<16384x64xf32>
      %reduce_sum3A_57 = arith.constant dense<0.000000e+00> : vector<64xf32>
      %reduce_sum3A_58 = vector.multi_reduction <add>, %mul3A_56, %reduce_sum3A_57 [0] : vector<16384x64xf32> to vector<64xf32>
      %broadcast_in_dim3A_59 = vector.shape_cast %reduce_sum3A_58 : vector<64xf32> to vector<1x64xf32>
      %div3A_60 = arith.constant 1.638400e+04 : f32
      %div3A_61 = vector.broadcast %div3A_60 : f32 to vector<1x64xf32>
      %div3A_62 = arith.divf %broadcast_in_dim3A_59, %div3A_61 : vector<1x64xf32>
      %add3A_63 = arith.constant 9.99999974E-6 : f32
      %add3A_64 = vector.broadcast %add3A_63 : f32 to vector<1x64xf32>
      %add3A_65 = arith.addf %div3A_62, %add3A_64 : vector<1x64xf32>
      %rsqrt3A_66 = math.rsqrt %add3A_65 : vector<1x64xf32>
      %mul3A_67 = vector.broadcast %rsqrt3A_66 : vector<1x64xf32> to vector<16384x64xf32>
      %mul3A_68 = arith.mulf %sub3A_55, %mul3A_67 : vector<16384x64xf32>
      %mul3A_69 = vector.broadcast %get3A_47 : vector<1x64xf32> to vector<16384x64xf32>
      %mul3A_70 = arith.mulf %mul3A_69, %mul3A_68 : vector<16384x64xf32>
      %add3A_71 = vector.broadcast %get3A_50 : vector<1x64xf32> to vector<16384x64xf32>
      %add3A_72 = arith.addf %mul3A_70, %add3A_71 : vector<16384x64xf32>
      %get3A_73 = arith.constant 0 : index
      %get3A_74 = arith.constant 0 : index
      %get3A_75 = vector.load %arg9[%get3A_73, %get3A_74] : memref<32x64xf32, #tpu.memory_space<vmem>>, vector<32x64xf32>
      %dot_general3A_76 = arith.constant dense<0.000000e+00> : vector<16384x32xf32>
      %dot_general3A_77 = tpu.matmul %add3A_72, %get3A_75, %dot_general3A_76 {dimension_numbers = #tpu.dot_dimension_numbers<[1], [1], [0], [0], [0, 0, 1, 0], [], []>, transpose_lhs_hint = false} : vector<16384x64xf32>, vector<32x64xf32>, vector<16384x32xf32> -> vector<16384x32xf32>
      %get3A_78 = arith.constant 0 : index
      %get3A_79 = arith.constant 0 : index
      %get3A_80 = vector.load %arg10[%get3A_78, %get3A_79] : memref<1x32xf32, #tpu.memory_space<vmem>>, vector<1x32xf32>
      %add3A_81 = vector.broadcast %get3A_80 : vector<1x32xf32> to vector<16384x32xf32>
      %add3A_82 = arith.addf %dot_general3A_77, %add3A_81 : vector<16384x32xf32>
      %max3A_83 = arith.constant 0.000000e+00 : f32
      %max3A_84 = vector.broadcast %max3A_83 : f32 to vector<16384x32xf32>
      %max3A_85 = arith.maximumf %add3A_82, %max3A_84 : vector<16384x32xf32>
      %get3A_86 = arith.constant 0 : index
      %get3A_87 = arith.constant 0 : index
      %get3A_88 = vector.load %arg17[%get3A_86, %get3A_87] : memref<1x32xf32, #tpu.memory_space<vmem>>, vector<1x32xf32>
      %get3A_89 = arith.constant 0 : index
      %get3A_90 = arith.constant 0 : index
      %get3A_91 = vector.load %arg18[%get3A_89, %get3A_90] : memref<1x32xf32, #tpu.memory_space<vmem>>, vector<1x32xf32>
      %reduce_sum3A_92 = arith.constant dense<0.000000e+00> : vector<32xf32>
      %reduce_sum3A_93 = vector.multi_reduction <add>, %max3A_85, %reduce_sum3A_92 [0] : vector<16384x32xf32> to vector<32xf32>
      %broadcast_in_dim3A_94 = vector.shape_cast %reduce_sum3A_93 : vector<32xf32> to vector<1x32xf32>
      %div3A_95 = arith.constant 1.638400e+04 : f32
      %div3A_96 = vector.broadcast %div3A_95 : f32 to vector<1x32xf32>
      %div3A_97 = arith.divf %broadcast_in_dim3A_94, %div3A_96 : vector<1x32xf32>
      %sub3A_98 = vector.broadcast %div3A_97 : vector<1x32xf32> to vector<16384x32xf32>
      %sub3A_99 = arith.subf %max3A_85, %sub3A_98 : vector<16384x32xf32>
      %mul3A_100 = arith.mulf %sub3A_99, %sub3A_99 : vector<16384x32xf32>
      %reduce_sum3A_101 = arith.constant dense<0.000000e+00> : vector<32xf32>
      %reduce_sum3A_102 = vector.multi_reduction <add>, %mul3A_100, %reduce_sum3A_101 [0] : vector<16384x32xf32> to vector<32xf32>
      %broadcast_in_dim3A_103 = vector.shape_cast %reduce_sum3A_102 : vector<32xf32> to vector<1x32xf32>
      %div3A_104 = arith.constant 1.638400e+04 : f32
      %div3A_105 = vector.broadcast %div3A_104 : f32 to vector<1x32xf32>
      %div3A_106 = arith.divf %broadcast_in_dim3A_103, %div3A_105 : vector<1x32xf32>
      %add3A_107 = arith.constant 9.99999974E-6 : f32
      %add3A_108 = vector.broadcast %add3A_107 : f32 to vector<1x32xf32>
      %add3A_109 = arith.addf %div3A_106, %add3A_108 : vector<1x32xf32>
      %rsqrt3A_110 = math.rsqrt %add3A_109 : vector<1x32xf32>
      %mul3A_111 = vector.broadcast %rsqrt3A_110 : vector<1x32xf32> to vector<16384x32xf32>
      %mul3A_112 = arith.mulf %sub3A_99, %mul3A_111 : vector<16384x32xf32>
      %mul3A_113 = vector.broadcast %get3A_88 : vector<1x32xf32> to vector<16384x32xf32>
      %mul3A_114 = arith.mulf %mul3A_113, %mul3A_112 : vector<16384x32xf32>
      %add3A_115 = vector.broadcast %get3A_91 : vector<1x32xf32> to vector<16384x32xf32>
      %add3A_116 = arith.addf %mul3A_114, %add3A_115 : vector<16384x32xf32>
      %get3A_117 = arith.constant 0 : index
      %get3A_118 = arith.constant 0 : index
      %get3A_119 = vector.load %arg11[%get3A_117, %get3A_118] : memref<1x32xf32, #tpu.memory_space<vmem>>, vector<1x32xf32>
      %dot_general3A_120 = arith.constant dense<0.000000e+00> : vector<1x16384xf32>
      %dot_general3A_121 = tpu.matmul %get3A_119, %add3A_116, %dot_general3A_120 {dimension_numbers = #tpu.dot_dimension_numbers<[1], [1], [0], [0], [0, 0, 1, 0], [], []>, transpose_lhs_hint = false} : vector<1x32xf32>, vector<16384x32xf32>, vector<1x16384xf32> -> vector<1x16384xf32>
      %get3A_122 = arith.constant 0 : index
      %get3A_123 = arith.constant 0 : index
      %get3A_124 = vector.load %arg12[%get3A_122, %get3A_123] : memref<1x1xf32, #tpu.memory_space<vmem>>, vector<1x1xf32>
      %add3A_125 = vector.broadcast %get3A_124 : vector<1x1xf32> to vector<1x16384xf32>
      %add3A_126 = arith.addf %dot_general3A_121, %add3A_125 : vector<1x16384xf32>
      %neg3A = arith.constant 0.000000e+00 : f32
      %neg3A_127 = vector.broadcast %neg3A : f32 to vector<1x16384xf32>
      %neg3A_128 = arith.subf %neg3A_127, %add3A_126 : vector<1x16384xf32>
      %exp3A = math.exp %neg3A_128 : vector<1x16384xf32>
      %add3A_129 = arith.constant 1.000000e+00 : f32
      %add3A_130 = vector.broadcast %add3A_129 : f32 to vector<1x16384xf32>
      %add3A_131 = arith.addf %add3A_130, %exp3A : vector<1x16384xf32>
      %div3A_132 = arith.constant 1.000000e+00 : f32
      %div3A_133 = vector.broadcast %div3A_132 : f32 to vector<1x16384xf32>
      %div3A_134 = arith.divf %div3A_133, %add3A_131 : vector<1x16384xf32>
      %reshape3A = vector.shape_cast %div3A_134 : vector<1x16384xf32> to vector<16384xf32>
      %swap3A = arith.constant 0 : index
      %swap3A_135 = vector.load %arg20[%swap3A] : memref<16384xf32, #tpu.memory_space<vmem>>, vector<16384xf32>
      tpu.vector_store %arg20[%swap3A], %reshape3A {strides = array<i32>} : memref<16384xf32, #tpu.memory_space<vmem>>, vector<16384xf32>,
    } else {
    }
    return
  }
  func.func @transform_0(%arg0: i32) -> (i32, i32) {
    %min3A = arith.constant 3 : i32
    %min3A_0 = arith.minsi %arg0, %min3A : i32
    %c0_i32 = arith.constant 0 : i32
    %c0_i32_1 = arith.constant 0 : i32
    return %min3A_0, %c0_i32 : i32, i32
  }
  func.func @transform_1(%arg0: i32) -> (i32, i32) {
    %min3A = arith.constant 3 : i32
    %min3A_0 = arith.minsi %arg0, %min3A : i32
    %c0_i32 = arith.constant 0 : i32
    %c0_i32_1 = arith.constant 0 : i32
    return %min3A_0, %c0_i32 : i32, i32
  }
  func.func @transform_2(%arg0: i32) -> (i32, i32) {
    %min3A = arith.constant 3 : i32
    %min3A_0 = arith.minsi %arg0, %min3A : i32
    %c0_i32 = arith.constant 0 : i32
    %c0_i32_1 = arith.constant 0 : i32
    return %min3A_0, %c0_i32 : i32, i32
  }
  func.func @transform_3(%arg0: i32) -> (i32, i32) {
    %min3A = arith.constant 3 : i32
    %min3A_0 = arith.minsi %arg0, %min3A : i32
    %c0_i32 = arith.constant 0 : i32
    %c0_i32_1 = arith.constant 0 : i32
    return %min3A_0, %c0_i32 : i32, i32
  }
  func.func @transform_4(%arg0: i32) -> (i32, i32) {
    %c0_i32 = arith.constant 0 : i32
    %c0_i32_0 = arith.constant 0 : i32
    %c0_i32_1 = arith.constant 0 : i32
    return %c0_i32, %c0_i32_0 : i32, i32
  }
  func.func @transform_5(%arg0: i32) -> (i32, i32) {
    %c0_i32 = arith.constant 0 : i32
    %c0_i32_0 = arith.constant 0 : i32
    %c0_i32_1 = arith.constant 0 : i32
    return %c0_i32, %c0_i32_0 : i32, i32
  }
  func.func @transform_6(%arg0: i32) -> (i32, i32) {
    %c0_i32 = arith.constant 0 : i32
    %c0_i32_0 = arith.constant 0 : i32
    %c0_i32_1 = arith.constant 0 : i32
    return %c0_i32, %c0_i32_0 : i32, i32
  }
  func.func @transform_7(%arg0: i32) -> (i32, i32) {
    %c0_i32 = arith.constant 0 : i32
    %c0_i32_0 = arith.constant 0 : i32
    %c0_i32_1 = arith.constant 0 : i32
    return %c0_i32, %c0_i32_0 : i32, i32
  }
  func.func @transform_8(%arg0: i32) -> (i32, i32) {
    %c0_i32 = arith.constant 0 : i32
    %c0_i32_0 = arith.constant 0 : i32
    %c0_i32_1 = arith.constant 0 : i32
    return %c0_i32, %c0_i32_0 : i32, i32
  }
  func.func @transform_9(%arg0: i32) -> (i32, i32) {
    %c0_i32 = arith.constant 0 : i32
    %c0_i32_0 = arith.constant 0 : i32
    %c0_i32_1 = arith.constant 0 : i32
    return %c0_i32, %c0_i32_0 : i32, i32
  }
  func.func @transform_10(%arg0: i32) -> (i32, i32) {
    %c0_i32 = arith.constant 0 : i32
    %c0_i32_0 = arith.constant 0 : i32
    %c0_i32_1 = arith.constant 0 : i32
    return %c0_i32, %c0_i32_0 : i32, i32
  }
  func.func @transform_11(%arg0: i32) -> (i32, i32) {
    %c0_i32 = arith.constant 0 : i32
    %c0_i32_0 = arith.constant 0 : i32
    %c0_i32_1 = arith.constant 0 : i32
    return %c0_i32, %c0_i32_0 : i32, i32
  }
  func.func @transform_12(%arg0: i32) -> (i32, i32) {
    %c0_i32 = arith.constant 0 : i32
    %c0_i32_0 = arith.constant 0 : i32
    %c0_i32_1 = arith.constant 0 : i32
    return %c0_i32, %c0_i32_0 : i32, i32
  }
  func.func @transform_13(%arg0: i32) -> (i32, i32) {
    %c0_i32 = arith.constant 0 : i32
    %c0_i32_0 = arith.constant 0 : i32
    %c0_i32_1 = arith.constant 0 : i32
    return %c0_i32, %c0_i32_0 : i32, i32
  }
  func.func @transform_14(%arg0: i32) -> (i32, i32) {
    %c0_i32 = arith.constant 0 : i32
    %c0_i32_0 = arith.constant 0 : i32
    %c0_i32_1 = arith.constant 0 : i32
    return %c0_i32, %c0_i32_0 : i32, i32
  }
  func.func @transform_15(%arg0: i32) -> (i32, i32) {
    %c0_i32 = arith.constant 0 : i32
    %c0_i32_0 = arith.constant 0 : i32
    %c0_i32_1 = arith.constant 0 : i32
    return %c0_i32, %c0_i32_0 : i32, i32
  }
  func.func @transform_16(%arg0: i32) -> (i32, i32) {
    %c0_i32 = arith.constant 0 : i32
    %c0_i32_0 = arith.constant 0 : i32
    %c0_i32_1 = arith.constant 0 : i32
    return %c0_i32, %c0_i32_0 : i32, i32
  }
  func.func @transform_17(%arg0: i32) -> (i32, i32) {
    %c0_i32 = arith.constant 0 : i32
    %c0_i32_0 = arith.constant 0 : i32
    %c0_i32_1 = arith.constant 0 : i32
    return %c0_i32, %c0_i32_0 : i32, i32
  }
  func.func @transform_18(%arg0: i32) -> (i32, i32) {
    %min3A = arith.constant 3 : i32
    %min3A_0 = arith.minsi %arg0, %min3A : i32
    %c0_i32 = arith.constant 0 : i32
    %c0_i32_1 = arith.constant 0 : i32
    return %min3A_0, %c0_i32 : i32, i32
  }
  func.func @transform_19(%arg0: i32) -> i32 {
    %c0_i32 = arith.constant 0 : i32
    %c0_i32_0 = arith.constant 0 : i32
    return %c0_i32 : i32
  }
}

</mosaic_0001>

<sc_bundles>
// kernel: kernel.5.cloned.1.call-start
scs
__scs_entry_jumppad:
0x0: {  	(pc) =	sbr.rel $0x88, $3  }
0x1: {  	(tag) =	ssettag $0x0;
	lr =	simm.s32 $0x1  }
0x2: {  	[smem:$0x3F8D] =	sst lr;
	_ =	strace $0xD0000000  }
0x3: {  	_ = 	snop  }
0x4: {  	_ = 	snop  }
0x5: {  	_ = 	snop  }
0x6: {  	_ = 	snop  }
0x7: {  	_ = 	snop  }
__scs_overlays_trampoline_lowered:
0x8: {  	[smem:$0x3F9C] =	sst s0  }
0x9: {  	[smem:$0x3F9D] =	sst s1  }
0xa: {  	[smem:$0x3F9E] =	sst s2  }
0xb: {  	[smem:$0x3F9F] =	sst s3  }
0xc: {  	[smem:$0x3FA0] =	sst s4  }
0xd: {  	[smem:$0x3FA1] =	sst s5  }
0xe: {  	[smem:$0x3FA2] =	sst s6  }
0xf: {  	[smem:$0x3FA3] =	sst s7  }
0x10: {  	[smem:$0x3FA4] =	sst s8  }
0x11: {  	[smem:$0x3FA5] =	sst s9;
	s0 =	simm.s32 @!p0 $0x0  }
0x12: {  	s1 =	sld [smem:$0x3F8B];
	s0 =	simm.s32 @p0 $0x1  }
0x13: {  	[smem:$0x3FA6] =	sst s0;
	s0 =	simm.s32 @!p1 $0x0  }
0x14: {  	s2 =	sld [smem:$0x3F8A];
	s0 =	simm.s32 @p1 $0x1  }
0x15: {  	[smem:$0x3FA7] =	sst s0;
	s0 =	simm.s32 @!p2 $0x0  }
0x16: {  	s3 =	sld [smem:$0x3FDB];
	s0 =	simm.s32 @p2 $0x1  }
0x17: {  	s4 =	simm.s32 $0x1BF5;
	[smem:$0x3FA9] =	sst s0  }
0x18: {  	s0 =	sld [smem:$0x3F8C];
	_ =	swait.ge [sflag:s4], $0x0  }
0x19: {  	s7 =	sld [smem:$0x3F8D]  }
0x1a: {  	s8 =	sadd.s32 $0xFFFFE003, lr  }
0x1b: {  	s9 =	sadd.s32 $0xFFFFFEF7, lr;
	s5 =	simm.s32 $0xFFFFFFFF;
	p2 =	slt.u32 s8, $0xFFFFF086  }
0x1c: {  	p1 =	slt.u32 s9, $0xF7A;
	s5 =	simm.s32 @!p2 $0x0  }
0x1d: {  	s5 =	simm.s32 @p1 $0x1;
	p0 =	seq.s32 s7, s2  }
0x1e: {  	s7 =	smul.u32 @!p0 $0xF7A, s2;
	p2 =	seq.s32 @!p0 s5, $0x0  }
0x1f: {  	s9 =	smul.u32 $0xF7A, s1;
	s8 =	simm.s32 @!p0 $0x1BF5;
	p2 =	por !p2, p0  }
0x20: {  	[sflag:s8] =	ssyncset.s32 @!p0 $0xFFFFF086;
	s6 =	sadd.s32 @!p0 s3, s7;
	s7 =	simm.s32 @!p0 $0x108  }
0x21: {  	s3 =	sadd.s32 s3, s9;
	s6 =	sadd.s32 @!p0 $0x88, s6;
	s7 =	simm.s32 @p2 $0x1082  }
0x22: {  	[simem:s7], [sflag:s8] =	dma.local @!p0 [hbm:s6], $0xF7A  }
0x23: {  	s9 =	sor.u32 $0xD0000000, s2;
	s6 =	simm.s32 $0x108;
	_ =	swait.ge @!p0 [sflag:s8], $0x0  }
0x24: {  	s3 =	sadd.s32 $0x88, s3;
	s6 =	simm.s32 @!p1 $0x1082;
	[sflag:s4] =	ssyncset.s32 $0xFFFFF086  }
0x25: {  	[simem:s6], [sflag:s4] =	dma.local [hbm:s3], $0xF7A  }
0x26: {  	[smem:$0x3F8D] =	sst s1;
	(tag) =	ssettag s2;
	_ =	strace s9  }
0x27: {  	s1 =	sld [smem:$0x3F9D]  }
0x28: {  	s2 =	sld [smem:$0x3F9E]  }
0x29: {  	s4 =	sld [smem:$0x3FA0]  }
0x2a: {  	p0 =	seq.s32 s5, $0x0;
	s5 =	sld [smem:$0x3FA1]  }
0x2b: {  	s6 =	sld [smem:$0x3FA2]  }
0x2c: {  	s7 =	sld [smem:$0x3FA3]  }
0x2d: {  	s3 =	simm.s32 $0x108;
	s8 =	sld [smem:$0x3FA4]  }
0x2e: {  	s3 =	simm.s32 @!p0 $0x1082;
	s9 =	sld [smem:$0x3FA5]  }
0x2f: {  	lr =	sadd.s32 s0, s3;
	s0 =	sld [smem:$0x3F9C]  }
0x30: {  	s3 =	sld [smem:$0x3F9F]  }
0x31: {  	[smem:$0x3FA8] =	sst s10  }
0x32: {  	s10 =	sld [smem:$0x3FA6];
	_ =	sdelay $0x3  }
0x33: {  	p0 =	seq.s32 s10, $0x1;
	s10 =	sld [smem:$0x3FA8];
	_ =	sdelay $0x3  }
0x34: {  	[smem:$0x3FA8] =	sst s10  }
0x35: {  	s10 =	sld [smem:$0x3FA7];
	_ =	sdelay $0x3  }
0x36: {  	p1 =	seq.s32 s10, $0x1;
	s10 =	sld [smem:$0x3FA8];
	_ =	sdelay $0x3  }
0x37: {  	[smem:$0x3FA8] =	sst s10  }
0x38: {  	s10 =	sld [smem:$0x3FA9]  }
0x39: {  	_ = 	snop;
	(pc) =	sbr.ind lr, $3  }
0x3a: {  	_ = 	snop  }
0x3b: {  	_ = 	snop  }
0x3c: {  	p2 =	seq.s32 s10, $0x1;
	s10 =	sld [smem:$0x3FA8]  }
0x3d: {  	_ =	shalt  }
0x3e: {  	_ =	shalt  }
0x3f: {  	_ =	shalt  }
0x40: {  	_ =	shalt  }
0x41: {  	_ =	shalt  }
0x42: {  	_ =	shalt  }
0x43: {  	_ =	shalt  }
0x44: {  	_ =	shalt  }
0x45: {  	_ =	shalt  }
0x46: {  	_ =	shalt  }
0x47: {  	_ =	shalt  }
0x48: {  	_ =	shalt  }
0x49: {  	_ =	shalt  }
0x4a: {  	_ =	shalt  }
0x4b: {  	_ =	shalt  }
0x4c: {  	_ =	shalt  }
0x4d: {  	_ =	shalt  }
0x4e: {  	_ =	shalt  }
0x4f: {  	_ =	shalt  }
0x50: {  	_ =	shalt  }
0x51: {  	_ =	shalt  }
0x52: {  	_ =	shalt  }
0x53: {  	_ =	shalt  }
0x54: {  	_ =	shalt  }
0x55: {  	_ =	shalt  }
0x56: {  	_ =	shalt  }
0x57: {  	_ =	shalt  }
0x58: {  	_ =	shalt  }
0x59: {  	_ =	shalt  }
0x5a: {  	_ =	shalt  }
0x5b: {  	_ =	shalt  }
0x5c: {  	_ =	shalt  }
0x5d: {  	_ =	shalt  }
0x5e: {  	_ =	shalt  }
0x5f: {  	_ =	shalt  }
0x60: {  	_ =	shalt  }
0x61: {  	_ =	shalt  }
0x62: {  	_ =	shalt  }
0x63: {  	_ =	shalt  }
0x64: {  	_ =	shalt  }
0x65: {  	_ =	shalt  }
0x66: {  	_ =	shalt  }
0x67: {  	_ =	shalt  }
0x68: {  	_ =	shalt  }
0x69: {  	_ =	shalt  }
0x6a: {  	_ =	shalt  }
0x6b: {  	_ =	shalt  }
0x6c: {  	_ =	shalt  }
0x6d: {  	_ =	shalt  }
0x6e: {  	_ =	shalt  }
0x6f: {  	_ =	shalt  }
0x70: {  	_ =	shalt  }
0x71: {  	_ =	shalt  }
0x72: {  	_ =	shalt  }
0x73: {  	_ =	shalt  }
0x74: {  	_ =	shalt  }
0x75: {  	_ =	shalt  }
0x76: {  	_ =	shalt  }
0x77: {  	_ =	shalt  }
0x78: {  	_ =	shalt  }
0x79: {  	_ =	shalt  }
0x7a: {  	_ =	shalt  }
0x7b: {  	_ =	shalt  }
0x7c: {  	_ =	shalt  }
0x7d: {  	_ =	shalt  }
0x7e: {  	_ =	shalt  }
0x7f: {  	_ =	shalt  }
0x80: {  	_ =	shalt  }
0x81: {  	_ =	shalt  }
0x82: {  	_ =	shalt  }
0x83: {  	_ =	shalt  }
0x84: {  	_ =	shalt  }
0x85: {  	_ =	shalt  }
0x86: {  	_ =	shalt  }
0x87: {  	_ =	shalt  }
.Lfunc_end0:
.L_simem_size_0:
called_computation_lowered:
.L_overlay_start_0:
0x88: {  	s2 =	sld [smem:$0x3FD9]  }
0x89: {  	s3 =	sld [smem:$0x3FFE];
	_ =	sdelay $0x1  }
0x8a: {  	s1 =	srdreg.scid  }
0x8b: {  	s0 =	sand.u32 $0x1, s1  }
0x8c: {  	s14 =	sshll.u32 s0, $0xA;
	s2 =	sadd.s32 s3, s2  }
0x8d: {  	s2 =	sadd.s32 s2, s14  }
0x8e: {  	[smem:$0x3FB4] =	sst s2  }
0x8f: {  	_ = 	snop  }
0x90: {  	s2 =	sld [smem:$0x3FD0];
	_ =	sdelay $0x1  }
0x91: {  	s15 =	sld [smem:$0x3FC7]  }
0x92: {  	s5 =	simm.s32 $0xB;
	s6 =	simm.s32 $0x10;
	s4 =	sld [smem:$0x3FC6]  }
0x93: {  	[smem:s6], [sflag:s5] =	dma.local [hbm:s2], $0x1  }
0x94: {  	_ =	swait.eq [sflag:s5], $0x1  }
0x95: {  	[sflag:s5] =	ssyncset.done $0x0  }
0x96: {  	s16 =	sld [smem:$0x11];
	[sflag:s5] =	ssyncadd.s32 $0xFFFFFFFF  }
0x97: {  	s17 =	sld [smem:$0x12];
	(tm) =	ssettm $0x1  }
0x98: {  	s18 =	sld [smem:$0x3FFB];
	_ =	sdelay $0x3  }
0x99: {  	_ =	strace s18  }
0x9a: {  	s6 =	sld [smem:$0x3FFC];
	_ =	sdelay $0x3  }
0x9b: {  	_ =	strace s6  }
0x9c: {  	s6 =	sld [smem:$0x3FFD];
	_ =	sdelay $0x3  }
0x9d: {  	_ =	strace s6  }
0x9e: {  	_ =	strace $0x8FFFFFFF  }
0x9f: {  	s19 =	sld [smem:$0x3FDB];
	_ =	sdelay $0x1  }
0xa0: {  	s7 =	simm.s32 $_scs_section_size  }
0xa1: {  	s8 =	simm.s32 $_size__tile_overlayer_lowered;
	s9 =	simm.s32 $_tile_overlayer_lowered  }
0xa2: {  	s22 =	simm.s32 $0x1BFF;
	s21 =	sshll.u32 s9, $0x1;
	s6 =	sadd.s32 s7, s19  }
0xa3: {  	s10 =	simm.s32 $0x0;
	s20 =	sshll.u32 s8, $0x1;
	s8 =	sadd.s32 s21, s6  }
0xa4: {  	[timem:s10], [sflag:s22] =	dma.local [hbm:s8], s20  }
0xa5: {  	_ =	swait.ge [sflag:s22], s20  }
0xa6: {  	s7 =	ssub.s32 $0x0, s20;
	[sflag:s22] =	ssyncset.done $0x0  }
0xa7: {  	[sflag:s22] =	ssyncadd.s32 s7;
	_ =	sdelay $0x1  }
0xa8: {  	s23 =	simm.s32 $0x1B8B  }
0xa9: {  	_ =	swait.ge [sflag:s23], $0x1  }
0xaa: {  	[sflag:s23] =	ssyncset.done $0x0  }
0xab: {  	s25 =	simm.s32 $0x1B8E;
	s24 =	sld [smem:$0x3FFE];
	[sflag:s23] =	ssyncadd.s32 $0xFFFFFFFF  }
0xac: {  	s26 =	simm.s32 $execute0_lowered;
	[smem:$0x3FD2] =	sst s25  }
0xad: {  	s8 =	sshll.u32 s26, $0x1;
	_ =	strace $0x80000046;
	[dreg:$0x1] =	wrdreg $0xFFFFFFFF  }
0xae: {  	s28 =	simm.s32 $_size_execute0_lowered;
	s6 =	sadd.s32 s6, s8;
	[dreg:$0x0] =	wrdreg $0x0  }
0xaf: {  	s8 =	sshll.u32 s28, $0x1;
	[dreg:$0x2] =	wrdreg s6  }
0xb0: {  	[dreg:$0x3] =	wrdreg s8  }
0xb1: {  	[dreg:$0x4] =	wrdreg $0xC0  }
0xb2: {  	_ =	task [dreg:s10], $0x5FFFF  }
0xb3: {  	[dreg:$0x1] =	wrdreg $0xFFFFFFFF  }
0xb4: {  	[dreg:$0x0] =	wrdreg $0x60  }
0xb5: {  	[dreg:$0x2] =	wrdreg s15  }
0xb6: {  	[dreg:$0x3] =	wrdreg s4  }
0xb7: {  	[dreg:$0x4] =	wrdreg s24  }
0xb8: {  	[dreg:$0x5] =	wrdreg s16  }
0xb9: {  	[dreg:$0x6] =	wrdreg s17  }
0xba: {  	[dreg:$0x7] =	wrdreg $0x9  }
0xbb: {  	_ =	task.clear_ibuf [dreg:s10], $0x8FFFF;
	_ =	strace $0x90000046  }
0xbc: {  	s29 =	simm.s32 $0x9;
	_ =	strace $0x80000048  }
0xbd: {  	_ =	swait.ge [sflag:s29], $0x1  }
0xbe: {  	[sflag:s29] =	ssyncadd.s32 $0xFFFFFFFF  }
0xbf: {  	_ =	strace $0x90000048  }
0xc0: {  	_ =	sfence  }
0xc1: {  	s30 =	sld [smem:$0x0];
	_ =	sdelay $0x2  }
0xc2: {  	s31 =	sshll.u32 s1, $0xD;
	s1 =	sshrl.u32 s1, $0x2  }
0xc3: {  	s3 =	sand.u32 $0x4000, s31;
	s1 =	sadd.s32 s1, s30  }
0xc4: {  	s0 =	sor.u32 s3, s0;
	s1 =	sshll.u32 s1, $0x11  }
0xc5: {  	s0 =	sor.u32 s1, s0  }
0xc6: {  	s0 =	sadd.s32 $0x8F2B, s0  }
0xc7: {  	[sflag:s0] =	ssyncadd.remote.s32 $0x1  }
0xc8: {  	_ =	sfence.sel $0xFFFF  }
0xc9: {  	[dreg:$0x0] =	wrdreg $0xFFFFFFFF;
	(pc) =	sbr.abs _section_cstart, $3  }
0xca: {  	[dreg:$0x1] =	wrdreg $0xFFFFFFFF  }
0xcb: {  	_ =	task.clear_ibuf [dreg:s10], $0x2FFFF;
	_ =	strace $0x9FFFFFFF  }
0xcc: {  	(tm) =	ssettm $0x7FFFFFFF  }
0xcd: {  	_ =	shalt  }
tec
execute0_lowered:
.L_overlay_start_1:
0x0: {  	(tag) =	ssettag $0x1  }
0x1: {  	s2 =	rddreg [dreg:$0x1]  }
0x2: {  	s0 =	rddreg [dreg:$0x2]  }
0x3: {  	s1 =	rddreg [dreg:$0x3]  }
0x4: {  	s3 =	rddreg [dreg:$0x4];
	s4 =	simm.s32 $0x0  }
0x5: {  	s5 =	srdreg.scid;
	s7 =	stileid.u32;
	s29 =	simm.s32 $0x10C00  }
0x6: {  	s30 =	simm.s32 $0x1;
	s31 =	simm.s32 $0x18C00;
	s28 =	simm.s32 $0x3  }
0x7: {  	[smem:$0x7FF] =	sst s4;
	s6 =	sadd.s32 $0x3200, s0;
	s5 =	sand.u32 $0x1, s5  }
0x8: {  	s7 =	sshll.u32 s7, $0x1;
	s0 =	sadd.s32 $0x6200, s0;
	s8 =	ssub.s32 $0x2, s5  }
0x9: {  	_ =	strace $0x80000047;
	s7 =	sor.u32 s5, s7;
	s21 =	sshrl.u32 s8, $0x1  }
0xa: {  	s9 =	sshll.u32 s7, $0x6;
	s10 =	sshll.u32 s7, $0x8;
	s23 =	sshll.u32 s7, $0xD  }
0xb: {  	s11 =	ssub.s32 s8, s21;
	s5 =	sadd.s32 s6, s9;
	s6 =	sadd.s32 s10, s6  }
0xc: {  	s8 =	sadd.s32 s0, s23;
	s7 =	sadd.s32 s1, s23;
	s24 =	sor.u32 $0x1000, s23  }
0xd: {  	s13 =	sadd.s32 s3, s23;
	s21 =	simm.s32 $0x8;
	s23 =	simm.s32 $0x7  }
0xe: {  	s22 =	sadd.s32 $0x800, s5;
	s6 =	sadd.s32 $0x1000, s6;
	[dreg:$0x8] =	wrdreg s7  }
0xf: {  	s25 =	sadd.s32 $0x400, s8;
	s1 =	sadd.s32 s1, s24;
	s26 =	sadd.s32 $0x800, s8  }
0x10: {  	s14 =	sadd.s32 $0xC00, s8;
	s15 =	sadd.s32 s3, s24;
	s16 =	sadd.s32 s0, s24  }
0x11: {  	s17 =	sadd.s32 $0x1400, s8;
	s18 =	sadd.s32 $0x1800, s8;
	[dreg:$0x6] =	wrdreg s22  }
0x12: {  	s19 =	sadd.s32 $0x1C00, s8;
	s20 =	smax.u32 s11, $0x1;
	[dreg:$0x7] =	wrdreg s6  }
0x13: {  	s24 =	simm.s32 $0x100;
	s0 =	simm.s32 $0x2;
	[dreg:$0x9] =	wrdreg s25  }
0x14: {  	s3 =	simm.s32 $0x5;
	s7 =	simm.s32 $0x0;
	[dreg:$0xa] =	wrdreg s1  }
0x15: {  	[dreg:$0xb] =	wrdreg s26;
	s25 =	simm.s32 $0xC00;
	s26 =	simm.s32 $0x8C00  }
0x16: {  	s1 =	simm.s32 $0x1AC00;
	s22 =	simm.s32 $0x4;
	s6 =	simm.s32 $0x6  }
.LBB2_1:
0x17: {  	[tilespmem:s4], [sflag:$0x8] =	stream.linear.gather [hbm4b:s5+s4], $0x200, $0x38;
	[tilespmem:$0x1CC00] =	vst v63  }
0x18: {  	_ =	swait.ge [sflag:s21], $0x200  }
0x19: {  	[sflag:s21] =	ssyncset.done $0x0  }
0x1a: {  	s10 =	simm.s32 $0x200;
	s9 =	rddreg [dreg:$0x6];
	[sflag:s21] =	ssyncadd.s32 $0xFFFFFE00  }
0x1b: {  	[tilespmem:s10], [sflag:$0x8] =	stream.linear.gather [hbm4b:s9+s4], $0x200, $0x38;
	[tilespmem:$0x1CC00] =	vst v63  }
0x1c: {  	_ =	swait.ge [sflag:s21], $0x200  }
0x1d: {  	[sflag:s21] =	ssyncset.done $0x0  }
0x1e: {  	s12 =	simm.s32 $0x400;
	s11 =	rddreg [dreg:$0x7];
	[sflag:s21] =	ssyncadd.s32 $0xFFFFFE00  }
0x1f: {  	[tilespmem:s12], [sflag:$0x8] =	stream.linear.gather [hbm4b:s11+s4], $0x800, $0x38;
	[tilespmem:$0x1CC00] =	vst v63  }
0x20: {  	_ =	swait.ge [sflag:s21], $0x800  }
0x21: {  	[sflag:s21] =	ssyncset.done $0x0  }
0x22: {  	[sflag:s21] =	ssyncadd.s32 $0xFFFFF800  }
0x23: {  	[tilespmem:s25], [sflag:$0x1] =	stream.indirect.gather [hbm4b:s2+s24], $0x80, s12, s24, $0xb8;
	[tilespmem:$0x1CC00] =	vst v63  }
0x24: {  	s11 =	rddreg [dreg:$0x0]  }
0x25: {  	[tilespmem:s26], [sflag:$0x2] =	stream.indirect.gather [hbm4b:s11+s24], $0x80, s4, s24, $0xb8;
	[tilespmem:$0x1CC00] =	vst v63  }
0x26: {  	s12 =	simm.s32 $0x500  }
0x27: {  	[tilespmem:s29], [sflag:$0x3] =	stream.indirect.gather [hbm4b:s2+s24], $0x80, s12, s24, $0xb8;
	[tilespmem:$0x1CC00] =	vst v63  }
0x28: {  	_ =	swait.ge [sflag:s30], $0x8000  }
0x29: {  	[sflag:s30] =	ssyncset.done $0x0  }
0x2a: {  	s9 =	simm.s32 $0xD00;
	[sflag:s30] =	ssyncadd.s32 $0xFFFF8000  }
0x2b: {  	v0 =	vld [tilespmem:s9+$0xFFFFFF80]  }
0x2c: {  	v1 =	vld [tilespmem:s9+$0xFFFFFF00];
	_ =	sdelay $0x1  }
0x2d: {  	v2 =	vld [tilespmem:s9+$0x0];
	_ =	sdelay $0x1  }
0x2e: {  	v3 =	vld [tilespmem:s9+$0x80]  }
0x2f: {  	v0 =	vadd.f32 v0, v1;
	_ =	sdelay $0x1  }
0x30: {  	v0 =	vadd.f32 v2, v0;
	_ =	sdelay $0x1  }
0x31: {  	v0 =	vadd.f32 v3, v0  }
0x32: {  	s10 =	simm.s32 $0x0  }
0x33: {  	[tilespmem:s10+$0x18C00] =	vst v0  }
0x34: {  	v0 =	vld [tilespmem:s9+$0xFFFFFF10]  }
0x35: {  	v1 =	vld [tilespmem:s9+$0xFFFFFF90];
	_ =	sdelay $0x1  }
0x36: {  	v2 =	vld [tilespmem:s9+$0x10];
	_ =	sdelay $0x1  }
0x37: {  	v3 =	vld [tilespmem:s9+$0x90]  }
0x38: {  	v0 =	vadd.f32 v1, v0;
	_ =	sdelay $0x1  }
0x39: {  	v0 =	vadd.f32 v2, v0;
	_ =	sdelay $0x1  }
0x3a: {  	v0 =	vadd.f32 v3, v0;
	_ =	sdelay $0x1  }
0x3b: {  	[tilespmem:s10+$0x18C10] =	vst v0  }
0x3c: {  	v0 =	vld [tilespmem:s9+$0xFFFFFF20]  }
0x3d: {  	v1 =	vld [tilespmem:s9+$0xFFFFFFA0];
	_ =	sdelay $0x1  }
0x3e: {  	v2 =	vld [tilespmem:s9+$0x20];
	_ =	sdelay $0x1  }
0x3f: {  	v3 =	vld [tilespmem:s9+$0xA0]  }
0x40: {  	v0 =	vadd.f32 v1, v0;
	_ =	sdelay $0x1  }
0x41: {  	v0 =	vadd.f32 v2, v0;
	_ =	sdelay $0x1  }
0x42: {  	v0 =	vadd.f32 v3, v0;
	_ =	sdelay $0x1  }
0x43: {  	[tilespmem:s10+$0x18C20] =	vst v0  }
0x44: {  	v0 =	vld [tilespmem:s9+$0xFFFFFF30]  }
0x45: {  	v1 =	vld [tilespmem:s9+$0xFFFFFFB0];
	_ =	sdelay $0x1  }
0x46: {  	v2 =	vld [tilespmem:s9+$0x30];
	_ =	sdelay $0x1  }
0x47: {  	v3 =	vld [tilespmem:s9+$0xB0]  }
0x48: {  	v0 =	vadd.f32 v1, v0;
	_ =	sdelay $0x1  }
0x49: {  	v0 =	vadd.f32 v2, v0;
	_ =	sdelay $0x1  }
0x4a: {  	v0 =	vadd.f32 v3, v0;
	_ =	sdelay $0x1  }
0x4b: {  	[tilespmem:s10+$0x18C30] =	vst v0  }
0x4c: {  	v0 =	vld [tilespmem:s9+$0xFFFFFF40]  }
0x4d: {  	v1 =	vld [tilespmem:s9+$0xFFFFFFC0];
	_ =	sdelay $0x1  }
0x4e: {  	v2 =	vld [tilespmem:s9+$0x40];
	_ =	sdelay $0x1  }
0x4f: {  	v3 =	vld [tilespmem:s9+$0xC0]  }
0x50: {  	v0 =	vadd.f32 v1, v0;
	_ =	sdelay $0x1  }
0x51: {  	v0 =	vadd.f32 v2, v0;
	_ =	sdelay $0x1  }
0x52: {  	v0 =	vadd.f32 v3, v0;
	_ =	sdelay $0x1  }
0x53: {  	[tilespmem:s10+$0x18C40] =	vst v0  }
0x54: {  	v0 =	vld [tilespmem:s9+$0xFFFFFF50]  }
0x55: {  	v1 =	vld [tilespmem:s9+$0xFFFFFFD0];
	_ =	sdelay $0x1  }
0x56: {  	v2 =	vld [tilespmem:s9+$0x50];
	_ =	sdelay $0x1  }
0x57: {  	v3 =	vld [tilespmem:s9+$0xD0]  }
0x58: {  	v0 =	vadd.f32 v1, v0;
	_ =	sdelay $0x1  }
0x59: {  	v0 =	vadd.f32 v2, v0;
	_ =	sdelay $0x1  }
0x5a: {  	v0 =	vadd.f32 v3, v0;
	_ =	sdelay $0x1  }
0x5b: {  	[tilespmem:s10+$0x18C50] =	vst v0  }
0x5c: {  	v0 =	vld [tilespmem:s9+$0xFFFFFF60]  }
0x5d: {  	v1 =	vld [tilespmem:s9+$0xFFFFFFE0];
	_ =	sdelay $0x1  }
0x5e: {  	v2 =	vld [tilespmem:s9+$0x60];
	_ =	sdelay $0x1  }
0x5f: {  	v3 =	vld [tilespmem:s9+$0xE0]  }
0x60: {  	v0 =	vadd.f32 v1, v0;
	_ =	sdelay $0x1  }
0x61: {  	v0 =	vadd.f32 v2, v0;
	_ =	sdelay $0x1  }
0x62: {  	v0 =	vadd.f32 v3, v0;
	_ =	sdelay $0x1  }
0x63: {  	[tilespmem:s10+$0x18C60] =	vst v0  }
0x64: {  	v0 =	vld [tilespmem:s9+$0xFFFFFF70]  }
0x65: {  	v3 =	vld [tilespmem:s9+$0xFFFFFFF0]  }
0x66: {  	v1 =	vld [tilespmem:s9+$0x70]  }
0x67: {  	s11 =	simm.s32 $0x200;
	v2 =	vld [tilespmem:s9+$0xF0]  }
.LBB2_2:
0x68: {  	p0 =	sne.s32 s11, $0x7E00  }
0x69: {  	s9 =	sadd.s32 $0x200, s9;
	s12 =	smov.u32 s11;
	s11 =	sadd.s32 $0x200, s11  }
0x6a: {  	_ = 	snop  }
0x6b: {  	v0 =	vadd.f32 v3, v0;
	_ =	sdelay $0x1  }
0x6c: {  	v0 =	vadd.f32 v1, v0;
	_ =	sdelay $0x1  }
0x6d: {  	v0 =	vadd.f32 v2, v0;
	_ =	sdelay $0x1  }
0x6e: {  	[tilespmem:s10+$0x18C70] =	vst v0  }
0x6f: {  	v0 =	vld [tilespmem:s9+$0xFFFFFF80]  }
0x70: {  	v1 =	vld [tilespmem:s9+$0xFFFFFF00]  }
0x71: {  	v2 =	vld [tilespmem:s9+$0x0];
	_ =	sdelay $0x2  }
0x72: {  	v3 =	vld [tilespmem:s9+$0x80]  }
0x73: {  	v0 =	vadd.f32 v0, v1;
	_ =	sdelay $0x1  }
0x74: {  	v0 =	vadd.f32 v2, v0;
	_ =	sdelay $0x1  }
0x75: {  	v0 =	vadd.f32 v3, v0  }
0x76: {  	s10 =	sshra.s32 s12, $0x2  }
0x77: {  	[tilespmem:s10+$0x18C00] =	vst v0  }
0x78: {  	v0 =	vld [tilespmem:s9+$0xFFFFFF10]  }
0x79: {  	v1 =	vld [tilespmem:s9+$0xFFFFFF90];
	_ =	sdelay $0x1  }
0x7a: {  	v2 =	vld [tilespmem:s9+$0x10];
	_ =	sdelay $0x1  }
0x7b: {  	v3 =	vld [tilespmem:s9+$0x90]  }
0x7c: {  	v0 =	vadd.f32 v1, v0;
	_ =	sdelay $0x1  }
0x7d: {  	v0 =	vadd.f32 v2, v0;
	_ =	sdelay $0x1  }
0x7e: {  	v0 =	vadd.f32 v3, v0;
	_ =	sdelay $0x1  }
0x7f: {  	[tilespmem:s10+$0x18C10] =	vst v0  }
0x80: {  	v0 =	vld [tilespmem:s9+$0xFFFFFF20]  }
0x81: {  	v1 =	vld [tilespmem:s9+$0xFFFFFFA0];
	_ =	sdelay $0x1  }
0x82: {  	v2 =	vld [tilespmem:s9+$0x20];
	_ =	sdelay $0x1  }
0x83: {  	v3 =	vld [tilespmem:s9+$0xA0]  }
0x84: {  	v0 =	vadd.f32 v1, v0;
	_ =	sdelay $0x1  }
0x85: {  	v0 =	vadd.f32 v2, v0;
	_ =	sdelay $0x1  }
0x86: {  	v0 =	vadd.f32 v3, v0;
	_ =	sdelay $0x1  }
0x87: {  	[tilespmem:s10+$0x18C20] =	vst v0  }
0x88: {  	v0 =	vld [tilespmem:s9+$0xFFFFFF30]  }
0x89: {  	v1 =	vld [tilespmem:s9+$0xFFFFFFB0]  }
0x8a: {  	v2 =	vld [tilespmem:s9+$0x30];
	_ =	sdelay $0x2  }
0x8b: {  	v3 =	vld [tilespmem:s9+$0xB0]  }
0x8c: {  	v0 =	vadd.f32 v1, v0;
	_ =	sdelay $0x1  }
0x8d: {  	v0 =	vadd.f32 v2, v0;
	_ =	sdelay $0x1  }
0x8e: {  	v0 =	vadd.f32 v3, v0;
	_ =	sdelay $0x1  }
0x8f: {  	[tilespmem:s10+$0x18C30] =	vst v0  }
0x90: {  	v0 =	vld [tilespmem:s9+$0xFFFFFF40]  }
0x91: {  	v1 =	vld [tilespmem:s9+$0xFFFFFFC0];
	_ =	sdelay $0x1  }
0x92: {  	v2 =	vld [tilespmem:s9+$0x40];
	_ =	sdelay $0x1  }
0x93: {  	v3 =	vld [tilespmem:s9+$0xC0]  }
0x94: {  	v0 =	vadd.f32 v1, v0;
	_ =	sdelay $0x1  }
0x95: {  	v0 =	vadd.f32 v2, v0;
	_ =	sdelay $0x1  }
0x96: {  	v0 =	vadd.f32 v3, v0;
	_ =	sdelay $0x1  }
0x97: {  	[tilespmem:s10+$0x18C40] =	vst v0  }
0x98: {  	v0 =	vld [tilespmem:s9+$0xFFFFFF50]  }
0x99: {  	v1 =	vld [tilespmem:s9+$0xFFFFFFD0]  }
0x9a: {  	v2 =	vld [tilespmem:s9+$0x50]  }
0x9b: {  	v3 =	vld [tilespmem:s9+$0xD0];
	_ =	sdelay $0x2  }
0x9c: {  	v0 =	vadd.f32 v1, v0;
	_ =	sdelay $0x1  }
0x9d: {  	v0 =	vadd.f32 v2, v0;
	_ =	sdelay $0x1  }
0x9e: {  	v0 =	vadd.f32 v3, v0;
	_ =	sdelay $0x1  }
0x9f: {  	[tilespmem:s10+$0x18C50] =	vst v0  }
0xa0: {  	v0 =	vld [tilespmem:s9+$0xFFFFFF60]  }
0xa1: {  	v1 =	vld [tilespmem:s9+$0xFFFFFFE0]  }
0xa2: {  	v2 =	vld [tilespmem:s9+$0x60]  }
0xa3: {  	v3 =	vld [tilespmem:s9+$0xE0];
	_ =	sdelay $0x2  }
0xa4: {  	v0 =	vadd.f32 v1, v0;
	_ =	sdelay $0x1  }
0xa5: {  	v0 =	vadd.f32 v2, v0;
	_ =	sdelay $0x1  }
0xa6: {  	v0 =	vadd.f32 v3, v0;
	_ =	sdelay $0x1  }
.Ltmp0:
0xa7: {  	[tilespmem:s10+$0x18C60] =	vst v0;
	(pc) =	sbr.rel @p0 .LBB2_2-.Ltmp0, $4  }
0xa8: {  	v0 =	vld [tilespmem:s9+$0xFFFFFF70]  }
0xa9: {  	v3 =	vld [tilespmem:s9+$0xFFFFFFF0]  }
0xaa: {  	v1 =	vld [tilespmem:s9+$0x70]  }
0xab: {  	v2 =	vld [tilespmem:s9+$0xF0]  }
0xac: {  	_ =	sdelay $0x1  }
0xad: {  	v0 =	vadd.f32 v3, v0;
	_ =	sdelay $0x1  }
0xae: {  	v0 =	vadd.f32 v1, v0;
	_ =	sdelay $0x1  }
0xaf: {  	v0 =	vadd.f32 v2, v0;
	_ =	sdelay $0x1  }
0xb0: {  	s9 =	simm.s32 $0x0;
	[tilespmem:s10+$0x18C70] =	vst v0  }
0xb1: {  	[hbm4b:s8+s9] =	stream.linear.scatter [tilespmem:s31], [sflag:$0x7], $0x2000, $0x38;
	[tilespmem:$0x1CC00] =	vst v63  }
0xb2: {  	s12 =	rddreg [dreg:$0x0]  }
0xb3: {  	[tilespmem:s25], [sflag:$0x1] =	stream.indirect.gather [hbm4b:s12+s24], $0x80, s24, s24, $0xb8;
	[tilespmem:$0x1CC00] =	vst v63  }
0xb4: {  	_ =	swait.ge [sflag:s0], $0x8000  }
0xb5: {  	[sflag:s0] =	ssyncset.done $0x0  }
0xb6: {  	s11 =	rddreg [dreg:$0x8];
	[sflag:s0] =	ssyncadd.s32 $0xFFFF8000  }
0xb7: {  	[hbm4b:s11+s9] =	stream.linear.scatter [tilespmem:s26], [sflag:$0x5], $0x8000, $0x38;
	[tilespmem:$0x1CC00] =	vst v63  }
0xb8: {  	_ =	swait.ge [sflag:s3], $0x8000  }
0xb9: {  	[sflag:s3] =	ssyncset.done $0x0  }
0xba: {  	s12 =	simm.s32 $0x600;
	[sflag:s3] =	ssyncadd.s32 $0xFFFF8000  }
0xbb: {  	[tilespmem:s26], [sflag:$0x2] =	stream.indirect.gather [hbm4b:s2+s24], $0x80, s12, s24, $0xb8;
	[tilespmem:$0x1CC00] =	vst v63  }
0xbc: {  	_ =	swait.ge [sflag:s28], $0x8000  }
0xbd: {  	[sflag:s28] =	ssyncset.done $0x0  }
0xbe: {  	s9 =	simm.s32 $0x10D00;
	[sflag:s28] =	ssyncadd.s32 $0xFFFF8000  }
0xbf: {  	v0 =	vld [tilespmem:s9+$0xFFFFFF80]  }
0xc0: {  	v1 =	vld [tilespmem:s9+$0xFFFFFF00];
	_ =	sdelay $0x1  }
0xc1: {  	v2 =	vld [tilespmem:s9+$0x0];
	_ =	sdelay $0x1  }
0xc2: {  	v3 =	vld [tilespmem:s9+$0x80]  }
0xc3: {  	v0 =	vadd.f32 v0, v1;
	_ =	sdelay $0x1  }
0xc4: {  	v0 =	vadd.f32 v2, v0;
	_ =	sdelay $0x1  }
0xc5: {  	v0 =	vadd.f32 v3, v0  }
0xc6: {  	s10 =	simm.s32 $0x0  }
0xc7: {  	[tilespmem:s10+$0x1AC00] =	vst v0  }
0xc8: {  	v0 =	vld [tilespmem:s9+$0xFFFFFF10]  }
0xc9: {  	v1 =	vld [tilespmem:s9+$0xFFFFFF90];
	_ =	sdelay $0x1  }
0xca: {  	v2 =	vld [tilespmem:s9+$0x10];
	_ =	sdelay $0x1  }
0xcb: {  	v3 =	vld [tilespmem:s9+$0x90]  }
0xcc: {  	v0 =	vadd.f32 v1, v0;
	_ =	sdelay $0x1  }
0xcd: {  	v0 =	vadd.f32 v2, v0;
	_ =	sdelay $0x1  }
0xce: {  	v0 =	vadd.f32 v3, v0;
	_ =	sdelay $0x1  }
0xcf: {  	[tilespmem:s10+$0x1AC10] =	vst v0  }
0xd0: {  	v0 =	vld [tilespmem:s9+$0xFFFFFF20]  }
0xd1: {  	v1 =	vld [tilespmem:s9+$0xFFFFFFA0];
	_ =	sdelay $0x1  }
0xd2: {  	v2 =	vld [tilespmem:s9+$0x20];
	_ =	sdelay $0x1  }
0xd3: {  	v3 =	vld [tilespmem:s9+$0xA0]  }
0xd4: {  	v0 =	vadd.f32 v1, v0;
	_ =	sdelay $0x1  }
0xd5: {  	v0 =	vadd.f32 v2, v0;
	_ =	sdelay $0x1  }
0xd6: {  	v0 =	vadd.f32 v3, v0;
	_ =	sdelay $0x1  }
0xd7: {  	[tilespmem:s10+$0x1AC20] =	vst v0  }
0xd8: {  	v0 =	vld [tilespmem:s9+$0xFFFFFF30]  }
0xd9: {  	v1 =	vld [tilespmem:s9+$0xFFFFFFB0];
	_ =	sdelay $0x1  }
0xda: {  	v2 =	vld [tilespmem:s9+$0x30];
	_ =	sdelay $0x1  }
0xdb: {  	v3 =	vld [tilespmem:s9+$0xB0]  }
0xdc: {  	v0 =	vadd.f32 v1, v0;
	_ =	sdelay $0x1  }
0xdd: {  	v0 =	vadd.f32 v2, v0;
	_ =	sdelay $0x1  }
0xde: {  	v0 =	vadd.f32 v3, v0;
	_ =	sdelay $0x1  }
0xdf: {  	[tilespmem:s10+$0x1AC30] =	vst v0  }
0xe0: {  	v0 =	vld [tilespmem:s9+$0xFFFFFF40]  }
0xe1: {  	v1 =	vld [tilespmem:s9+$0xFFFFFFC0];
	_ =	sdelay $0x1  }
0xe2: {  	v2 =	vld [tilespmem:s9+$0x40];
	_ =	sdelay $0x1  }
0xe3: {  	v3 =	vld [tilespmem:s9+$0xC0]  }
0xe4: {  	v0 =	vadd.f32 v1, v0;
	_ =	sdelay $0x1  }
0xe5: {  	v0 =	vadd.f32 v2, v0;
	_ =	sdelay $0x1  }
0xe6: {  	v0 =	vadd.f32 v3, v0;
	_ =	sdelay $0x1  }
0xe7: {  	[tilespmem:s10+$0x1AC40] =	vst v0  }
0xe8: {  	v0 =	vld [tilespmem:s9+$0xFFFFFF50]  }
0xe9: {  	v1 =	vld [tilespmem:s9+$0xFFFFFFD0];
	_ =	sdelay $0x1  }
0xea: {  	v2 =	vld [tilespmem:s9+$0x50];
	_ =	sdelay $0x1  }
0xeb: {  	v3 =	vld [tilespmem:s9+$0xD0]  }
0xec: {  	v0 =	vadd.f32 v1, v0;
	_ =	sdelay $0x1  }
0xed: {  	v0 =	vadd.f32 v2, v0;
	_ =	sdelay $0x1  }
0xee: {  	v0 =	vadd.f32 v3, v0;
	_ =	sdelay $0x1  }
0xef: {  	[tilespmem:s10+$0x1AC50] =	vst v0  }
0xf0: {  	v0 =	vld [tilespmem:s9+$0xFFFFFF60]  }
0xf1: {  	v1 =	vld [tilespmem:s9+$0xFFFFFFE0];
	_ =	sdelay $0x1  }
0xf2: {  	v2 =	vld [tilespmem:s9+$0x60];
	_ =	sdelay $0x1  }
0xf3: {  	v3 =	vld [tilespmem:s9+$0xE0]  }
0xf4: {  	v0 =	vadd.f32 v1, v0;
	_ =	sdelay $0x1  }
0xf5: {  	v0 =	vadd.f32 v2, v0;
	_ =	sdelay $0x1  }
0xf6: {  	v0 =	vadd.f32 v3, v0;
	_ =	sdelay $0x1  }
0xf7: {  	[tilespmem:s10+$0x1AC60] =	vst v0  }
0xf8: {  	v0 =	vld [tilespmem:s9+$0xFFFFFF70]  }
0xf9: {  	v3 =	vld [tilespmem:s9+$0xFFFFFFF0]  }
0xfa: {  	v1 =	vld [tilespmem:s9+$0x70]  }
0xfb: {  	s11 =	simm.s32 $0x200;
	v2 =	vld [tilespmem:s9+$0xF0]  }
.LBB2_4:
0xfc: {  	p0 =	sne.s32 s11, $0x7E00  }
0xfd: {  	s9 =	sadd.s32 $0x200, s9;
	s12 =	smov.u32 s11;
	s11 =	sadd.s32 $0x200, s11  }
0xfe: {  	_ = 	snop  }
0xff: {  	v0 =	vadd.f32 v3, v0;
	_ =	sdelay $0x1  }
0x100: {  	v0 =	vadd.f32 v1, v0;
	_ =	sdelay $0x1  }
0x101: {  	v0 =	vadd.f32 v2, v0;
	_ =	sdelay $0x1  }
0x102: {  	[tilespmem:s10+$0x1AC70] =	vst v0  }
0x103: {  	v0 =	vld [tilespmem:s9+$0xFFFFFF80]  }
0x104: {  	v1 =	vld [tilespmem:s9+$0xFFFFFF00]  }
0x105: {  	v2 =	vld [tilespmem:s9+$0x0];
	_ =	sdelay $0x2  }
0x106: {  	v3 =	vld [tilespmem:s9+$0x80]  }
0x107: {  	v0 =	vadd.f32 v0, v1;
	_ =	sdelay $0x1  }
0x108: {  	v0 =	vadd.f32 v2, v0;
	_ =	sdelay $0x1  }
0x109: {  	v0 =	vadd.f32 v3, v0  }
0x10a: {  	s10 =	sshra.s32 s12, $0x2  }
0x10b: {  	[tilespmem:s10+$0x1AC00] =	vst v0  }
0x10c: {  	v0 =	vld [tilespmem:s9+$0xFFFFFF10]  }
0x10d: {  	v1 =	vld [tilespmem:s9+$0xFFFFFF90];
	_ =	sdelay $0x1  }
0x10e: {  	v2 =	vld [tilespmem:s9+$0x10];
	_ =	sdelay $0x1  }
0x10f: {  	v3 =	vld [tilespmem:s9+$0x90]  }
0x110: {  	v0 =	vadd.f32 v1, v0;
	_ =	sdelay $0x1  }
0x111: {  	v0 =	vadd.f32 v2, v0;
	_ =	sdelay $0x1  }
0x112: {  	v0 =	vadd.f32 v3, v0;
	_ =	sdelay $0x1  }
0x113: {  	[tilespmem:s10+$0x1AC10] =	vst v0  }
0x114: {  	v0 =	vld [tilespmem:s9+$0xFFFFFF20]  }
0x115: {  	v1 =	vld [tilespmem:s9+$0xFFFFFFA0];
	_ =	sdelay $0x1  }
0x116: {  	v2 =	vld [tilespmem:s9+$0x20];
	_ =	sdelay $0x1  }
0x117: {  	v3 =	vld [tilespmem:s9+$0xA0]  }
0x118: {  	v0 =	vadd.f32 v1, v0;
	_ =	sdelay $0x1  }
0x119: {  	v0 =	vadd.f32 v2, v0;
	_ =	sdelay $0x1  }
0x11a: {  	v0 =	vadd.f32 v3, v0;
	_ =	sdelay $0x1  }
0x11b: {  	[tilespmem:s10+$0x1AC20] =	vst v0  }
0x11c: {  	v0 =	vld [tilespmem:s9+$0xFFFFFF30]  }
0x11d: {  	v1 =	vld [tilespmem:s9+$0xFFFFFFB0]  }
0x11e: {  	v2 =	vld [tilespmem:s9+$0x30];
	_ =	sdelay $0x2  }
0x11f: {  	v3 =	vld [tilespmem:s9+$0xB0]  }
0x120: {  	v0 =	vadd.f32 v1, v0;
	_ =	sdelay $0x1  }
0x121: {  	v0 =	vadd.f32 v2, v0;
	_ =	sdelay $0x1  }
0x122: {  	v0 =	vadd.f32 v3, v0;
	_ =	sdelay $0x1  }
0x123: {  	[tilespmem:s10+$0x1AC30] =	vst v0  }
0x124: {  	v0 =	vld [tilespmem:s9+$0xFFFFFF40]  }
0x125: {  	v1 =	vld [tilespmem:s9+$0xFFFFFFC0];
	_ =	sdelay $0x1  }
0x126: {  	v2 =	vld [tilespmem:s9+$0x40];
	_ =	sdelay $0x1  }
0x127: {  	v3 =	vld [tilespmem:s9+$0xC0]  }
0x128: {  	v0 =	vadd.f32 v1, v0;
	_ =	sdelay $0x1  }
0x129: {  	v0 =	vadd.f32 v2, v0;
	_ =	sdelay $0x1  }
0x12a: {  	v0 =	vadd.f32 v3, v0;
	_ =	sdelay $0x1  }
0x12b: {  	[tilespmem:s10+$0x1AC40] =	vst v0  }
0x12c: {  	v0 =	vld [tilespmem:s9+$0xFFFFFF50]  }
0x12d: {  	v1 =	vld [tilespmem:s9+$0xFFFFFFD0]  }
0x12e: {  	v2 =	vld [tilespmem:s9+$0x50]  }
0x12f: {  	v3 =	vld [tilespmem:s9+$0xD0];
	_ =	sdelay $0x2  }
0x130: {  	v0 =	vadd.f32 v1, v0;
	_ =	sdelay $0x1  }
0x131: {  	v0 =	vadd.f32 v2, v0;
	_ =	sdelay $0x1  }
0x132: {  	v0 =	vadd.f32 v3, v0;
	_ =	sdelay $0x1  }
0x133: {  	[tilespmem:s10+$0x1AC50] =	vst v0  }
0x134: {  	v0 =	vld [tilespmem:s9+$0xFFFFFF60]  }
0x135: {  	v1 =	vld [tilespmem:s9+$0xFFFFFFE0]  }
0x136: {  	v2 =	vld [tilespmem:s9+$0x60]  }
0x137: {  	v3 =	vld [tilespmem:s9+$0xE0];
	_ =	sdelay $0x2  }
0x138: {  	v0 =	vadd.f32 v1, v0;
	_ =	sdelay $0x1  }
0x139: {  	v0 =	vadd.f32 v2, v0;
	_ =	sdelay $0x1  }
0x13a: {  	v0 =	vadd.f32 v3, v0;
	_ =	sdelay $0x1  }
.Ltmp1:
0x13b: {  	[tilespmem:s10+$0x1AC60] =	vst v0;
	(pc) =	sbr.rel @p0 .LBB2_4-.Ltmp1, $4  }
0x13c: {  	v0 =	vld [tilespmem:s9+$0xFFFFFF70]  }
0x13d: {  	v3 =	vld [tilespmem:s9+$0xFFFFFFF0]  }
0x13e: {  	v1 =	vld [tilespmem:s9+$0x70]  }
0x13f: {  	v2 =	vld [tilespmem:s9+$0xF0]  }
0x140: {  	_ =	sdelay $0x1  }
0x141: {  	v0 =	vadd.f32 v3, v0;
	_ =	sdelay $0x1  }
0x142: {  	v0 =	vadd.f32 v1, v0;
	_ =	sdelay $0x1  }
0x143: {  	v0 =	vadd.f32 v2, v0;
	_ =	sdelay $0x1  }
0x144: {  	s9 =	simm.s32 $0x0;
	s11 =	rddreg [dreg:$0x9];
	[tilespmem:s10+$0x1AC70] =	vst v0  }
0x145: {  	[hbm4b:s11+s9] =	stream.linear.scatter [tilespmem:s1], [sflag:$0x7], $0x2000, $0x38;
	[tilespmem:$0x1CC00] =	vst v63  }
0x146: {  	s12 =	simm.s32 $0x200  }
0x147: {  	[tilespmem:s29], [sflag:$0x3] =	stream.indirect.gather [hbm4b:s2+s24], $0x80, s12, s24, $0xb8;
	[tilespmem:$0x1CC00] =	vst v63  }
0x148: {  	_ =	swait.ge [sflag:s30], $0x8000  }
0x149: {  	[sflag:s30] =	ssyncset.done $0x0  }
0x14a: {  	s11 =	rddreg [dreg:$0xa];
	[sflag:s30] =	ssyncadd.s32 $0xFFFF8000  }
0x14b: {  	[hbm4b:s11+s9] =	stream.linear.scatter [tilespmem:s25], [sflag:$0x4], $0x8000, $0x38;
	[tilespmem:$0x1CC00] =	vst v63  }
0x14c: {  	_ =	swait.ge [sflag:s22], $0x8000  }
0x14d: {  	[sflag:s22] =	ssyncset.done $0x0  }
0x14e: {  	s12 =	simm.s32 $0x700;
	[sflag:s22] =	ssyncadd.s32 $0xFFFF8000  }
0x14f: {  	[tilespmem:s25], [sflag:$0x1] =	stream.indirect.gather [hbm4b:s2+s24], $0x80, s12, s24, $0xb8;
	[tilespmem:$0x1CC00] =	vst v63  }
0x150: {  	_ =	swait.ge [sflag:s0], $0x8000  }
0x151: {  	[sflag:s0] =	ssyncset.done $0x0  }
0x152: {  	[sflag:s0] =	ssyncadd.s32 $0xFFFF8000  }
0x153: {  	_ =	swait.ge [sflag:s23], $0x2000  }
0x154: {  	[sflag:s23] =	ssyncset.done $0x0  }
0x155: {  	s9 =	simm.s32 $0x8D00;
	[sflag:s23] =	ssyncadd.s32 $0xFFFFE000  }
0x156: {  	v0 =	vld [tilespmem:s9+$0xFFFFFF80]  }
0x157: {  	v1 =	vld [tilespmem:s9+$0xFFFFFF00];
	_ =	sdelay $0x1  }
0x158: {  	v2 =	vld [tilespmem:s9+$0x0];
	_ =	sdelay $0x1  }
0x159: {  	v3 =	vld [tilespmem:s9+$0x80]  }
0x15a: {  	v0 =	vadd.f32 v0, v1;
	_ =	sdelay $0x1  }
0x15b: {  	v0 =	vadd.f32 v2, v0;
	_ =	sdelay $0x1  }
0x15c: {  	v0 =	vadd.f32 v3, v0  }
0x15d: {  	s10 =	simm.s32 $0x0  }
0x15e: {  	[tilespmem:s10+$0x18C00] =	vst v0  }
0x15f: {  	v0 =	vld [tilespmem:s9+$0xFFFFFF10]  }
0x160: {  	v1 =	vld [tilespmem:s9+$0xFFFFFF90];
	_ =	sdelay $0x1  }
0x161: {  	v2 =	vld [tilespmem:s9+$0x10];
	_ =	sdelay $0x1  }
0x162: {  	v3 =	vld [tilespmem:s9+$0x90]  }
0x163: {  	v0 =	vadd.f32 v1, v0;
	_ =	sdelay $0x1  }
0x164: {  	v0 =	vadd.f32 v2, v0;
	_ =	sdelay $0x1  }
0x165: {  	v0 =	vadd.f32 v3, v0;
	_ =	sdelay $0x1  }
0x166: {  	[tilespmem:s10+$0x18C10] =	vst v0  }
0x167: {  	v0 =	vld [tilespmem:s9+$0xFFFFFF20]  }
0x168: {  	v1 =	vld [tilespmem:s9+$0xFFFFFFA0];
	_ =	sdelay $0x1  }
0x169: {  	v2 =	vld [tilespmem:s9+$0x20];
	_ =	sdelay $0x1  }
0x16a: {  	v3 =	vld [tilespmem:s9+$0xA0]  }
0x16b: {  	v0 =	vadd.f32 v1, v0;
	_ =	sdelay $0x1  }
0x16c: {  	v0 =	vadd.f32 v2, v0;
	_ =	sdelay $0x1  }
0x16d: {  	v0 =	vadd.f32 v3, v0;
	_ =	sdelay $0x1  }
0x16e: {  	[tilespmem:s10+$0x18C20] =	vst v0  }
0x16f: {  	v0 =	vld [tilespmem:s9+$0xFFFFFF30]  }
0x170: {  	v1 =	vld [tilespmem:s9+$0xFFFFFFB0];
	_ =	sdelay $0x1  }
0x171: {  	v2 =	vld [tilespmem:s9+$0x30];
	_ =	sdelay $0x1  }
0x172: {  	v3 =	vld [tilespmem:s9+$0xB0]  }
0x173: {  	v0 =	vadd.f32 v1, v0;
	_ =	sdelay $0x1  }
0x174: {  	v0 =	vadd.f32 v2, v0;
	_ =	sdelay $0x1  }
0x175: {  	v0 =	vadd.f32 v3, v0;
	_ =	sdelay $0x1  }
0x176: {  	[tilespmem:s10+$0x18C30] =	vst v0  }
0x177: {  	v0 =	vld [tilespmem:s9+$0xFFFFFF40]  }
0x178: {  	v1 =	vld [tilespmem:s9+$0xFFFFFFC0];
	_ =	sdelay $0x1  }
0x179: {  	v2 =	vld [tilespmem:s9+$0x40];
	_ =	sdelay $0x1  }
0x17a: {  	v3 =	vld [tilespmem:s9+$0xC0]  }
0x17b: {  	v0 =	vadd.f32 v1, v0;
	_ =	sdelay $0x1  }
0x17c: {  	v0 =	vadd.f32 v2, v0;
	_ =	sdelay $0x1  }
0x17d: {  	v0 =	vadd.f32 v3, v0;
	_ =	sdelay $0x1  }
0x17e: {  	[tilespmem:s10+$0x18C40] =	vst v0  }
0x17f: {  	v0 =	vld [tilespmem:s9+$0xFFFFFF50]  }
0x180: {  	v1 =	vld [tilespmem:s9+$0xFFFFFFD0];
	_ =	sdelay $0x1  }
0x181: {  	v2 =	vld [tilespmem:s9+$0x50];
	_ =	sdelay $0x1  }
0x182: {  	v3 =	vld [tilespmem:s9+$0xD0]  }
0x183: {  	v0 =	vadd.f32 v1, v0;
	_ =	sdelay $0x1  }
0x184: {  	v0 =	vadd.f32 v2, v0;
	_ =	sdelay $0x1  }
0x185: {  	v0 =	vadd.f32 v3, v0;
	_ =	sdelay $0x1  }
0x186: {  	[tilespmem:s10+$0x18C50] =	vst v0  }
0x187: {  	v0 =	vld [tilespmem:s9+$0xFFFFFF60]  }
0x188: {  	v1 =	vld [tilespmem:s9+$0xFFFFFFE0];
	_ =	sdelay $0x1  }
0x189: {  	v2 =	vld [tilespmem:s9+$0x60];
	_ =	sdelay $0x1  }
0x18a: {  	v3 =	vld [tilespmem:s9+$0xE0]  }
0x18b: {  	v0 =	vadd.f32 v1, v0;
	_ =	sdelay $0x1  }
0x18c: {  	v0 =	vadd.f32 v2, v0;
	_ =	sdelay $0x1  }
0x18d: {  	v0 =	vadd.f32 v3, v0;
	_ =	sdelay $0x1  }
0x18e: {  	[tilespmem:s10+$0x18C60] =	vst v0  }
0x18f: {  	v0 =	vld [tilespmem:s9+$0xFFFFFF70]  }
0x190: {  	v3 =	vld [tilespmem:s9+$0xFFFFFFF0]  }
0x191: {  	v1 =	vld [tilespmem:s9+$0x70]  }
0x192: {  	s11 =	simm.s32 $0x200;
	v2 =	vld [tilespmem:s9+$0xF0]  }
.LBB2_6:
0x193: {  	p0 =	sne.s32 s11, $0x7E00  }
0x194: {  	s9 =	sadd.s32 $0x200, s9;
	s12 =	smov.u32 s11;
	s11 =	sadd.s32 $0x200, s11  }
0x195: {  	_ = 	snop  }
0x196: {  	v0 =	vadd.f32 v3, v0;
	_ =	sdelay $0x1  }
0x197: {  	v0 =	vadd.f32 v1, v0;
	_ =	sdelay $0x1  }
0x198: {  	v0 =	vadd.f32 v2, v0;
	_ =	sdelay $0x1  }
0x199: {  	[tilespmem:s10+$0x18C70] =	vst v0  }
0x19a: {  	v0 =	vld [tilespmem:s9+$0xFFFFFF80]  }
0x19b: {  	v1 =	vld [tilespmem:s9+$0xFFFFFF00]  }
0x19c: {  	v2 =	vld [tilespmem:s9+$0x0];
	_ =	sdelay $0x2  }
0x19d: {  	v3 =	vld [tilespmem:s9+$0x80]  }
0x19e: {  	v0 =	vadd.f32 v0, v1;
	_ =	sdelay $0x1  }
0x19f: {  	v0 =	vadd.f32 v2, v0;
	_ =	sdelay $0x1  }
0x1a0: {  	v0 =	vadd.f32 v3, v0  }
0x1a1: {  	s10 =	sshra.s32 s12, $0x2  }
0x1a2: {  	[tilespmem:s10+$0x18C00] =	vst v0  }
0x1a3: {  	v0 =	vld [tilespmem:s9+$0xFFFFFF10]  }
0x1a4: {  	v1 =	vld [tilespmem:s9+$0xFFFFFF90];
	_ =	sdelay $0x1  }
0x1a5: {  	v2 =	vld [tilespmem:s9+$0x10];
	_ =	sdelay $0x1  }
0x1a6: {  	v3 =	vld [tilespmem:s9+$0x90]  }
0x1a7: {  	v0 =	vadd.f32 v1, v0;
	_ =	sdelay $0x1  }
0x1a8: {  	v0 =	vadd.f32 v2, v0;
	_ =	sdelay $0x1  }
0x1a9: {  	v0 =	vadd.f32 v3, v0;
	_ =	sdelay $0x1  }
0x1aa: {  	[tilespmem:s10+$0x18C10] =	vst v0  }
0x1ab: {  	v0 =	vld [tilespmem:s9+$0xFFFFFF20]  }
0x1ac: {  	v1 =	vld [tilespmem:s9+$0xFFFFFFA0];
	_ =	sdelay $0x1  }
0x1ad: {  	v2 =	vld [tilespmem:s9+$0x20];
	_ =	sdelay $0x1  }
0x1ae: {  	v3 =	vld [tilespmem:s9+$0xA0]  }
0x1af: {  	v0 =	vadd.f32 v1, v0;
	_ =	sdelay $0x1  }
0x1b0: {  	v0 =	vadd.f32 v2, v0;
	_ =	sdelay $0x1  }
0x1b1: {  	v0 =	vadd.f32 v3, v0;
	_ =	sdelay $0x1  }
0x1b2: {  	[tilespmem:s10+$0x18C20] =	vst v0  }
0x1b3: {  	v0 =	vld [tilespmem:s9+$0xFFFFFF30]  }
0x1b4: {  	v1 =	vld [tilespmem:s9+$0xFFFFFFB0]  }
0x1b5: {  	v2 =	vld [tilespmem:s9+$0x30];
	_ =	sdelay $0x2  }
0x1b6: {  	v3 =	vld [tilespmem:s9+$0xB0]  }
0x1b7: {  	v0 =	vadd.f32 v1, v0;
	_ =	sdelay $0x1  }
0x1b8: {  	v0 =	vadd.f32 v2, v0;
	_ =	sdelay $0x1  }
0x1b9: {  	v0 =	vadd.f32 v3, v0;
	_ =	sdelay $0x1  }
0x1ba: {  	[tilespmem:s10+$0x18C30] =	vst v0  }
0x1bb: {  	v0 =	vld [tilespmem:s9+$0xFFFFFF40]  }
0x1bc: {  	v1 =	vld [tilespmem:s9+$0xFFFFFFC0];
	_ =	sdelay $0x1  }
0x1bd: {  	v2 =	vld [tilespmem:s9+$0x40];
	_ =	sdelay $0x1  }
0x1be: {  	v3 =	vld [tilespmem:s9+$0xC0]  }
0x1bf: {  	v0 =	vadd.f32 v1, v0;
	_ =	sdelay $0x1  }
0x1c0: {  	v0 =	vadd.f32 v2, v0;
	_ =	sdelay $0x1  }
0x1c1: {  	v0 =	vadd.f32 v3, v0;
	_ =	sdelay $0x1  }
0x1c2: {  	[tilespmem:s10+$0x18C40] =	vst v0  }
0x1c3: {  	v0 =	vld [tilespmem:s9+$0xFFFFFF50]  }
0x1c4: {  	v1 =	vld [tilespmem:s9+$0xFFFFFFD0]  }
0x1c5: {  	v2 =	vld [tilespmem:s9+$0x50]  }
0x1c6: {  	v3 =	vld [tilespmem:s9+$0xD0];
	_ =	sdelay $0x2  }
0x1c7: {  	v0 =	vadd.f32 v1, v0;
	_ =	sdelay $0x1  }
0x1c8: {  	v0 =	vadd.f32 v2, v0;
	_ =	sdelay $0x1  }
0x1c9: {  	v0 =	vadd.f32 v3, v0;
	_ =	sdelay $0x1  }
0x1ca: {  	[tilespmem:s10+$0x18C50] =	vst v0  }
0x1cb: {  	v0 =	vld [tilespmem:s9+$0xFFFFFF60]  }
0x1cc: {  	v1 =	vld [tilespmem:s9+$0xFFFFFFE0]  }
0x1cd: {  	v2 =	vld [tilespmem:s9+$0x60]  }
0x1ce: {  	v3 =	vld [tilespmem:s9+$0xE0];
	_ =	sdelay $0x2  }
0x1cf: {  	v0 =	vadd.f32 v1, v0;
	_ =	sdelay $0x1  }
0x1d0: {  	v0 =	vadd.f32 v2, v0;
	_ =	sdelay $0x1  }
0x1d1: {  	v0 =	vadd.f32 v3, v0;
	_ =	sdelay $0x1  }
.Ltmp2:
0x1d2: {  	[tilespmem:s10+$0x18C60] =	vst v0;
	(pc) =	sbr.rel @p0 .LBB2_6-.Ltmp2, $4  }
0x1d3: {  	v0 =	vld [tilespmem:s9+$0xFFFFFF70]  }
0x1d4: {  	v3 =	vld [tilespmem:s9+$0xFFFFFFF0]  }
0x1d5: {  	v1 =	vld [tilespmem:s9+$0x70]  }
0x1d6: {  	v2 =	vld [tilespmem:s9+$0xF0]  }
0x1d7: {  	_ =	sdelay $0x1  }
0x1d8: {  	v0 =	vadd.f32 v3, v0;
	_ =	sdelay $0x1  }
0x1d9: {  	v0 =	vadd.f32 v1, v0;
	_ =	sdelay $0x1  }
0x1da: {  	v0 =	vadd.f32 v2, v0;
	_ =	sdelay $0x1  }
0x1db: {  	s9 =	simm.s32 $0x0;
	s12 =	rddreg [dreg:$0xb];
	[tilespmem:s10+$0x18C70] =	vst v0  }
0x1dc: {  	[hbm4b:s12+s9] =	stream.linear.scatter [tilespmem:s31], [sflag:$0x7], $0x2000, $0x38;
	[tilespmem:$0x1CC00] =	vst v63  }
0x1dd: {  	s11 =	simm.s32 $0x300  }
0x1de: {  	[tilespmem:s26], [sflag:$0x2] =	stream.indirect.gather [hbm4b:s2+s24], $0x80, s11, s24, $0xb8;
	[tilespmem:$0x1CC00] =	vst v63  }
0x1df: {  	_ =	swait.ge [sflag:s28], $0x8000  }
0x1e0: {  	[sflag:s28] =	ssyncset.done $0x0  }
0x1e1: {  	[sflag:s28] =	ssyncadd.s32 $0xFFFF8000  }
0x1e2: {  	[hbm4b:s13+s9] =	stream.linear.scatter [tilespmem:s29], [sflag:$0x6], $0x8000, $0x38;
	[tilespmem:$0x1CC00] =	vst v63  }
0x1e3: {  	_ =	swait.ge [sflag:s6], $0x8000  }
0x1e4: {  	[sflag:s6] =	ssyncset.done $0x0  }
0x1e5: {  	s12 =	simm.s32 $0x800;
	[sflag:s6] =	ssyncadd.s32 $0xFFFF8000  }
0x1e6: {  	[tilespmem:s29], [sflag:$0x3] =	stream.indirect.gather [hbm4b:s2+s24], $0x80, s12, s24, $0xb8;
	[tilespmem:$0x1CC00] =	vst v63  }
0x1e7: {  	_ =	swait.ge [sflag:s30], $0x8000  }
0x1e8: {  	[sflag:s30] =	ssyncset.done $0x0  }
0x1e9: {  	[sflag:s30] =	ssyncadd.s32 $0xFFFF8000  }
0x1ea: {  	_ =	swait.ge [sflag:s23], $0x2000  }
0x1eb: {  	[sflag:s23] =	ssyncset.done $0x0  }
0x1ec: {  	s9 =	simm.s32 $0xD00;
	[sflag:s23] =	ssyncadd.s32 $0xFFFFE000  }
0x1ed: {  	v0 =	vld [tilespmem:s9+$0xFFFFFF80]  }
0x1ee: {  	v1 =	vld [tilespmem:s9+$0xFFFFFF00];
	_ =	sdelay $0x1  }
0x1ef: {  	v2 =	vld [tilespmem:s9+$0x0];
	_ =	sdelay $0x1  }
0x1f0: {  	v3 =	vld [tilespmem:s9+$0x80]  }
0x1f1: {  	v0 =	vadd.f32 v0, v1;
	_ =	sdelay $0x1  }
0x1f2: {  	v0 =	vadd.f32 v2, v0;
	_ =	sdelay $0x1  }
0x1f3: {  	v0 =	vadd.f32 v3, v0  }
0x1f4: {  	s10 =	simm.s32 $0x0  }
0x1f5: {  	[tilespmem:s10+$0x1AC00] =	vst v0  }
0x1f6: {  	v0 =	vld [tilespmem:s9+$0xFFFFFF10]  }
0x1f7: {  	v1 =	vld [tilespmem:s9+$0xFFFFFF90];
	_ =	sdelay $0x1  }
0x1f8: {  	v2 =	vld [tilespmem:s9+$0x10];
	_ =	sdelay $0x1  }
0x1f9: {  	v3 =	vld [tilespmem:s9+$0x90]  }
0x1fa: {  	v0 =	vadd.f32 v1, v0;
	_ =	sdelay $0x1  }
0x1fb: {  	v0 =	vadd.f32 v2, v0;
	_ =	sdelay $0x1  }
0x1fc: {  	v0 =	vadd.f32 v3, v0;
	_ =	sdelay $0x1  }
0x1fd: {  	[tilespmem:s10+$0x1AC10] =	vst v0  }
0x1fe: {  	v0 =	vld [tilespmem:s9+$0xFFFFFF20]  }
0x1ff: {  	v1 =	vld [tilespmem:s9+$0xFFFFFFA0];
	_ =	sdelay $0x1  }
0x200: {  	v2 =	vld [tilespmem:s9+$0x20];
	_ =	sdelay $0x1  }
0x201: {  	v3 =	vld [tilespmem:s9+$0xA0]  }
0x202: {  	v0 =	vadd.f32 v1, v0;
	_ =	sdelay $0x1  }
0x203: {  	v0 =	vadd.f32 v2, v0;
	_ =	sdelay $0x1  }
0x204: {  	v0 =	vadd.f32 v3, v0;
	_ =	sdelay $0x1  }
0x205: {  	[tilespmem:s10+$0x1AC20] =	vst v0  }
0x206: {  	v0 =	vld [tilespmem:s9+$0xFFFFFF30]  }
0x207: {  	v1 =	vld [tilespmem:s9+$0xFFFFFFB0];
	_ =	sdelay $0x1  }
0x208: {  	v2 =	vld [tilespmem:s9+$0x30];
	_ =	sdelay $0x1  }
0x209: {  	v3 =	vld [tilespmem:s9+$0xB0]  }
0x20a: {  	v0 =	vadd.f32 v1, v0;
	_ =	sdelay $0x1  }
0x20b: {  	v0 =	vadd.f32 v2, v0;
	_ =	sdelay $0x1  }
0x20c: {  	v0 =	vadd.f32 v3, v0;
	_ =	sdelay $0x1  }
0x20d: {  	[tilespmem:s10+$0x1AC30] =	vst v0  }
0x20e: {  	v0 =	vld [tilespmem:s9+$0xFFFFFF40]  }
0x20f: {  	v1 =	vld [tilespmem:s9+$0xFFFFFFC0];
	_ =	sdelay $0x1  }
0x210: {  	v2 =	vld [tilespmem:s9+$0x40];
	_ =	sdelay $0x1  }
0x211: {  	v3 =	vld [tilespmem:s9+$0xC0]  }
0x212: {  	v0 =	vadd.f32 v1, v0;
	_ =	sdelay $0x1  }
0x213: {  	v0 =	vadd.f32 v2, v0;
	_ =	sdelay $0x1  }
0x214: {  	v0 =	vadd.f32 v3, v0;
	_ =	sdelay $0x1  }
0x215: {  	[tilespmem:s10+$0x1AC40] =	vst v0  }
0x216: {  	v0 =	vld [tilespmem:s9+$0xFFFFFF50]  }
0x217: {  	v1 =	vld [tilespmem:s9+$0xFFFFFFD0];
	_ =	sdelay $0x1  }
0x218: {  	v2 =	vld [tilespmem:s9+$0x50];
	_ =	sdelay $0x1  }
0x219: {  	v3 =	vld [tilespmem:s9+$0xD0]  }
0x21a: {  	v0 =	vadd.f32 v1, v0;
	_ =	sdelay $0x1  }
0x21b: {  	v0 =	vadd.f32 v2, v0;
	_ =	sdelay $0x1  }
0x21c: {  	v0 =	vadd.f32 v3, v0;
	_ =	sdelay $0x1  }
0x21d: {  	[tilespmem:s10+$0x1AC50] =	vst v0  }
0x21e: {  	v0 =	vld [tilespmem:s9+$0xFFFFFF60]  }
0x21f: {  	v1 =	vld [tilespmem:s9+$0xFFFFFFE0];
	_ =	sdelay $0x1  }
0x220: {  	v2 =	vld [tilespmem:s9+$0x60];
	_ =	sdelay $0x1  }
0x221: {  	v3 =	vld [tilespmem:s9+$0xE0]  }
0x222: {  	v0 =	vadd.f32 v1, v0;
	_ =	sdelay $0x1  }
0x223: {  	v0 =	vadd.f32 v2, v0;
	_ =	sdelay $0x1  }
0x224: {  	v0 =	vadd.f32 v3, v0;
	_ =	sdelay $0x1  }
0x225: {  	[tilespmem:s10+$0x1AC60] =	vst v0  }
0x226: {  	v0 =	vld [tilespmem:s9+$0xFFFFFF70]  }
0x227: {  	v3 =	vld [tilespmem:s9+$0xFFFFFFF0]  }
0x228: {  	v1 =	vld [tilespmem:s9+$0x70]  }
0x229: {  	s11 =	simm.s32 $0x200;
	v2 =	vld [tilespmem:s9+$0xF0]  }
.LBB2_8:
0x22a: {  	p0 =	sne.s32 s11, $0x7E00  }
0x22b: {  	s9 =	sadd.s32 $0x200, s9;
	s12 =	smov.u32 s11;
	s11 =	sadd.s32 $0x200, s11  }
0x22c: {  	_ = 	snop  }
0x22d: {  	v0 =	vadd.f32 v3, v0;
	_ =	sdelay $0x1  }
0x22e: {  	v0 =	vadd.f32 v1, v0;
	_ =	sdelay $0x1  }
0x22f: {  	v0 =	vadd.f32 v2, v0;
	_ =	sdelay $0x1  }
0x230: {  	[tilespmem:s10+$0x1AC70] =	vst v0  }
0x231: {  	v0 =	vld [tilespmem:s9+$0xFFFFFF80]  }
0x232: {  	v1 =	vld [tilespmem:s9+$0xFFFFFF00]  }
0x233: {  	v2 =	vld [tilespmem:s9+$0x0];
	_ =	sdelay $0x2  }
0x234: {  	v3 =	vld [tilespmem:s9+$0x80]  }
0x235: {  	v0 =	vadd.f32 v0, v1;
	_ =	sdelay $0x1  }
0x236: {  	v0 =	vadd.f32 v2, v0;
	_ =	sdelay $0x1  }
0x237: {  	v0 =	vadd.f32 v3, v0  }
0x238: {  	s10 =	sshra.s32 s12, $0x2  }
0x239: {  	[tilespmem:s10+$0x1AC00] =	vst v0  }
0x23a: {  	v0 =	vld [tilespmem:s9+$0xFFFFFF10]  }
0x23b: {  	v1 =	vld [tilespmem:s9+$0xFFFFFF90];
	_ =	sdelay $0x1  }
0x23c: {  	v2 =	vld [tilespmem:s9+$0x10];
	_ =	sdelay $0x1  }
0x23d: {  	v3 =	vld [tilespmem:s9+$0x90]  }
0x23e: {  	v0 =	vadd.f32 v1, v0;
	_ =	sdelay $0x1  }
0x23f: {  	v0 =	vadd.f32 v2, v0;
	_ =	sdelay $0x1  }
0x240: {  	v0 =	vadd.f32 v3, v0;
	_ =	sdelay $0x1  }
0x241: {  	[tilespmem:s10+$0x1AC10] =	vst v0  }
0x242: {  	v0 =	vld [tilespmem:s9+$0xFFFFFF20]  }
0x243: {  	v1 =	vld [tilespmem:s9+$0xFFFFFFA0];
	_ =	sdelay $0x1  }
0x244: {  	v2 =	vld [tilespmem:s9+$0x20];
	_ =	sdelay $0x1  }
0x245: {  	v3 =	vld [tilespmem:s9+$0xA0]  }
0x246: {  	v0 =	vadd.f32 v1, v0;
	_ =	sdelay $0x1  }
0x247: {  	v0 =	vadd.f32 v2, v0;
	_ =	sdelay $0x1  }
0x248: {  	v0 =	vadd.f32 v3, v0;
	_ =	sdelay $0x1  }
0x249: {  	[tilespmem:s10+$0x1AC20] =	vst v0  }
0x24a: {  	v0 =	vld [tilespmem:s9+$0xFFFFFF30]  }
0x24b: {  	v1 =	vld [tilespmem:s9+$0xFFFFFFB0]  }
0x24c: {  	v2 =	vld [tilespmem:s9+$0x30];
	_ =	sdelay $0x2  }
0x24d: {  	v3 =	vld [tilespmem:s9+$0xB0]  }
0x24e: {  	v0 =	vadd.f32 v1, v0;
	_ =	sdelay $0x1  }
0x24f: {  	v0 =	vadd.f32 v2, v0;
	_ =	sdelay $0x1  }
0x250: {  	v0 =	vadd.f32 v3, v0;
	_ =	sdelay $0x1  }
0x251: {  	[tilespmem:s10+$0x1AC30] =	vst v0  }
0x252: {  	v0 =	vld [tilespmem:s9+$0xFFFFFF40]  }
0x253: {  	v1 =	vld [tilespmem:s9+$0xFFFFFFC0];
	_ =	sdelay $0x1  }
0x254: {  	v2 =	vld [tilespmem:s9+$0x40];
	_ =	sdelay $0x1  }
0x255: {  	v3 =	vld [tilespmem:s9+$0xC0]  }
0x256: {  	v0 =	vadd.f32 v1, v0;
	_ =	sdelay $0x1  }
0x257: {  	v0 =	vadd.f32 v2, v0;
	_ =	sdelay $0x1  }
0x258: {  	v0 =	vadd.f32 v3, v0;
	_ =	sdelay $0x1  }
0x259: {  	[tilespmem:s10+$0x1AC40] =	vst v0  }
0x25a: {  	v0 =	vld [tilespmem:s9+$0xFFFFFF50]  }
0x25b: {  	v1 =	vld [tilespmem:s9+$0xFFFFFFD0]  }
0x25c: {  	v2 =	vld [tilespmem:s9+$0x50]  }
0x25d: {  	v3 =	vld [tilespmem:s9+$0xD0];
	_ =	sdelay $0x2  }
0x25e: {  	v0 =	vadd.f32 v1, v0;
	_ =	sdelay $0x1  }
0x25f: {  	v0 =	vadd.f32 v2, v0;
	_ =	sdelay $0x1  }
0x260: {  	v0 =	vadd.f32 v3, v0;
	_ =	sdelay $0x1  }
0x261: {  	[tilespmem:s10+$0x1AC50] =	vst v0  }
0x262: {  	v0 =	vld [tilespmem:s9+$0xFFFFFF60]  }
0x263: {  	v1 =	vld [tilespmem:s9+$0xFFFFFFE0]  }
0x264: {  	v2 =	vld [tilespmem:s9+$0x60]  }
0x265: {  	v3 =	vld [tilespmem:s9+$0xE0];
	_ =	sdelay $0x2  }
0x266: {  	v0 =	vadd.f32 v1, v0;
	_ =	sdelay $0x1  }
0x267: {  	v0 =	vadd.f32 v2, v0;
	_ =	sdelay $0x1  }
0x268: {  	v0 =	vadd.f32 v3, v0;
	_ =	sdelay $0x1  }
.Ltmp3:
0x269: {  	[tilespmem:s10+$0x1AC60] =	vst v0;
	(pc) =	sbr.rel @p0 .LBB2_8-.Ltmp3, $4  }
0x26a: {  	v0 =	vld [tilespmem:s9+$0xFFFFFF70]  }
0x26b: {  	v3 =	vld [tilespmem:s9+$0xFFFFFFF0]  }
0x26c: {  	v1 =	vld [tilespmem:s9+$0x70]  }
0x26d: {  	v2 =	vld [tilespmem:s9+$0xF0]  }
0x26e: {  	_ =	sdelay $0x1  }
0x26f: {  	v0 =	vadd.f32 v3, v0;
	_ =	sdelay $0x1  }
0x270: {  	v0 =	vadd.f32 v1, v0;
	_ =	sdelay $0x1  }
0x271: {  	v0 =	vadd.f32 v2, v0;
	_ =	sdelay $0x1  }
0x272: {  	s9 =	simm.s32 $0x0;
	[tilespmem:s10+$0x1AC70] =	vst v0  }
0x273: {  	[hbm4b:s14+s9] =	stream.linear.scatter [tilespmem:s1], [sflag:$0x7], $0x2000, $0x38;
	[tilespmem:$0x1CC00] =	vst v63  }
0x274: {  	s11 =	simm.s32 $0x900  }
0x275: {  	[tilespmem:s25], [sflag:$0x1] =	stream.indirect.gather [hbm4b:s2+s24], $0x80, s11, s24, $0xb8;
	[tilespmem:$0x1CC00] =	vst v63  }
0x276: {  	_ =	swait.ge [sflag:s0], $0x8000  }
0x277: {  	[sflag:s0] =	ssyncset.done $0x0  }
0x278: {  	[sflag:s0] =	ssyncadd.s32 $0xFFFF8000  }
0x279: {  	[hbm4b:s15+s9] =	stream.linear.scatter [tilespmem:s26], [sflag:$0x5], $0x8000, $0x38;
	[tilespmem:$0x1CC00] =	vst v63  }
0x27a: {  	_ =	swait.ge [sflag:s3], $0x8000  }
0x27b: {  	[sflag:s3] =	ssyncset.done $0x0  }
0x27c: {  	s12 =	simm.s32 $0xA00;
	[sflag:s3] =	ssyncadd.s32 $0xFFFF8000  }
0x27d: {  	[tilespmem:s26], [sflag:$0x2] =	stream.indirect.gather [hbm4b:s2+s24], $0x80, s12, s24, $0xb8;
	[tilespmem:$0x1CC00] =	vst v63  }
0x27e: {  	_ =	swait.ge [sflag:s28], $0x8000  }
0x27f: {  	[sflag:s28] =	ssyncset.done $0x0  }
0x280: {  	[sflag:s28] =	ssyncadd.s32 $0xFFFF8000  }
0x281: {  	_ =	swait.ge [sflag:s23], $0x2000  }
0x282: {  	[sflag:s23] =	ssyncset.done $0x0  }
0x283: {  	s9 =	simm.s32 $0x10D00;
	[sflag:s23] =	ssyncadd.s32 $0xFFFFE000  }
0x284: {  	v0 =	vld [tilespmem:s9+$0xFFFFFF80]  }
0x285: {  	v1 =	vld [tilespmem:s9+$0xFFFFFF00];
	_ =	sdelay $0x1  }
0x286: {  	v2 =	vld [tilespmem:s9+$0x0];
	_ =	sdelay $0x1  }
0x287: {  	v3 =	vld [tilespmem:s9+$0x80]  }
0x288: {  	v0 =	vadd.f32 v0, v1;
	_ =	sdelay $0x1  }
0x289: {  	v0 =	vadd.f32 v2, v0;
	_ =	sdelay $0x1  }
0x28a: {  	v0 =	vadd.f32 v3, v0  }
0x28b: {  	s10 =	simm.s32 $0x0  }
0x28c: {  	[tilespmem:s10+$0x18C00] =	vst v0  }
0x28d: {  	v0 =	vld [tilespmem:s9+$0xFFFFFF10]  }
0x28e: {  	v1 =	vld [tilespmem:s9+$0xFFFFFF90];
	_ =	sdelay $0x1  }
0x28f: {  	v2 =	vld [tilespmem:s9+$0x10];
	_ =	sdelay $0x1  }
0x290: {  	v3 =	vld [tilespmem:s9+$0x90]  }
0x291: {  	v0 =	vadd.f32 v1, v0;
	_ =	sdelay $0x1  }
0x292: {  	v0 =	vadd.f32 v2, v0;
	_ =	sdelay $0x1  }
0x293: {  	v0 =	vadd.f32 v3, v0;
	_ =	sdelay $0x1  }
0x294: {  	[tilespmem:s10+$0x18C10] =	vst v0  }
0x295: {  	v0 =	vld [tilespmem:s9+$0xFFFFFF20]  }
0x296: {  	v1 =	vld [tilespmem:s9+$0xFFFFFFA0];
	_ =	sdelay $0x1  }
0x297: {  	v2 =	vld [tilespmem:s9+$0x20];
	_ =	sdelay $0x1  }
0x298: {  	v3 =	vld [tilespmem:s9+$0xA0]  }
0x299: {  	v0 =	vadd.f32 v1, v0;
	_ =	sdelay $0x1  }
0x29a: {  	v0 =	vadd.f32 v2, v0;
	_ =	sdelay $0x1  }
0x29b: {  	v0 =	vadd.f32 v3, v0;
	_ =	sdelay $0x1  }
0x29c: {  	[tilespmem:s10+$0x18C20] =	vst v0  }
0x29d: {  	v0 =	vld [tilespmem:s9+$0xFFFFFF30]  }
0x29e: {  	v1 =	vld [tilespmem:s9+$0xFFFFFFB0];
	_ =	sdelay $0x1  }
0x29f: {  	v2 =	vld [tilespmem:s9+$0x30];
	_ =	sdelay $0x1  }
0x2a0: {  	v3 =	vld [tilespmem:s9+$0xB0]  }
0x2a1: {  	v0 =	vadd.f32 v1, v0;
	_ =	sdelay $0x1  }
0x2a2: {  	v0 =	vadd.f32 v2, v0;
	_ =	sdelay $0x1  }
0x2a3: {  	v0 =	vadd.f32 v3, v0;
	_ =	sdelay $0x1  }
0x2a4: {  	[tilespmem:s10+$0x18C30] =	vst v0  }
0x2a5: {  	v0 =	vld [tilespmem:s9+$0xFFFFFF40]  }
0x2a6: {  	v1 =	vld [tilespmem:s9+$0xFFFFFFC0];
	_ =	sdelay $0x1  }
0x2a7: {  	v2 =	vld [tilespmem:s9+$0x40];
	_ =	sdelay $0x1  }
0x2a8: {  	v3 =	vld [tilespmem:s9+$0xC0]  }
0x2a9: {  	v0 =	vadd.f32 v1, v0;
	_ =	sdelay $0x1  }
0x2aa: {  	v0 =	vadd.f32 v2, v0;
	_ =	sdelay $0x1  }
0x2ab: {  	v0 =	vadd.f32 v3, v0;
	_ =	sdelay $0x1  }
0x2ac: {  	[tilespmem:s10+$0x18C40] =	vst v0  }
0x2ad: {  	v0 =	vld [tilespmem:s9+$0xFFFFFF50]  }
0x2ae: {  	v1 =	vld [tilespmem:s9+$0xFFFFFFD0];
	_ =	sdelay $0x1  }
0x2af: {  	v2 =	vld [tilespmem:s9+$0x50];
	_ =	sdelay $0x1  }
0x2b0: {  	v3 =	vld [tilespmem:s9+$0xD0]  }
0x2b1: {  	v0 =	vadd.f32 v1, v0;
	_ =	sdelay $0x1  }
0x2b2: {  	v0 =	vadd.f32 v2, v0;
	_ =	sdelay $0x1  }
0x2b3: {  	v0 =	vadd.f32 v3, v0;
	_ =	sdelay $0x1  }
0x2b4: {  	[tilespmem:s10+$0x18C50] =	vst v0  }
0x2b5: {  	v0 =	vld [tilespmem:s9+$0xFFFFFF60]  }
0x2b6: {  	v1 =	vld [tilespmem:s9+$0xFFFFFFE0];
	_ =	sdelay $0x1  }
0x2b7: {  	v2 =	vld [tilespmem:s9+$0x60];
	_ =	sdelay $0x1  }
0x2b8: {  	v3 =	vld [tilespmem:s9+$0xE0]  }
0x2b9: {  	v0 =	vadd.f32 v1, v0;
	_ =	sdelay $0x1  }
0x2ba: {  	v0 =	vadd.f32 v2, v0;
	_ =	sdelay $0x1  }
0x2bb: {  	v0 =	vadd.f32 v3, v0;
	_ =	sdelay $0x1  }
0x2bc: {  	[tilespmem:s10+$0x18C60] =	vst v0  }
0x2bd: {  	v0 =	vld [tilespmem:s9+$0xFFFFFF70]  }
0x2be: {  	v3 =	vld [tilespmem:s9+$0xFFFFFFF0]  }
0x2bf: {  	v1 =	vld [tilespmem:s9+$0x70]  }
0x2c0: {  	s11 =	simm.s32 $0x200;
	v2 =	vld [tilespmem:s9+$0xF0]  }
.LBB2_10:
0x2c1: {  	p0 =	sne.s32 s11, $0x7E00  }
0x2c2: {  	s9 =	sadd.s32 $0x200, s9;
	s12 =	smov.u32 s11;
	s11 =	sadd.s32 $0x200, s11  }
0x2c3: {  	_ = 	snop  }
0x2c4: {  	v0 =	vadd.f32 v3, v0;
	_ =	sdelay $0x1  }
0x2c5: {  	v0 =	vadd.f32 v1, v0;
	_ =	sdelay $0x1  }
0x2c6: {  	v0 =	vadd.f32 v2, v0;
	_ =	sdelay $0x1  }
0x2c7: {  	[tilespmem:s10+$0x18C70] =	vst v0  }
0x2c8: {  	v0 =	vld [tilespmem:s9+$0xFFFFFF80]  }
0x2c9: {  	v1 =	vld [tilespmem:s9+$0xFFFFFF00]  }
0x2ca: {  	v2 =	vld [tilespmem:s9+$0x0];
	_ =	sdelay $0x2  }
0x2cb: {  	v3 =	vld [tilespmem:s9+$0x80]  }
0x2cc: {  	v0 =	vadd.f32 v0, v1;
	_ =	sdelay $0x1  }
0x2cd: {  	v0 =	vadd.f32 v2, v0;
	_ =	sdelay $0x1  }
0x2ce: {  	v0 =	vadd.f32 v3, v0  }
0x2cf: {  	s10 =	sshra.s32 s12, $0x2  }
0x2d0: {  	[tilespmem:s10+$0x18C00] =	vst v0  }
0x2d1: {  	v0 =	vld [tilespmem:s9+$0xFFFFFF10]  }
0x2d2: {  	v1 =	vld [tilespmem:s9+$0xFFFFFF90];
	_ =	sdelay $0x1  }
0x2d3: {  	v2 =	vld [tilespmem:s9+$0x10];
	_ =	sdelay $0x1  }
0x2d4: {  	v3 =	vld [tilespmem:s9+$0x90]  }
0x2d5: {  	v0 =	vadd.f32 v1, v0;
	_ =	sdelay $0x1  }
0x2d6: {  	v0 =	vadd.f32 v2, v0;
	_ =	sdelay $0x1  }
0x2d7: {  	v0 =	vadd.f32 v3, v0;
	_ =	sdelay $0x1  }
0x2d8: {  	[tilespmem:s10+$0x18C10] =	vst v0  }
0x2d9: {  	v0 =	vld [tilespmem:s9+$0xFFFFFF20]  }
0x2da: {  	v1 =	vld [tilespmem:s9+$0xFFFFFFA0];
	_ =	sdelay $0x1  }
0x2db: {  	v2 =	vld [tilespmem:s9+$0x20];
	_ =	sdelay $0x1  }
0x2dc: {  	v3 =	vld [tilespmem:s9+$0xA0]  }
0x2dd: {  	v0 =	vadd.f32 v1, v0;
	_ =	sdelay $0x1  }
0x2de: {  	v0 =	vadd.f32 v2, v0;
	_ =	sdelay $0x1  }
0x2df: {  	v0 =	vadd.f32 v3, v0;
	_ =	sdelay $0x1  }
0x2e0: {  	[tilespmem:s10+$0x18C20] =	vst v0  }
0x2e1: {  	v0 =	vld [tilespmem:s9+$0xFFFFFF30]  }
0x2e2: {  	v1 =	vld [tilespmem:s9+$0xFFFFFFB0]  }
0x2e3: {  	v2 =	vld [tilespmem:s9+$0x30];
	_ =	sdelay $0x2  }
0x2e4: {  	v3 =	vld [tilespmem:s9+$0xB0]  }
0x2e5: {  	v0 =	vadd.f32 v1, v0;
	_ =	sdelay $0x1  }
0x2e6: {  	v0 =	vadd.f32 v2, v0;
	_ =	sdelay $0x1  }
0x2e7: {  	v0 =	vadd.f32 v3, v0;
	_ =	sdelay $0x1  }
0x2e8: {  	[tilespmem:s10+$0x18C30] =	vst v0  }
0x2e9: {  	v0 =	vld [tilespmem:s9+$0xFFFFFF40]  }
0x2ea: {  	v1 =	vld [tilespmem:s9+$0xFFFFFFC0];
	_ =	sdelay $0x1  }
0x2eb: {  	v2 =	vld [tilespmem:s9+$0x40];
	_ =	sdelay $0x1  }
0x2ec: {  	v3 =	vld [tilespmem:s9+$0xC0]  }
0x2ed: {  	v0 =	vadd.f32 v1, v0;
	_ =	sdelay $0x1  }
0x2ee: {  	v0 =	vadd.f32 v2, v0;
	_ =	sdelay $0x1  }
0x2ef: {  	v0 =	vadd.f32 v3, v0;
	_ =	sdelay $0x1  }
0x2f0: {  	[tilespmem:s10+$0x18C40] =	vst v0  }
0x2f1: {  	v0 =	vld [tilespmem:s9+$0xFFFFFF50]  }
0x2f2: {  	v1 =	vld [tilespmem:s9+$0xFFFFFFD0]  }
0x2f3: {  	v2 =	vld [tilespmem:s9+$0x50]  }
0x2f4: {  	v3 =	vld [tilespmem:s9+$0xD0];
	_ =	sdelay $0x2  }
0x2f5: {  	v0 =	vadd.f32 v1, v0;
	_ =	sdelay $0x1  }
0x2f6: {  	v0 =	vadd.f32 v2, v0;
	_ =	sdelay $0x1  }
0x2f7: {  	v0 =	vadd.f32 v3, v0;
	_ =	sdelay $0x1  }
0x2f8: {  	[tilespmem:s10+$0x18C50] =	vst v0  }
0x2f9: {  	v0 =	vld [tilespmem:s9+$0xFFFFFF60]  }
0x2fa: {  	v1 =	vld [tilespmem:s9+$0xFFFFFFE0]  }
0x2fb: {  	v2 =	vld [tilespmem:s9+$0x60]  }
0x2fc: {  	v3 =	vld [tilespmem:s9+$0xE0];
	_ =	sdelay $0x2  }
0x2fd: {  	v0 =	vadd.f32 v1, v0;
	_ =	sdelay $0x1  }
0x2fe: {  	v0 =	vadd.f32 v2, v0;
	_ =	sdelay $0x1  }
0x2ff: {  	v0 =	vadd.f32 v3, v0;
	_ =	sdelay $0x1  }
.Ltmp4:
0x300: {  	[tilespmem:s10+$0x18C60] =	vst v0;
	(pc) =	sbr.rel @p0 .LBB2_10-.Ltmp4, $4  }
0x301: {  	v0 =	vld [tilespmem:s9+$0xFFFFFF70]  }
0x302: {  	v3 =	vld [tilespmem:s9+$0xFFFFFFF0]  }
0x303: {  	v1 =	vld [tilespmem:s9+$0x70]  }
0x304: {  	v2 =	vld [tilespmem:s9+$0xF0]  }
0x305: {  	_ =	sdelay $0x1  }
0x306: {  	v0 =	vadd.f32 v3, v0;
	_ =	sdelay $0x1  }
0x307: {  	v0 =	vadd.f32 v1, v0;
	_ =	sdelay $0x1  }
0x308: {  	v0 =	vadd.f32 v2, v0;
	_ =	sdelay $0x1  }
0x309: {  	s9 =	simm.s32 $0x0;
	[tilespmem:s10+$0x18C70] =	vst v0  }
0x30a: {  	[hbm4b:s16+s9] =	stream.linear.scatter [tilespmem:s31], [sflag:$0x7], $0x2000, $0x38;
	[tilespmem:$0x1CC00] =	vst v63  }
0x30b: {  	s12 =	simm.s32 $0xB00  }
0x30c: {  	[tilespmem:s29], [sflag:$0x3] =	stream.indirect.gather [hbm4b:s2+s24], $0x80, s12, s24, $0xb8;
	[tilespmem:$0x1CC00] =	vst v63  }
0x30d: {  	_ =	swait.ge [sflag:s30], $0x8000  }
0x30e: {  	[sflag:s30] =	ssyncset.done $0x0  }
0x30f: {  	[sflag:s30] =	ssyncadd.s32 $0xFFFF8000  }
0x310: {  	_ =	swait.ge [sflag:s23], $0x2000  }
0x311: {  	[sflag:s23] =	ssyncset.done $0x0  }
0x312: {  	s9 =	simm.s32 $0xD00;
	[sflag:s23] =	ssyncadd.s32 $0xFFFFE000  }
0x313: {  	v0 =	vld [tilespmem:s9+$0xFFFFFF80]  }
0x314: {  	v1 =	vld [tilespmem:s9+$0xFFFFFF00];
	_ =	sdelay $0x1  }
0x315: {  	v2 =	vld [tilespmem:s9+$0x0];
	_ =	sdelay $0x1  }
0x316: {  	v3 =	vld [tilespmem:s9+$0x80]  }
0x317: {  	v0 =	vadd.f32 v0, v1;
	_ =	sdelay $0x1  }
0x318: {  	v0 =	vadd.f32 v2, v0;
	_ =	sdelay $0x1  }
0x319: {  	v0 =	vadd.f32 v3, v0  }
0x31a: {  	s10 =	simm.s32 $0x0  }
0x31b: {  	[tilespmem:s10+$0x1AC00] =	vst v0  }
0x31c: {  	v0 =	vld [tilespmem:s9+$0xFFFFFF10]  }
0x31d: {  	v1 =	vld [tilespmem:s9+$0xFFFFFF90];
	_ =	sdelay $0x1  }
0x31e: {  	v2 =	vld [tilespmem:s9+$0x10];
	_ =	sdelay $0x1  }
0x31f: {  	v3 =	vld [tilespmem:s9+$0x90]  }
0x320: {  	v0 =	vadd.f32 v1, v0;
	_ =	sdelay $0x1  }
0x321: {  	v0 =	vadd.f32 v2, v0;
	_ =	sdelay $0x1  }
0x322: {  	v0 =	vadd.f32 v3, v0;
	_ =	sdelay $0x1  }
0x323: {  	[tilespmem:s10+$0x1AC10] =	vst v0  }
0x324: {  	v0 =	vld [tilespmem:s9+$0xFFFFFF20]  }
0x325: {  	v1 =	vld [tilespmem:s9+$0xFFFFFFA0];
	_ =	sdelay $0x1  }
0x326: {  	v2 =	vld [tilespmem:s9+$0x20];
	_ =	sdelay $0x1  }
0x327: {  	v3 =	vld [tilespmem:s9+$0xA0]  }
0x328: {  	v0 =	vadd.f32 v1, v0;
	_ =	sdelay $0x1  }
0x329: {  	v0 =	vadd.f32 v2, v0;
	_ =	sdelay $0x1  }
0x32a: {  	v0 =	vadd.f32 v3, v0;
	_ =	sdelay $0x1  }
0x32b: {  	[tilespmem:s10+$0x1AC20] =	vst v0  }
0x32c: {  	v0 =	vld [tilespmem:s9+$0xFFFFFF30]  }
0x32d: {  	v1 =	vld [tilespmem:s9+$0xFFFFFFB0];
	_ =	sdelay $0x1  }
0x32e: {  	v2 =	vld [tilespmem:s9+$0x30];
	_ =	sdelay $0x1  }
0x32f: {  	v3 =	vld [tilespmem:s9+$0xB0]  }
0x330: {  	v0 =	vadd.f32 v1, v0;
	_ =	sdelay $0x1  }
0x331: {  	v0 =	vadd.f32 v2, v0;
	_ =	sdelay $0x1  }
0x332: {  	v0 =	vadd.f32 v3, v0;
	_ =	sdelay $0x1  }
0x333: {  	[tilespmem:s10+$0x1AC30] =	vst v0  }
0x334: {  	v0 =	vld [tilespmem:s9+$0xFFFFFF40]  }
0x335: {  	v1 =	vld [tilespmem:s9+$0xFFFFFFC0];
	_ =	sdelay $0x1  }
0x336: {  	v2 =	vld [tilespmem:s9+$0x40];
	_ =	sdelay $0x1  }
0x337: {  	v3 =	vld [tilespmem:s9+$0xC0]  }
0x338: {  	v0 =	vadd.f32 v1, v0;
	_ =	sdelay $0x1  }
0x339: {  	v0 =	vadd.f32 v2, v0;
	_ =	sdelay $0x1  }
0x33a: {  	v0 =	vadd.f32 v3, v0;
	_ =	sdelay $0x1  }
0x33b: {  	[tilespmem:s10+$0x1AC40] =	vst v0  }
0x33c: {  	v0 =	vld [tilespmem:s9+$0xFFFFFF50]  }
0x33d: {  	v1 =	vld [tilespmem:s9+$0xFFFFFFD0];
	_ =	sdelay $0x1  }
0x33e: {  	v2 =	vld [tilespmem:s9+$0x50];
	_ =	sdelay $0x1  }
0x33f: {  	v3 =	vld [tilespmem:s9+$0xD0]  }
0x340: {  	v0 =	vadd.f32 v1, v0;
	_ =	sdelay $0x1  }
0x341: {  	v0 =	vadd.f32 v2, v0;
	_ =	sdelay $0x1  }
0x342: {  	v0 =	vadd.f32 v3, v0;
	_ =	sdelay $0x1  }
0x343: {  	[tilespmem:s10+$0x1AC50] =	vst v0  }
0x344: {  	v0 =	vld [tilespmem:s9+$0xFFFFFF60]  }
0x345: {  	v1 =	vld [tilespmem:s9+$0xFFFFFFE0];
	_ =	sdelay $0x1  }
0x346: {  	v2 =	vld [tilespmem:s9+$0x60];
	_ =	sdelay $0x1  }
0x347: {  	v3 =	vld [tilespmem:s9+$0xE0]  }
0x348: {  	v0 =	vadd.f32 v1, v0;
	_ =	sdelay $0x1  }
0x349: {  	v0 =	vadd.f32 v2, v0;
	_ =	sdelay $0x1  }
0x34a: {  	v0 =	vadd.f32 v3, v0;
	_ =	sdelay $0x1  }
0x34b: {  	[tilespmem:s10+$0x1AC60] =	vst v0  }
0x34c: {  	v0 =	vld [tilespmem:s9+$0xFFFFFF70]  }
0x34d: {  	v3 =	vld [tilespmem:s9+$0xFFFFFFF0]  }
0x34e: {  	v1 =	vld [tilespmem:s9+$0x70]  }
0x34f: {  	s11 =	simm.s32 $0x200;
	v2 =	vld [tilespmem:s9+$0xF0]  }
.LBB2_12:
0x350: {  	p0 =	sne.s32 s11, $0x7E00  }
0x351: {  	s9 =	sadd.s32 $0x200, s9;
	s12 =	smov.u32 s11;
	s11 =	sadd.s32 $0x200, s11  }
0x352: {  	_ = 	snop  }
0x353: {  	v0 =	vadd.f32 v3, v0;
	_ =	sdelay $0x1  }
0x354: {  	v0 =	vadd.f32 v1, v0;
	_ =	sdelay $0x1  }
0x355: {  	v0 =	vadd.f32 v2, v0;
	_ =	sdelay $0x1  }
0x356: {  	[tilespmem:s10+$0x1AC70] =	vst v0  }
0x357: {  	v0 =	vld [tilespmem:s9+$0xFFFFFF80]  }
0x358: {  	v1 =	vld [tilespmem:s9+$0xFFFFFF00]  }
0x359: {  	v2 =	vld [tilespmem:s9+$0x0];
	_ =	sdelay $0x2  }
0x35a: {  	v3 =	vld [tilespmem:s9+$0x80]  }
0x35b: {  	v0 =	vadd.f32 v0, v1;
	_ =	sdelay $0x1  }
0x35c: {  	v0 =	vadd.f32 v2, v0;
	_ =	sdelay $0x1  }
0x35d: {  	v0 =	vadd.f32 v3, v0  }
0x35e: {  	s10 =	sshra.s32 s12, $0x2  }
0x35f: {  	[tilespmem:s10+$0x1AC00] =	vst v0  }
0x360: {  	v0 =	vld [tilespmem:s9+$0xFFFFFF10]  }
0x361: {  	v1 =	vld [tilespmem:s9+$0xFFFFFF90];
	_ =	sdelay $0x1  }
0x362: {  	v2 =	vld [tilespmem:s9+$0x10];
	_ =	sdelay $0x1  }
0x363: {  	v3 =	vld [tilespmem:s9+$0x90]  }
0x364: {  	v0 =	vadd.f32 v1, v0;
	_ =	sdelay $0x1  }
0x365: {  	v0 =	vadd.f32 v2, v0;
	_ =	sdelay $0x1  }
0x366: {  	v0 =	vadd.f32 v3, v0;
	_ =	sdelay $0x1  }
0x367: {  	[tilespmem:s10+$0x1AC10] =	vst v0  }
0x368: {  	v0 =	vld [tilespmem:s9+$0xFFFFFF20]  }
0x369: {  	v1 =	vld [tilespmem:s9+$0xFFFFFFA0];
	_ =	sdelay $0x1  }
0x36a: {  	v2 =	vld [tilespmem:s9+$0x20];
	_ =	sdelay $0x1  }
0x36b: {  	v3 =	vld [tilespmem:s9+$0xA0]  }
0x36c: {  	v0 =	vadd.f32 v1, v0;
	_ =	sdelay $0x1  }
0x36d: {  	v0 =	vadd.f32 v2, v0;
	_ =	sdelay $0x1  }
0x36e: {  	v0 =	vadd.f32 v3, v0;
	_ =	sdelay $0x1  }
0x36f: {  	[tilespmem:s10+$0x1AC20] =	vst v0  }
0x370: {  	v0 =	vld [tilespmem:s9+$0xFFFFFF30]  }
0x371: {  	v1 =	vld [tilespmem:s9+$0xFFFFFFB0]  }
0x372: {  	v2 =	vld [tilespmem:s9+$0x30];
	_ =	sdelay $0x2  }
0x373: {  	v3 =	vld [tilespmem:s9+$0xB0]  }
0x374: {  	v0 =	vadd.f32 v1, v0;
	_ =	sdelay $0x1  }
0x375: {  	v0 =	vadd.f32 v2, v0;
	_ =	sdelay $0x1  }
0x376: {  	v0 =	vadd.f32 v3, v0;
	_ =	sdelay $0x1  }
0x377: {  	[tilespmem:s10+$0x1AC30] =	vst v0  }
0x378: {  	v0 =	vld [tilespmem:s9+$0xFFFFFF40]  }
0x379: {  	v1 =	vld [tilespmem:s9+$0xFFFFFFC0];
	_ =	sdelay $0x1  }
0x37a: {  	v2 =	vld [tilespmem:s9+$0x40];
	_ =	sdelay $0x1  }
0x37b: {  	v3 =	vld [tilespmem:s9+$0xC0]  }
0x37c: {  	v0 =	vadd.f32 v1, v0;
	_ =	sdelay $0x1  }
0x37d: {  	v0 =	vadd.f32 v2, v0;
	_ =	sdelay $0x1  }
0x37e: {  	v0 =	vadd.f32 v3, v0;
	_ =	sdelay $0x1  }
0x37f: {  	[tilespmem:s10+$0x1AC40] =	vst v0  }
0x380: {  	v0 =	vld [tilespmem:s9+$0xFFFFFF50]  }
0x381: {  	v1 =	vld [tilespmem:s9+$0xFFFFFFD0]  }
0x382: {  	v2 =	vld [tilespmem:s9+$0x50]  }
0x383: {  	v3 =	vld [tilespmem:s9+$0xD0];
	_ =	sdelay $0x2  }
0x384: {  	v0 =	vadd.f32 v1, v0;
	_ =	sdelay $0x1  }
0x385: {  	v0 =	vadd.f32 v2, v0;
	_ =	sdelay $0x1  }
0x386: {  	v0 =	vadd.f32 v3, v0;
	_ =	sdelay $0x1  }
0x387: {  	[tilespmem:s10+$0x1AC50] =	vst v0  }
0x388: {  	v0 =	vld [tilespmem:s9+$0xFFFFFF60]  }
0x389: {  	v1 =	vld [tilespmem:s9+$0xFFFFFFE0]  }
0x38a: {  	v2 =	vld [tilespmem:s9+$0x60]  }
0x38b: {  	v3 =	vld [tilespmem:s9+$0xE0];
	_ =	sdelay $0x2  }
0x38c: {  	v0 =	vadd.f32 v1, v0;
	_ =	sdelay $0x1  }
0x38d: {  	v0 =	vadd.f32 v2, v0;
	_ =	sdelay $0x1  }
0x38e: {  	v0 =	vadd.f32 v3, v0;
	_ =	sdelay $0x1  }
.Ltmp5:
0x38f: {  	[tilespmem:s10+$0x1AC60] =	vst v0;
	(pc) =	sbr.rel @p0 .LBB2_12-.Ltmp5, $4  }
0x390: {  	v0 =	vld [tilespmem:s9+$0xFFFFFF70]  }
0x391: {  	v3 =	vld [tilespmem:s9+$0xFFFFFFF0]  }
0x392: {  	v1 =	vld [tilespmem:s9+$0x70]  }
0x393: {  	v2 =	vld [tilespmem:s9+$0xF0]  }
0x394: {  	_ =	sdelay $0x1  }
0x395: {  	v0 =	vadd.f32 v3, v0;
	_ =	sdelay $0x1  }
0x396: {  	v0 =	vadd.f32 v1, v0;
	_ =	sdelay $0x1  }
0x397: {  	v0 =	vadd.f32 v2, v0;
	_ =	sdelay $0x1  }
0x398: {  	s9 =	simm.s32 $0x0;
	[tilespmem:s10+$0x1AC70] =	vst v0  }
0x399: {  	[hbm4b:s17+s9] =	stream.linear.scatter [tilespmem:s1], [sflag:$0x7], $0x2000, $0x38;
	[tilespmem:$0x1CC00] =	vst v63  }
0x39a: {  	_ =	swait.ge [sflag:s0], $0x8000  }
0x39b: {  	[sflag:s0] =	ssyncset.done $0x0  }
0x39c: {  	[sflag:s0] =	ssyncadd.s32 $0xFFFF8000  }
0x39d: {  	_ =	swait.ge [sflag:s23], $0x2000  }
0x39e: {  	[sflag:s23] =	ssyncset.done $0x0  }
0x39f: {  	s9 =	simm.s32 $0x8D00;
	[sflag:s23] =	ssyncadd.s32 $0xFFFFE000  }
0x3a0: {  	v0 =	vld [tilespmem:s9+$0xFFFFFF80]  }
0x3a1: {  	v1 =	vld [tilespmem:s9+$0xFFFFFF00];
	_ =	sdelay $0x1  }
0x3a2: {  	v2 =	vld [tilespmem:s9+$0x0];
	_ =	sdelay $0x1  }
0x3a3: {  	v3 =	vld [tilespmem:s9+$0x80]  }
0x3a4: {  	v0 =	vadd.f32 v0, v1;
	_ =	sdelay $0x1  }
0x3a5: {  	v0 =	vadd.f32 v2, v0;
	_ =	sdelay $0x1  }
0x3a6: {  	v0 =	vadd.f32 v3, v0  }
0x3a7: {  	s10 =	simm.s32 $0x0  }
0x3a8: {  	[tilespmem:s10+$0x18C00] =	vst v0  }
0x3a9: {  	v0 =	vld [tilespmem:s9+$0xFFFFFF10]  }
0x3aa: {  	v1 =	vld [tilespmem:s9+$0xFFFFFF90];
	_ =	sdelay $0x1  }
0x3ab: {  	v2 =	vld [tilespmem:s9+$0x10];
	_ =	sdelay $0x1  }
0x3ac: {  	v3 =	vld [tilespmem:s9+$0x90]  }
0x3ad: {  	v0 =	vadd.f32 v1, v0;
	_ =	sdelay $0x1  }
0x3ae: {  	v0 =	vadd.f32 v2, v0;
	_ =	sdelay $0x1  }
0x3af: {  	v0 =	vadd.f32 v3, v0;
	_ =	sdelay $0x1  }
0x3b0: {  	[tilespmem:s10+$0x18C10] =	vst v0  }
0x3b1: {  	v0 =	vld [tilespmem:s9+$0xFFFFFF20]  }
0x3b2: {  	v1 =	vld [tilespmem:s9+$0xFFFFFFA0];
	_ =	sdelay $0x1  }
0x3b3: {  	v2 =	vld [tilespmem:s9+$0x20];
	_ =	sdelay $0x1  }
0x3b4: {  	v3 =	vld [tilespmem:s9+$0xA0]  }
0x3b5: {  	v0 =	vadd.f32 v1, v0;
	_ =	sdelay $0x1  }
0x3b6: {  	v0 =	vadd.f32 v2, v0;
	_ =	sdelay $0x1  }
0x3b7: {  	v0 =	vadd.f32 v3, v0;
	_ =	sdelay $0x1  }
0x3b8: {  	[tilespmem:s10+$0x18C20] =	vst v0  }
0x3b9: {  	v0 =	vld [tilespmem:s9+$0xFFFFFF30]  }
0x3ba: {  	v1 =	vld [tilespmem:s9+$0xFFFFFFB0];
	_ =	sdelay $0x1  }
0x3bb: {  	v2 =	vld [tilespmem:s9+$0x30];
	_ =	sdelay $0x1  }
0x3bc: {  	v3 =	vld [tilespmem:s9+$0xB0]  }
0x3bd: {  	v0 =	vadd.f32 v1, v0;
	_ =	sdelay $0x1  }
0x3be: {  	v0 =	vadd.f32 v2, v0;
	_ =	sdelay $0x1  }
0x3bf: {  	v0 =	vadd.f32 v3, v0;
	_ =	sdelay $0x1  }
0x3c0: {  	[tilespmem:s10+$0x18C30] =	vst v0  }
0x3c1: {  	v0 =	vld [tilespmem:s9+$0xFFFFFF40]  }
0x3c2: {  	v1 =	vld [tilespmem:s9+$0xFFFFFFC0];
	_ =	sdelay $0x1  }
0x3c3: {  	v2 =	vld [tilespmem:s9+$0x40];
	_ =	sdelay $0x1  }
0x3c4: {  	v3 =	vld [tilespmem:s9+$0xC0]  }
0x3c5: {  	v0 =	vadd.f32 v1, v0;
	_ =	sdelay $0x1  }
0x3c6: {  	v0 =	vadd.f32 v2, v0;
	_ =	sdelay $0x1  }
0x3c7: {  	v0 =	vadd.f32 v3, v0;
	_ =	sdelay $0x1  }
0x3c8: {  	[tilespmem:s10+$0x18C40] =	vst v0  }
0x3c9: {  	v0 =	vld [tilespmem:s9+$0xFFFFFF50]  }
0x3ca: {  	v1 =	vld [tilespmem:s9+$0xFFFFFFD0];
	_ =	sdelay $0x1  }
0x3cb: {  	v2 =	vld [tilespmem:s9+$0x50];
	_ =	sdelay $0x1  }
0x3cc: {  	v3 =	vld [tilespmem:s9+$0xD0]  }
0x3cd: {  	v0 =	vadd.f32 v1, v0;
	_ =	sdelay $0x1  }
0x3ce: {  	v0 =	vadd.f32 v2, v0;
	_ =	sdelay $0x1  }
0x3cf: {  	v0 =	vadd.f32 v3, v0;
	_ =	sdelay $0x1  }
0x3d0: {  	[tilespmem:s10+$0x18C50] =	vst v0  }
0x3d1: {  	v0 =	vld [tilespmem:s9+$0xFFFFFF60]  }
0x3d2: {  	v1 =	vld [tilespmem:s9+$0xFFFFFFE0];
	_ =	sdelay $0x1  }
0x3d3: {  	v2 =	vld [tilespmem:s9+$0x60];
	_ =	sdelay $0x1  }
0x3d4: {  	v3 =	vld [tilespmem:s9+$0xE0]  }
0x3d5: {  	v0 =	vadd.f32 v1, v0;
	_ =	sdelay $0x1  }
0x3d6: {  	v0 =	vadd.f32 v2, v0;
	_ =	sdelay $0x1  }
0x3d7: {  	v0 =	vadd.f32 v3, v0;
	_ =	sdelay $0x1  }
0x3d8: {  	[tilespmem:s10+$0x18C60] =	vst v0  }
0x3d9: {  	v0 =	vld [tilespmem:s9+$0xFFFFFF70]  }
0x3da: {  	v3 =	vld [tilespmem:s9+$0xFFFFFFF0]  }
0x3db: {  	v1 =	vld [tilespmem:s9+$0x70]  }
0x3dc: {  	s11 =	simm.s32 $0x200;
	v2 =	vld [tilespmem:s9+$0xF0]  }
.LBB2_14:
0x3dd: {  	p0 =	sne.s32 s11, $0x7E00  }
0x3de: {  	s9 =	sadd.s32 $0x200, s9;
	s12 =	smov.u32 s11;
	s11 =	sadd.s32 $0x200, s11  }
0x3df: {  	_ = 	snop  }
0x3e0: {  	v0 =	vadd.f32 v3, v0;
	_ =	sdelay $0x1  }
0x3e1: {  	v0 =	vadd.f32 v1, v0;
	_ =	sdelay $0x1  }
0x3e2: {  	v0 =	vadd.f32 v2, v0;
	_ =	sdelay $0x1  }
0x3e3: {  	[tilespmem:s10+$0x18C70] =	vst v0  }
0x3e4: {  	v0 =	vld [tilespmem:s9+$0xFFFFFF80]  }
0x3e5: {  	v1 =	vld [tilespmem:s9+$0xFFFFFF00]  }
0x3e6: {  	v2 =	vld [tilespmem:s9+$0x0];
	_ =	sdelay $0x2  }
0x3e7: {  	v3 =	vld [tilespmem:s9+$0x80]  }
0x3e8: {  	v0 =	vadd.f32 v0, v1;
	_ =	sdelay $0x1  }
0x3e9: {  	v0 =	vadd.f32 v2, v0;
	_ =	sdelay $0x1  }
0x3ea: {  	v0 =	vadd.f32 v3, v0  }
0x3eb: {  	s10 =	sshra.s32 s12, $0x2  }
0x3ec: {  	[tilespmem:s10+$0x18C00] =	vst v0  }
0x3ed: {  	v0 =	vld [tilespmem:s9+$0xFFFFFF10]  }
0x3ee: {  	v1 =	vld [tilespmem:s9+$0xFFFFFF90];
	_ =	sdelay $0x1  }
0x3ef: {  	v2 =	vld [tilespmem:s9+$0x10];
	_ =	sdelay $0x1  }
0x3f0: {  	v3 =	vld [tilespmem:s9+$0x90]  }
0x3f1: {  	v0 =	vadd.f32 v1, v0;
	_ =	sdelay $0x1  }
0x3f2: {  	v0 =	vadd.f32 v2, v0;
	_ =	sdelay $0x1  }
0x3f3: {  	v0 =	vadd.f32 v3, v0;
	_ =	sdelay $0x1  }
0x3f4: {  	[tilespmem:s10+$0x18C10] =	vst v0  }
0x3f5: {  	v0 =	vld [tilespmem:s9+$0xFFFFFF20]  }
0x3f6: {  	v1 =	vld [tilespmem:s9+$0xFFFFFFA0];
	_ =	sdelay $0x1  }
0x3f7: {  	v2 =	vld [tilespmem:s9+$0x20];
	_ =	sdelay $0x1  }
0x3f8: {  	v3 =	vld [tilespmem:s9+$0xA0]  }
0x3f9: {  	v0 =	vadd.f32 v1, v0;
	_ =	sdelay $0x1  }
0x3fa: {  	v0 =	vadd.f32 v2, v0;
	_ =	sdelay $0x1  }
0x3fb: {  	v0 =	vadd.f32 v3, v0;
	_ =	sdelay $0x1  }
0x3fc: {  	[tilespmem:s10+$0x18C20] =	vst v0  }
0x3fd: {  	v0 =	vld [tilespmem:s9+$0xFFFFFF30]  }
0x3fe: {  	v1 =	vld [tilespmem:s9+$0xFFFFFFB0]  }
0x3ff: {  	v2 =	vld [tilespmem:s9+$0x30];
	_ =	sdelay $0x2  }
0x400: {  	v3 =	vld [tilespmem:s9+$0xB0]  }
0x401: {  	v0 =	vadd.f32 v1, v0;
	_ =	sdelay $0x1  }
0x402: {  	v0 =	vadd.f32 v2, v0;
	_ =	sdelay $0x1  }
0x403: {  	v0 =	vadd.f32 v3, v0;
	_ =	sdelay $0x1  }
0x404: {  	[tilespmem:s10+$0x18C30] =	vst v0  }
0x405: {  	v0 =	vld [tilespmem:s9+$0xFFFFFF40]  }
0x406: {  	v1 =	vld [tilespmem:s9+$0xFFFFFFC0];
	_ =	sdelay $0x1  }
0x407: {  	v2 =	vld [tilespmem:s9+$0x40];
	_ =	sdelay $0x1  }
0x408: {  	v3 =	vld [tilespmem:s9+$0xC0]  }
0x409: {  	v0 =	vadd.f32 v1, v0;
	_ =	sdelay $0x1  }
0x40a: {  	v0 =	vadd.f32 v2, v0;
	_ =	sdelay $0x1  }
0x40b: {  	v0 =	vadd.f32 v3, v0;
	_ =	sdelay $0x1  }
0x40c: {  	[tilespmem:s10+$0x18C40] =	vst v0  }
0x40d: {  	v0 =	vld [tilespmem:s9+$0xFFFFFF50]  }
0x40e: {  	v1 =	vld [tilespmem:s9+$0xFFFFFFD0]  }
0x40f: {  	v2 =	vld [tilespmem:s9+$0x50]  }
0x410: {  	v3 =	vld [tilespmem:s9+$0xD0];
	_ =	sdelay $0x2  }
0x411: {  	v0 =	vadd.f32 v1, v0;
	_ =	sdelay $0x1  }
0x412: {  	v0 =	vadd.f32 v2, v0;
	_ =	sdelay $0x1  }
0x413: {  	v0 =	vadd.f32 v3, v0;
	_ =	sdelay $0x1  }
0x414: {  	[tilespmem:s10+$0x18C50] =	vst v0  }
0x415: {  	v0 =	vld [tilespmem:s9+$0xFFFFFF60]  }
0x416: {  	v1 =	vld [tilespmem:s9+$0xFFFFFFE0]  }
0x417: {  	v2 =	vld [tilespmem:s9+$0x60]  }
0x418: {  	v3 =	vld [tilespmem:s9+$0xE0];
	_ =	sdelay $0x2  }
0x419: {  	v0 =	vadd.f32 v1, v0;
	_ =	sdelay $0x1  }
0x41a: {  	v0 =	vadd.f32 v2, v0;
	_ =	sdelay $0x1  }
0x41b: {  	v0 =	vadd.f32 v3, v0;
	_ =	sdelay $0x1  }
.Ltmp6:
0x41c: {  	[tilespmem:s10+$0x18C60] =	vst v0;
	(pc) =	sbr.rel @p0 .LBB2_14-.Ltmp6, $4  }
0x41d: {  	v0 =	vld [tilespmem:s9+$0xFFFFFF70]  }
0x41e: {  	v3 =	vld [tilespmem:s9+$0xFFFFFFF0]  }
0x41f: {  	v1 =	vld [tilespmem:s9+$0x70]  }
0x420: {  	v2 =	vld [tilespmem:s9+$0xF0]  }
0x421: {  	_ =	sdelay $0x1  }
0x422: {  	v0 =	vadd.f32 v3, v0;
	_ =	sdelay $0x1  }
0x423: {  	v0 =	vadd.f32 v1, v0;
	_ =	sdelay $0x1  }
0x424: {  	v0 =	vadd.f32 v2, v0;
	_ =	sdelay $0x1  }
0x425: {  	s9 =	simm.s32 $0x0;
	[tilespmem:s10+$0x18C70] =	vst v0  }
0x426: {  	[hbm4b:s18+s9] =	stream.linear.scatter [tilespmem:s31], [sflag:$0x7], $0x2000, $0x38;
	[tilespmem:$0x1CC00] =	vst v63  }
0x427: {  	_ =	swait.ge [sflag:s28], $0x8000  }
0x428: {  	[sflag:s28] =	ssyncset.done $0x0  }
0x429: {  	[sflag:s28] =	ssyncadd.s32 $0xFFFF8000  }
0x42a: {  	_ =	swait.ge [sflag:s23], $0x2000  }
0x42b: {  	[sflag:s23] =	ssyncset.done $0x0  }
0x42c: {  	s9 =	simm.s32 $0x10D00;
	[sflag:s23] =	ssyncadd.s32 $0xFFFFE000  }
0x42d: {  	v0 =	vld [tilespmem:s9+$0xFFFFFF80]  }
0x42e: {  	v1 =	vld [tilespmem:s9+$0xFFFFFF00];
	_ =	sdelay $0x1  }
0x42f: {  	v2 =	vld [tilespmem:s9+$0x0];
	_ =	sdelay $0x1  }
0x430: {  	v3 =	vld [tilespmem:s9+$0x80]  }
0x431: {  	v0 =	vadd.f32 v0, v1;
	_ =	sdelay $0x1  }
0x432: {  	v0 =	vadd.f32 v2, v0;
	_ =	sdelay $0x1  }
0x433: {  	v0 =	vadd.f32 v3, v0  }
0x434: {  	s10 =	simm.s32 $0x0  }
0x435: {  	[tilespmem:s10+$0x1AC00] =	vst v0  }
0x436: {  	v0 =	vld [tilespmem:s9+$0xFFFFFF10]  }
0x437: {  	v1 =	vld [tilespmem:s9+$0xFFFFFF90];
	_ =	sdelay $0x1  }
0x438: {  	v2 =	vld [tilespmem:s9+$0x10];
	_ =	sdelay $0x1  }
0x439: {  	v3 =	vld [tilespmem:s9+$0x90]  }
0x43a: {  	v0 =	vadd.f32 v1, v0;
	_ =	sdelay $0x1  }
0x43b: {  	v0 =	vadd.f32 v2, v0;
	_ =	sdelay $0x1  }
0x43c: {  	v0 =	vadd.f32 v3, v0;
	_ =	sdelay $0x1  }
0x43d: {  	[tilespmem:s10+$0x1AC10] =	vst v0  }
0x43e: {  	v0 =	vld [tilespmem:s9+$0xFFFFFF20]  }
0x43f: {  	v1 =	vld [tilespmem:s9+$0xFFFFFFA0];
	_ =	sdelay $0x1  }
0x440: {  	v2 =	vld [tilespmem:s9+$0x20];
	_ =	sdelay $0x1  }
0x441: {  	v3 =	vld [tilespmem:s9+$0xA0]  }
0x442: {  	v0 =	vadd.f32 v1, v0;
	_ =	sdelay $0x1  }
0x443: {  	v0 =	vadd.f32 v2, v0;
	_ =	sdelay $0x1  }
0x444: {  	v0 =	vadd.f32 v3, v0;
	_ =	sdelay $0x1  }
0x445: {  	[tilespmem:s10+$0x1AC20] =	vst v0  }
0x446: {  	v0 =	vld [tilespmem:s9+$0xFFFFFF30]  }
0x447: {  	v1 =	vld [tilespmem:s9+$0xFFFFFFB0];
	_ =	sdelay $0x1  }
0x448: {  	v2 =	vld [tilespmem:s9+$0x30];
	_ =	sdelay $0x1  }
0x449: {  	v3 =	vld [tilespmem:s9+$0xB0]  }
0x44a: {  	v0 =	vadd.f32 v1, v0;
	_ =	sdelay $0x1  }
0x44b: {  	v0 =	vadd.f32 v2, v0;
	_ =	sdelay $0x1  }
0x44c: {  	v0 =	vadd.f32 v3, v0;
	_ =	sdelay $0x1  }
0x44d: {  	[tilespmem:s10+$0x1AC30] =	vst v0  }
0x44e: {  	v0 =	vld [tilespmem:s9+$0xFFFFFF40]  }
0x44f: {  	v1 =	vld [tilespmem:s9+$0xFFFFFFC0];
	_ =	sdelay $0x1  }
0x450: {  	v2 =	vld [tilespmem:s9+$0x40];
	_ =	sdelay $0x1  }
0x451: {  	v3 =	vld [tilespmem:s9+$0xC0]  }
0x452: {  	v0 =	vadd.f32 v1, v0;
	_ =	sdelay $0x1  }
0x453: {  	v0 =	vadd.f32 v2, v0;
	_ =	sdelay $0x1  }
0x454: {  	v0 =	vadd.f32 v3, v0;
	_ =	sdelay $0x1  }
0x455: {  	[tilespmem:s10+$0x1AC40] =	vst v0  }
0x456: {  	v0 =	vld [tilespmem:s9+$0xFFFFFF50]  }
0x457: {  	v1 =	vld [tilespmem:s9+$0xFFFFFFD0];
	_ =	sdelay $0x1  }
0x458: {  	v2 =	vld [tilespmem:s9+$0x50];
	_ =	sdelay $0x1  }
0x459: {  	v3 =	vld [tilespmem:s9+$0xD0]  }
0x45a: {  	v0 =	vadd.f32 v1, v0;
	_ =	sdelay $0x1  }
0x45b: {  	v0 =	vadd.f32 v2, v0;
	_ =	sdelay $0x1  }
0x45c: {  	v0 =	vadd.f32 v3, v0;
	_ =	sdelay $0x1  }
0x45d: {  	[tilespmem:s10+$0x1AC50] =	vst v0  }
0x45e: {  	v0 =	vld [tilespmem:s9+$0xFFFFFF60]  }
0x45f: {  	v1 =	vld [tilespmem:s9+$0xFFFFFFE0];
	_ =	sdelay $0x1  }
0x460: {  	v2 =	vld [tilespmem:s9+$0x60];
	_ =	sdelay $0x1  }
0x461: {  	v3 =	vld [tilespmem:s9+$0xE0]  }
0x462: {  	v0 =	vadd.f32 v1, v0;
	_ =	sdelay $0x1  }
0x463: {  	v0 =	vadd.f32 v2, v0;
	_ =	sdelay $0x1  }
0x464: {  	v0 =	vadd.f32 v3, v0;
	_ =	sdelay $0x1  }
0x465: {  	[tilespmem:s10+$0x1AC60] =	vst v0  }
0x466: {  	v0 =	vld [tilespmem:s9+$0xFFFFFF70]  }
0x467: {  	v3 =	vld [tilespmem:s9+$0xFFFFFFF0]  }
0x468: {  	v1 =	vld [tilespmem:s9+$0x70]  }
0x469: {  	s11 =	simm.s32 $0x200;
	v2 =	vld [tilespmem:s9+$0xF0]  }
.LBB2_16:
0x46a: {  	p0 =	sne.s32 s11, $0x7E00  }
0x46b: {  	s9 =	sadd.s32 $0x200, s9;
	s12 =	smov.u32 s11;
	s11 =	sadd.s32 $0x200, s11  }
0x46c: {  	_ = 	snop  }
0x46d: {  	v0 =	vadd.f32 v3, v0;
	_ =	sdelay $0x1  }
0x46e: {  	v0 =	vadd.f32 v1, v0;
	_ =	sdelay $0x1  }
0x46f: {  	v0 =	vadd.f32 v2, v0;
	_ =	sdelay $0x1  }
0x470: {  	[tilespmem:s10+$0x1AC70] =	vst v0  }
0x471: {  	v0 =	vld [tilespmem:s9+$0xFFFFFF80]  }
0x472: {  	v1 =	vld [tilespmem:s9+$0xFFFFFF00]  }
0x473: {  	v2 =	vld [tilespmem:s9+$0x0];
	_ =	sdelay $0x2  }
0x474: {  	v3 =	vld [tilespmem:s9+$0x80]  }
0x475: {  	v0 =	vadd.f32 v0, v1;
	_ =	sdelay $0x1  }
0x476: {  	v0 =	vadd.f32 v2, v0;
	_ =	sdelay $0x1  }
0x477: {  	v0 =	vadd.f32 v3, v0  }
0x478: {  	s10 =	sshra.s32 s12, $0x2  }
0x479: {  	[tilespmem:s10+$0x1AC00] =	vst v0  }
0x47a: {  	v0 =	vld [tilespmem:s9+$0xFFFFFF10]  }
0x47b: {  	v1 =	vld [tilespmem:s9+$0xFFFFFF90];
	_ =	sdelay $0x1  }
0x47c: {  	v2 =	vld [tilespmem:s9+$0x10];
	_ =	sdelay $0x1  }
0x47d: {  	v3 =	vld [tilespmem:s9+$0x90]  }
0x47e: {  	v0 =	vadd.f32 v1, v0;
	_ =	sdelay $0x1  }
0x47f: {  	v0 =	vadd.f32 v2, v0;
	_ =	sdelay $0x1  }
0x480: {  	v0 =	vadd.f32 v3, v0;
	_ =	sdelay $0x1  }
0x481: {  	[tilespmem:s10+$0x1AC10] =	vst v0  }
0x482: {  	v0 =	vld [tilespmem:s9+$0xFFFFFF20]  }
0x483: {  	v1 =	vld [tilespmem:s9+$0xFFFFFFA0];
	_ =	sdelay $0x1  }
0x484: {  	v2 =	vld [tilespmem:s9+$0x20];
	_ =	sdelay $0x1  }
0x485: {  	v3 =	vld [tilespmem:s9+$0xA0]  }
0x486: {  	v0 =	vadd.f32 v1, v0;
	_ =	sdelay $0x1  }
0x487: {  	v0 =	vadd.f32 v2, v0;
	_ =	sdelay $0x1  }
0x488: {  	v0 =	vadd.f32 v3, v0;
	_ =	sdelay $0x1  }
0x489: {  	[tilespmem:s10+$0x1AC20] =	vst v0  }
0x48a: {  	v0 =	vld [tilespmem:s9+$0xFFFFFF30]  }
0x48b: {  	v1 =	vld [tilespmem:s9+$0xFFFFFFB0]  }
0x48c: {  	v2 =	vld [tilespmem:s9+$0x30];
	_ =	sdelay $0x2  }
0x48d: {  	v3 =	vld [tilespmem:s9+$0xB0]  }
0x48e: {  	v0 =	vadd.f32 v1, v0;
	_ =	sdelay $0x1  }
0x48f: {  	v0 =	vadd.f32 v2, v0;
	_ =	sdelay $0x1  }
0x490: {  	v0 =	vadd.f32 v3, v0;
	_ =	sdelay $0x1  }
0x491: {  	[tilespmem:s10+$0x1AC30] =	vst v0  }
0x492: {  	v0 =	vld [tilespmem:s9+$0xFFFFFF40]  }
0x493: {  	v1 =	vld [tilespmem:s9+$0xFFFFFFC0];
	_ =	sdelay $0x1  }
0x494: {  	v2 =	vld [tilespmem:s9+$0x40];
	_ =	sdelay $0x1  }
0x495: {  	v3 =	vld [tilespmem:s9+$0xC0]  }
0x496: {  	v0 =	vadd.f32 v1, v0;
	_ =	sdelay $0x1  }
0x497: {  	v0 =	vadd.f32 v2, v0;
	_ =	sdelay $0x1  }
0x498: {  	v0 =	vadd.f32 v3, v0;
	_ =	sdelay $0x1  }
0x499: {  	[tilespmem:s10+$0x1AC40] =	vst v0  }
0x49a: {  	v0 =	vld [tilespmem:s9+$0xFFFFFF50]  }
0x49b: {  	v1 =	vld [tilespmem:s9+$0xFFFFFFD0]  }
0x49c: {  	v2 =	vld [tilespmem:s9+$0x50]  }
0x49d: {  	v3 =	vld [tilespmem:s9+$0xD0];
	_ =	sdelay $0x2  }
0x49e: {  	v0 =	vadd.f32 v1, v0;
	_ =	sdelay $0x1  }
0x49f: {  	v0 =	vadd.f32 v2, v0;
	_ =	sdelay $0x1  }
0x4a0: {  	v0 =	vadd.f32 v3, v0;
	_ =	sdelay $0x1  }
0x4a1: {  	[tilespmem:s10+$0x1AC50] =	vst v0  }
0x4a2: {  	v0 =	vld [tilespmem:s9+$0xFFFFFF60]  }
0x4a3: {  	v1 =	vld [tilespmem:s9+$0xFFFFFFE0]  }
0x4a4: {  	v2 =	vld [tilespmem:s9+$0x60]  }
0x4a5: {  	v3 =	vld [tilespmem:s9+$0xE0];
	_ =	sdelay $0x2  }
0x4a6: {  	v0 =	vadd.f32 v1, v0;
	_ =	sdelay $0x1  }
0x4a7: {  	v0 =	vadd.f32 v2, v0;
	_ =	sdelay $0x1  }
0x4a8: {  	v0 =	vadd.f32 v3, v0;
	_ =	sdelay $0x1  }
.Ltmp7:
0x4a9: {  	[tilespmem:s10+$0x1AC60] =	vst v0;
	(pc) =	sbr.rel @p0 .LBB2_16-.Ltmp7, $4  }
0x4aa: {  	v0 =	vld [tilespmem:s9+$0xFFFFFF70]  }
0x4ab: {  	v3 =	vld [tilespmem:s9+$0xFFFFFFF0]  }
0x4ac: {  	v1 =	vld [tilespmem:s9+$0x70]  }
0x4ad: {  	v2 =	vld [tilespmem:s9+$0xF0]  }
0x4ae: {  	_ =	sdelay $0x1  }
0x4af: {  	v0 =	vadd.f32 v3, v0;
	_ =	sdelay $0x1  }
0x4b0: {  	v0 =	vadd.f32 v1, v0;
	_ =	sdelay $0x1  }
0x4b1: {  	v0 =	vadd.f32 v2, v0;
	_ =	sdelay $0x1  }
0x4b2: {  	s7 =	sadd.s32 $0x1, s7;
	[tilespmem:s10+$0x1AC70] =	vst v0  }
0x4b3: {  	[hbm4b:s19+s4] =	stream.linear.scatter [tilespmem:s1], [sflag:$0x7], $0x2000, $0x38;
	[tilespmem:$0x1CC00] =	vst v63  }
0x4b4: {  	p0 =	sne.s32 s7, s20;
	_ =	swait.ge [sflag:s23], $0x2000  }
.Ltmp8:
0x4b5: {  	[sflag:s23] =	ssyncset.done $0x0;
	(pc) =	sbr.rel @p0 .LBB2_1-.Ltmp8, $4  }
0x4b6: {  	[sflag:s23] =	ssyncadd.s32 $0xFFFFE000  }
0x4b7: {  	_ =	swait.ge [sflag:s23], $0x2000  }
0x4b8: {  	[sflag:s23] =	ssyncset.done $0x0  }
0x4b9: {  	[sflag:s23] =	ssyncadd.s32 $0xFFFFE000  }
0x4ba: {  	_ =	sfence.sel $0x180000  }
0x4bb: {  	[bflag:$0x0] =	sbarrier.arrive $0xFFFF  }
0x4bc: {  	_ =	strace $0x90000047  }
0x4bd: {  	s0 =	stileid.u32;
	[bflag:$0x2] =	sbarrier.arrive $0xFFFF  }
0x4be: {  	p0 =	sne.s32 s0, $0x0;
	s0 =	rddreg [dreg:$0x5]  }
0x4bf: {  	s0 =	sadd.s32 @!p0 $0x100000, s0  }
0x4c0: {  	[sflag:s0] =	ssyncadd.tile.s32 @!p0 $0x1;
	_ =	shalt  }
.Lfunc_end2:
_tile_overlayer_lowered:
.L_overlay_start_2:
0x4c1: {  	(tag) =	ssettag $0x2  }
0x4c2: {  	s0 =	rddreg [dreg:$0x0];
	s2 =	stileid.u32  }
0x4c3: {  	s1 =	rddreg [dreg:$0x1];
	p0 =	sne.s32 s2, $0x0  }
0x4c4: {  	s3 =	rddreg [dreg:$0x2];
	[bflag:$0x3] =	sbarrier.arrive $0xFFFF;
	s2 =	simm.s32 @!p0 $0x1C08  }
0x4c5: {  	[timem:s3], [sflag:s2] =	dma.local @!p0 [hbm:s0], s1  }
0x4c6: {  	s0 =	simm.s32 @!p0 $0x8  }
0x4c7: {  	_ =	swait.ge @!p0 [sflag:s0], s1  }
0x4c8: {  	s1 =	ssub.s32 @!p0 $0x0, s1;
	[sflag:s0] =	ssyncset.done @!p0 $0x0  }
0x4c9: {  	[sflag:s0] =	ssyncadd.s32 @!p0 s1  }
0x4ca: {  	[bflag:$0x3] =	sbarrier.arrive $0xFFFF  }
0x4cb: {  	_ =	shalt  }

// kernel: kernel.8.cloned.1.call-start
scs
__scs_entry_jumppad:
0x0: {  	(pc) =	sbr.rel $0x88, $3  }
0x1: {  	(tag) =	ssettag $0x0;
	lr =	simm.s32 $0x1  }
0x2: {  	[smem:$0x3F8D] =	sst lr;
	_ =	strace $0xD0000000  }
0x3: {  	_ = 	snop  }
0x4: {  	_ = 	snop  }
0x5: {  	_ = 	snop  }
0x6: {  	_ = 	snop  }
0x7: {  	_ = 	snop  }
__scs_overlays_trampoline_lowered:
0x8: {  	[smem:$0x3F9C] =	sst s0  }
0x9: {  	[smem:$0x3F9D] =	sst s1  }
0xa: {  	[smem:$0x3F9E] =	sst s2  }
0xb: {  	[smem:$0x3F9F] =	sst s3  }
0xc: {  	[smem:$0x3FA0] =	sst s4  }
0xd: {  	[smem:$0x3FA1] =	sst s5  }
0xe: {  	[smem:$0x3FA2] =	sst s6  }
0xf: {  	[smem:$0x3FA3] =	sst s7  }
0x10: {  	[smem:$0x3FA4] =	sst s8  }
0x11: {  	[smem:$0x3FA5] =	sst s9;
	s0 =	simm.s32 @!p0 $0x0  }
0x12: {  	s1 =	sld [smem:$0x3F8B];
	s0 =	simm.s32 @p0 $0x1  }
0x13: {  	[smem:$0x3FA6] =	sst s0;
	s0 =	simm.s32 @!p1 $0x0  }
0x14: {  	s2 =	sld [smem:$0x3F8A];
	s0 =	simm.s32 @p1 $0x1  }
0x15: {  	[smem:$0x3FA7] =	sst s0;
	s0 =	simm.s32 @!p2 $0x0  }
0x16: {  	s3 =	sld [smem:$0x3FDB];
	s0 =	simm.s32 @p2 $0x1  }
0x17: {  	s4 =	simm.s32 $0x1BF5;
	[smem:$0x3FA9] =	sst s0  }
0x18: {  	s0 =	sld [smem:$0x3F8C];
	_ =	swait.ge [sflag:s4], $0x0  }
0x19: {  	s7 =	sld [smem:$0x3F8D]  }
0x1a: {  	s8 =	sadd.s32 $0xFFFFE003, lr  }
0x1b: {  	s9 =	sadd.s32 $0xFFFFFEF7, lr;
	s5 =	simm.s32 $0xFFFFFFFF;
	p2 =	slt.u32 s8, $0xFFFFF086  }
0x1c: {  	p1 =	slt.u32 s9, $0xF7A;
	s5 =	simm.s32 @!p2 $0x0  }
0x1d: {  	s5 =	simm.s32 @p1 $0x1;
	p0 =	seq.s32 s7, s2  }
0x1e: {  	s7 =	smul.u32 @!p0 $0xF7A, s2;
	p2 =	seq.s32 @!p0 s5, $0x0  }
0x1f: {  	s9 =	smul.u32 $0xF7A, s1;
	s8 =	simm.s32 @!p0 $0x1BF5;
	p2 =	por !p2, p0  }
0x20: {  	[sflag:s8] =	ssyncset.s32 @!p0 $0xFFFFF086;
	s6 =	sadd.s32 @!p0 s3, s7;
	s7 =	simm.s32 @!p0 $0x108  }
0x21: {  	s3 =	sadd.s32 s3, s9;
	s6 =	sadd.s32 @!p0 $0x88, s6;
	s7 =	simm.s32 @p2 $0x1082  }
0x22: {  	[simem:s7], [sflag:s8] =	dma.local @!p0 [hbm:s6], $0xF7A  }
0x23: {  	s9 =	sor.u32 $0xD0000000, s2;
	s6 =	simm.s32 $0x108;
	_ =	swait.ge @!p0 [sflag:s8], $0x0  }
0x24: {  	s3 =	sadd.s32 $0x88, s3;
	s6 =	simm.s32 @!p1 $0x1082;
	[sflag:s4] =	ssyncset.s32 $0xFFFFF086  }
0x25: {  	[simem:s6], [sflag:s4] =	dma.local [hbm:s3], $0xF7A  }
0x26: {  	[smem:$0x3F8D] =	sst s1;
	(tag) =	ssettag s2;
	_ =	strace s9  }
0x27: {  	s1 =	sld [smem:$0x3F9D]  }
0x28: {  	s2 =	sld [smem:$0x3F9E]  }
0x29: {  	s4 =	sld [smem:$0x3FA0]  }
0x2a: {  	p0 =	seq.s32 s5, $0x0;
	s5 =	sld [smem:$0x3FA1]  }
0x2b: {  	s6 =	sld [smem:$0x3FA2]  }
0x2c: {  	s7 =	sld [smem:$0x3FA3]  }
0x2d: {  	s3 =	simm.s32 $0x108;
	s8 =	sld [smem:$0x3FA4]  }
0x2e: {  	s3 =	simm.s32 @!p0 $0x1082;
	s9 =	sld [smem:$0x3FA5]  }
0x2f: {  	lr =	sadd.s32 s0, s3;
	s0 =	sld [smem:$0x3F9C]  }
0x30: {  	s3 =	sld [smem:$0x3F9F]  }
0x31: {  	[smem:$0x3FA8] =	sst s10  }
0x32: {  	s10 =	sld [smem:$0x3FA6];
	_ =	sdelay $0x3  }
0x33: {  	p0 =	seq.s32 s10, $0x1;
	s10 =	sld [smem:$0x3FA8];
	_ =	sdelay $0x3  }
0x34: {  	[smem:$0x3FA8] =	sst s10  }
0x35: {  	s10 =	sld [smem:$0x3FA7];
	_ =	sdelay $0x3  }
0x36: {  	p1 =	seq.s32 s10, $0x1;
	s10 =	sld [smem:$0x3FA8];
	_ =	sdelay $0x3  }
0x37: {  	[smem:$0x3FA8] =	sst s10  }
0x38: {  	s10 =	sld [smem:$0x3FA9]  }
0x39: {  	_ = 	snop;
	(pc) =	sbr.ind lr, $3  }
0x3a: {  	_ = 	snop  }
0x3b: {  	_ = 	snop  }
0x3c: {  	p2 =	seq.s32 s10, $0x1;
	s10 =	sld [smem:$0x3FA8]  }
0x3d: {  	_ =	shalt  }
0x3e: {  	_ =	shalt  }
0x3f: {  	_ =	shalt  }
0x40: {  	_ =	shalt  }
0x41: {  	_ =	shalt  }
0x42: {  	_ =	shalt  }
0x43: {  	_ =	shalt  }
0x44: {  	_ =	shalt  }
0x45: {  	_ =	shalt  }
0x46: {  	_ =	shalt  }
0x47: {  	_ =	shalt  }
0x48: {  	_ =	shalt  }
0x49: {  	_ =	shalt  }
0x4a: {  	_ =	shalt  }
0x4b: {  	_ =	shalt  }
0x4c: {  	_ =	shalt  }
0x4d: {  	_ =	shalt  }
0x4e: {  	_ =	shalt  }
0x4f: {  	_ =	shalt  }
0x50: {  	_ =	shalt  }
0x51: {  	_ =	shalt  }
0x52: {  	_ =	shalt  }
0x53: {  	_ =	shalt  }
0x54: {  	_ =	shalt  }
0x55: {  	_ =	shalt  }
0x56: {  	_ =	shalt  }
0x57: {  	_ =	shalt  }
0x58: {  	_ =	shalt  }
0x59: {  	_ =	shalt  }
0x5a: {  	_ =	shalt  }
0x5b: {  	_ =	shalt  }
0x5c: {  	_ =	shalt  }
0x5d: {  	_ =	shalt  }
0x5e: {  	_ =	shalt  }
0x5f: {  	_ =	shalt  }
0x60: {  	_ =	shalt  }
0x61: {  	_ =	shalt  }
0x62: {  	_ =	shalt  }
0x63: {  	_ =	shalt  }
0x64: {  	_ =	shalt  }
0x65: {  	_ =	shalt  }
0x66: {  	_ =	shalt  }
0x67: {  	_ =	shalt  }
0x68: {  	_ =	shalt  }
0x69: {  	_ =	shalt  }
0x6a: {  	_ =	shalt  }
0x6b: {  	_ =	shalt  }
0x6c: {  	_ =	shalt  }
0x6d: {  	_ =	shalt  }
0x6e: {  	_ =	shalt  }
0x6f: {  	_ =	shalt  }
0x70: {  	_ =	shalt  }
0x71: {  	_ =	shalt  }
0x72: {  	_ =	shalt  }
0x73: {  	_ =	shalt  }
0x74: {  	_ =	shalt  }
0x75: {  	_ =	shalt  }
0x76: {  	_ =	shalt  }
0x77: {  	_ =	shalt  }
0x78: {  	_ =	shalt  }
0x79: {  	_ =	shalt  }
0x7a: {  	_ =	shalt  }
0x7b: {  	_ =	shalt  }
0x7c: {  	_ =	shalt  }
0x7d: {  	_ =	shalt  }
0x7e: {  	_ =	shalt  }
0x7f: {  	_ =	shalt  }
0x80: {  	_ =	shalt  }
0x81: {  	_ =	shalt  }
0x82: {  	_ =	shalt  }
0x83: {  	_ =	shalt  }
0x84: {  	_ =	shalt  }
0x85: {  	_ =	shalt  }
0x86: {  	_ =	shalt  }
0x87: {  	_ =	shalt  }
.Lfunc_end0:
.L_simem_size_0:
called_computation.1_lowered:
.L_overlay_start_0:
0x88: {  	s2 =	sld [smem:$0x3FD9]  }
0x89: {  	s3 =	sld [smem:$0x3FFE];
	_ =	sdelay $0x1  }
0x8a: {  	s1 =	srdreg.scid  }
0x8b: {  	s0 =	sand.u32 $0x1, s1  }
0x8c: {  	s15 =	sshll.u32 s0, $0xA;
	s2 =	sadd.s32 s3, s2  }
0x8d: {  	s2 =	sadd.s32 s2, s15  }
0x8e: {  	[smem:$0x3FB4] =	sst s2  }
0x8f: {  	_ = 	snop  }
0x90: {  	s4 =	sld [smem:$0x3FD0];
	_ =	sdelay $0x1  }
0x91: {  	s2 =	sld [smem:$0x3FC5]  }
0x92: {  	s6 =	simm.s32 $0xB;
	s5 =	simm.s32 $0x10;
	s16 =	sld [smem:$0x3FC4]  }
0x93: {  	[smem:s5], [sflag:s6] =	dma.local [hbm:s4], $0x1  }
0x94: {  	_ =	swait.eq [sflag:s6], $0x1  }
0x95: {  	[sflag:s6] =	ssyncset.done $0x0  }
0x96: {  	s17 =	sld [smem:$0x13];
	[sflag:s6] =	ssyncadd.s32 $0xFFFFFFFF  }
0x97: {  	s18 =	sld [smem:$0x14];
	(tm) =	ssettm $0x1  }
0x98: {  	s19 =	sld [smem:$0x3FFB];
	_ =	sdelay $0x3  }
0x99: {  	_ =	strace s19  }
0x9a: {  	s4 =	sld [smem:$0x3FFC];
	_ =	sdelay $0x3  }
0x9b: {  	_ =	strace s4  }
0x9c: {  	s4 =	sld [smem:$0x3FFD];
	_ =	sdelay $0x3  }
0x9d: {  	_ =	strace s4  }
0x9e: {  	_ =	strace $0x8FFFFFFF  }
0x9f: {  	s20 =	sld [smem:$0x3FDB];
	_ =	sdelay $0x1  }
0xa0: {  	s7 =	simm.s32 $_scs_section_size  }
0xa1: {  	s8 =	simm.s32 $_size__tile_overlayer_lowered;
	s9 =	simm.s32 $_tile_overlayer_lowered  }
0xa2: {  	s10 =	simm.s32 $0x1BFF;
	s21 =	sshll.u32 s9, $0x1;
	s7 =	sadd.s32 s7, s20  }
0xa3: {  	s22 =	simm.s32 $0x0;
	s8 =	sshll.u32 s8, $0x1;
	s9 =	sadd.s32 s21, s7  }
0xa4: {  	[timem:s22], [sflag:s10] =	dma.local [hbm:s9], s8  }
0xa5: {  	_ =	swait.ge [sflag:s10], s8  }
0xa6: {  	s8 =	ssub.s32 $0x0, s8;
	[sflag:s10] =	ssyncset.done $0x0  }
0xa7: {  	[sflag:s10] =	ssyncadd.s32 s8;
	_ =	sdelay $0x1  }
0xa8: {  	s23 =	simm.s32 $0x1B8B  }
0xa9: {  	_ =	swait.ge [sflag:s23], $0x1  }
0xaa: {  	[sflag:s23] =	ssyncset.done $0x0  }
0xab: {  	[sflag:s23] =	ssyncadd.s32 $0xFFFFFFFF  }
0xac: {  	s8 =	sld [smem:$0x0]  }
0xad: {  	s9 =	sand.u32 $0xFFFFFFFE, s1  }
0xae: {  	p0 =	sne.s32 s1, s9  }
0xaf: {  	s9 =	sshll.u32 @p0 s9, $0xE  }
0xb0: {  	s9 =	sadd.s32 @p0 $0x11B8D, s9;
	s10 =	sshll.u32 @p0 s8, $0x11  }
0xb1: {  	s9 =	sor.u32 @p0 s10, s9  }
0xb2: {  	[sflag:s9] =	ssyncadd.remote.s32 @p0 $0x1;
	_ =	sdelay $0x1  }
0xb3: {  	s9 =	simm.s32 @p0 $0x1B8D  }
0xb4: {  	_ =	swait.eq @p0 [sflag:s9], $0x1  }
0xb5: {  	[sflag:s9] =	ssyncadd.s32 @p0 $0xFFFFFFFF  }
0xb6: {  	s10 =	sshll.u32 @!p0 s1, $0xE  }
0xb7: {  	s10 =	sor.u32 @!p0 $0x4000, s10;
	s9 =	simm.s32 @!p0 $0x1B8D  }
0xb8: {  	s8 =	sshll.u32 @!p0 s8, $0x11;
	s10 =	sadd.s32 @!p0 $0x11B8D, s10;
	_ =	swait.eq @!p0 [sflag:s9], $0x1  }
0xb9: {  	s8 =	sor.u32 @!p0 s8, s10;
	[sflag:s9] =	ssyncadd.s32 @!p0 $0xFFFFFFFF  }
0xba: {  	s25 =	simm.s32 $0x1B8E;
	s24 =	sld [smem:$0x3FFE];
	[sflag:s8] =	ssyncadd.remote.s32 @!p0 $0x1  }
0xbb: {  	s26 =	simm.s32 $execute0_lowered;
	[smem:$0x3FD2] =	sst s25  }
0xbc: {  	s9 =	sshll.u32 s26, $0x1;
	_ =	strace $0x80000049;
	[dreg:$0x1] =	wrdreg $0xFFFFFFFF  }
0xbd: {  	s28 =	simm.s32 $_size_execute0_lowered;
	s7 =	sadd.s32 s7, s9;
	[dreg:$0x0] =	wrdreg $0x0  }
0xbe: {  	s9 =	sshll.u32 s28, $0x1;
	[dreg:$0x2] =	wrdreg s7  }
0xbf: {  	[dreg:$0x3] =	wrdreg s9  }
0xc0: {  	[dreg:$0x4] =	wrdreg $0xC0  }
0xc1: {  	_ =	task [dreg:s22], $0x5FFFF  }
0xc2: {  	[dreg:$0x1] =	wrdreg $0xFFFFFFFF  }
0xc3: {  	[dreg:$0x0] =	wrdreg $0x60  }
0xc4: {  	[dreg:$0x2] =	wrdreg s2  }
0xc5: {  	[dreg:$0x3] =	wrdreg s16  }
0xc6: {  	[dreg:$0x4] =	wrdreg s24  }
0xc7: {  	[dreg:$0x5] =	wrdreg s17  }
0xc8: {  	[dreg:$0x6] =	wrdreg s18  }
0xc9: {  	[dreg:$0x7] =	wrdreg $0xA  }
0xca: {  	_ =	task.clear_ibuf [dreg:s22], $0x8FFFF;
	_ =	strace $0x90000049  }
0xcb: {  	s29 =	simm.s32 $0xA;
	_ =	strace $0x8000004B  }
0xcc: {  	_ =	swait.ge [sflag:s29], $0x1  }
0xcd: {  	[sflag:s29] =	ssyncadd.s32 $0xFFFFFFFF  }
0xce: {  	_ =	strace $0x9000004B  }
0xcf: {  	_ =	sfence  }
0xd0: {  	s30 =	sld [smem:$0x0];
	_ =	sdelay $0x2  }
0xd1: {  	s31 =	sshll.u32 s1, $0xD;
	s1 =	sshrl.u32 s1, $0x2  }
0xd2: {  	s3 =	sand.u32 $0x4000, s31;
	s1 =	sadd.s32 s1, s30  }
0xd3: {  	s0 =	sor.u32 s3, s0;
	s1 =	sshll.u32 s1, $0x11  }
0xd4: {  	s0 =	sor.u32 s1, s0  }
0xd5: {  	s0 =	sadd.s32 $0x8F2B, s0  }
0xd6: {  	[sflag:s0] =	ssyncadd.remote.s32 $0x1  }
0xd7: {  	_ =	sfence.sel $0xFFFF  }
0xd8: {  	[dreg:$0x0] =	wrdreg $0xFFFFFFFF;
	(pc) =	sbr.abs _section_cstart, $3  }
0xd9: {  	[dreg:$0x1] =	wrdreg $0xFFFFFFFF  }
0xda: {  	_ =	task.clear_ibuf [dreg:s22], $0x2FFFF;
	_ =	strace $0x9FFFFFFF  }
0xdb: {  	(tm) =	ssettm $0x7FFFFFFF  }
tec
execute0_lowered:
.L_overlay_start_1:
0x0: {  	(tag) =	ssettag $0x1  }
0x1: {  	s1 =	rddreg [dreg:$0x0]  }
0x2: {  	s2 =	rddreg [dreg:$0x1];
	s3 =	srdreg.scid  }
0x3: {  	s5 =	rddreg [dreg:$0x2];
	s0 =	stileid.u32;
	s22 =	sand.u32 $0x1, s3  }
0x4: {  	s18 =	rddreg [dreg:$0x3];
	s30 =	sshll.u32 s0, $0xA;
	s4 =	sshll.u32 s22, $0x9  }
0x5: {  	s21 =	rddreg [dreg:$0x4];
	s14 =	sor.u32 s4, s30  }
0x6: {  	s3 =	rddreg [dreg:$0x5];
	s4 =	simm.s32 $0x0;
	s6 =	sshrl.u32 s14, $0x3  }
0x7: {  	[smem:$0x7FF] =	sst s4;
	s7 =	sadd.s32 s6, s5  }
0x8: {  	_ =	strace $0x8000004A;
	s6 =	simm.s32 $0x7;
	s5 =	sadd.s32 $0x3200, s7  }
0x9: {  	[tilespmem:s4], [sflag:$0x7] =	stream.linear.gather [hbm4b:s5+s4], $0x200, $0x38;
	[tilespmem:$0x18400] =	vst v63  }
0xa: {  	_ =	swait.ge [sflag:s6], $0x200  }
0xb: {  	[sflag:s6] =	ssyncset.done $0x0  }
0xc: {  	s8 =	simm.s32 $0x200;
	s7 =	sadd.s32 $0x3A00, s7;
	[sflag:s6] =	ssyncadd.s32 $0xFFFFFE00  }
0xd: {  	[tilespmem:s8], [sflag:$0x7] =	stream.linear.gather [hbm4b:s7+s4], $0x200, $0x38;
	[tilespmem:$0x18400] =	vst v63  }
0xe: {  	_ =	swait.ge [sflag:s6], $0x200  }
0xf: {  	[sflag:s6] =	ssyncset.done $0x0  }
0x10: {  	s9 =	simm.s32 $0x100;
	s10 =	simm.s32 $0x400;
	[sflag:s6] =	ssyncadd.s32 $0xFFFFFE00  }
0x11: {  	[tilespmem:s10], [sflag:$0x1] =	stream.indirect.gather [hbm4b:s1+s9], $0x80, s4, s9, $0xb8;
	[tilespmem:$0x18400] =	vst v63  }
0x12: {  	s11 =	simm.s32 $0x8400  }
0x13: {  	[tilespmem:s11], [sflag:$0x2] =	stream.indirect.gather [hbm4b:s1+s9], $0x80, s9, s9, $0xb8;
	[tilespmem:$0x18400] =	vst v63  }
0x14: {  	s12 =	simm.s32 $0x10400;
	s13 =	simm.s32 $0x1  }
0x15: {  	[tilespmem:s12], [sflag:$0x3] =	stream.indirect.gather [hbm4b:s2+s9], $0x80, s8, s9, $0xb8;
	[tilespmem:$0x18400] =	vst v63  }
0x16: {  	_ =	swait.ge [sflag:s13], $0x8000  }
0x17: {  	s20 =	sshll.u32 s14, $0x4;
	[sflag:s13] =	ssyncset.done $0x0  }
0x18: {  	s15 =	simm.s32 $0x4;
	s14 =	sadd.s32 s18, s20;
	[sflag:s13] =	ssyncadd.s32 $0xFFFF8000  }
0x19: {  	[hbm4b:s14+s4] =	stream.linear.scatter [tilespmem:s10], [sflag:$0x4], $0x8000, $0x38;
	[tilespmem:$0x18400] =	vst v63  }
0x1a: {  	_ =	swait.ge [sflag:s15], $0x8000  }
0x1b: {  	[sflag:s15] =	ssyncset.done $0x0  }
0x1c: {  	s16 =	simm.s32 $0x300;
	s17 =	simm.s32 $0x2;
	[sflag:s15] =	ssyncadd.s32 $0xFFFF8000  }
0x1d: {  	[tilespmem:s10], [sflag:$0x1] =	stream.indirect.gather [hbm4b:s2+s9], $0x80, s16, s9, $0xb8;
	[tilespmem:$0x18400] =	vst v63  }
0x1e: {  	_ =	swait.ge [sflag:s17], $0x8000  }
0x1f: {  	s23 =	sor.u32 $0x1000, s20;
	[sflag:s17] =	ssyncset.done $0x0  }
0x20: {  	s19 =	simm.s32 $0x3;
	s18 =	sadd.s32 s18, s23;
	[sflag:s17] =	ssyncadd.s32 $0xFFFF8000  }
0x21: {  	[hbm4b:s18+s4] =	stream.linear.scatter [tilespmem:s11], [sflag:$0x5], $0x8000, $0x38;
	[tilespmem:$0x18400] =	vst v63  }
0x22: {  	_ =	swait.ge [sflag:s19], $0x8000  }
0x23: {  	[sflag:s19] =	ssyncset.done $0x0  }
0x24: {  	s20 =	sadd.s32 s21, s20;
	[sflag:s19] =	ssyncadd.s32 $0xFFFF8000  }
0x25: {  	[hbm4b:s20+s4] =	stream.linear.scatter [tilespmem:s12], [sflag:$0x6], $0x8000, $0x38;
	[tilespmem:$0x18400] =	vst v63  }
0x26: {  	_ =	swait.ge [sflag:s13], $0x8000  }
0x27: {  	s31 =	ssub.s32 $0x2, s22;
	[sflag:s13] =	ssyncset.done $0x0  }
0x28: {  	s24 =	sshrl.u32 s31, $0x1;
	s21 =	sadd.s32 s21, s23;
	[sflag:s13] =	ssyncadd.s32 $0xFFFF8000  }
0x29: {  	[hbm4b:s21+s4] =	stream.linear.scatter [tilespmem:s10], [sflag:$0x4], $0x8000, $0x38;
	[tilespmem:$0x18400] =	vst v63  }
0x2a: {  	s23 =	ssub.s32 s31, s24;
	_ =	swait.ge [sflag:s15], $0x8000  }
0x2b: {  	s24 =	smax.u32 s23, $0x1;
	[sflag:s15] =	ssyncset.done $0x0  }
0x2c: {  	s22 =	simm.s32 $0x5;
	p0 =	sne.s32 s24, $0x1;
	[sflag:s15] =	ssyncadd.s32 $0xFFFF8000  }
.Ltmp0:
0x2d: {  	_ =	swait.ge [sflag:s22], $0x8000;
	(pc) =	sbr.rel @!p0 .LBB2_2-.Ltmp0, $4  }
0x2e: {  	[sflag:s22] =	ssyncset.done $0x0  }
0x2f: {  	s23 =	simm.s32 $0x6;
	[sflag:s22] =	ssyncadd.s32 $0xFFFF8000  }
0x30: {  	_ =	swait.ge [sflag:s23], $0x8000  }
0x31: {  	s24 =	sadd.s32 $0xFFFFFFFF, s24;
	[sflag:s23] =	ssyncset.done $0x0  }
.LBB2_1:
0x32: {  	p0 =	sne.s32 s24, $0x1;
	s24 =	sadd.s32 $0xFFFFFFFF, s24;
	[sflag:s23] =	ssyncadd.s32 $0xFFFF8000  }
0x33: {  	[tilespmem:s4], [sflag:$0x7] =	stream.linear.gather [hbm4b:s5+s4], $0x200, $0x38;
	[tilespmem:$0x18400] =	vst v63  }
0x34: {  	_ =	swait.ge [sflag:s6], $0x200  }
0x35: {  	[sflag:s6] =	ssyncset.done $0x0  }
0x36: {  	[sflag:s6] =	ssyncadd.s32 $0xFFFFFE00  }
0x37: {  	[tilespmem:s8], [sflag:$0x7] =	stream.linear.gather [hbm4b:s7+s4], $0x200, $0x38;
	[tilespmem:$0x18400] =	vst v63  }
0x38: {  	_ =	swait.ge [sflag:s6], $0x200  }
0x39: {  	[sflag:s6] =	ssyncset.done $0x0  }
0x3a: {  	[sflag:s6] =	ssyncadd.s32 $0xFFFFFE00  }
0x3b: {  	[tilespmem:s10], [sflag:$0x1] =	stream.indirect.gather [hbm4b:s1+s9], $0x80, s4, s9, $0xb8;
	[tilespmem:$0x18400] =	vst v63  }
0x3c: {  	_ = 	snop  }
0x3d: {  	[tilespmem:s11], [sflag:$0x2] =	stream.indirect.gather [hbm4b:s1+s9], $0x80, s9, s9, $0xb8;
	[tilespmem:$0x18400] =	vst v63  }
0x3e: {  	_ = 	snop  }
0x3f: {  	[tilespmem:s12], [sflag:$0x3] =	stream.indirect.gather [hbm4b:s2+s9], $0x80, s8, s9, $0xb8;
	[tilespmem:$0x18400] =	vst v63  }
0x40: {  	_ =	swait.ge [sflag:s13], $0x8000  }
0x41: {  	[sflag:s13] =	ssyncset.done $0x0  }
0x42: {  	[sflag:s13] =	ssyncadd.s32 $0xFFFF8000  }
0x43: {  	[hbm4b:s14+s4] =	stream.linear.scatter [tilespmem:s10], [sflag:$0x4], $0x8000, $0x38;
	[tilespmem:$0x18400] =	vst v63  }
0x44: {  	_ =	swait.ge [sflag:s15], $0x8000  }
0x45: {  	[sflag:s15] =	ssyncset.done $0x0  }
0x46: {  	[sflag:s15] =	ssyncadd.s32 $0xFFFF8000  }
0x47: {  	[tilespmem:s10], [sflag:$0x1] =	stream.indirect.gather [hbm4b:s2+s9], $0x80, s16, s9, $0xb8;
	[tilespmem:$0x18400] =	vst v63  }
0x48: {  	_ =	swait.ge [sflag:s17], $0x8000  }
0x49: {  	[sflag:s17] =	ssyncset.done $0x0  }
0x4a: {  	[sflag:s17] =	ssyncadd.s32 $0xFFFF8000  }
0x4b: {  	[hbm4b:s18+s4] =	stream.linear.scatter [tilespmem:s11], [sflag:$0x5], $0x8000, $0x38;
	[tilespmem:$0x18400] =	vst v63  }
0x4c: {  	_ =	swait.ge [sflag:s19], $0x8000  }
0x4d: {  	[sflag:s19] =	ssyncset.done $0x0  }
0x4e: {  	[sflag:s19] =	ssyncadd.s32 $0xFFFF8000  }
0x4f: {  	[hbm4b:s20+s4] =	stream.linear.scatter [tilespmem:s12], [sflag:$0x6], $0x8000, $0x38;
	[tilespmem:$0x18400] =	vst v63  }
0x50: {  	_ =	swait.ge [sflag:s13], $0x8000  }
0x51: {  	[sflag:s13] =	ssyncset.done $0x0  }
0x52: {  	[sflag:s13] =	ssyncadd.s32 $0xFFFF8000  }
0x53: {  	[hbm4b:s21+s4] =	stream.linear.scatter [tilespmem:s10], [sflag:$0x4], $0x8000, $0x38;
	[tilespmem:$0x18400] =	vst v63  }
0x54: {  	_ =	swait.ge [sflag:s15], $0x8000  }
0x55: {  	[sflag:s15] =	ssyncset.done $0x0  }
0x56: {  	[sflag:s15] =	ssyncadd.s32 $0xFFFF8000  }
.Ltmp1:
0x57: {  	_ =	swait.ge [sflag:s22], $0x8000;
	(pc) =	sbr.rel @p0 .LBB2_1-.Ltmp1, $4  }
0x58: {  	[sflag:s22] =	ssyncset.done $0x0  }
0x59: {  	[sflag:s22] =	ssyncadd.s32 $0xFFFF8000  }
0x5a: {  	_ =	swait.ge [sflag:s23], $0x8000  }
0x5b: {  	[sflag:s23] =	ssyncset.done $0x0  }
.LBB2_2:
0x5c: {  	[sflag:s23] =	ssyncadd.s32 $0xFFFF8000  }
0x5d: {  	_ =	sfence.sel $0x180000  }
0x5e: {  	[bflag:$0x0] =	sbarrier.arrive $0xFFFF  }
0x5f: {  	p0 =	sne.s32 s0, $0x0;
	_ =	strace $0x9000004A  }
0x60: {  	s0 =	sadd.s32 @!p0 $0x100000, s3;
	[bflag:$0x2] =	sbarrier.arrive $0xFFFF  }
0x61: {  	[sflag:s0] =	ssyncadd.tile.s32 @!p0 $0x1;
	_ =	shalt  }
.Lfunc_end2:
_tile_overlayer_lowered:
.L_overlay_start_2:
0x62: {  	(tag) =	ssettag $0x2  }
0x63: {  	s0 =	rddreg [dreg:$0x0];
	s2 =	stileid.u32  }
0x64: {  	s1 =	rddreg [dreg:$0x1];
	p0 =	sne.s32 s2, $0x0  }
0x65: {  	s3 =	rddreg [dreg:$0x2];
	[bflag:$0x3] =	sbarrier.arrive $0xFFFF;
	s2 =	simm.s32 @!p0 $0x1C07  }
0x66: {  	[timem:s3], [sflag:s2] =	dma.local @!p0 [hbm:s0], s1  }
0x67: {  	s0 =	simm.s32 @!p0 $0x7  }
0x68: {  	_ =	swait.ge @!p0 [sflag:s0], s1  }
0x69: {  	s1 =	ssub.s32 @!p0 $0x0, s1;
	[sflag:s0] =	ssyncset.done @!p0 $0x0  }
0x6a: {  	[sflag:s0] =	ssyncadd.s32 @!p0 s1  }
0x6b: {  	[bflag:$0x3] =	sbarrier.arrive $0xFFFF  }
0x6c: {  	_ =	shalt  }

</sc_bundles>
